<compile_context>
chip_gen: v7x
topology: tpu7x:2x2x1
jax: 0.10.2.dev20260603
libtpu: 0.0.44.dev20260713+nightly
codegen_flags: <defaults>
</compile_context>

<pallas_src>
import functools

import jax
import jax.numpy as jnp
from jax import lax
from jax.experimental import pallas as pl
from jax.experimental.pallas import tpu as pltpu
from jax.experimental.pallas import tpu_sc as plsc

_NC = 2
_NS = 16
_NW = _NC * _NS
_L = 16


def _shuffle_xor(x, m):
    perm = lax.iota(jnp.int32, _L) ^ m
    return jnp.take_along_axis(x, perm, axis=0)


def _tree_sum(terms):
    while len(terms) > 1:
        nxt = [terms[i] + terms[i + 1] for i in range(0, len(terms) - 1, 2)]
        if len(terms) % 2:
            nxt.append(terms[-1])
        terms = nxt
    return terms[0]


def _butterfly_reduce(vecs):
    iota = lax.iota(jnp.int32, _L)
    s = 1
    while len(vecs) > 1:
        m = (iota & s) != 0
        nxt = []
        for i in range(0, len(vecs), 2):
            a, b = vecs[i], vecs[i + 1]
            x = jnp.where(m, b, a)
            y = jnp.where(m, a, b)
            nxt.append(x + _shuffle_xor(y, s))
        vecs = nxt
        s *= 2
    return vecs[0]


def _build_sc_call(N, D, Td, P, R, C):
    rows_per_w = N // _NW
    CH = rows_per_w // C
    KD = D // _L
    KT = Td // _L
    G = C * R
    assert G == 128
    IW = rows_per_w * R // 128
    PAIR = _L // R

    mesh = plsc.VectorSubcoreMesh(core_axis_name="c", subcore_axis_name="s")

    @functools.partial(
        pl.kernel,
        mesh=mesh,
        out_type=jax.ShapeDtypeStruct((N, D + Td), jnp.float32),
        compiler_params=pltpu.CompilerParams(needs_layout_passes=False),
        scratch_types=[
            pltpu.VMEM((IW, 128), jnp.int32),
            pltpu.VMEM((IW, 128), jnp.int32),
            pltpu.VMEM((IW, 128), jnp.int32),
            pltpu.VMEM((IW, 128), jnp.int32),
            pltpu.VMEM((3, C, D), jnp.float32),
            pltpu.VMEM((2, G, D), jnp.float32),
            pltpu.VMEM((2, G, Td), jnp.float32),
            pltpu.VMEM((G,), jnp.float32),
            pltpu.VMEM((G,), jnp.float32),
            pltpu.VMEM((rows_per_w,), jnp.int32),
            pltpu.VMEM((3, C, Td), jnp.float32),
            pltpu.SemaphoreType.DMA((2,)),
            pltpu.SemaphoreType.DMA((3,)),
        ],
    )
    def sc_fn(inp_hbm, temb_hbm, pos_hbm, job_hbm, tit_hbm, ey_hbm, out_hbm,
              pos_v, job_v, fidx_v, tidx_v, focal_v, ref_v, trow_v,
              s_v, sim_v, ey_v, out_v, sem_in, sem_out):
        wid = lax.axis_index("s") * _NC + lax.axis_index("c")
        base0 = wid * rows_per_w

        pltpu.sync_copy(pos_hbm.at[pl.ds(wid * IW, IW)], pos_v)
        pltpu.sync_copy(job_hbm.at[pl.ds(wid * IW, IW)], job_v)
        pltpu.sync_copy(tit_hbm.at[pl.ds(wid * IW, IW)], tidx_v)
        pltpu.sync_copy(ey_hbm.at[pl.ds(base0, rows_per_w)], ey_v)

        def flat_body(row, carry):
            for cc in range(128 // _L):
                f = (pos_v[row, pl.ds(cc * _L, _L)] * P
                     + job_v[row, pl.ds(cc * _L, _L)])
                fidx_v[row, pl.ds(cc * _L, _L)] = f
            return carry
        lax.fori_loop(0, IW, flat_body, 0)

        def issue(ci, p, pf):
            base = base0 + ci * C
            pltpu.async_copy(inp_hbm.at[fidx_v.at[ci]], ref_v.at[p],
                             sem_in.at[p])
            pltpu.async_copy(temb_hbm.at[tidx_v.at[ci]], trow_v.at[p],
                             sem_in.at[p])
            pltpu.async_copy(inp_hbm.at[pl.ds(base, C)], focal_v.at[pf],
                             sem_in.at[p])

        def drain(ci, p, pf):
            base = base0 + ci * C
            pltpu.make_async_copy(inp_hbm.at[fidx_v.at[ci]], ref_v.at[p],
                                  sem_in.at[p]).wait()
            pltpu.make_async_copy(temb_hbm.at[tidx_v.at[ci]], trow_v.at[p],
                                  sem_in.at[p]).wait()
            pltpu.make_async_copy(inp_hbm.at[pl.ds(base, C)], focal_v.at[pf],
                                  sem_in.at[p]).wait()

        def drain_out(cj):
            pfj = lax.rem(cj, 3)
            bj = base0 + cj * C
            pltpu.make_async_copy(
                focal_v.at[pfj], out_hbm.at[pl.ds(bj, C), pl.ds(0, D)],
                sem_out.at[pfj]).wait()
            pltpu.make_async_copy(
                out_v.at[pfj], out_hbm.at[pl.ds(bj, C), pl.ds(D, Td)],
                sem_out.at[pfj]).wait()

        issue(0, 0, 0)
        iota = lax.iota(jnp.int32, _L)

        def chunk_body(ci, carry):
            p = ci & 1
            pf = lax.rem(ci, 3)
            base = base0 + ci * C

            @pl.when(ci + 1 < CH)
            def _():
                @pl.when(ci >= 2)
                def _():
                    drain_out(ci - 2)
                issue(ci + 1, 1 - p, lax.rem(ci + 1, 3))

            drain(ci, p, pf)

            @plsc.parallel_loop(0, C // PAIR, unroll=2)
            def dot_body(m):
                accs = []
                for dn in range(PAIR):
                    n = m * PAIR + dn
                    j0 = n * R
                    fv = [focal_v[pf, n, pl.ds(k * _L, _L)]
                          for k in range(KD)]
                    for r in range(R):
                        prods = [fv[k] * ref_v[p, j0 + r, pl.ds(k * _L, _L)]
                                 for k in range(KD)]
                        accs.append(_tree_sum(prods))
                s_v[pl.ds(m * _L, _L)] = _butterfly_reduce(accs)

            for m in range(C // PAIR):
                e = jnp.exp(s_v[pl.ds(m * _L, _L)])
                den = e
                mm = 1
                while mm < R:
                    den = den + _shuffle_xor(den, mm)
                    mm *= 2
                sim_v[pl.ds(m * _L, _L)] = e / den

            @plsc.parallel_loop(0, C, unroll=4)
            def out_body(n):
                j0 = n * R
                ws = [plsc.load_gather(
                          sim_v, [jnp.full((_L,), r, jnp.int32) + n * R])
                      for r in range(R)]
                eyv = plsc.load_gather(
                    ey_v, [jnp.full((_L,), ci * C, jnp.int32) + n])
                maskf = (eyv != 0).astype(jnp.float32)
                for k in range(KT):
                    acc = _tree_sum(
                        [ws[r] * trow_v[p, j0 + r, pl.ds(k * _L, _L)]
                         for r in range(R)])
                    out_v[pf, n, pl.ds(k * _L, _L)] = acc * maskf

            pltpu.async_copy(focal_v.at[pf],
                             out_hbm.at[pl.ds(base, C), pl.ds(0, D)],
                             sem_out.at[pf])
            pltpu.async_copy(out_v.at[pf],
                             out_hbm.at[pl.ds(base, C), pl.ds(D, Td)],
                             sem_out.at[pf])
            return carry

        lax.fori_loop(0, CH, chunk_body, 0)
        drain_out(CH - 3)
        drain_out(CH - 2)
        drain_out(CH - 1)

    return sc_fn


def kernel(title_emb_mat, emp_ids, end_yrs, batch_label, inputs,
           ref_batch_pos, ref_job_idx, ref_title_idx):
    B, P, D = inputs.shape
    T, Td = title_emb_mat.shape
    R = ref_batch_pos.shape[-1]
    N = B * P

    inp_flat = inputs.reshape(N, D)
    pos_rows = ref_batch_pos.astype(jnp.int32).reshape(-1, 128)
    job_rows = ref_job_idx.astype(jnp.int32).reshape(-1, 128)
    tit_rows = ref_title_idx.astype(jnp.int32).reshape(-1, 128)
    ey_flat = end_yrs.astype(jnp.int32).reshape(-1)

    fn = _build_sc_call(N, D, Td, P, R, C=128 // R)
    return fn(inp_flat, title_emb_mat, pos_rows, job_rows, tit_rows, ey_flat)

# --- scband reference (transcript-rebuilt; emitter-appended) ---
"""Pipeline reference for scband-hanmeta-1649267442137 (READ-ONLY COPY).

The authoritative reference and input builder live on the scoring server;
editing this copy changes nothing except your own understanding.
"""

import jax, jax.numpy as jnp
import numpy as np


def setup_inputs(seed: int = 0) -> dict:
    key = jax.random.key(seed)
    ks = jax.random.split(key, 8)
    B, P, R, d, T, Td = 1024, 20, 8, 128, 10000, 128
    inputs = jax.random.normal(ks[0], (B, P, d), dtype=jnp.float32)
    title_emb_mat = jax.random.normal(ks[1], (T, Td), dtype=jnp.float32)
    emp_ids = jax.random.randint(ks[2], (B,), 0, 100000)
    end_yrs = jax.random.randint(ks[3], (B, P), 0, 5)
    batch_label = jax.random.normal(ks[4], (B,), dtype=jnp.float32)
    ref_batch_pos = jax.random.randint(ks[5], (B, P, R), 0, B)
    ref_job_idx = jax.random.randint(ks[6], (B, P, R), 0, P)
    ref_title_idx = jax.random.randint(ks[7], (B, P, R), 0, T)
    return {
        'title_emb_mat': title_emb_mat,
        'emp_ids': emp_ids,
        'end_yrs': end_yrs,
        'batch_label': batch_label,
        'inputs': inputs,
        'ref_batch_pos': ref_batch_pos,
        'ref_job_idx': ref_job_idx,
        'ref_title_idx': ref_title_idx,
    }


def reference(title_emb_mat, emp_ids, end_yrs, batch_label, inputs,
              ref_batch_pos, ref_job_idx, ref_title_idx):
    # Tensorized HAN metapath aggregation.
    # For each focal (i, pos): gather R reference job embeddings from other
    # batch members via (BatchPos, Job_Index) pairs, attention-weight them
    # (exp / sum, exactly as the original raw softmax), gather their target
    # title embeddings, mix, mask out positions with end_yr == 0, and concat
    # with the original position embedding.
    B, P, d = inputs.shape
    Td = title_emb_mat.shape[1]
    # gather reference embeddings: inputs[BatchPos, Job_Index] -> [B, P, R, d]
    ref_embs = inputs[ref_batch_pos, ref_job_idx]
    focal = inputs[:, :, None, :]                       # [B, P, 1, d]
    raw_s = jnp.sum(focal * ref_embs, axis=-1)          # [B, P, R]
    e = jnp.exp(raw_s)
    sim = e / jnp.sum(e, axis=-1, keepdims=True)        # [B, P, R]
    ref_t_embs = jnp.take(title_emb_mat, ref_title_idx, axis=0)  # [B, P, R, Td]
    graph_t_emb = jnp.einsum('bpr,bprt->bpt', sim, ref_t_embs)   # [B, P, Td]
    mask = (end_yrs != 0).astype(inputs.dtype)[:, :, None]
    graph_concat = graph_t_emb * mask                   # zeros where yr == 0
    out = jnp.concatenate([inputs, graph_concat], axis=-1)  # [B, P, d+Td]
    return out.reshape(B * P, d + Td)

if __name__ == "__main__":
    import jax
    _d = setup_inputs()
    print(jax.jit(kernel)(*tuple(_d.values())))

</pallas_src>

<mosaic_0001>
#map = affine_map<(d0, d1) -> (0, 0)>
#map1 = affine_map<(d0, d1) -> (0)>
module attributes {stable_mosaic.version = 14 : i64} {
  func.func @sc_fn(%arg0: i32, %arg1: i32, %arg2: memref<20480x128xf32, #tpu.memory_space<hbm>>, %arg3: memref<10000x128xf32, #tpu.memory_space<hbm>>, %arg4: memref<1280x128xi32, #tpu.memory_space<hbm>>, %arg5: memref<1280x128xi32, #tpu.memory_space<hbm>>, %arg6: memref<1280x128xi32, #tpu.memory_space<hbm>>, %arg7: memref<20480xi32, #tpu.memory_space<hbm>>, %arg8: memref<20480x256xf32, #tpu.memory_space<hbm>>, %arg9: memref<40x128xi32, #tpu.memory_space<vmem>>, %arg10: memref<40x128xi32, #tpu.memory_space<vmem>>, %arg11: memref<40x128xi32, #tpu.memory_space<vmem>>, %arg12: memref<40x128xi32, #tpu.memory_space<vmem>>, %arg13: memref<3x16x128xf32, #tpu.memory_space<vmem>>, %arg14: memref<2x128x128xf32, #tpu.memory_space<vmem>>, %arg15: memref<2x128x128xf32, #tpu.memory_space<vmem>>, %arg16: memref<128xf32, #tpu.memory_space<vmem>>, %arg17: memref<128xf32, #tpu.memory_space<vmem>>, %arg18: memref<640xi32, #tpu.memory_space<vmem>>, %arg19: memref<3x16x128xf32, #tpu.memory_space<vmem>>, %arg20: memref<2x!tpu.dma_semaphore, #tpu.memory_space<semaphore_mem>>, %arg21: memref<3x!tpu.dma_semaphore, #tpu.memory_space<semaphore_mem>>) attributes {dimension_semantics = [#tpu.dimension_semantics<core_parallel>, #tpu.dimension_semantics<subcore_parallel>], iteration_bounds = array<i64: 2, 16>, scalar_prefetch = 0 : i64, scratch_operands = 13 : i64, tpu.core_type = #tpu.core_type<sc_vector_subcore>, window_params = [{transform_indices = #map}, {transform_indices = #map}, {transform_indices = #map}, {transform_indices = #map}, {transform_indices = #map}, {transform_indices = #map1}, {transform_indices = #map}]} {
    %mul3A = arith.constant 2 : i32
    %mul3A_0 = arith.muli %arg1, %mul3A : i32
    %add3A = arith.addi %mul3A_0, %arg0 : i32
    %mul3A_1 = arith.constant 640 : i32
    %mul3A_2 = arith.muli %add3A, %mul3A_1 : i32
    %mul3A_3 = arith.constant 40 : i32
    %mul3A_4 = arith.muli %add3A, %mul3A_3 : i32
    "tpu.region"() ({
      %run_scoped3A = tpu.sem_alloc : memref<!tpu.dma_semaphore, #tpu.memory_space<semaphore_mem>>
      %dma_start3A_164 = arith.constant 0 : i32
      %dma_start3A_165 = tpu.memref_slice %arg4[%mul3A_4, %dma_start3A_164] : memref<1280x128xi32, #tpu.memory_space<hbm>> -> memref<40x128xi32, #tpu.memory_space<hbm>>
      %dma_start3A_166 = arith.constant 0 : i32
      %dma_start3A_167 = tpu.memref_slice %arg4[%mul3A_4, %dma_start3A_166] : memref<1280x128xi32, #tpu.memory_space<hbm>> -> memref<40x128xi32, #tpu.memory_space<hbm>>
      tpu.enqueue_dma source(%dma_start3A_167 : memref<40x128xi32, #tpu.memory_space<hbm>>) target(%arg9 : memref<40x128xi32, #tpu.memory_space<vmem>>) target_semaphore(%run_scoped3A : memref<!tpu.dma_semaphore, #tpu.memory_space<semaphore_mem>>)
      %dma_wait3A_168 = arith.constant 0 : i32
      %dma_wait3A_169 = tpu.memref_slice %arg4[%mul3A_4, %dma_wait3A_168] : memref<1280x128xi32, #tpu.memory_space<hbm>> -> memref<40x128xi32, #tpu.memory_space<hbm>>
      %dma_wait3A_170 = arith.constant 0 : i32
      %dma_wait3A_171 = tpu.memref_slice %arg4[%mul3A_4, %dma_wait3A_170] : memref<1280x128xi32, #tpu.memory_space<hbm>> -> memref<40x128xi32, #tpu.memory_space<hbm>>
      tpu.wait_dma2 semaphore(%run_scoped3A : memref<!tpu.dma_semaphore, #tpu.memory_space<semaphore_mem>>) src(%dma_wait3A_171 : memref<40x128xi32, #tpu.memory_space<hbm>>) dst(%arg9 : memref<40x128xi32, #tpu.memory_space<vmem>>)
      tpu.yield
    }) : () -> ()
    %mul3A_5 = arith.constant 40 : i32
    %mul3A_6 = arith.muli %add3A, %mul3A_5 : i32
    "tpu.region"() ({
      %run_scoped3A = tpu.sem_alloc : memref<!tpu.dma_semaphore, #tpu.memory_space<semaphore_mem>>
      %dma_start3A_164 = arith.constant 0 : i32
      %dma_start3A_165 = tpu.memref_slice %arg5[%mul3A_6, %dma_start3A_164] : memref<1280x128xi32, #tpu.memory_space<hbm>> -> memref<40x128xi32, #tpu.memory_space<hbm>>
      %dma_start3A_166 = arith.constant 0 : i32
      %dma_start3A_167 = tpu.memref_slice %arg5[%mul3A_6, %dma_start3A_166] : memref<1280x128xi32, #tpu.memory_space<hbm>> -> memref<40x128xi32, #tpu.memory_space<hbm>>
      tpu.enqueue_dma source(%dma_start3A_167 : memref<40x128xi32, #tpu.memory_space<hbm>>) target(%arg10 : memref<40x128xi32, #tpu.memory_space<vmem>>) target_semaphore(%run_scoped3A : memref<!tpu.dma_semaphore, #tpu.memory_space<semaphore_mem>>)
      %dma_wait3A_168 = arith.constant 0 : i32
      %dma_wait3A_169 = tpu.memref_slice %arg5[%mul3A_6, %dma_wait3A_168] : memref<1280x128xi32, #tpu.memory_space<hbm>> -> memref<40x128xi32, #tpu.memory_space<hbm>>
      %dma_wait3A_170 = arith.constant 0 : i32
      %dma_wait3A_171 = tpu.memref_slice %arg5[%mul3A_6, %dma_wait3A_170] : memref<1280x128xi32, #tpu.memory_space<hbm>> -> memref<40x128xi32, #tpu.memory_space<hbm>>
      tpu.wait_dma2 semaphore(%run_scoped3A : memref<!tpu.dma_semaphore, #tpu.memory_space<semaphore_mem>>) src(%dma_wait3A_171 : memref<40x128xi32, #tpu.memory_space<hbm>>) dst(%arg10 : memref<40x128xi32, #tpu.memory_space<vmem>>)
      tpu.yield
    }) : () -> ()
    %mul3A_7 = arith.constant 40 : i32
    %mul3A_8 = arith.muli %add3A, %mul3A_7 : i32
    "tpu.region"() ({
      %run_scoped3A = tpu.sem_alloc : memref<!tpu.dma_semaphore, #tpu.memory_space<semaphore_mem>>
      %dma_start3A_164 = arith.constant 0 : i32
      %dma_start3A_165 = tpu.memref_slice %arg6[%mul3A_8, %dma_start3A_164] : memref<1280x128xi32, #tpu.memory_space<hbm>> -> memref<40x128xi32, #tpu.memory_space<hbm>>
      %dma_start3A_166 = arith.constant 0 : i32
      %dma_start3A_167 = tpu.memref_slice %arg6[%mul3A_8, %dma_start3A_166] : memref<1280x128xi32, #tpu.memory_space<hbm>> -> memref<40x128xi32, #tpu.memory_space<hbm>>
      tpu.enqueue_dma source(%dma_start3A_167 : memref<40x128xi32, #tpu.memory_space<hbm>>) target(%arg12 : memref<40x128xi32, #tpu.memory_space<vmem>>) target_semaphore(%run_scoped3A : memref<!tpu.dma_semaphore, #tpu.memory_space<semaphore_mem>>)
      %dma_wait3A_168 = arith.constant 0 : i32
      %dma_wait3A_169 = tpu.memref_slice %arg6[%mul3A_8, %dma_wait3A_168] : memref<1280x128xi32, #tpu.memory_space<hbm>> -> memref<40x128xi32, #tpu.memory_space<hbm>>
      %dma_wait3A_170 = arith.constant 0 : i32
      %dma_wait3A_171 = tpu.memref_slice %arg6[%mul3A_8, %dma_wait3A_170] : memref<1280x128xi32, #tpu.memory_space<hbm>> -> memref<40x128xi32, #tpu.memory_space<hbm>>
      tpu.wait_dma2 semaphore(%run_scoped3A : memref<!tpu.dma_semaphore, #tpu.memory_space<semaphore_mem>>) src(%dma_wait3A_171 : memref<40x128xi32, #tpu.memory_space<hbm>>) dst(%arg12 : memref<40x128xi32, #tpu.memory_space<vmem>>)
      tpu.yield
    }) : () -> ()
    "tpu.region"() ({
      %run_scoped3A = tpu.sem_alloc : memref<!tpu.dma_semaphore, #tpu.memory_space<semaphore_mem>>
      %dma_start3A_164 = tpu.memref_slice %arg7[%mul3A_2] : memref<20480xi32, #tpu.memory_space<hbm>> -> memref<640xi32, #tpu.memory_space<hbm>>
      %dma_start3A_165 = tpu.memref_slice %arg7[%mul3A_2] : memref<20480xi32, #tpu.memory_space<hbm>> -> memref<640xi32, #tpu.memory_space<hbm>>
      tpu.enqueue_dma source(%dma_start3A_165 : memref<640xi32, #tpu.memory_space<hbm>>) target(%arg18 : memref<640xi32, #tpu.memory_space<vmem>>) target_semaphore(%run_scoped3A : memref<!tpu.dma_semaphore, #tpu.memory_space<semaphore_mem>>)
      %dma_wait3A_166 = tpu.memref_slice %arg7[%mul3A_2] : memref<20480xi32, #tpu.memory_space<hbm>> -> memref<640xi32, #tpu.memory_space<hbm>>
      %dma_wait3A_167 = tpu.memref_slice %arg7[%mul3A_2] : memref<20480xi32, #tpu.memory_space<hbm>> -> memref<640xi32, #tpu.memory_space<hbm>>
      tpu.wait_dma2 semaphore(%run_scoped3A : memref<!tpu.dma_semaphore, #tpu.memory_space<semaphore_mem>>) src(%dma_wait3A_167 : memref<640xi32, #tpu.memory_space<hbm>>) dst(%arg18 : memref<640xi32, #tpu.memory_space<vmem>>)
      tpu.yield
    }) : () -> ()
    %scan3A = arith.constant 0 : i32
    %scan3A_9 = arith.constant 0 : i32
    %scan3A_10 = arith.constant 40 : i32
    %scan3A_11 = arith.addi %scan3A_9, %scan3A_10 : i32
    %scan3A_12 = arith.constant 1 : i32
    scf.for %scan3A_164 = %scan3A_9 to %scan3A_11 step %scan3A_12  : i32 {
      %get3A = arith.index_cast %scan3A_164 : i32 to index
      %get3A_165 = arith.constant 0 : index
      %get3A_166 = tpu.vector_load %arg9[%get3A, %get3A_165] {strides = array<i32>} : memref<40x128xi32, #tpu.memory_space<vmem>>, vector<16xi32>,
      %mul3A_167 = arith.constant 20 : i32
      %mul3A_168 = vector.broadcast %mul3A_167 : i32 to vector<16xi32>
      %mul3A_169 = arith.muli %get3A_166, %mul3A_168 : vector<16xi32>
      %get3A_170 = arith.index_cast %scan3A_164 : i32 to index
      %get3A_171 = arith.constant 0 : index
      %get3A_172 = tpu.vector_load %arg10[%get3A_170, %get3A_171] {strides = array<i32>} : memref<40x128xi32, #tpu.memory_space<vmem>>, vector<16xi32>,
      %add3A_173 = arith.addi %mul3A_169, %get3A_172 : vector<16xi32>
      %swap3A = arith.index_cast %scan3A_164 : i32 to index
      %swap3A_174 = arith.constant 0 : index
      %swap3A_175 = tpu.vector_load %arg11[%swap3A, %swap3A_174] {strides = array<i32>} : memref<40x128xi32, #tpu.memory_space<vmem>>, vector<16xi32>,
      tpu.vector_store %arg11[%swap3A, %swap3A_174], %add3A_173 {strides = array<i32>} : memref<40x128xi32, #tpu.memory_space<vmem>>, vector<16xi32>,
      %get3A_176 = arith.index_cast %scan3A_164 : i32 to index
      %get3A_177 = arith.constant 16 : index
      %get3A_178 = tpu.vector_load %arg9[%get3A_176, %get3A_177] {strides = array<i32>} : memref<40x128xi32, #tpu.memory_space<vmem>>, vector<16xi32>,
      %mul3A_179 = arith.constant 20 : i32
      %mul3A_180 = vector.broadcast %mul3A_179 : i32 to vector<16xi32>
      %mul3A_181 = arith.muli %get3A_178, %mul3A_180 : vector<16xi32>
      %get3A_182 = arith.index_cast %scan3A_164 : i32 to index
      %get3A_183 = arith.constant 16 : index
      %get3A_184 = tpu.vector_load %arg10[%get3A_182, %get3A_183] {strides = array<i32>} : memref<40x128xi32, #tpu.memory_space<vmem>>, vector<16xi32>,
      %add3A_185 = arith.addi %mul3A_181, %get3A_184 : vector<16xi32>
      %swap3A_186 = arith.index_cast %scan3A_164 : i32 to index
      %swap3A_187 = arith.constant 16 : index
      %swap3A_188 = tpu.vector_load %arg11[%swap3A_186, %swap3A_187] {strides = array<i32>} : memref<40x128xi32, #tpu.memory_space<vmem>>, vector<16xi32>,
      tpu.vector_store %arg11[%swap3A_186, %swap3A_187], %add3A_185 {strides = array<i32>} : memref<40x128xi32, #tpu.memory_space<vmem>>, vector<16xi32>,
      %get3A_189 = arith.index_cast %scan3A_164 : i32 to index
      %get3A_190 = arith.constant 32 : index
      %get3A_191 = tpu.vector_load %arg9[%get3A_189, %get3A_190] {strides = array<i32>} : memref<40x128xi32, #tpu.memory_space<vmem>>, vector<16xi32>,
      %mul3A_192 = arith.constant 20 : i32
      %mul3A_193 = vector.broadcast %mul3A_192 : i32 to vector<16xi32>
      %mul3A_194 = arith.muli %get3A_191, %mul3A_193 : vector<16xi32>
      %get3A_195 = arith.index_cast %scan3A_164 : i32 to index
      %get3A_196 = arith.constant 32 : index
      %get3A_197 = tpu.vector_load %arg10[%get3A_195, %get3A_196] {strides = array<i32>} : memref<40x128xi32, #tpu.memory_space<vmem>>, vector<16xi32>,
      %add3A_198 = arith.addi %mul3A_194, %get3A_197 : vector<16xi32>
      %swap3A_199 = arith.index_cast %scan3A_164 : i32 to index
      %swap3A_200 = arith.constant 32 : index
      %swap3A_201 = tpu.vector_load %arg11[%swap3A_199, %swap3A_200] {strides = array<i32>} : memref<40x128xi32, #tpu.memory_space<vmem>>, vector<16xi32>,
      tpu.vector_store %arg11[%swap3A_199, %swap3A_200], %add3A_198 {strides = array<i32>} : memref<40x128xi32, #tpu.memory_space<vmem>>, vector<16xi32>,
      %get3A_202 = arith.index_cast %scan3A_164 : i32 to index
      %get3A_203 = arith.constant 48 : index
      %get3A_204 = tpu.vector_load %arg9[%get3A_202, %get3A_203] {strides = array<i32>} : memref<40x128xi32, #tpu.memory_space<vmem>>, vector<16xi32>,
      %mul3A_205 = arith.constant 20 : i32
      %mul3A_206 = vector.broadcast %mul3A_205 : i32 to vector<16xi32>
      %mul3A_207 = arith.muli %get3A_204, %mul3A_206 : vector<16xi32>
      %get3A_208 = arith.index_cast %scan3A_164 : i32 to index
      %get3A_209 = arith.constant 48 : index
      %get3A_210 = tpu.vector_load %arg10[%get3A_208, %get3A_209] {strides = array<i32>} : memref<40x128xi32, #tpu.memory_space<vmem>>, vector<16xi32>,
      %add3A_211 = arith.addi %mul3A_207, %get3A_210 : vector<16xi32>
      %swap3A_212 = arith.index_cast %scan3A_164 : i32 to index
      %swap3A_213 = arith.constant 48 : index
      %swap3A_214 = tpu.vector_load %arg11[%swap3A_212, %swap3A_213] {strides = array<i32>} : memref<40x128xi32, #tpu.memory_space<vmem>>, vector<16xi32>,
      tpu.vector_store %arg11[%swap3A_212, %swap3A_213], %add3A_211 {strides = array<i32>} : memref<40x128xi32, #tpu.memory_space<vmem>>, vector<16xi32>,
      %get3A_215 = arith.index_cast %scan3A_164 : i32 to index
      %get3A_216 = arith.constant 64 : index
      %get3A_217 = tpu.vector_load %arg9[%get3A_215, %get3A_216] {strides = array<i32>} : memref<40x128xi32, #tpu.memory_space<vmem>>, vector<16xi32>,
      %mul3A_218 = arith.constant 20 : i32
      %mul3A_219 = vector.broadcast %mul3A_218 : i32 to vector<16xi32>
      %mul3A_220 = arith.muli %get3A_217, %mul3A_219 : vector<16xi32>
      %get3A_221 = arith.index_cast %scan3A_164 : i32 to index
      %get3A_222 = arith.constant 64 : index
      %get3A_223 = tpu.vector_load %arg10[%get3A_221, %get3A_222] {strides = array<i32>} : memref<40x128xi32, #tpu.memory_space<vmem>>, vector<16xi32>,
      %add3A_224 = arith.addi %mul3A_220, %get3A_223 : vector<16xi32>
      %swap3A_225 = arith.index_cast %scan3A_164 : i32 to index
      %swap3A_226 = arith.constant 64 : index
      %swap3A_227 = tpu.vector_load %arg11[%swap3A_225, %swap3A_226] {strides = array<i32>} : memref<40x128xi32, #tpu.memory_space<vmem>>, vector<16xi32>,
      tpu.vector_store %arg11[%swap3A_225, %swap3A_226], %add3A_224 {strides = array<i32>} : memref<40x128xi32, #tpu.memory_space<vmem>>, vector<16xi32>,
      %get3A_228 = arith.index_cast %scan3A_164 : i32 to index
      %get3A_229 = arith.constant 80 : index
      %get3A_230 = tpu.vector_load %arg9[%get3A_228, %get3A_229] {strides = array<i32>} : memref<40x128xi32, #tpu.memory_space<vmem>>, vector<16xi32>,
      %mul3A_231 = arith.constant 20 : i32
      %mul3A_232 = vector.broadcast %mul3A_231 : i32 to vector<16xi32>
      %mul3A_233 = arith.muli %get3A_230, %mul3A_232 : vector<16xi32>
      %get3A_234 = arith.index_cast %scan3A_164 : i32 to index
      %get3A_235 = arith.constant 80 : index
      %get3A_236 = tpu.vector_load %arg10[%get3A_234, %get3A_235] {strides = array<i32>} : memref<40x128xi32, #tpu.memory_space<vmem>>, vector<16xi32>,
      %add3A_237 = arith.addi %mul3A_233, %get3A_236 : vector<16xi32>
      %swap3A_238 = arith.index_cast %scan3A_164 : i32 to index
      %swap3A_239 = arith.constant 80 : index
      %swap3A_240 = tpu.vector_load %arg11[%swap3A_238, %swap3A_239] {strides = array<i32>} : memref<40x128xi32, #tpu.memory_space<vmem>>, vector<16xi32>,
      tpu.vector_store %arg11[%swap3A_238, %swap3A_239], %add3A_237 {strides = array<i32>} : memref<40x128xi32, #tpu.memory_space<vmem>>, vector<16xi32>,
      %get3A_241 = arith.index_cast %scan3A_164 : i32 to index
      %get3A_242 = arith.constant 96 : index
      %get3A_243 = tpu.vector_load %arg9[%get3A_241, %get3A_242] {strides = array<i32>} : memref<40x128xi32, #tpu.memory_space<vmem>>, vector<16xi32>,
      %mul3A_244 = arith.constant 20 : i32
      %mul3A_245 = vector.broadcast %mul3A_244 : i32 to vector<16xi32>
      %mul3A_246 = arith.muli %get3A_243, %mul3A_245 : vector<16xi32>
      %get3A_247 = arith.index_cast %scan3A_164 : i32 to index
      %get3A_248 = arith.constant 96 : index
      %get3A_249 = tpu.vector_load %arg10[%get3A_247, %get3A_248] {strides = array<i32>} : memref<40x128xi32, #tpu.memory_space<vmem>>, vector<16xi32>,
      %add3A_250 = arith.addi %mul3A_246, %get3A_249 : vector<16xi32>
      %swap3A_251 = arith.index_cast %scan3A_164 : i32 to index
      %swap3A_252 = arith.constant 96 : index
      %swap3A_253 = tpu.vector_load %arg11[%swap3A_251, %swap3A_252] {strides = array<i32>} : memref<40x128xi32, #tpu.memory_space<vmem>>, vector<16xi32>,
      tpu.vector_store %arg11[%swap3A_251, %swap3A_252], %add3A_250 {strides = array<i32>} : memref<40x128xi32, #tpu.memory_space<vmem>>, vector<16xi32>,
      %get3A_254 = arith.index_cast %scan3A_164 : i32 to index
      %get3A_255 = arith.constant 112 : index
      %get3A_256 = tpu.vector_load %arg9[%get3A_254, %get3A_255] {strides = array<i32>} : memref<40x128xi32, #tpu.memory_space<vmem>>, vector<16xi32>,
      %mul3A_257 = arith.constant 20 : i32
      %mul3A_258 = vector.broadcast %mul3A_257 : i32 to vector<16xi32>
      %mul3A_259 = arith.muli %get3A_256, %mul3A_258 : vector<16xi32>
      %get3A_260 = arith.index_cast %scan3A_164 : i32 to index
      %get3A_261 = arith.constant 112 : index
      %get3A_262 = tpu.vector_load %arg10[%get3A_260, %get3A_261] {strides = array<i32>} : memref<40x128xi32, #tpu.memory_space<vmem>>, vector<16xi32>,
      %add3A_263 = arith.addi %mul3A_259, %get3A_262 : vector<16xi32>
      %swap3A_264 = arith.index_cast %scan3A_164 : i32 to index
      %swap3A_265 = arith.constant 112 : index
      %swap3A_266 = tpu.vector_load %arg11[%swap3A_264, %swap3A_265] {strides = array<i32>} : memref<40x128xi32, #tpu.memory_space<vmem>>, vector<16xi32>,
      tpu.vector_store %arg11[%swap3A_264, %swap3A_265], %add3A_263 {strides = array<i32>} : memref<40x128xi32, #tpu.memory_space<vmem>>, vector<16xi32>,
    }
    %scan3A_13 = arith.constant 40 : i32
    %add3A_14 = arith.constant 0 : i32
    %add3A_15 = arith.addi %mul3A_2, %add3A_14 : i32
    %dma_start3A = arith.constant 0 : i32
    %dma_start3A_16 = arith.constant 0 : i32
    %dma_start3A_17 = arith.constant 0 : i32
    %dma_start3A_18 = arith.constant 0 : i32
    %dma_start3A_19 = arith.constant 0 : i32
    %dma_start3A_20 = tpu.memref_slice %arg14[%dma_start3A_16, %dma_start3A_18, %dma_start3A_19] : memref<2x128x128xf32, #tpu.memory_space<vmem>> -> memref<1x128x128xf32, #tpu.memory_space<vmem>>
    %dma_start3A_21 = tpu.memref_squeeze %dma_start3A_20 : memref<1x128x128xf32, #tpu.memory_space<vmem>> -> memref<128x128xf32, #tpu.memory_space<vmem>>
    %dma_start3A_22 = arith.constant 0 : i32
    %dma_start3A_23 = tpu.memref_slice %arg11[%dma_start3A, %dma_start3A_22] : memref<40x128xi32, #tpu.memory_space<vmem>> -> memref<1x128xi32, #tpu.memory_space<vmem>>
    %dma_start3A_24 = tpu.memref_squeeze %dma_start3A_23 : memref<1x128xi32, #tpu.memory_space<vmem>> -> memref<128xi32, #tpu.memory_space<vmem>>
    %dma_start3A_25 = arith.constant 0 : i32
    %dma_start3A_26 = arith.constant 0 : i32
    %dma_start3A_27 = tpu.memref_slice %arg2[%dma_start3A_25, %dma_start3A_26] : memref<20480x128xf32, #tpu.memory_space<hbm>> -> memref<20480x128xf32, #tpu.memory_space<hbm>>
    %dma_start3A_28 = tpu.memref_slice %arg20[%dma_start3A_17] : memref<2x!tpu.dma_semaphore, #tpu.memory_space<semaphore_mem>> -> memref<1x!tpu.dma_semaphore, #tpu.memory_space<semaphore_mem>>
    %dma_start3A_29 = tpu.memref_squeeze %dma_start3A_28 : memref<1x!tpu.dma_semaphore, #tpu.memory_space<semaphore_mem>> -> memref<!tpu.dma_semaphore, #tpu.memory_space<semaphore_mem>>
    tpu.enqueue_indirect_dma source(%dma_start3A_27 : memref<20480x128xf32, #tpu.memory_space<hbm>>) target(%dma_start3A_21 : memref<128x128xf32, #tpu.memory_space<vmem>>) offsets(%dma_start3A_24 : memref<128xi32, #tpu.memory_space<vmem>>) semaphore(%dma_start3A_29 : memref<!tpu.dma_semaphore, #tpu.memory_space<semaphore_mem>>)
    %dma_start3A_30 = arith.constant 0 : i32
    %dma_start3A_31 = arith.constant 0 : i32
    %dma_start3A_32 = arith.constant 0 : i32
    %dma_start3A_33 = arith.constant 0 : i32
    %dma_start3A_34 = arith.constant 0 : i32
    %dma_start3A_35 = tpu.memref_slice %arg15[%dma_start3A_31, %dma_start3A_33, %dma_start3A_34] : memref<2x128x128xf32, #tpu.memory_space<vmem>> -> memref<1x128x128xf32, #tpu.memory_space<vmem>>
    %dma_start3A_36 = tpu.memref_squeeze %dma_start3A_35 : memref<1x128x128xf32, #tpu.memory_space<vmem>> -> memref<128x128xf32, #tpu.memory_space<vmem>>
    %dma_start3A_37 = arith.constant 0 : i32
    %dma_start3A_38 = tpu.memref_slice %arg12[%dma_start3A_30, %dma_start3A_37] : memref<40x128xi32, #tpu.memory_space<vmem>> -> memref<1x128xi32, #tpu.memory_space<vmem>>
    %dma_start3A_39 = tpu.memref_squeeze %dma_start3A_38 : memref<1x128xi32, #tpu.memory_space<vmem>> -> memref<128xi32, #tpu.memory_space<vmem>>
    %dma_start3A_40 = arith.constant 0 : i32
    %dma_start3A_41 = arith.constant 0 : i32
    %dma_start3A_42 = tpu.memref_slice %arg3[%dma_start3A_40, %dma_start3A_41] : memref<10000x128xf32, #tpu.memory_space<hbm>> -> memref<10000x128xf32, #tpu.memory_space<hbm>>
    %dma_start3A_43 = tpu.memref_slice %arg20[%dma_start3A_32] : memref<2x!tpu.dma_semaphore, #tpu.memory_space<semaphore_mem>> -> memref<1x!tpu.dma_semaphore, #tpu.memory_space<semaphore_mem>>
    %dma_start3A_44 = tpu.memref_squeeze %dma_start3A_43 : memref<1x!tpu.dma_semaphore, #tpu.memory_space<semaphore_mem>> -> memref<!tpu.dma_semaphore, #tpu.memory_space<semaphore_mem>>
    tpu.enqueue_indirect_dma source(%dma_start3A_42 : memref<10000x128xf32, #tpu.memory_space<hbm>>) target(%dma_start3A_36 : memref<128x128xf32, #tpu.memory_space<vmem>>) offsets(%dma_start3A_39 : memref<128xi32, #tpu.memory_space<vmem>>) semaphore(%dma_start3A_44 : memref<!tpu.dma_semaphore, #tpu.memory_space<semaphore_mem>>)
    %dma_start3A_45 = arith.constant 0 : i32
    %dma_start3A_46 = arith.constant 0 : i32
    %dma_start3A_47 = arith.constant 0 : i32
    %dma_start3A_48 = arith.constant 0 : i32
    %dma_start3A_49 = tpu.memref_slice %arg13[%dma_start3A_45, %dma_start3A_47, %dma_start3A_48] : memref<3x16x128xf32, #tpu.memory_space<vmem>> -> memref<1x16x128xf32, #tpu.memory_space<vmem>>
    %dma_start3A_50 = tpu.memref_squeeze %dma_start3A_49 : memref<1x16x128xf32, #tpu.memory_space<vmem>> -> memref<16x128xf32, #tpu.memory_space<vmem>>
    %dma_start3A_51 = arith.constant 0 : i32
    %dma_start3A_52 = tpu.memref_slice %arg2[%add3A_15, %dma_start3A_51] : memref<20480x128xf32, #tpu.memory_space<hbm>> -> memref<16x128xf32, #tpu.memory_space<hbm>>
    %dma_start3A_53 = tpu.memref_slice %arg20[%dma_start3A_46] : memref<2x!tpu.dma_semaphore, #tpu.memory_space<semaphore_mem>> -> memref<1x!tpu.dma_semaphore, #tpu.memory_space<semaphore_mem>>
    %dma_start3A_54 = tpu.memref_squeeze %dma_start3A_53 : memref<1x!tpu.dma_semaphore, #tpu.memory_space<semaphore_mem>> -> memref<!tpu.dma_semaphore, #tpu.memory_space<semaphore_mem>>
    %dma_start3A_55 = arith.constant 0 : i32
    %dma_start3A_56 = arith.constant 0 : i32
    %dma_start3A_57 = tpu.memref_slice %arg13[%dma_start3A_45, %dma_start3A_55, %dma_start3A_56] : memref<3x16x128xf32, #tpu.memory_space<vmem>> -> memref<1x16x128xf32, #tpu.memory_space<vmem>>
    %dma_start3A_58 = tpu.memref_squeeze %dma_start3A_57 : memref<1x16x128xf32, #tpu.memory_space<vmem>> -> memref<16x128xf32, #tpu.memory_space<vmem>>
    %dma_start3A_59 = arith.constant 0 : i32
    %dma_start3A_60 = tpu.memref_slice %arg2[%add3A_15, %dma_start3A_59] : memref<20480x128xf32, #tpu.memory_space<hbm>> -> memref<16x128xf32, #tpu.memory_space<hbm>>
    tpu.enqueue_dma source(%dma_start3A_60 : memref<16x128xf32, #tpu.memory_space<hbm>>) target(%dma_start3A_58 : memref<16x128xf32, #tpu.memory_space<vmem>>) target_semaphore(%dma_start3A_54 : memref<!tpu.dma_semaphore, #tpu.memory_space<semaphore_mem>>)
    %iota3A = tpu.iota {dimensions = array<i32: 0>} : vector<16xi32>
    %scan3A_61 = arith.constant 0 : i32
    %scan3A_62 = arith.constant 0 : i32
    %scan3A_63 = arith.constant 40 : i32
    %scan3A_64 = arith.addi %scan3A_62, %scan3A_63 : i32
    %scan3A_65 = arith.constant 1 : i32
    scf.for %scan3A_164 = %scan3A_62 to %scan3A_64 step %scan3A_65  : i32 {
      %and3A = arith.constant 1 : i32
      %and3A_165 = arith.andi %scan3A_164, %and3A : i32
      %rem3A_166 = arith.constant 3 : i32
      %rem3A_167 = arith.remsi %scan3A_164, %rem3A_166 : i32
      %mul3A_168 = arith.constant 16 : i32
      %mul3A_169 = arith.muli %scan3A_164, %mul3A_168 : i32
      %add3A_170 = arith.addi %mul3A_2, %mul3A_169 : i32
      %add3A_171 = arith.constant 1 : i32
      %add3A_172 = arith.addi %scan3A_164, %add3A_171 : i32
      %lt3A = arith.constant 40 : i32
      %lt3A_173 = arith.cmpi slt, %add3A_172, %lt3A : i32
      %convert_element_type3A = arith.extui %lt3A_173 : i1 to i32
      %cond3A = arith.constant 0 : i32
      %cond3A_174 = arith.cmpi ne, %convert_element_type3A, %cond3A : i32
      scf.if %cond3A_174 {
        %ge3A = arith.constant 2 : i32
        %ge3A_649 = arith.cmpi sge, %scan3A_164, %ge3A : i32
        %convert_element_type3A_650 = arith.extui %ge3A_649 : i1 to i32
        %cond3A_651 = arith.constant 0 : i32
        %cond3A_652 = arith.cmpi ne, %convert_element_type3A_650, %cond3A_651 : i32
        scf.if %cond3A_652 {
          %sub3A_701 = arith.constant 2 : i32
          %sub3A_702 = arith.subi %scan3A_164, %sub3A_701 : i32
          %rem3A_703 = arith.constant 3 : i32
          %rem3A_704 = arith.remsi %sub3A_702, %rem3A_703 : i32
          %mul3A_705 = arith.constant 16 : i32
          %mul3A_706 = arith.muli %sub3A_702, %mul3A_705 : i32
          %add3A_707 = arith.addi %mul3A_2, %mul3A_706 : i32
          %dma_wait3A_708 = arith.constant 0 : i32
          %dma_wait3A_709 = arith.constant 0 : i32
          %dma_wait3A_710 = tpu.memref_slice %arg13[%rem3A_704, %dma_wait3A_708, %dma_wait3A_709] : memref<3x16x128xf32, #tpu.memory_space<vmem>> -> memref<1x16x128xf32, #tpu.memory_space<vmem>>
          %dma_wait3A_711 = tpu.memref_squeeze %dma_wait3A_710 : memref<1x16x128xf32, #tpu.memory_space<vmem>> -> memref<16x128xf32, #tpu.memory_space<vmem>>
          %dma_wait3A_712 = arith.constant 0 : i32
          %dma_wait3A_713 = tpu.memref_slice %arg8[%add3A_707, %dma_wait3A_712] : memref<20480x256xf32, #tpu.memory_space<hbm>> -> memref<16x128xf32, #tpu.memory_space<hbm>>
          %dma_wait3A_714 = tpu.memref_slice %arg21[%rem3A_704] : memref<3x!tpu.dma_semaphore, #tpu.memory_space<semaphore_mem>> -> memref<1x!tpu.dma_semaphore, #tpu.memory_space<semaphore_mem>>
          %dma_wait3A_715 = tpu.memref_squeeze %dma_wait3A_714 : memref<1x!tpu.dma_semaphore, #tpu.memory_space<semaphore_mem>> -> memref<!tpu.dma_semaphore, #tpu.memory_space<semaphore_mem>>
          %dma_wait3A_716 = arith.constant 0 : i32
          %dma_wait3A_717 = tpu.memref_slice %arg8[%add3A_707, %dma_wait3A_716] : memref<20480x256xf32, #tpu.memory_space<hbm>> -> memref<16x128xf32, #tpu.memory_space<hbm>>
          %dma_wait3A_718 = arith.constant 0 : i32
          %dma_wait3A_719 = arith.constant 0 : i32
          %dma_wait3A_720 = tpu.memref_slice %arg13[%rem3A_704, %dma_wait3A_718, %dma_wait3A_719] : memref<3x16x128xf32, #tpu.memory_space<vmem>> -> memref<1x16x128xf32, #tpu.memory_space<vmem>>
          %dma_wait3A_721 = tpu.memref_squeeze %dma_wait3A_720 : memref<1x16x128xf32, #tpu.memory_space<vmem>> -> memref<16x128xf32, #tpu.memory_space<vmem>>
          tpu.wait_dma2 semaphore(%dma_wait3A_715 : memref<!tpu.dma_semaphore, #tpu.memory_space<semaphore_mem>>) src(%dma_wait3A_721 : memref<16x128xf32, #tpu.memory_space<vmem>>) dst(%dma_wait3A_717 : memref<16x128xf32, #tpu.memory_space<hbm>>)
          %dma_wait3A_722 = arith.constant 0 : i32
          %dma_wait3A_723 = arith.constant 0 : i32
          %dma_wait3A_724 = tpu.memref_slice %arg19[%rem3A_704, %dma_wait3A_722, %dma_wait3A_723] : memref<3x16x128xf32, #tpu.memory_space<vmem>> -> memref<1x16x128xf32, #tpu.memory_space<vmem>>
          %dma_wait3A_725 = tpu.memref_squeeze %dma_wait3A_724 : memref<1x16x128xf32, #tpu.memory_space<vmem>> -> memref<16x128xf32, #tpu.memory_space<vmem>>
          %dma_wait3A_726 = arith.constant 128 : i32
          %dma_wait3A_727 = tpu.memref_slice %arg8[%add3A_707, %dma_wait3A_726] : memref<20480x256xf32, #tpu.memory_space<hbm>> -> memref<16x128xf32, #tpu.memory_space<hbm>>
          %dma_wait3A_728 = tpu.memref_slice %arg21[%rem3A_704] : memref<3x!tpu.dma_semaphore, #tpu.memory_space<semaphore_mem>> -> memref<1x!tpu.dma_semaphore, #tpu.memory_space<semaphore_mem>>
          %dma_wait3A_729 = tpu.memref_squeeze %dma_wait3A_728 : memref<1x!tpu.dma_semaphore, #tpu.memory_space<semaphore_mem>> -> memref<!tpu.dma_semaphore, #tpu.memory_space<semaphore_mem>>
          %dma_wait3A_730 = arith.constant 128 : i32
          %dma_wait3A_731 = tpu.memref_slice %arg8[%add3A_707, %dma_wait3A_730] : memref<20480x256xf32, #tpu.memory_space<hbm>> -> memref<16x128xf32, #tpu.memory_space<hbm>>
          %dma_wait3A_732 = arith.constant 0 : i32
          %dma_wait3A_733 = arith.constant 0 : i32
          %dma_wait3A_734 = tpu.memref_slice %arg19[%rem3A_704, %dma_wait3A_732, %dma_wait3A_733] : memref<3x16x128xf32, #tpu.memory_space<vmem>> -> memref<1x16x128xf32, #tpu.memory_space<vmem>>
          %dma_wait3A_735 = tpu.memref_squeeze %dma_wait3A_734 : memref<1x16x128xf32, #tpu.memory_space<vmem>> -> memref<16x128xf32, #tpu.memory_space<vmem>>
          tpu.wait_dma2 semaphore(%dma_wait3A_729 : memref<!tpu.dma_semaphore, #tpu.memory_space<semaphore_mem>>) src(%dma_wait3A_735 : memref<16x128xf32, #tpu.memory_space<vmem>>) dst(%dma_wait3A_731 : memref<16x128xf32, #tpu.memory_space<hbm>>)
        } else {
        }
        %add3A_653 = arith.constant 1 : i32
        %add3A_654 = arith.addi %scan3A_164, %add3A_653 : i32
        %sub3A = arith.constant 1 : i32
        %sub3A_655 = arith.subi %sub3A, %and3A_165 : i32
        %add3A_656 = arith.constant 1 : i32
        %add3A_657 = arith.addi %scan3A_164, %add3A_656 : i32
        %rem3A_658 = arith.constant 3 : i32
        %rem3A_659 = arith.remsi %add3A_657, %rem3A_658 : i32
        %mul3A_660 = arith.constant 16 : i32
        %mul3A_661 = arith.muli %add3A_654, %mul3A_660 : i32
        %add3A_662 = arith.addi %mul3A_2, %mul3A_661 : i32
        %dma_start3A_663 = arith.constant 0 : i32
        %dma_start3A_664 = arith.constant 0 : i32
        %dma_start3A_665 = tpu.memref_slice %arg14[%sub3A_655, %dma_start3A_663, %dma_start3A_664] : memref<2x128x128xf32, #tpu.memory_space<vmem>> -> memref<1x128x128xf32, #tpu.memory_space<vmem>>
        %dma_start3A_666 = tpu.memref_squeeze %dma_start3A_665 : memref<1x128x128xf32, #tpu.memory_space<vmem>> -> memref<128x128xf32, #tpu.memory_space<vmem>>
        %dma_start3A_667 = arith.constant 0 : i32
        %dma_start3A_668 = tpu.memref_slice %arg11[%add3A_654, %dma_start3A_667] : memref<40x128xi32, #tpu.memory_space<vmem>> -> memref<1x128xi32, #tpu.memory_space<vmem>>
        %dma_start3A_669 = tpu.memref_squeeze %dma_start3A_668 : memref<1x128xi32, #tpu.memory_space<vmem>> -> memref<128xi32, #tpu.memory_space<vmem>>
        %dma_start3A_670 = arith.constant 0 : i32
        %dma_start3A_671 = arith.constant 0 : i32
        %dma_start3A_672 = tpu.memref_slice %arg2[%dma_start3A_670, %dma_start3A_671] : memref<20480x128xf32, #tpu.memory_space<hbm>> -> memref<20480x128xf32, #tpu.memory_space<hbm>>
        %dma_start3A_673 = tpu.memref_slice %arg20[%sub3A_655] : memref<2x!tpu.dma_semaphore, #tpu.memory_space<semaphore_mem>> -> memref<1x!tpu.dma_semaphore, #tpu.memory_space<semaphore_mem>>
        %dma_start3A_674 = tpu.memref_squeeze %dma_start3A_673 : memref<1x!tpu.dma_semaphore, #tpu.memory_space<semaphore_mem>> -> memref<!tpu.dma_semaphore, #tpu.memory_space<semaphore_mem>>
        tpu.enqueue_indirect_dma source(%dma_start3A_672 : memref<20480x128xf32, #tpu.memory_space<hbm>>) target(%dma_start3A_666 : memref<128x128xf32, #tpu.memory_space<vmem>>) offsets(%dma_start3A_669 : memref<128xi32, #tpu.memory_space<vmem>>) semaphore(%dma_start3A_674 : memref<!tpu.dma_semaphore, #tpu.memory_space<semaphore_mem>>)
        %dma_start3A_675 = arith.constant 0 : i32
        %dma_start3A_676 = arith.constant 0 : i32
        %dma_start3A_677 = tpu.memref_slice %arg15[%sub3A_655, %dma_start3A_675, %dma_start3A_676] : memref<2x128x128xf32, #tpu.memory_space<vmem>> -> memref<1x128x128xf32, #tpu.memory_space<vmem>>
        %dma_start3A_678 = tpu.memref_squeeze %dma_start3A_677 : memref<1x128x128xf32, #tpu.memory_space<vmem>> -> memref<128x128xf32, #tpu.memory_space<vmem>>
        %dma_start3A_679 = arith.constant 0 : i32
        %dma_start3A_680 = tpu.memref_slice %arg12[%add3A_654, %dma_start3A_679] : memref<40x128xi32, #tpu.memory_space<vmem>> -> memref<1x128xi32, #tpu.memory_space<vmem>>
        %dma_start3A_681 = tpu.memref_squeeze %dma_start3A_680 : memref<1x128xi32, #tpu.memory_space<vmem>> -> memref<128xi32, #tpu.memory_space<vmem>>
        %dma_start3A_682 = arith.constant 0 : i32
        %dma_start3A_683 = arith.constant 0 : i32
        %dma_start3A_684 = tpu.memref_slice %arg3[%dma_start3A_682, %dma_start3A_683] : memref<10000x128xf32, #tpu.memory_space<hbm>> -> memref<10000x128xf32, #tpu.memory_space<hbm>>
        %dma_start3A_685 = tpu.memref_slice %arg20[%sub3A_655] : memref<2x!tpu.dma_semaphore, #tpu.memory_space<semaphore_mem>> -> memref<1x!tpu.dma_semaphore, #tpu.memory_space<semaphore_mem>>
        %dma_start3A_686 = tpu.memref_squeeze %dma_start3A_685 : memref<1x!tpu.dma_semaphore, #tpu.memory_space<semaphore_mem>> -> memref<!tpu.dma_semaphore, #tpu.memory_space<semaphore_mem>>
        tpu.enqueue_indirect_dma source(%dma_start3A_684 : memref<10000x128xf32, #tpu.memory_space<hbm>>) target(%dma_start3A_678 : memref<128x128xf32, #tpu.memory_space<vmem>>) offsets(%dma_start3A_681 : memref<128xi32, #tpu.memory_space<vmem>>) semaphore(%dma_start3A_686 : memref<!tpu.dma_semaphore, #tpu.memory_space<semaphore_mem>>)
        %dma_start3A_687 = arith.constant 0 : i32
        %dma_start3A_688 = arith.constant 0 : i32
        %dma_start3A_689 = tpu.memref_slice %arg13[%rem3A_659, %dma_start3A_687, %dma_start3A_688] : memref<3x16x128xf32, #tpu.memory_space<vmem>> -> memref<1x16x128xf32, #tpu.memory_space<vmem>>
        %dma_start3A_690 = tpu.memref_squeeze %dma_start3A_689 : memref<1x16x128xf32, #tpu.memory_space<vmem>> -> memref<16x128xf32, #tpu.memory_space<vmem>>
        %dma_start3A_691 = arith.constant 0 : i32
        %dma_start3A_692 = tpu.memref_slice %arg2[%add3A_662, %dma_start3A_691] : memref<20480x128xf32, #tpu.memory_space<hbm>> -> memref<16x128xf32, #tpu.memory_space<hbm>>
        %dma_start3A_693 = tpu.memref_slice %arg20[%sub3A_655] : memref<2x!tpu.dma_semaphore, #tpu.memory_space<semaphore_mem>> -> memref<1x!tpu.dma_semaphore, #tpu.memory_space<semaphore_mem>>
        %dma_start3A_694 = tpu.memref_squeeze %dma_start3A_693 : memref<1x!tpu.dma_semaphore, #tpu.memory_space<semaphore_mem>> -> memref<!tpu.dma_semaphore, #tpu.memory_space<semaphore_mem>>
        %dma_start3A_695 = arith.constant 0 : i32
        %dma_start3A_696 = arith.constant 0 : i32
        %dma_start3A_697 = tpu.memref_slice %arg13[%rem3A_659, %dma_start3A_695, %dma_start3A_696] : memref<3x16x128xf32, #tpu.memory_space<vmem>> -> memref<1x16x128xf32, #tpu.memory_space<vmem>>
        %dma_start3A_698 = tpu.memref_squeeze %dma_start3A_697 : memref<1x16x128xf32, #tpu.memory_space<vmem>> -> memref<16x128xf32, #tpu.memory_space<vmem>>
        %dma_start3A_699 = arith.constant 0 : i32
        %dma_start3A_700 = tpu.memref_slice %arg2[%add3A_662, %dma_start3A_699] : memref<20480x128xf32, #tpu.memory_space<hbm>> -> memref<16x128xf32, #tpu.memory_space<hbm>>
        tpu.enqueue_dma source(%dma_start3A_700 : memref<16x128xf32, #tpu.memory_space<hbm>>) target(%dma_start3A_698 : memref<16x128xf32, #tpu.memory_space<vmem>>) target_semaphore(%dma_start3A_694 : memref<!tpu.dma_semaphore, #tpu.memory_space<semaphore_mem>>)
      } else {
      }
      %mul3A_175 = arith.constant 16 : i32
      %mul3A_176 = arith.muli %scan3A_164, %mul3A_175 : i32
      %add3A_177 = arith.addi %mul3A_2, %mul3A_176 : i32
      %dma_wait3A_178 = arith.constant 0 : i32
      %dma_wait3A_179 = arith.constant 0 : i32
      %dma_wait3A_180 = tpu.memref_slice %arg14[%and3A_165, %dma_wait3A_178, %dma_wait3A_179] : memref<2x128x128xf32, #tpu.memory_space<vmem>> -> memref<1x128x128xf32, #tpu.memory_space<vmem>>
      %dma_wait3A_181 = tpu.memref_squeeze %dma_wait3A_180 : memref<1x128x128xf32, #tpu.memory_space<vmem>> -> memref<128x128xf32, #tpu.memory_space<vmem>>
      %dma_wait3A_182 = arith.constant 0 : i32
      %dma_wait3A_183 = tpu.memref_slice %arg11[%scan3A_164, %dma_wait3A_182] : memref<40x128xi32, #tpu.memory_space<vmem>> -> memref<1x128xi32, #tpu.memory_space<vmem>>
      %dma_wait3A_184 = tpu.memref_squeeze %dma_wait3A_183 : memref<1x128xi32, #tpu.memory_space<vmem>> -> memref<128xi32, #tpu.memory_space<vmem>>
      %dma_wait3A_185 = arith.constant 0 : i32
      %dma_wait3A_186 = arith.constant 0 : i32
      %dma_wait3A_187 = tpu.memref_slice %arg2[%dma_wait3A_185, %dma_wait3A_186] : memref<20480x128xf32, #tpu.memory_space<hbm>> -> memref<20480x128xf32, #tpu.memory_space<hbm>>
      %dma_wait3A_188 = tpu.memref_slice %arg20[%and3A_165] : memref<2x!tpu.dma_semaphore, #tpu.memory_space<semaphore_mem>> -> memref<1x!tpu.dma_semaphore, #tpu.memory_space<semaphore_mem>>
      %dma_wait3A_189 = tpu.memref_squeeze %dma_wait3A_188 : memref<1x!tpu.dma_semaphore, #tpu.memory_space<semaphore_mem>> -> memref<!tpu.dma_semaphore, #tpu.memory_space<semaphore_mem>>
      tpu.wait_indirect_dma semaphore(%dma_wait3A_189 : memref<!tpu.dma_semaphore, #tpu.memory_space<semaphore_mem>>) src(%dma_wait3A_187 : memref<20480x128xf32, #tpu.memory_space<hbm>>) dst(%dma_wait3A_181 : memref<128x128xf32, #tpu.memory_space<vmem>>)
      %dma_wait3A_190 = arith.constant 0 : i32
      %dma_wait3A_191 = arith.constant 0 : i32
      %dma_wait3A_192 = tpu.memref_slice %arg15[%and3A_165, %dma_wait3A_190, %dma_wait3A_191] : memref<2x128x128xf32, #tpu.memory_space<vmem>> -> memref<1x128x128xf32, #tpu.memory_space<vmem>>
      %dma_wait3A_193 = tpu.memref_squeeze %dma_wait3A_192 : memref<1x128x128xf32, #tpu.memory_space<vmem>> -> memref<128x128xf32, #tpu.memory_space<vmem>>
      %dma_wait3A_194 = arith.constant 0 : i32
      %dma_wait3A_195 = tpu.memref_slice %arg12[%scan3A_164, %dma_wait3A_194] : memref<40x128xi32, #tpu.memory_space<vmem>> -> memref<1x128xi32, #tpu.memory_space<vmem>>
      %dma_wait3A_196 = tpu.memref_squeeze %dma_wait3A_195 : memref<1x128xi32, #tpu.memory_space<vmem>> -> memref<128xi32, #tpu.memory_space<vmem>>
      %dma_wait3A_197 = arith.constant 0 : i32
      %dma_wait3A_198 = arith.constant 0 : i32
      %dma_wait3A_199 = tpu.memref_slice %arg3[%dma_wait3A_197, %dma_wait3A_198] : memref<10000x128xf32, #tpu.memory_space<hbm>> -> memref<10000x128xf32, #tpu.memory_space<hbm>>
      %dma_wait3A_200 = tpu.memref_slice %arg20[%and3A_165] : memref<2x!tpu.dma_semaphore, #tpu.memory_space<semaphore_mem>> -> memref<1x!tpu.dma_semaphore, #tpu.memory_space<semaphore_mem>>
      %dma_wait3A_201 = tpu.memref_squeeze %dma_wait3A_200 : memref<1x!tpu.dma_semaphore, #tpu.memory_space<semaphore_mem>> -> memref<!tpu.dma_semaphore, #tpu.memory_space<semaphore_mem>>
      tpu.wait_indirect_dma semaphore(%dma_wait3A_201 : memref<!tpu.dma_semaphore, #tpu.memory_space<semaphore_mem>>) src(%dma_wait3A_199 : memref<10000x128xf32, #tpu.memory_space<hbm>>) dst(%dma_wait3A_193 : memref<128x128xf32, #tpu.memory_space<vmem>>)
      %dma_wait3A_202 = arith.constant 0 : i32
      %dma_wait3A_203 = arith.constant 0 : i32
      %dma_wait3A_204 = tpu.memref_slice %arg13[%rem3A_167, %dma_wait3A_202, %dma_wait3A_203] : memref<3x16x128xf32, #tpu.memory_space<vmem>> -> memref<1x16x128xf32, #tpu.memory_space<vmem>>
      %dma_wait3A_205 = tpu.memref_squeeze %dma_wait3A_204 : memref<1x16x128xf32, #tpu.memory_space<vmem>> -> memref<16x128xf32, #tpu.memory_space<vmem>>
      %dma_wait3A_206 = arith.constant 0 : i32
      %dma_wait3A_207 = tpu.memref_slice %arg2[%add3A_177, %dma_wait3A_206] : memref<20480x128xf32, #tpu.memory_space<hbm>> -> memref<16x128xf32, #tpu.memory_space<hbm>>
      %dma_wait3A_208 = tpu.memref_slice %arg20[%and3A_165] : memref<2x!tpu.dma_semaphore, #tpu.memory_space<semaphore_mem>> -> memref<1x!tpu.dma_semaphore, #tpu.memory_space<semaphore_mem>>
      %dma_wait3A_209 = tpu.memref_squeeze %dma_wait3A_208 : memref<1x!tpu.dma_semaphore, #tpu.memory_space<semaphore_mem>> -> memref<!tpu.dma_semaphore, #tpu.memory_space<semaphore_mem>>
      %dma_wait3A_210 = arith.constant 0 : i32
      %dma_wait3A_211 = arith.constant 0 : i32
      %dma_wait3A_212 = tpu.memref_slice %arg13[%rem3A_167, %dma_wait3A_210, %dma_wait3A_211] : memref<3x16x128xf32, #tpu.memory_space<vmem>> -> memref<1x16x128xf32, #tpu.memory_space<vmem>>
      %dma_wait3A_213 = tpu.memref_squeeze %dma_wait3A_212 : memref<1x16x128xf32, #tpu.memory_space<vmem>> -> memref<16x128xf32, #tpu.memory_space<vmem>>
      %dma_wait3A_214 = arith.constant 0 : i32
      %dma_wait3A_215 = tpu.memref_slice %arg2[%add3A_177, %dma_wait3A_214] : memref<20480x128xf32, #tpu.memory_space<hbm>> -> memref<16x128xf32, #tpu.memory_space<hbm>>
      tpu.wait_dma2 semaphore(%dma_wait3A_209 : memref<!tpu.dma_semaphore, #tpu.memory_space<semaphore_mem>>) src(%dma_wait3A_215 : memref<16x128xf32, #tpu.memory_space<hbm>>) dst(%dma_wait3A_213 : memref<16x128xf32, #tpu.memory_space<vmem>>)
      %parallel_loop3A = arith.constant 0 : i32
      %parallel_loop3A_216 = arith.constant 8 : i32
      %parallel_loop3A_217 = arith.constant 1 : i32
      scf.for %parallel_loop3A_649 = %parallel_loop3A to %parallel_loop3A_216 step %parallel_loop3A_217  : i32 {
        %parallel_loop3A_650 = arith.constant 2 : i32
        %parallel_loop3A_651 = arith.muli %parallel_loop3A_649, %parallel_loop3A_650 : i32
        %parallel_loop3A_652 = arith.constant 0 : i32
        %parallel_loop3A_653 = arith.addi %parallel_loop3A_651, %parallel_loop3A_652 : i32
        %parallel_loop3A_654 = arith.constant 8 : i32
        %parallel_loop3A_655 = arith.muli %parallel_loop3A_653, %parallel_loop3A_654 : i32
        %parallel_loop3A_656 = arith.index_cast %rem3A_167 : i32 to index
        %parallel_loop3A_657 = arith.index_cast %parallel_loop3A_653 : i32 to index
        %parallel_loop3A_658 = arith.constant 0 : index
        %parallel_loop3A_659 = tpu.vector_load %arg13[%parallel_loop3A_656, %parallel_loop3A_657, %parallel_loop3A_658] {strides = array<i32>} : memref<3x16x128xf32, #tpu.memory_space<vmem>>, vector<16xf32>,
        %parallel_loop3A_660 = arith.index_cast %rem3A_167 : i32 to index
        %parallel_loop3A_661 = arith.index_cast %parallel_loop3A_653 : i32 to index
        %parallel_loop3A_662 = arith.constant 16 : index
        %parallel_loop3A_663 = tpu.vector_load %arg13[%parallel_loop3A_660, %parallel_loop3A_661, %parallel_loop3A_662] {strides = array<i32>} : memref<3x16x128xf32, #tpu.memory_space<vmem>>, vector<16xf32>,
        %parallel_loop3A_664 = arith.index_cast %rem3A_167 : i32 to index
        %parallel_loop3A_665 = arith.index_cast %parallel_loop3A_653 : i32 to index
        %parallel_loop3A_666 = arith.constant 32 : index
        %parallel_loop3A_667 = tpu.vector_load %arg13[%parallel_loop3A_664, %parallel_loop3A_665, %parallel_loop3A_666] {strides = array<i32>} : memref<3x16x128xf32, #tpu.memory_space<vmem>>, vector<16xf32>,
        %parallel_loop3A_668 = arith.index_cast %rem3A_167 : i32 to index
        %parallel_loop3A_669 = arith.index_cast %parallel_loop3A_653 : i32 to index
        %parallel_loop3A_670 = arith.constant 48 : index
        %parallel_loop3A_671 = tpu.vector_load %arg13[%parallel_loop3A_668, %parallel_loop3A_669, %parallel_loop3A_670] {strides = array<i32>} : memref<3x16x128xf32, #tpu.memory_space<vmem>>, vector<16xf32>,
        %parallel_loop3A_672 = arith.index_cast %rem3A_167 : i32 to index
        %parallel_loop3A_673 = arith.index_cast %parallel_loop3A_653 : i32 to index
        %parallel_loop3A_674 = arith.constant 64 : index
        %parallel_loop3A_675 = tpu.vector_load %arg13[%parallel_loop3A_672, %parallel_loop3A_673, %parallel_loop3A_674] {strides = array<i32>} : memref<3x16x128xf32, #tpu.memory_space<vmem>>, vector<16xf32>,
        %parallel_loop3A_676 = arith.index_cast %rem3A_167 : i32 to index
        %parallel_loop3A_677 = arith.index_cast %parallel_loop3A_653 : i32 to index
        %parallel_loop3A_678 = arith.constant 80 : index
        %parallel_loop3A_679 = tpu.vector_load %arg13[%parallel_loop3A_676, %parallel_loop3A_677, %parallel_loop3A_678] {strides = array<i32>} : memref<3x16x128xf32, #tpu.memory_space<vmem>>, vector<16xf32>,
        %parallel_loop3A_680 = arith.index_cast %rem3A_167 : i32 to index
        %parallel_loop3A_681 = arith.index_cast %parallel_loop3A_653 : i32 to index
        %parallel_loop3A_682 = arith.constant 96 : index
        %parallel_loop3A_683 = tpu.vector_load %arg13[%parallel_loop3A_680, %parallel_loop3A_681, %parallel_loop3A_682] {strides = array<i32>} : memref<3x16x128xf32, #tpu.memory_space<vmem>>, vector<16xf32>,
        %parallel_loop3A_684 = arith.index_cast %rem3A_167 : i32 to index
        %parallel_loop3A_685 = arith.index_cast %parallel_loop3A_653 : i32 to index
        %parallel_loop3A_686 = arith.constant 112 : index
        %parallel_loop3A_687 = tpu.vector_load %arg13[%parallel_loop3A_684, %parallel_loop3A_685, %parallel_loop3A_686] {strides = array<i32>} : memref<3x16x128xf32, #tpu.memory_space<vmem>>, vector<16xf32>,
        %parallel_loop3A_688 = arith.constant 0 : i32
        %parallel_loop3A_689 = arith.addi %parallel_loop3A_655, %parallel_loop3A_688 : i32
        %parallel_loop3A_690 = arith.index_cast %and3A_165 : i32 to index
        %parallel_loop3A_691 = arith.index_cast %parallel_loop3A_689 : i32 to index
        %parallel_loop3A_692 = arith.constant 0 : index
        %parallel_loop3A_693 = tpu.vector_load %arg14[%parallel_loop3A_690, %parallel_loop3A_691, %parallel_loop3A_692] {strides = array<i32>} : memref<2x128x128xf32, #tpu.memory_space<vmem>>, vector<16xf32>,
        %parallel_loop3A_694 = arith.mulf %parallel_loop3A_659, %parallel_loop3A_693 : vector<16xf32>
        %parallel_loop3A_695 = arith.constant 0 : i32
        %parallel_loop3A_696 = arith.addi %parallel_loop3A_655, %parallel_loop3A_695 : i32
        %parallel_loop3A_697 = arith.index_cast %and3A_165 : i32 to index
        %parallel_loop3A_698 = arith.index_cast %parallel_loop3A_696 : i32 to index
        %parallel_loop3A_699 = arith.constant 16 : index
        %parallel_loop3A_700 = tpu.vector_load %arg14[%parallel_loop3A_697, %parallel_loop3A_698, %parallel_loop3A_699] {strides = array<i32>} : memref<2x128x128xf32, #tpu.memory_space<vmem>>, vector<16xf32>,
        %parallel_loop3A_701 = arith.mulf %parallel_loop3A_663, %parallel_loop3A_700 : vector<16xf32>
        %parallel_loop3A_702 = arith.constant 0 : i32
        %parallel_loop3A_703 = arith.addi %parallel_loop3A_655, %parallel_loop3A_702 : i32
        %parallel_loop3A_704 = arith.index_cast %and3A_165 : i32 to index
        %parallel_loop3A_705 = arith.index_cast %parallel_loop3A_703 : i32 to index
        %parallel_loop3A_706 = arith.constant 32 : index
        %parallel_loop3A_707 = tpu.vector_load %arg14[%parallel_loop3A_704, %parallel_loop3A_705, %parallel_loop3A_706] {strides = array<i32>} : memref<2x128x128xf32, #tpu.memory_space<vmem>>, vector<16xf32>,
        %parallel_loop3A_708 = arith.mulf %parallel_loop3A_667, %parallel_loop3A_707 : vector<16xf32>
        %parallel_loop3A_709 = arith.constant 0 : i32
        %parallel_loop3A_710 = arith.addi %parallel_loop3A_655, %parallel_loop3A_709 : i32
        %parallel_loop3A_711 = arith.index_cast %and3A_165 : i32 to index
        %parallel_loop3A_712 = arith.index_cast %parallel_loop3A_710 : i32 to index
        %parallel_loop3A_713 = arith.constant 48 : index
        %parallel_loop3A_714 = tpu.vector_load %arg14[%parallel_loop3A_711, %parallel_loop3A_712, %parallel_loop3A_713] {strides = array<i32>} : memref<2x128x128xf32, #tpu.memory_space<vmem>>, vector<16xf32>,
        %parallel_loop3A_715 = arith.mulf %parallel_loop3A_671, %parallel_loop3A_714 : vector<16xf32>
        %parallel_loop3A_716 = arith.constant 0 : i32
        %parallel_loop3A_717 = arith.addi %parallel_loop3A_655, %parallel_loop3A_716 : i32
        %parallel_loop3A_718 = arith.index_cast %and3A_165 : i32 to index
        %parallel_loop3A_719 = arith.index_cast %parallel_loop3A_717 : i32 to index
        %parallel_loop3A_720 = arith.constant 64 : index
        %parallel_loop3A_721 = tpu.vector_load %arg14[%parallel_loop3A_718, %parallel_loop3A_719, %parallel_loop3A_720] {strides = array<i32>} : memref<2x128x128xf32, #tpu.memory_space<vmem>>, vector<16xf32>,
        %parallel_loop3A_722 = arith.mulf %parallel_loop3A_675, %parallel_loop3A_721 : vector<16xf32>
        %parallel_loop3A_723 = arith.constant 0 : i32
        %parallel_loop3A_724 = arith.addi %parallel_loop3A_655, %parallel_loop3A_723 : i32
        %parallel_loop3A_725 = arith.index_cast %and3A_165 : i32 to index
        %parallel_loop3A_726 = arith.index_cast %parallel_loop3A_724 : i32 to index
        %parallel_loop3A_727 = arith.constant 80 : index
        %parallel_loop3A_728 = tpu.vector_load %arg14[%parallel_loop3A_725, %parallel_loop3A_726, %parallel_loop3A_727] {strides = array<i32>} : memref<2x128x128xf32, #tpu.memory_space<vmem>>, vector<16xf32>,
        %parallel_loop3A_729 = arith.mulf %parallel_loop3A_679, %parallel_loop3A_728 : vector<16xf32>
        %parallel_loop3A_730 = arith.constant 0 : i32
        %parallel_loop3A_731 = arith.addi %parallel_loop3A_655, %parallel_loop3A_730 : i32
        %parallel_loop3A_732 = arith.index_cast %and3A_165 : i32 to index
        %parallel_loop3A_733 = arith.index_cast %parallel_loop3A_731 : i32 to index
        %parallel_loop3A_734 = arith.constant 96 : index
        %parallel_loop3A_735 = tpu.vector_load %arg14[%parallel_loop3A_732, %parallel_loop3A_733, %parallel_loop3A_734] {strides = array<i32>} : memref<2x128x128xf32, #tpu.memory_space<vmem>>, vector<16xf32>,
        %parallel_loop3A_736 = arith.mulf %parallel_loop3A_683, %parallel_loop3A_735 : vector<16xf32>
        %parallel_loop3A_737 = arith.constant 0 : i32
        %parallel_loop3A_738 = arith.addi %parallel_loop3A_655, %parallel_loop3A_737 : i32
        %parallel_loop3A_739 = arith.index_cast %and3A_165 : i32 to index
        %parallel_loop3A_740 = arith.index_cast %parallel_loop3A_738 : i32 to index
        %parallel_loop3A_741 = arith.constant 112 : index
        %parallel_loop3A_742 = tpu.vector_load %arg14[%parallel_loop3A_739, %parallel_loop3A_740, %parallel_loop3A_741] {strides = array<i32>} : memref<2x128x128xf32, #tpu.memory_space<vmem>>, vector<16xf32>,
        %parallel_loop3A_743 = arith.mulf %parallel_loop3A_687, %parallel_loop3A_742 : vector<16xf32>
        %parallel_loop3A_744 = arith.addf %parallel_loop3A_694, %parallel_loop3A_701 : vector<16xf32>
        %parallel_loop3A_745 = arith.addf %parallel_loop3A_708, %parallel_loop3A_715 : vector<16xf32>
        %parallel_loop3A_746 = arith.addf %parallel_loop3A_722, %parallel_loop3A_729 : vector<16xf32>
        %parallel_loop3A_747 = arith.addf %parallel_loop3A_736, %parallel_loop3A_743 : vector<16xf32>
        %parallel_loop3A_748 = arith.addf %parallel_loop3A_744, %parallel_loop3A_745 : vector<16xf32>
        %parallel_loop3A_749 = arith.addf %parallel_loop3A_746, %parallel_loop3A_747 : vector<16xf32>
        %parallel_loop3A_750 = arith.addf %parallel_loop3A_748, %parallel_loop3A_749 : vector<16xf32>
        %parallel_loop3A_751 = arith.constant 1 : i32
        %parallel_loop3A_752 = arith.addi %parallel_loop3A_655, %parallel_loop3A_751 : i32
        %parallel_loop3A_753 = arith.index_cast %and3A_165 : i32 to index
        %parallel_loop3A_754 = arith.index_cast %parallel_loop3A_752 : i32 to index
        %parallel_loop3A_755 = arith.constant 0 : index
        %parallel_loop3A_756 = tpu.vector_load %arg14[%parallel_loop3A_753, %parallel_loop3A_754, %parallel_loop3A_755] {strides = array<i32>} : memref<2x128x128xf32, #tpu.memory_space<vmem>>, vector<16xf32>,
        %parallel_loop3A_757 = arith.mulf %parallel_loop3A_659, %parallel_loop3A_756 : vector<16xf32>
        %parallel_loop3A_758 = arith.constant 1 : i32
        %parallel_loop3A_759 = arith.addi %parallel_loop3A_655, %parallel_loop3A_758 : i32
        %parallel_loop3A_760 = arith.index_cast %and3A_165 : i32 to index
        %parallel_loop3A_761 = arith.index_cast %parallel_loop3A_759 : i32 to index
        %parallel_loop3A_762 = arith.constant 16 : index
        %parallel_loop3A_763 = tpu.vector_load %arg14[%parallel_loop3A_760, %parallel_loop3A_761, %parallel_loop3A_762] {strides = array<i32>} : memref<2x128x128xf32, #tpu.memory_space<vmem>>, vector<16xf32>,
        %parallel_loop3A_764 = arith.mulf %parallel_loop3A_663, %parallel_loop3A_763 : vector<16xf32>
        %parallel_loop3A_765 = arith.constant 1 : i32
        %parallel_loop3A_766 = arith.addi %parallel_loop3A_655, %parallel_loop3A_765 : i32
        %parallel_loop3A_767 = arith.index_cast %and3A_165 : i32 to index
        %parallel_loop3A_768 = arith.index_cast %parallel_loop3A_766 : i32 to index
        %parallel_loop3A_769 = arith.constant 32 : index
        %parallel_loop3A_770 = tpu.vector_load %arg14[%parallel_loop3A_767, %parallel_loop3A_768, %parallel_loop3A_769] {strides = array<i32>} : memref<2x128x128xf32, #tpu.memory_space<vmem>>, vector<16xf32>,
        %parallel_loop3A_771 = arith.mulf %parallel_loop3A_667, %parallel_loop3A_770 : vector<16xf32>
        %parallel_loop3A_772 = arith.constant 1 : i32
        %parallel_loop3A_773 = arith.addi %parallel_loop3A_655, %parallel_loop3A_772 : i32
        %parallel_loop3A_774 = arith.index_cast %and3A_165 : i32 to index
        %parallel_loop3A_775 = arith.index_cast %parallel_loop3A_773 : i32 to index
        %parallel_loop3A_776 = arith.constant 48 : index
        %parallel_loop3A_777 = tpu.vector_load %arg14[%parallel_loop3A_774, %parallel_loop3A_775, %parallel_loop3A_776] {strides = array<i32>} : memref<2x128x128xf32, #tpu.memory_space<vmem>>, vector<16xf32>,
        %parallel_loop3A_778 = arith.mulf %parallel_loop3A_671, %parallel_loop3A_777 : vector<16xf32>
        %parallel_loop3A_779 = arith.constant 1 : i32
        %parallel_loop3A_780 = arith.addi %parallel_loop3A_655, %parallel_loop3A_779 : i32
        %parallel_loop3A_781 = arith.index_cast %and3A_165 : i32 to index
        %parallel_loop3A_782 = arith.index_cast %parallel_loop3A_780 : i32 to index
        %parallel_loop3A_783 = arith.constant 64 : index
        %parallel_loop3A_784 = tpu.vector_load %arg14[%parallel_loop3A_781, %parallel_loop3A_782, %parallel_loop3A_783] {strides = array<i32>} : memref<2x128x128xf32, #tpu.memory_space<vmem>>, vector<16xf32>,
        %parallel_loop3A_785 = arith.mulf %parallel_loop3A_675, %parallel_loop3A_784 : vector<16xf32>
        %parallel_loop3A_786 = arith.constant 1 : i32
        %parallel_loop3A_787 = arith.addi %parallel_loop3A_655, %parallel_loop3A_786 : i32
        %parallel_loop3A_788 = arith.index_cast %and3A_165 : i32 to index
        %parallel_loop3A_789 = arith.index_cast %parallel_loop3A_787 : i32 to index
        %parallel_loop3A_790 = arith.constant 80 : index
        %parallel_loop3A_791 = tpu.vector_load %arg14[%parallel_loop3A_788, %parallel_loop3A_789, %parallel_loop3A_790] {strides = array<i32>} : memref<2x128x128xf32, #tpu.memory_space<vmem>>, vector<16xf32>,
        %parallel_loop3A_792 = arith.mulf %parallel_loop3A_679, %parallel_loop3A_791 : vector<16xf32>
        %parallel_loop3A_793 = arith.constant 1 : i32
        %parallel_loop3A_794 = arith.addi %parallel_loop3A_655, %parallel_loop3A_793 : i32
        %parallel_loop3A_795 = arith.index_cast %and3A_165 : i32 to index
        %parallel_loop3A_796 = arith.index_cast %parallel_loop3A_794 : i32 to index
        %parallel_loop3A_797 = arith.constant 96 : index
        %parallel_loop3A_798 = tpu.vector_load %arg14[%parallel_loop3A_795, %parallel_loop3A_796, %parallel_loop3A_797] {strides = array<i32>} : memref<2x128x128xf32, #tpu.memory_space<vmem>>, vector<16xf32>,
        %parallel_loop3A_799 = arith.mulf %parallel_loop3A_683, %parallel_loop3A_798 : vector<16xf32>
        %parallel_loop3A_800 = arith.constant 1 : i32
        %parallel_loop3A_801 = arith.addi %parallel_loop3A_655, %parallel_loop3A_800 : i32
        %parallel_loop3A_802 = arith.index_cast %and3A_165 : i32 to index
        %parallel_loop3A_803 = arith.index_cast %parallel_loop3A_801 : i32 to index
        %parallel_loop3A_804 = arith.constant 112 : index
        %parallel_loop3A_805 = tpu.vector_load %arg14[%parallel_loop3A_802, %parallel_loop3A_803, %parallel_loop3A_804] {strides = array<i32>} : memref<2x128x128xf32, #tpu.memory_space<vmem>>, vector<16xf32>,
        %parallel_loop3A_806 = arith.mulf %parallel_loop3A_687, %parallel_loop3A_805 : vector<16xf32>
        %parallel_loop3A_807 = arith.addf %parallel_loop3A_757, %parallel_loop3A_764 : vector<16xf32>
        %parallel_loop3A_808 = arith.addf %parallel_loop3A_771, %parallel_loop3A_778 : vector<16xf32>
        %parallel_loop3A_809 = arith.addf %parallel_loop3A_785, %parallel_loop3A_792 : vector<16xf32>
        %parallel_loop3A_810 = arith.addf %parallel_loop3A_799, %parallel_loop3A_806 : vector<16xf32>
        %parallel_loop3A_811 = arith.addf %parallel_loop3A_807, %parallel_loop3A_808 : vector<16xf32>
        %parallel_loop3A_812 = arith.addf %parallel_loop3A_809, %parallel_loop3A_810 : vector<16xf32>
        %parallel_loop3A_813 = arith.addf %parallel_loop3A_811, %parallel_loop3A_812 : vector<16xf32>
        %parallel_loop3A_814 = arith.constant 2 : i32
        %parallel_loop3A_815 = arith.addi %parallel_loop3A_655, %parallel_loop3A_814 : i32
        %parallel_loop3A_816 = arith.index_cast %and3A_165 : i32 to index
        %parallel_loop3A_817 = arith.index_cast %parallel_loop3A_815 : i32 to index
        %parallel_loop3A_818 = arith.constant 0 : index
        %parallel_loop3A_819 = tpu.vector_load %arg14[%parallel_loop3A_816, %parallel_loop3A_817, %parallel_loop3A_818] {strides = array<i32>} : memref<2x128x128xf32, #tpu.memory_space<vmem>>, vector<16xf32>,
        %parallel_loop3A_820 = arith.mulf %parallel_loop3A_659, %parallel_loop3A_819 : vector<16xf32>
        %parallel_loop3A_821 = arith.constant 2 : i32
        %parallel_loop3A_822 = arith.addi %parallel_loop3A_655, %parallel_loop3A_821 : i32
        %parallel_loop3A_823 = arith.index_cast %and3A_165 : i32 to index
        %parallel_loop3A_824 = arith.index_cast %parallel_loop3A_822 : i32 to index
        %parallel_loop3A_825 = arith.constant 16 : index
        %parallel_loop3A_826 = tpu.vector_load %arg14[%parallel_loop3A_823, %parallel_loop3A_824, %parallel_loop3A_825] {strides = array<i32>} : memref<2x128x128xf32, #tpu.memory_space<vmem>>, vector<16xf32>,
        %parallel_loop3A_827 = arith.mulf %parallel_loop3A_663, %parallel_loop3A_826 : vector<16xf32>
        %parallel_loop3A_828 = arith.constant 2 : i32
        %parallel_loop3A_829 = arith.addi %parallel_loop3A_655, %parallel_loop3A_828 : i32
        %parallel_loop3A_830 = arith.index_cast %and3A_165 : i32 to index
        %parallel_loop3A_831 = arith.index_cast %parallel_loop3A_829 : i32 to index
        %parallel_loop3A_832 = arith.constant 32 : index
        %parallel_loop3A_833 = tpu.vector_load %arg14[%parallel_loop3A_830, %parallel_loop3A_831, %parallel_loop3A_832] {strides = array<i32>} : memref<2x128x128xf32, #tpu.memory_space<vmem>>, vector<16xf32>,
        %parallel_loop3A_834 = arith.mulf %parallel_loop3A_667, %parallel_loop3A_833 : vector<16xf32>
        %parallel_loop3A_835 = arith.constant 2 : i32
        %parallel_loop3A_836 = arith.addi %parallel_loop3A_655, %parallel_loop3A_835 : i32
        %parallel_loop3A_837 = arith.index_cast %and3A_165 : i32 to index
        %parallel_loop3A_838 = arith.index_cast %parallel_loop3A_836 : i32 to index
        %parallel_loop3A_839 = arith.constant 48 : index
        %parallel_loop3A_840 = tpu.vector_load %arg14[%parallel_loop3A_837, %parallel_loop3A_838, %parallel_loop3A_839] {strides = array<i32>} : memref<2x128x128xf32, #tpu.memory_space<vmem>>, vector<16xf32>,
        %parallel_loop3A_841 = arith.mulf %parallel_loop3A_671, %parallel_loop3A_840 : vector<16xf32>
        %parallel_loop3A_842 = arith.constant 2 : i32
        %parallel_loop3A_843 = arith.addi %parallel_loop3A_655, %parallel_loop3A_842 : i32
        %parallel_loop3A_844 = arith.index_cast %and3A_165 : i32 to index
        %parallel_loop3A_845 = arith.index_cast %parallel_loop3A_843 : i32 to index
        %parallel_loop3A_846 = arith.constant 64 : index
        %parallel_loop3A_847 = tpu.vector_load %arg14[%parallel_loop3A_844, %parallel_loop3A_845, %parallel_loop3A_846] {strides = array<i32>} : memref<2x128x128xf32, #tpu.memory_space<vmem>>, vector<16xf32>,
        %parallel_loop3A_848 = arith.mulf %parallel_loop3A_675, %parallel_loop3A_847 : vector<16xf32>
        %parallel_loop3A_849 = arith.constant 2 : i32
        %parallel_loop3A_850 = arith.addi %parallel_loop3A_655, %parallel_loop3A_849 : i32
        %parallel_loop3A_851 = arith.index_cast %and3A_165 : i32 to index
        %parallel_loop3A_852 = arith.index_cast %parallel_loop3A_850 : i32 to index
        %parallel_loop3A_853 = arith.constant 80 : index
        %parallel_loop3A_854 = tpu.vector_load %arg14[%parallel_loop3A_851, %parallel_loop3A_852, %parallel_loop3A_853] {strides = array<i32>} : memref<2x128x128xf32, #tpu.memory_space<vmem>>, vector<16xf32>,
        %parallel_loop3A_855 = arith.mulf %parallel_loop3A_679, %parallel_loop3A_854 : vector<16xf32>
        %parallel_loop3A_856 = arith.constant 2 : i32
        %parallel_loop3A_857 = arith.addi %parallel_loop3A_655, %parallel_loop3A_856 : i32
        %parallel_loop3A_858 = arith.index_cast %and3A_165 : i32 to index
        %parallel_loop3A_859 = arith.index_cast %parallel_loop3A_857 : i32 to index
        %parallel_loop3A_860 = arith.constant 96 : index
        %parallel_loop3A_861 = tpu.vector_load %arg14[%parallel_loop3A_858, %parallel_loop3A_859, %parallel_loop3A_860] {strides = array<i32>} : memref<2x128x128xf32, #tpu.memory_space<vmem>>, vector<16xf32>,
        %parallel_loop3A_862 = arith.mulf %parallel_loop3A_683, %parallel_loop3A_861 : vector<16xf32>
        %parallel_loop3A_863 = arith.constant 2 : i32
        %parallel_loop3A_864 = arith.addi %parallel_loop3A_655, %parallel_loop3A_863 : i32
        %parallel_loop3A_865 = arith.index_cast %and3A_165 : i32 to index
        %parallel_loop3A_866 = arith.index_cast %parallel_loop3A_864 : i32 to index
        %parallel_loop3A_867 = arith.constant 112 : index
        %parallel_loop3A_868 = tpu.vector_load %arg14[%parallel_loop3A_865, %parallel_loop3A_866, %parallel_loop3A_867] {strides = array<i32>} : memref<2x128x128xf32, #tpu.memory_space<vmem>>, vector<16xf32>,
        %parallel_loop3A_869 = arith.mulf %parallel_loop3A_687, %parallel_loop3A_868 : vector<16xf32>
        %parallel_loop3A_870 = arith.addf %parallel_loop3A_820, %parallel_loop3A_827 : vector<16xf32>
        %parallel_loop3A_871 = arith.addf %parallel_loop3A_834, %parallel_loop3A_841 : vector<16xf32>
        %parallel_loop3A_872 = arith.addf %parallel_loop3A_848, %parallel_loop3A_855 : vector<16xf32>
        %parallel_loop3A_873 = arith.addf %parallel_loop3A_862, %parallel_loop3A_869 : vector<16xf32>
        %parallel_loop3A_874 = arith.addf %parallel_loop3A_870, %parallel_loop3A_871 : vector<16xf32>
        %parallel_loop3A_875 = arith.addf %parallel_loop3A_872, %parallel_loop3A_873 : vector<16xf32>
        %parallel_loop3A_876 = arith.addf %parallel_loop3A_874, %parallel_loop3A_875 : vector<16xf32>
        %parallel_loop3A_877 = arith.constant 3 : i32
        %parallel_loop3A_878 = arith.addi %parallel_loop3A_655, %parallel_loop3A_877 : i32
        %parallel_loop3A_879 = arith.index_cast %and3A_165 : i32 to index
        %parallel_loop3A_880 = arith.index_cast %parallel_loop3A_878 : i32 to index
        %parallel_loop3A_881 = arith.constant 0 : index
        %parallel_loop3A_882 = tpu.vector_load %arg14[%parallel_loop3A_879, %parallel_loop3A_880, %parallel_loop3A_881] {strides = array<i32>} : memref<2x128x128xf32, #tpu.memory_space<vmem>>, vector<16xf32>,
        %parallel_loop3A_883 = arith.mulf %parallel_loop3A_659, %parallel_loop3A_882 : vector<16xf32>
        %parallel_loop3A_884 = arith.constant 3 : i32
        %parallel_loop3A_885 = arith.addi %parallel_loop3A_655, %parallel_loop3A_884 : i32
        %parallel_loop3A_886 = arith.index_cast %and3A_165 : i32 to index
        %parallel_loop3A_887 = arith.index_cast %parallel_loop3A_885 : i32 to index
        %parallel_loop3A_888 = arith.constant 16 : index
        %parallel_loop3A_889 = tpu.vector_load %arg14[%parallel_loop3A_886, %parallel_loop3A_887, %parallel_loop3A_888] {strides = array<i32>} : memref<2x128x128xf32, #tpu.memory_space<vmem>>, vector<16xf32>,
        %parallel_loop3A_890 = arith.mulf %parallel_loop3A_663, %parallel_loop3A_889 : vector<16xf32>
        %parallel_loop3A_891 = arith.constant 3 : i32
        %parallel_loop3A_892 = arith.addi %parallel_loop3A_655, %parallel_loop3A_891 : i32
        %parallel_loop3A_893 = arith.index_cast %and3A_165 : i32 to index
        %parallel_loop3A_894 = arith.index_cast %parallel_loop3A_892 : i32 to index
        %parallel_loop3A_895 = arith.constant 32 : index
        %parallel_loop3A_896 = tpu.vector_load %arg14[%parallel_loop3A_893, %parallel_loop3A_894, %parallel_loop3A_895] {strides = array<i32>} : memref<2x128x128xf32, #tpu.memory_space<vmem>>, vector<16xf32>,
        %parallel_loop3A_897 = arith.mulf %parallel_loop3A_667, %parallel_loop3A_896 : vector<16xf32>
        %parallel_loop3A_898 = arith.constant 3 : i32
        %parallel_loop3A_899 = arith.addi %parallel_loop3A_655, %parallel_loop3A_898 : i32
        %parallel_loop3A_900 = arith.index_cast %and3A_165 : i32 to index
        %parallel_loop3A_901 = arith.index_cast %parallel_loop3A_899 : i32 to index
        %parallel_loop3A_902 = arith.constant 48 : index
        %parallel_loop3A_903 = tpu.vector_load %arg14[%parallel_loop3A_900, %parallel_loop3A_901, %parallel_loop3A_902] {strides = array<i32>} : memref<2x128x128xf32, #tpu.memory_space<vmem>>, vector<16xf32>,
        %parallel_loop3A_904 = arith.mulf %parallel_loop3A_671, %parallel_loop3A_903 : vector<16xf32>
        %parallel_loop3A_905 = arith.constant 3 : i32
        %parallel_loop3A_906 = arith.addi %parallel_loop3A_655, %parallel_loop3A_905 : i32
        %parallel_loop3A_907 = arith.index_cast %and3A_165 : i32 to index
        %parallel_loop3A_908 = arith.index_cast %parallel_loop3A_906 : i32 to index
        %parallel_loop3A_909 = arith.constant 64 : index
        %parallel_loop3A_910 = tpu.vector_load %arg14[%parallel_loop3A_907, %parallel_loop3A_908, %parallel_loop3A_909] {strides = array<i32>} : memref<2x128x128xf32, #tpu.memory_space<vmem>>, vector<16xf32>,
        %parallel_loop3A_911 = arith.mulf %parallel_loop3A_675, %parallel_loop3A_910 : vector<16xf32>
        %parallel_loop3A_912 = arith.constant 3 : i32
        %parallel_loop3A_913 = arith.addi %parallel_loop3A_655, %parallel_loop3A_912 : i32
        %parallel_loop3A_914 = arith.index_cast %and3A_165 : i32 to index
        %parallel_loop3A_915 = arith.index_cast %parallel_loop3A_913 : i32 to index
        %parallel_loop3A_916 = arith.constant 80 : index
        %parallel_loop3A_917 = tpu.vector_load %arg14[%parallel_loop3A_914, %parallel_loop3A_915, %parallel_loop3A_916] {strides = array<i32>} : memref<2x128x128xf32, #tpu.memory_space<vmem>>, vector<16xf32>,
        %parallel_loop3A_918 = arith.mulf %parallel_loop3A_679, %parallel_loop3A_917 : vector<16xf32>
        %parallel_loop3A_919 = arith.constant 3 : i32
        %parallel_loop3A_920 = arith.addi %parallel_loop3A_655, %parallel_loop3A_919 : i32
        %parallel_loop3A_921 = arith.index_cast %and3A_165 : i32 to index
        %parallel_loop3A_922 = arith.index_cast %parallel_loop3A_920 : i32 to index
        %parallel_loop3A_923 = arith.constant 96 : index
        %parallel_loop3A_924 = tpu.vector_load %arg14[%parallel_loop3A_921, %parallel_loop3A_922, %parallel_loop3A_923] {strides = array<i32>} : memref<2x128x128xf32, #tpu.memory_space<vmem>>, vector<16xf32>,
        %parallel_loop3A_925 = arith.mulf %parallel_loop3A_683, %parallel_loop3A_924 : vector<16xf32>
        %parallel_loop3A_926 = arith.constant 3 : i32
        %parallel_loop3A_927 = arith.addi %parallel_loop3A_655, %parallel_loop3A_926 : i32
        %parallel_loop3A_928 = arith.index_cast %and3A_165 : i32 to index
        %parallel_loop3A_929 = arith.index_cast %parallel_loop3A_927 : i32 to index
        %parallel_loop3A_930 = arith.constant 112 : index
        %parallel_loop3A_931 = tpu.vector_load %arg14[%parallel_loop3A_928, %parallel_loop3A_929, %parallel_loop3A_930] {strides = array<i32>} : memref<2x128x128xf32, #tpu.memory_space<vmem>>, vector<16xf32>,
        %parallel_loop3A_932 = arith.mulf %parallel_loop3A_687, %parallel_loop3A_931 : vector<16xf32>
        %parallel_loop3A_933 = arith.addf %parallel_loop3A_883, %parallel_loop3A_890 : vector<16xf32>
        %parallel_loop3A_934 = arith.addf %parallel_loop3A_897, %parallel_loop3A_904 : vector<16xf32>
        %parallel_loop3A_935 = arith.addf %parallel_loop3A_911, %parallel_loop3A_918 : vector<16xf32>
        %parallel_loop3A_936 = arith.addf %parallel_loop3A_925, %parallel_loop3A_932 : vector<16xf32>
        %parallel_loop3A_937 = arith.addf %parallel_loop3A_933, %parallel_loop3A_934 : vector<16xf32>
        %parallel_loop3A_938 = arith.addf %parallel_loop3A_935, %parallel_loop3A_936 : vector<16xf32>
        %parallel_loop3A_939 = arith.addf %parallel_loop3A_937, %parallel_loop3A_938 : vector<16xf32>
        %parallel_loop3A_940 = arith.constant 4 : i32
        %parallel_loop3A_941 = arith.addi %parallel_loop3A_655, %parallel_loop3A_940 : i32
        %parallel_loop3A_942 = arith.index_cast %and3A_165 : i32 to index
        %parallel_loop3A_943 = arith.index_cast %parallel_loop3A_941 : i32 to index
        %parallel_loop3A_944 = arith.constant 0 : index
        %parallel_loop3A_945 = tpu.vector_load %arg14[%parallel_loop3A_942, %parallel_loop3A_943, %parallel_loop3A_944] {strides = array<i32>} : memref<2x128x128xf32, #tpu.memory_space<vmem>>, vector<16xf32>,
        %parallel_loop3A_946 = arith.mulf %parallel_loop3A_659, %parallel_loop3A_945 : vector<16xf32>
        %parallel_loop3A_947 = arith.constant 4 : i32
        %parallel_loop3A_948 = arith.addi %parallel_loop3A_655, %parallel_loop3A_947 : i32
        %parallel_loop3A_949 = arith.index_cast %and3A_165 : i32 to index
        %parallel_loop3A_950 = arith.index_cast %parallel_loop3A_948 : i32 to index
        %parallel_loop3A_951 = arith.constant 16 : index
        %parallel_loop3A_952 = tpu.vector_load %arg14[%parallel_loop3A_949, %parallel_loop3A_950, %parallel_loop3A_951] {strides = array<i32>} : memref<2x128x128xf32, #tpu.memory_space<vmem>>, vector<16xf32>,
        %parallel_loop3A_953 = arith.mulf %parallel_loop3A_663, %parallel_loop3A_952 : vector<16xf32>
        %parallel_loop3A_954 = arith.constant 4 : i32
        %parallel_loop3A_955 = arith.addi %parallel_loop3A_655, %parallel_loop3A_954 : i32
        %parallel_loop3A_956 = arith.index_cast %and3A_165 : i32 to index
        %parallel_loop3A_957 = arith.index_cast %parallel_loop3A_955 : i32 to index
        %parallel_loop3A_958 = arith.constant 32 : index
        %parallel_loop3A_959 = tpu.vector_load %arg14[%parallel_loop3A_956, %parallel_loop3A_957, %parallel_loop3A_958] {strides = array<i32>} : memref<2x128x128xf32, #tpu.memory_space<vmem>>, vector<16xf32>,
        %parallel_loop3A_960 = arith.mulf %parallel_loop3A_667, %parallel_loop3A_959 : vector<16xf32>
        %parallel_loop3A_961 = arith.constant 4 : i32
        %parallel_loop3A_962 = arith.addi %parallel_loop3A_655, %parallel_loop3A_961 : i32
        %parallel_loop3A_963 = arith.index_cast %and3A_165 : i32 to index
        %parallel_loop3A_964 = arith.index_cast %parallel_loop3A_962 : i32 to index
        %parallel_loop3A_965 = arith.constant 48 : index
        %parallel_loop3A_966 = tpu.vector_load %arg14[%parallel_loop3A_963, %parallel_loop3A_964, %parallel_loop3A_965] {strides = array<i32>} : memref<2x128x128xf32, #tpu.memory_space<vmem>>, vector<16xf32>,
        %parallel_loop3A_967 = arith.mulf %parallel_loop3A_671, %parallel_loop3A_966 : vector<16xf32>
        %parallel_loop3A_968 = arith.constant 4 : i32
        %parallel_loop3A_969 = arith.addi %parallel_loop3A_655, %parallel_loop3A_968 : i32
        %parallel_loop3A_970 = arith.index_cast %and3A_165 : i32 to index
        %parallel_loop3A_971 = arith.index_cast %parallel_loop3A_969 : i32 to index
        %parallel_loop3A_972 = arith.constant 64 : index
        %parallel_loop3A_973 = tpu.vector_load %arg14[%parallel_loop3A_970, %parallel_loop3A_971, %parallel_loop3A_972] {strides = array<i32>} : memref<2x128x128xf32, #tpu.memory_space<vmem>>, vector<16xf32>,
        %parallel_loop3A_974 = arith.mulf %parallel_loop3A_675, %parallel_loop3A_973 : vector<16xf32>
        %parallel_loop3A_975 = arith.constant 4 : i32
        %parallel_loop3A_976 = arith.addi %parallel_loop3A_655, %parallel_loop3A_975 : i32
        %parallel_loop3A_977 = arith.index_cast %and3A_165 : i32 to index
        %parallel_loop3A_978 = arith.index_cast %parallel_loop3A_976 : i32 to index
        %parallel_loop3A_979 = arith.constant 80 : index
        %parallel_loop3A_980 = tpu.vector_load %arg14[%parallel_loop3A_977, %parallel_loop3A_978, %parallel_loop3A_979] {strides = array<i32>} : memref<2x128x128xf32, #tpu.memory_space<vmem>>, vector<16xf32>,
        %parallel_loop3A_981 = arith.mulf %parallel_loop3A_679, %parallel_loop3A_980 : vector<16xf32>
        %parallel_loop3A_982 = arith.constant 4 : i32
        %parallel_loop3A_983 = arith.addi %parallel_loop3A_655, %parallel_loop3A_982 : i32
        %parallel_loop3A_984 = arith.index_cast %and3A_165 : i32 to index
        %parallel_loop3A_985 = arith.index_cast %parallel_loop3A_983 : i32 to index
        %parallel_loop3A_986 = arith.constant 96 : index
        %parallel_loop3A_987 = tpu.vector_load %arg14[%parallel_loop3A_984, %parallel_loop3A_985, %parallel_loop3A_986] {strides = array<i32>} : memref<2x128x128xf32, #tpu.memory_space<vmem>>, vector<16xf32>,
        %parallel_loop3A_988 = arith.mulf %parallel_loop3A_683, %parallel_loop3A_987 : vector<16xf32>
        %parallel_loop3A_989 = arith.constant 4 : i32
        %parallel_loop3A_990 = arith.addi %parallel_loop3A_655, %parallel_loop3A_989 : i32
        %parallel_loop3A_991 = arith.index_cast %and3A_165 : i32 to index
        %parallel_loop3A_992 = arith.index_cast %parallel_loop3A_990 : i32 to index
        %parallel_loop3A_993 = arith.constant 112 : index
        %parallel_loop3A_994 = tpu.vector_load %arg14[%parallel_loop3A_991, %parallel_loop3A_992, %parallel_loop3A_993] {strides = array<i32>} : memref<2x128x128xf32, #tpu.memory_space<vmem>>, vector<16xf32>,
        %parallel_loop3A_995 = arith.mulf %parallel_loop3A_687, %parallel_loop3A_994 : vector<16xf32>
        %parallel_loop3A_996 = arith.addf %parallel_loop3A_946, %parallel_loop3A_953 : vector<16xf32>
        %parallel_loop3A_997 = arith.addf %parallel_loop3A_960, %parallel_loop3A_967 : vector<16xf32>
        %parallel_loop3A_998 = arith.addf %parallel_loop3A_974, %parallel_loop3A_981 : vector<16xf32>
        %parallel_loop3A_999 = arith.addf %parallel_loop3A_988, %parallel_loop3A_995 : vector<16xf32>
        %parallel_loop3A_1000 = arith.addf %parallel_loop3A_996, %parallel_loop3A_997 : vector<16xf32>
        %parallel_loop3A_1001 = arith.addf %parallel_loop3A_998, %parallel_loop3A_999 : vector<16xf32>
        %parallel_loop3A_1002 = arith.addf %parallel_loop3A_1000, %parallel_loop3A_1001 : vector<16xf32>
        %parallel_loop3A_1003 = arith.constant 5 : i32
        %parallel_loop3A_1004 = arith.addi %parallel_loop3A_655, %parallel_loop3A_1003 : i32
        %parallel_loop3A_1005 = arith.index_cast %and3A_165 : i32 to index
        %parallel_loop3A_1006 = arith.index_cast %parallel_loop3A_1004 : i32 to index
        %parallel_loop3A_1007 = arith.constant 0 : index
        %parallel_loop3A_1008 = tpu.vector_load %arg14[%parallel_loop3A_1005, %parallel_loop3A_1006, %parallel_loop3A_1007] {strides = array<i32>} : memref<2x128x128xf32, #tpu.memory_space<vmem>>, vector<16xf32>,
        %parallel_loop3A_1009 = arith.mulf %parallel_loop3A_659, %parallel_loop3A_1008 : vector<16xf32>
        %parallel_loop3A_1010 = arith.constant 5 : i32
        %parallel_loop3A_1011 = arith.addi %parallel_loop3A_655, %parallel_loop3A_1010 : i32
        %parallel_loop3A_1012 = arith.index_cast %and3A_165 : i32 to index
        %parallel_loop3A_1013 = arith.index_cast %parallel_loop3A_1011 : i32 to index
        %parallel_loop3A_1014 = arith.constant 16 : index
        %parallel_loop3A_1015 = tpu.vector_load %arg14[%parallel_loop3A_1012, %parallel_loop3A_1013, %parallel_loop3A_1014] {strides = array<i32>} : memref<2x128x128xf32, #tpu.memory_space<vmem>>, vector<16xf32>,
        %parallel_loop3A_1016 = arith.mulf %parallel_loop3A_663, %parallel_loop3A_1015 : vector<16xf32>
        %parallel_loop3A_1017 = arith.constant 5 : i32
        %parallel_loop3A_1018 = arith.addi %parallel_loop3A_655, %parallel_loop3A_1017 : i32
        %parallel_loop3A_1019 = arith.index_cast %and3A_165 : i32 to index
        %parallel_loop3A_1020 = arith.index_cast %parallel_loop3A_1018 : i32 to index
        %parallel_loop3A_1021 = arith.constant 32 : index
        %parallel_loop3A_1022 = tpu.vector_load %arg14[%parallel_loop3A_1019, %parallel_loop3A_1020, %parallel_loop3A_1021] {strides = array<i32>} : memref<2x128x128xf32, #tpu.memory_space<vmem>>, vector<16xf32>,
        %parallel_loop3A_1023 = arith.mulf %parallel_loop3A_667, %parallel_loop3A_1022 : vector<16xf32>
        %parallel_loop3A_1024 = arith.constant 5 : i32
        %parallel_loop3A_1025 = arith.addi %parallel_loop3A_655, %parallel_loop3A_1024 : i32
        %parallel_loop3A_1026 = arith.index_cast %and3A_165 : i32 to index
        %parallel_loop3A_1027 = arith.index_cast %parallel_loop3A_1025 : i32 to index
        %parallel_loop3A_1028 = arith.constant 48 : index
        %parallel_loop3A_1029 = tpu.vector_load %arg14[%parallel_loop3A_1026, %parallel_loop3A_1027, %parallel_loop3A_1028] {strides = array<i32>} : memref<2x128x128xf32, #tpu.memory_space<vmem>>, vector<16xf32>,
        %parallel_loop3A_1030 = arith.mulf %parallel_loop3A_671, %parallel_loop3A_1029 : vector<16xf32>
        %parallel_loop3A_1031 = arith.constant 5 : i32
        %parallel_loop3A_1032 = arith.addi %parallel_loop3A_655, %parallel_loop3A_1031 : i32
        %parallel_loop3A_1033 = arith.index_cast %and3A_165 : i32 to index
        %parallel_loop3A_1034 = arith.index_cast %parallel_loop3A_1032 : i32 to index
        %parallel_loop3A_1035 = arith.constant 64 : index
        %parallel_loop3A_1036 = tpu.vector_load %arg14[%parallel_loop3A_1033, %parallel_loop3A_1034, %parallel_loop3A_1035] {strides = array<i32>} : memref<2x128x128xf32, #tpu.memory_space<vmem>>, vector<16xf32>,
        %parallel_loop3A_1037 = arith.mulf %parallel_loop3A_675, %parallel_loop3A_1036 : vector<16xf32>
        %parallel_loop3A_1038 = arith.constant 5 : i32
        %parallel_loop3A_1039 = arith.addi %parallel_loop3A_655, %parallel_loop3A_1038 : i32
        %parallel_loop3A_1040 = arith.index_cast %and3A_165 : i32 to index
        %parallel_loop3A_1041 = arith.index_cast %parallel_loop3A_1039 : i32 to index
        %parallel_loop3A_1042 = arith.constant 80 : index
        %parallel_loop3A_1043 = tpu.vector_load %arg14[%parallel_loop3A_1040, %parallel_loop3A_1041, %parallel_loop3A_1042] {strides = array<i32>} : memref<2x128x128xf32, #tpu.memory_space<vmem>>, vector<16xf32>,
        %parallel_loop3A_1044 = arith.mulf %parallel_loop3A_679, %parallel_loop3A_1043 : vector<16xf32>
        %parallel_loop3A_1045 = arith.constant 5 : i32
        %parallel_loop3A_1046 = arith.addi %parallel_loop3A_655, %parallel_loop3A_1045 : i32
        %parallel_loop3A_1047 = arith.index_cast %and3A_165 : i32 to index
        %parallel_loop3A_1048 = arith.index_cast %parallel_loop3A_1046 : i32 to index
        %parallel_loop3A_1049 = arith.constant 96 : index
        %parallel_loop3A_1050 = tpu.vector_load %arg14[%parallel_loop3A_1047, %parallel_loop3A_1048, %parallel_loop3A_1049] {strides = array<i32>} : memref<2x128x128xf32, #tpu.memory_space<vmem>>, vector<16xf32>,
        %parallel_loop3A_1051 = arith.mulf %parallel_loop3A_683, %parallel_loop3A_1050 : vector<16xf32>
        %parallel_loop3A_1052 = arith.constant 5 : i32
        %parallel_loop3A_1053 = arith.addi %parallel_loop3A_655, %parallel_loop3A_1052 : i32
        %parallel_loop3A_1054 = arith.index_cast %and3A_165 : i32 to index
        %parallel_loop3A_1055 = arith.index_cast %parallel_loop3A_1053 : i32 to index
        %parallel_loop3A_1056 = arith.constant 112 : index
        %parallel_loop3A_1057 = tpu.vector_load %arg14[%parallel_loop3A_1054, %parallel_loop3A_1055, %parallel_loop3A_1056] {strides = array<i32>} : memref<2x128x128xf32, #tpu.memory_space<vmem>>, vector<16xf32>,
        %parallel_loop3A_1058 = arith.mulf %parallel_loop3A_687, %parallel_loop3A_1057 : vector<16xf32>
        %parallel_loop3A_1059 = arith.addf %parallel_loop3A_1009, %parallel_loop3A_1016 : vector<16xf32>
        %parallel_loop3A_1060 = arith.addf %parallel_loop3A_1023, %parallel_loop3A_1030 : vector<16xf32>
        %parallel_loop3A_1061 = arith.addf %parallel_loop3A_1037, %parallel_loop3A_1044 : vector<16xf32>
        %parallel_loop3A_1062 = arith.addf %parallel_loop3A_1051, %parallel_loop3A_1058 : vector<16xf32>
        %parallel_loop3A_1063 = arith.addf %parallel_loop3A_1059, %parallel_loop3A_1060 : vector<16xf32>
        %parallel_loop3A_1064 = arith.addf %parallel_loop3A_1061, %parallel_loop3A_1062 : vector<16xf32>
        %parallel_loop3A_1065 = arith.addf %parallel_loop3A_1063, %parallel_loop3A_1064 : vector<16xf32>
        %parallel_loop3A_1066 = arith.constant 6 : i32
        %parallel_loop3A_1067 = arith.addi %parallel_loop3A_655, %parallel_loop3A_1066 : i32
        %parallel_loop3A_1068 = arith.index_cast %and3A_165 : i32 to index
        %parallel_loop3A_1069 = arith.index_cast %parallel_loop3A_1067 : i32 to index
        %parallel_loop3A_1070 = arith.constant 0 : index
        %parallel_loop3A_1071 = tpu.vector_load %arg14[%parallel_loop3A_1068, %parallel_loop3A_1069, %parallel_loop3A_1070] {strides = array<i32>} : memref<2x128x128xf32, #tpu.memory_space<vmem>>, vector<16xf32>,
        %parallel_loop3A_1072 = arith.mulf %parallel_loop3A_659, %parallel_loop3A_1071 : vector<16xf32>
        %parallel_loop3A_1073 = arith.constant 6 : i32
        %parallel_loop3A_1074 = arith.addi %parallel_loop3A_655, %parallel_loop3A_1073 : i32
        %parallel_loop3A_1075 = arith.index_cast %and3A_165 : i32 to index
        %parallel_loop3A_1076 = arith.index_cast %parallel_loop3A_1074 : i32 to index
        %parallel_loop3A_1077 = arith.constant 16 : index
        %parallel_loop3A_1078 = tpu.vector_load %arg14[%parallel_loop3A_1075, %parallel_loop3A_1076, %parallel_loop3A_1077] {strides = array<i32>} : memref<2x128x128xf32, #tpu.memory_space<vmem>>, vector<16xf32>,
        %parallel_loop3A_1079 = arith.mulf %parallel_loop3A_663, %parallel_loop3A_1078 : vector<16xf32>
        %parallel_loop3A_1080 = arith.constant 6 : i32
        %parallel_loop3A_1081 = arith.addi %parallel_loop3A_655, %parallel_loop3A_1080 : i32
        %parallel_loop3A_1082 = arith.index_cast %and3A_165 : i32 to index
        %parallel_loop3A_1083 = arith.index_cast %parallel_loop3A_1081 : i32 to index
        %parallel_loop3A_1084 = arith.constant 32 : index
        %parallel_loop3A_1085 = tpu.vector_load %arg14[%parallel_loop3A_1082, %parallel_loop3A_1083, %parallel_loop3A_1084] {strides = array<i32>} : memref<2x128x128xf32, #tpu.memory_space<vmem>>, vector<16xf32>,
        %parallel_loop3A_1086 = arith.mulf %parallel_loop3A_667, %parallel_loop3A_1085 : vector<16xf32>
        %parallel_loop3A_1087 = arith.constant 6 : i32
        %parallel_loop3A_1088 = arith.addi %parallel_loop3A_655, %parallel_loop3A_1087 : i32
        %parallel_loop3A_1089 = arith.index_cast %and3A_165 : i32 to index
        %parallel_loop3A_1090 = arith.index_cast %parallel_loop3A_1088 : i32 to index
        %parallel_loop3A_1091 = arith.constant 48 : index
        %parallel_loop3A_1092 = tpu.vector_load %arg14[%parallel_loop3A_1089, %parallel_loop3A_1090, %parallel_loop3A_1091] {strides = array<i32>} : memref<2x128x128xf32, #tpu.memory_space<vmem>>, vector<16xf32>,
        %parallel_loop3A_1093 = arith.mulf %parallel_loop3A_671, %parallel_loop3A_1092 : vector<16xf32>
        %parallel_loop3A_1094 = arith.constant 6 : i32
        %parallel_loop3A_1095 = arith.addi %parallel_loop3A_655, %parallel_loop3A_1094 : i32
        %parallel_loop3A_1096 = arith.index_cast %and3A_165 : i32 to index
        %parallel_loop3A_1097 = arith.index_cast %parallel_loop3A_1095 : i32 to index
        %parallel_loop3A_1098 = arith.constant 64 : index
        %parallel_loop3A_1099 = tpu.vector_load %arg14[%parallel_loop3A_1096, %parallel_loop3A_1097, %parallel_loop3A_1098] {strides = array<i32>} : memref<2x128x128xf32, #tpu.memory_space<vmem>>, vector<16xf32>,
        %parallel_loop3A_1100 = arith.mulf %parallel_loop3A_675, %parallel_loop3A_1099 : vector<16xf32>
        %parallel_loop3A_1101 = arith.constant 6 : i32
        %parallel_loop3A_1102 = arith.addi %parallel_loop3A_655, %parallel_loop3A_1101 : i32
        %parallel_loop3A_1103 = arith.index_cast %and3A_165 : i32 to index
        %parallel_loop3A_1104 = arith.index_cast %parallel_loop3A_1102 : i32 to index
        %parallel_loop3A_1105 = arith.constant 80 : index
        %parallel_loop3A_1106 = tpu.vector_load %arg14[%parallel_loop3A_1103, %parallel_loop3A_1104, %parallel_loop3A_1105] {strides = array<i32>} : memref<2x128x128xf32, #tpu.memory_space<vmem>>, vector<16xf32>,
        %parallel_loop3A_1107 = arith.mulf %parallel_loop3A_679, %parallel_loop3A_1106 : vector<16xf32>
        %parallel_loop3A_1108 = arith.constant 6 : i32
        %parallel_loop3A_1109 = arith.addi %parallel_loop3A_655, %parallel_loop3A_1108 : i32
        %parallel_loop3A_1110 = arith.index_cast %and3A_165 : i32 to index
        %parallel_loop3A_1111 = arith.index_cast %parallel_loop3A_1109 : i32 to index
        %parallel_loop3A_1112 = arith.constant 96 : index
        %parallel_loop3A_1113 = tpu.vector_load %arg14[%parallel_loop3A_1110, %parallel_loop3A_1111, %parallel_loop3A_1112] {strides = array<i32>} : memref<2x128x128xf32, #tpu.memory_space<vmem>>, vector<16xf32>,
        %parallel_loop3A_1114 = arith.mulf %parallel_loop3A_683, %parallel_loop3A_1113 : vector<16xf32>
        %parallel_loop3A_1115 = arith.constant 6 : i32
        %parallel_loop3A_1116 = arith.addi %parallel_loop3A_655, %parallel_loop3A_1115 : i32
        %parallel_loop3A_1117 = arith.index_cast %and3A_165 : i32 to index
        %parallel_loop3A_1118 = arith.index_cast %parallel_loop3A_1116 : i32 to index
        %parallel_loop3A_1119 = arith.constant 112 : index
        %parallel_loop3A_1120 = tpu.vector_load %arg14[%parallel_loop3A_1117, %parallel_loop3A_1118, %parallel_loop3A_1119] {strides = array<i32>} : memref<2x128x128xf32, #tpu.memory_space<vmem>>, vector<16xf32>,
        %parallel_loop3A_1121 = arith.mulf %parallel_loop3A_687, %parallel_loop3A_1120 : vector<16xf32>
        %parallel_loop3A_1122 = arith.addf %parallel_loop3A_1072, %parallel_loop3A_1079 : vector<16xf32>
        %parallel_loop3A_1123 = arith.addf %parallel_loop3A_1086, %parallel_loop3A_1093 : vector<16xf32>
        %parallel_loop3A_1124 = arith.addf %parallel_loop3A_1100, %parallel_loop3A_1107 : vector<16xf32>
        %parallel_loop3A_1125 = arith.addf %parallel_loop3A_1114, %parallel_loop3A_1121 : vector<16xf32>
        %parallel_loop3A_1126 = arith.addf %parallel_loop3A_1122, %parallel_loop3A_1123 : vector<16xf32>
        %parallel_loop3A_1127 = arith.addf %parallel_loop3A_1124, %parallel_loop3A_1125 : vector<16xf32>
        %parallel_loop3A_1128 = arith.addf %parallel_loop3A_1126, %parallel_loop3A_1127 : vector<16xf32>
        %parallel_loop3A_1129 = arith.constant 7 : i32
        %parallel_loop3A_1130 = arith.addi %parallel_loop3A_655, %parallel_loop3A_1129 : i32
        %parallel_loop3A_1131 = arith.index_cast %and3A_165 : i32 to index
        %parallel_loop3A_1132 = arith.index_cast %parallel_loop3A_1130 : i32 to index
        %parallel_loop3A_1133 = arith.constant 0 : index
        %parallel_loop3A_1134 = tpu.vector_load %arg14[%parallel_loop3A_1131, %parallel_loop3A_1132, %parallel_loop3A_1133] {strides = array<i32>} : memref<2x128x128xf32, #tpu.memory_space<vmem>>, vector<16xf32>,
        %parallel_loop3A_1135 = arith.mulf %parallel_loop3A_659, %parallel_loop3A_1134 : vector<16xf32>
        %parallel_loop3A_1136 = arith.constant 7 : i32
        %parallel_loop3A_1137 = arith.addi %parallel_loop3A_655, %parallel_loop3A_1136 : i32
        %parallel_loop3A_1138 = arith.index_cast %and3A_165 : i32 to index
        %parallel_loop3A_1139 = arith.index_cast %parallel_loop3A_1137 : i32 to index
        %parallel_loop3A_1140 = arith.constant 16 : index
        %parallel_loop3A_1141 = tpu.vector_load %arg14[%parallel_loop3A_1138, %parallel_loop3A_1139, %parallel_loop3A_1140] {strides = array<i32>} : memref<2x128x128xf32, #tpu.memory_space<vmem>>, vector<16xf32>,
        %parallel_loop3A_1142 = arith.mulf %parallel_loop3A_663, %parallel_loop3A_1141 : vector<16xf32>
        %parallel_loop3A_1143 = arith.constant 7 : i32
        %parallel_loop3A_1144 = arith.addi %parallel_loop3A_655, %parallel_loop3A_1143 : i32
        %parallel_loop3A_1145 = arith.index_cast %and3A_165 : i32 to index
        %parallel_loop3A_1146 = arith.index_cast %parallel_loop3A_1144 : i32 to index
        %parallel_loop3A_1147 = arith.constant 32 : index
        %parallel_loop3A_1148 = tpu.vector_load %arg14[%parallel_loop3A_1145, %parallel_loop3A_1146, %parallel_loop3A_1147] {strides = array<i32>} : memref<2x128x128xf32, #tpu.memory_space<vmem>>, vector<16xf32>,
        %parallel_loop3A_1149 = arith.mulf %parallel_loop3A_667, %parallel_loop3A_1148 : vector<16xf32>
        %parallel_loop3A_1150 = arith.constant 7 : i32
        %parallel_loop3A_1151 = arith.addi %parallel_loop3A_655, %parallel_loop3A_1150 : i32
        %parallel_loop3A_1152 = arith.index_cast %and3A_165 : i32 to index
        %parallel_loop3A_1153 = arith.index_cast %parallel_loop3A_1151 : i32 to index
        %parallel_loop3A_1154 = arith.constant 48 : index
        %parallel_loop3A_1155 = tpu.vector_load %arg14[%parallel_loop3A_1152, %parallel_loop3A_1153, %parallel_loop3A_1154] {strides = array<i32>} : memref<2x128x128xf32, #tpu.memory_space<vmem>>, vector<16xf32>,
        %parallel_loop3A_1156 = arith.mulf %parallel_loop3A_671, %parallel_loop3A_1155 : vector<16xf32>
        %parallel_loop3A_1157 = arith.constant 7 : i32
        %parallel_loop3A_1158 = arith.addi %parallel_loop3A_655, %parallel_loop3A_1157 : i32
        %parallel_loop3A_1159 = arith.index_cast %and3A_165 : i32 to index
        %parallel_loop3A_1160 = arith.index_cast %parallel_loop3A_1158 : i32 to index
        %parallel_loop3A_1161 = arith.constant 64 : index
        %parallel_loop3A_1162 = tpu.vector_load %arg14[%parallel_loop3A_1159, %parallel_loop3A_1160, %parallel_loop3A_1161] {strides = array<i32>} : memref<2x128x128xf32, #tpu.memory_space<vmem>>, vector<16xf32>,
        %parallel_loop3A_1163 = arith.mulf %parallel_loop3A_675, %parallel_loop3A_1162 : vector<16xf32>
        %parallel_loop3A_1164 = arith.constant 7 : i32
        %parallel_loop3A_1165 = arith.addi %parallel_loop3A_655, %parallel_loop3A_1164 : i32
        %parallel_loop3A_1166 = arith.index_cast %and3A_165 : i32 to index
        %parallel_loop3A_1167 = arith.index_cast %parallel_loop3A_1165 : i32 to index
        %parallel_loop3A_1168 = arith.constant 80 : index
        %parallel_loop3A_1169 = tpu.vector_load %arg14[%parallel_loop3A_1166, %parallel_loop3A_1167, %parallel_loop3A_1168] {strides = array<i32>} : memref<2x128x128xf32, #tpu.memory_space<vmem>>, vector<16xf32>,
        %parallel_loop3A_1170 = arith.mulf %parallel_loop3A_679, %parallel_loop3A_1169 : vector<16xf32>
        %parallel_loop3A_1171 = arith.constant 7 : i32
        %parallel_loop3A_1172 = arith.addi %parallel_loop3A_655, %parallel_loop3A_1171 : i32
        %parallel_loop3A_1173 = arith.index_cast %and3A_165 : i32 to index
        %parallel_loop3A_1174 = arith.index_cast %parallel_loop3A_1172 : i32 to index
        %parallel_loop3A_1175 = arith.constant 96 : index
        %parallel_loop3A_1176 = tpu.vector_load %arg14[%parallel_loop3A_1173, %parallel_loop3A_1174, %parallel_loop3A_1175] {strides = array<i32>} : memref<2x128x128xf32, #tpu.memory_space<vmem>>, vector<16xf32>,
        %parallel_loop3A_1177 = arith.mulf %parallel_loop3A_683, %parallel_loop3A_1176 : vector<16xf32>
        %parallel_loop3A_1178 = arith.constant 7 : i32
        %parallel_loop3A_1179 = arith.addi %parallel_loop3A_655, %parallel_loop3A_1178 : i32
        %parallel_loop3A_1180 = arith.index_cast %and3A_165 : i32 to index
        %parallel_loop3A_1181 = arith.index_cast %parallel_loop3A_1179 : i32 to index
        %parallel_loop3A_1182 = arith.constant 112 : index
        %parallel_loop3A_1183 = tpu.vector_load %arg14[%parallel_loop3A_1180, %parallel_loop3A_1181, %parallel_loop3A_1182] {strides = array<i32>} : memref<2x128x128xf32, #tpu.memory_space<vmem>>, vector<16xf32>,
        %parallel_loop3A_1184 = arith.mulf %parallel_loop3A_687, %parallel_loop3A_1183 : vector<16xf32>
        %parallel_loop3A_1185 = arith.addf %parallel_loop3A_1135, %parallel_loop3A_1142 : vector<16xf32>
        %parallel_loop3A_1186 = arith.addf %parallel_loop3A_1149, %parallel_loop3A_1156 : vector<16xf32>
        %parallel_loop3A_1187 = arith.addf %parallel_loop3A_1163, %parallel_loop3A_1170 : vector<16xf32>
        %parallel_loop3A_1188 = arith.addf %parallel_loop3A_1177, %parallel_loop3A_1184 : vector<16xf32>
        %parallel_loop3A_1189 = arith.addf %parallel_loop3A_1185, %parallel_loop3A_1186 : vector<16xf32>
        %parallel_loop3A_1190 = arith.addf %parallel_loop3A_1187, %parallel_loop3A_1188 : vector<16xf32>
        %parallel_loop3A_1191 = arith.addf %parallel_loop3A_1189, %parallel_loop3A_1190 : vector<16xf32>
        %parallel_loop3A_1192 = arith.constant 2 : i32
        %parallel_loop3A_1193 = arith.muli %parallel_loop3A_649, %parallel_loop3A_1192 : i32
        %parallel_loop3A_1194 = arith.constant 1 : i32
        %parallel_loop3A_1195 = arith.addi %parallel_loop3A_1193, %parallel_loop3A_1194 : i32
        %parallel_loop3A_1196 = arith.constant 8 : i32
        %parallel_loop3A_1197 = arith.muli %parallel_loop3A_1195, %parallel_loop3A_1196 : i32
        %parallel_loop3A_1198 = arith.index_cast %rem3A_167 : i32 to index
        %parallel_loop3A_1199 = arith.index_cast %parallel_loop3A_1195 : i32 to index
        %parallel_loop3A_1200 = arith.constant 0 : index
        %parallel_loop3A_1201 = tpu.vector_load %arg13[%parallel_loop3A_1198, %parallel_loop3A_1199, %parallel_loop3A_1200] {strides = array<i32>} : memref<3x16x128xf32, #tpu.memory_space<vmem>>, vector<16xf32>,
        %parallel_loop3A_1202 = arith.index_cast %rem3A_167 : i32 to index
        %parallel_loop3A_1203 = arith.index_cast %parallel_loop3A_1195 : i32 to index
        %parallel_loop3A_1204 = arith.constant 16 : index
        %parallel_loop3A_1205 = tpu.vector_load %arg13[%parallel_loop3A_1202, %parallel_loop3A_1203, %parallel_loop3A_1204] {strides = array<i32>} : memref<3x16x128xf32, #tpu.memory_space<vmem>>, vector<16xf32>,
        %parallel_loop3A_1206 = arith.index_cast %rem3A_167 : i32 to index
        %parallel_loop3A_1207 = arith.index_cast %parallel_loop3A_1195 : i32 to index
        %parallel_loop3A_1208 = arith.constant 32 : index
        %parallel_loop3A_1209 = tpu.vector_load %arg13[%parallel_loop3A_1206, %parallel_loop3A_1207, %parallel_loop3A_1208] {strides = array<i32>} : memref<3x16x128xf32, #tpu.memory_space<vmem>>, vector<16xf32>,
        %parallel_loop3A_1210 = arith.index_cast %rem3A_167 : i32 to index
        %parallel_loop3A_1211 = arith.index_cast %parallel_loop3A_1195 : i32 to index
        %parallel_loop3A_1212 = arith.constant 48 : index
        %parallel_loop3A_1213 = tpu.vector_load %arg13[%parallel_loop3A_1210, %parallel_loop3A_1211, %parallel_loop3A_1212] {strides = array<i32>} : memref<3x16x128xf32, #tpu.memory_space<vmem>>, vector<16xf32>,
        %parallel_loop3A_1214 = arith.index_cast %rem3A_167 : i32 to index
        %parallel_loop3A_1215 = arith.index_cast %parallel_loop3A_1195 : i32 to index
        %parallel_loop3A_1216 = arith.constant 64 : index
        %parallel_loop3A_1217 = tpu.vector_load %arg13[%parallel_loop3A_1214, %parallel_loop3A_1215, %parallel_loop3A_1216] {strides = array<i32>} : memref<3x16x128xf32, #tpu.memory_space<vmem>>, vector<16xf32>,
        %parallel_loop3A_1218 = arith.index_cast %rem3A_167 : i32 to index
        %parallel_loop3A_1219 = arith.index_cast %parallel_loop3A_1195 : i32 to index
        %parallel_loop3A_1220 = arith.constant 80 : index
        %parallel_loop3A_1221 = tpu.vector_load %arg13[%parallel_loop3A_1218, %parallel_loop3A_1219, %parallel_loop3A_1220] {strides = array<i32>} : memref<3x16x128xf32, #tpu.memory_space<vmem>>, vector<16xf32>,
        %parallel_loop3A_1222 = arith.index_cast %rem3A_167 : i32 to index
        %parallel_loop3A_1223 = arith.index_cast %parallel_loop3A_1195 : i32 to index
        %parallel_loop3A_1224 = arith.constant 96 : index
        %parallel_loop3A_1225 = tpu.vector_load %arg13[%parallel_loop3A_1222, %parallel_loop3A_1223, %parallel_loop3A_1224] {strides = array<i32>} : memref<3x16x128xf32, #tpu.memory_space<vmem>>, vector<16xf32>,
        %parallel_loop3A_1226 = arith.index_cast %rem3A_167 : i32 to index
        %parallel_loop3A_1227 = arith.index_cast %parallel_loop3A_1195 : i32 to index
        %parallel_loop3A_1228 = arith.constant 112 : index
        %parallel_loop3A_1229 = tpu.vector_load %arg13[%parallel_loop3A_1226, %parallel_loop3A_1227, %parallel_loop3A_1228] {strides = array<i32>} : memref<3x16x128xf32, #tpu.memory_space<vmem>>, vector<16xf32>,
        %parallel_loop3A_1230 = arith.constant 0 : i32
        %parallel_loop3A_1231 = arith.addi %parallel_loop3A_1197, %parallel_loop3A_1230 : i32
        %parallel_loop3A_1232 = arith.index_cast %and3A_165 : i32 to index
        %parallel_loop3A_1233 = arith.index_cast %parallel_loop3A_1231 : i32 to index
        %parallel_loop3A_1234 = arith.constant 0 : index
        %parallel_loop3A_1235 = tpu.vector_load %arg14[%parallel_loop3A_1232, %parallel_loop3A_1233, %parallel_loop3A_1234] {strides = array<i32>} : memref<2x128x128xf32, #tpu.memory_space<vmem>>, vector<16xf32>,
        %parallel_loop3A_1236 = arith.mulf %parallel_loop3A_1201, %parallel_loop3A_1235 : vector<16xf32>
        %parallel_loop3A_1237 = arith.constant 0 : i32
        %parallel_loop3A_1238 = arith.addi %parallel_loop3A_1197, %parallel_loop3A_1237 : i32
        %parallel_loop3A_1239 = arith.index_cast %and3A_165 : i32 to index
        %parallel_loop3A_1240 = arith.index_cast %parallel_loop3A_1238 : i32 to index
        %parallel_loop3A_1241 = arith.constant 16 : index
        %parallel_loop3A_1242 = tpu.vector_load %arg14[%parallel_loop3A_1239, %parallel_loop3A_1240, %parallel_loop3A_1241] {strides = array<i32>} : memref<2x128x128xf32, #tpu.memory_space<vmem>>, vector<16xf32>,
        %parallel_loop3A_1243 = arith.mulf %parallel_loop3A_1205, %parallel_loop3A_1242 : vector<16xf32>
        %parallel_loop3A_1244 = arith.constant 0 : i32
        %parallel_loop3A_1245 = arith.addi %parallel_loop3A_1197, %parallel_loop3A_1244 : i32
        %parallel_loop3A_1246 = arith.index_cast %and3A_165 : i32 to index
        %parallel_loop3A_1247 = arith.index_cast %parallel_loop3A_1245 : i32 to index
        %parallel_loop3A_1248 = arith.constant 32 : index
        %parallel_loop3A_1249 = tpu.vector_load %arg14[%parallel_loop3A_1246, %parallel_loop3A_1247, %parallel_loop3A_1248] {strides = array<i32>} : memref<2x128x128xf32, #tpu.memory_space<vmem>>, vector<16xf32>,
        %parallel_loop3A_1250 = arith.mulf %parallel_loop3A_1209, %parallel_loop3A_1249 : vector<16xf32>
        %parallel_loop3A_1251 = arith.constant 0 : i32
        %parallel_loop3A_1252 = arith.addi %parallel_loop3A_1197, %parallel_loop3A_1251 : i32
        %parallel_loop3A_1253 = arith.index_cast %and3A_165 : i32 to index
        %parallel_loop3A_1254 = arith.index_cast %parallel_loop3A_1252 : i32 to index
        %parallel_loop3A_1255 = arith.constant 48 : index
        %parallel_loop3A_1256 = tpu.vector_load %arg14[%parallel_loop3A_1253, %parallel_loop3A_1254, %parallel_loop3A_1255] {strides = array<i32>} : memref<2x128x128xf32, #tpu.memory_space<vmem>>, vector<16xf32>,
        %parallel_loop3A_1257 = arith.mulf %parallel_loop3A_1213, %parallel_loop3A_1256 : vector<16xf32>
        %parallel_loop3A_1258 = arith.constant 0 : i32
        %parallel_loop3A_1259 = arith.addi %parallel_loop3A_1197, %parallel_loop3A_1258 : i32
        %parallel_loop3A_1260 = arith.index_cast %and3A_165 : i32 to index
        %parallel_loop3A_1261 = arith.index_cast %parallel_loop3A_1259 : i32 to index
        %parallel_loop3A_1262 = arith.constant 64 : index
        %parallel_loop3A_1263 = tpu.vector_load %arg14[%parallel_loop3A_1260, %parallel_loop3A_1261, %parallel_loop3A_1262] {strides = array<i32>} : memref<2x128x128xf32, #tpu.memory_space<vmem>>, vector<16xf32>,
        %parallel_loop3A_1264 = arith.mulf %parallel_loop3A_1217, %parallel_loop3A_1263 : vector<16xf32>
        %parallel_loop3A_1265 = arith.constant 0 : i32
        %parallel_loop3A_1266 = arith.addi %parallel_loop3A_1197, %parallel_loop3A_1265 : i32
        %parallel_loop3A_1267 = arith.index_cast %and3A_165 : i32 to index
        %parallel_loop3A_1268 = arith.index_cast %parallel_loop3A_1266 : i32 to index
        %parallel_loop3A_1269 = arith.constant 80 : index
        %parallel_loop3A_1270 = tpu.vector_load %arg14[%parallel_loop3A_1267, %parallel_loop3A_1268, %parallel_loop3A_1269] {strides = array<i32>} : memref<2x128x128xf32, #tpu.memory_space<vmem>>, vector<16xf32>,
        %parallel_loop3A_1271 = arith.mulf %parallel_loop3A_1221, %parallel_loop3A_1270 : vector<16xf32>
        %parallel_loop3A_1272 = arith.constant 0 : i32
        %parallel_loop3A_1273 = arith.addi %parallel_loop3A_1197, %parallel_loop3A_1272 : i32
        %parallel_loop3A_1274 = arith.index_cast %and3A_165 : i32 to index
        %parallel_loop3A_1275 = arith.index_cast %parallel_loop3A_1273 : i32 to index
        %parallel_loop3A_1276 = arith.constant 96 : index
        %parallel_loop3A_1277 = tpu.vector_load %arg14[%parallel_loop3A_1274, %parallel_loop3A_1275, %parallel_loop3A_1276] {strides = array<i32>} : memref<2x128x128xf32, #tpu.memory_space<vmem>>, vector<16xf32>,
        %parallel_loop3A_1278 = arith.mulf %parallel_loop3A_1225, %parallel_loop3A_1277 : vector<16xf32>
        %parallel_loop3A_1279 = arith.constant 0 : i32
        %parallel_loop3A_1280 = arith.addi %parallel_loop3A_1197, %parallel_loop3A_1279 : i32
        %parallel_loop3A_1281 = arith.index_cast %and3A_165 : i32 to index
        %parallel_loop3A_1282 = arith.index_cast %parallel_loop3A_1280 : i32 to index
        %parallel_loop3A_1283 = arith.constant 112 : index
        %parallel_loop3A_1284 = tpu.vector_load %arg14[%parallel_loop3A_1281, %parallel_loop3A_1282, %parallel_loop3A_1283] {strides = array<i32>} : memref<2x128x128xf32, #tpu.memory_space<vmem>>, vector<16xf32>,
        %parallel_loop3A_1285 = arith.mulf %parallel_loop3A_1229, %parallel_loop3A_1284 : vector<16xf32>
        %parallel_loop3A_1286 = arith.addf %parallel_loop3A_1236, %parallel_loop3A_1243 : vector<16xf32>
        %parallel_loop3A_1287 = arith.addf %parallel_loop3A_1250, %parallel_loop3A_1257 : vector<16xf32>
        %parallel_loop3A_1288 = arith.addf %parallel_loop3A_1264, %parallel_loop3A_1271 : vector<16xf32>
        %parallel_loop3A_1289 = arith.addf %parallel_loop3A_1278, %parallel_loop3A_1285 : vector<16xf32>
        %parallel_loop3A_1290 = arith.addf %parallel_loop3A_1286, %parallel_loop3A_1287 : vector<16xf32>
        %parallel_loop3A_1291 = arith.addf %parallel_loop3A_1288, %parallel_loop3A_1289 : vector<16xf32>
        %parallel_loop3A_1292 = arith.addf %parallel_loop3A_1290, %parallel_loop3A_1291 : vector<16xf32>
        %parallel_loop3A_1293 = arith.constant 1 : i32
        %parallel_loop3A_1294 = arith.addi %parallel_loop3A_1197, %parallel_loop3A_1293 : i32
        %parallel_loop3A_1295 = arith.index_cast %and3A_165 : i32 to index
        %parallel_loop3A_1296 = arith.index_cast %parallel_loop3A_1294 : i32 to index
        %parallel_loop3A_1297 = arith.constant 0 : index
        %parallel_loop3A_1298 = tpu.vector_load %arg14[%parallel_loop3A_1295, %parallel_loop3A_1296, %parallel_loop3A_1297] {strides = array<i32>} : memref<2x128x128xf32, #tpu.memory_space<vmem>>, vector<16xf32>,
        %parallel_loop3A_1299 = arith.mulf %parallel_loop3A_1201, %parallel_loop3A_1298 : vector<16xf32>
        %parallel_loop3A_1300 = arith.constant 1 : i32
        %parallel_loop3A_1301 = arith.addi %parallel_loop3A_1197, %parallel_loop3A_1300 : i32
        %parallel_loop3A_1302 = arith.index_cast %and3A_165 : i32 to index
        %parallel_loop3A_1303 = arith.index_cast %parallel_loop3A_1301 : i32 to index
        %parallel_loop3A_1304 = arith.constant 16 : index
        %parallel_loop3A_1305 = tpu.vector_load %arg14[%parallel_loop3A_1302, %parallel_loop3A_1303, %parallel_loop3A_1304] {strides = array<i32>} : memref<2x128x128xf32, #tpu.memory_space<vmem>>, vector<16xf32>,
        %parallel_loop3A_1306 = arith.mulf %parallel_loop3A_1205, %parallel_loop3A_1305 : vector<16xf32>
        %parallel_loop3A_1307 = arith.constant 1 : i32
        %parallel_loop3A_1308 = arith.addi %parallel_loop3A_1197, %parallel_loop3A_1307 : i32
        %parallel_loop3A_1309 = arith.index_cast %and3A_165 : i32 to index
        %parallel_loop3A_1310 = arith.index_cast %parallel_loop3A_1308 : i32 to index
        %parallel_loop3A_1311 = arith.constant 32 : index
        %parallel_loop3A_1312 = tpu.vector_load %arg14[%parallel_loop3A_1309, %parallel_loop3A_1310, %parallel_loop3A_1311] {strides = array<i32>} : memref<2x128x128xf32, #tpu.memory_space<vmem>>, vector<16xf32>,
        %parallel_loop3A_1313 = arith.mulf %parallel_loop3A_1209, %parallel_loop3A_1312 : vector<16xf32>
        %parallel_loop3A_1314 = arith.constant 1 : i32
        %parallel_loop3A_1315 = arith.addi %parallel_loop3A_1197, %parallel_loop3A_1314 : i32
        %parallel_loop3A_1316 = arith.index_cast %and3A_165 : i32 to index
        %parallel_loop3A_1317 = arith.index_cast %parallel_loop3A_1315 : i32 to index
        %parallel_loop3A_1318 = arith.constant 48 : index
        %parallel_loop3A_1319 = tpu.vector_load %arg14[%parallel_loop3A_1316, %parallel_loop3A_1317, %parallel_loop3A_1318] {strides = array<i32>} : memref<2x128x128xf32, #tpu.memory_space<vmem>>, vector<16xf32>,
        %parallel_loop3A_1320 = arith.mulf %parallel_loop3A_1213, %parallel_loop3A_1319 : vector<16xf32>
        %parallel_loop3A_1321 = arith.constant 1 : i32
        %parallel_loop3A_1322 = arith.addi %parallel_loop3A_1197, %parallel_loop3A_1321 : i32
        %parallel_loop3A_1323 = arith.index_cast %and3A_165 : i32 to index
        %parallel_loop3A_1324 = arith.index_cast %parallel_loop3A_1322 : i32 to index
        %parallel_loop3A_1325 = arith.constant 64 : index
        %parallel_loop3A_1326 = tpu.vector_load %arg14[%parallel_loop3A_1323, %parallel_loop3A_1324, %parallel_loop3A_1325] {strides = array<i32>} : memref<2x128x128xf32, #tpu.memory_space<vmem>>, vector<16xf32>,
        %parallel_loop3A_1327 = arith.mulf %parallel_loop3A_1217, %parallel_loop3A_1326 : vector<16xf32>
        %parallel_loop3A_1328 = arith.constant 1 : i32
        %parallel_loop3A_1329 = arith.addi %parallel_loop3A_1197, %parallel_loop3A_1328 : i32
        %parallel_loop3A_1330 = arith.index_cast %and3A_165 : i32 to index
        %parallel_loop3A_1331 = arith.index_cast %parallel_loop3A_1329 : i32 to index
        %parallel_loop3A_1332 = arith.constant 80 : index
        %parallel_loop3A_1333 = tpu.vector_load %arg14[%parallel_loop3A_1330, %parallel_loop3A_1331, %parallel_loop3A_1332] {strides = array<i32>} : memref<2x128x128xf32, #tpu.memory_space<vmem>>, vector<16xf32>,
        %parallel_loop3A_1334 = arith.mulf %parallel_loop3A_1221, %parallel_loop3A_1333 : vector<16xf32>
        %parallel_loop3A_1335 = arith.constant 1 : i32
        %parallel_loop3A_1336 = arith.addi %parallel_loop3A_1197, %parallel_loop3A_1335 : i32
        %parallel_loop3A_1337 = arith.index_cast %and3A_165 : i32 to index
        %parallel_loop3A_1338 = arith.index_cast %parallel_loop3A_1336 : i32 to index
        %parallel_loop3A_1339 = arith.constant 96 : index
        %parallel_loop3A_1340 = tpu.vector_load %arg14[%parallel_loop3A_1337, %parallel_loop3A_1338, %parallel_loop3A_1339] {strides = array<i32>} : memref<2x128x128xf32, #tpu.memory_space<vmem>>, vector<16xf32>,
        %parallel_loop3A_1341 = arith.mulf %parallel_loop3A_1225, %parallel_loop3A_1340 : vector<16xf32>
        %parallel_loop3A_1342 = arith.constant 1 : i32
        %parallel_loop3A_1343 = arith.addi %parallel_loop3A_1197, %parallel_loop3A_1342 : i32
        %parallel_loop3A_1344 = arith.index_cast %and3A_165 : i32 to index
        %parallel_loop3A_1345 = arith.index_cast %parallel_loop3A_1343 : i32 to index
        %parallel_loop3A_1346 = arith.constant 112 : index
        %parallel_loop3A_1347 = tpu.vector_load %arg14[%parallel_loop3A_1344, %parallel_loop3A_1345, %parallel_loop3A_1346] {strides = array<i32>} : memref<2x128x128xf32, #tpu.memory_space<vmem>>, vector<16xf32>,
        %parallel_loop3A_1348 = arith.mulf %parallel_loop3A_1229, %parallel_loop3A_1347 : vector<16xf32>
        %parallel_loop3A_1349 = arith.addf %parallel_loop3A_1299, %parallel_loop3A_1306 : vector<16xf32>
        %parallel_loop3A_1350 = arith.addf %parallel_loop3A_1313, %parallel_loop3A_1320 : vector<16xf32>
        %parallel_loop3A_1351 = arith.addf %parallel_loop3A_1327, %parallel_loop3A_1334 : vector<16xf32>
        %parallel_loop3A_1352 = arith.addf %parallel_loop3A_1341, %parallel_loop3A_1348 : vector<16xf32>
        %parallel_loop3A_1353 = arith.addf %parallel_loop3A_1349, %parallel_loop3A_1350 : vector<16xf32>
        %parallel_loop3A_1354 = arith.addf %parallel_loop3A_1351, %parallel_loop3A_1352 : vector<16xf32>
        %parallel_loop3A_1355 = arith.addf %parallel_loop3A_1353, %parallel_loop3A_1354 : vector<16xf32>
        %parallel_loop3A_1356 = arith.constant 2 : i32
        %parallel_loop3A_1357 = arith.addi %parallel_loop3A_1197, %parallel_loop3A_1356 : i32
        %parallel_loop3A_1358 = arith.index_cast %and3A_165 : i32 to index
        %parallel_loop3A_1359 = arith.index_cast %parallel_loop3A_1357 : i32 to index
        %parallel_loop3A_1360 = arith.constant 0 : index
        %parallel_loop3A_1361 = tpu.vector_load %arg14[%parallel_loop3A_1358, %parallel_loop3A_1359, %parallel_loop3A_1360] {strides = array<i32>} : memref<2x128x128xf32, #tpu.memory_space<vmem>>, vector<16xf32>,
        %parallel_loop3A_1362 = arith.mulf %parallel_loop3A_1201, %parallel_loop3A_1361 : vector<16xf32>
        %parallel_loop3A_1363 = arith.constant 2 : i32
        %parallel_loop3A_1364 = arith.addi %parallel_loop3A_1197, %parallel_loop3A_1363 : i32
        %parallel_loop3A_1365 = arith.index_cast %and3A_165 : i32 to index
        %parallel_loop3A_1366 = arith.index_cast %parallel_loop3A_1364 : i32 to index
        %parallel_loop3A_1367 = arith.constant 16 : index
        %parallel_loop3A_1368 = tpu.vector_load %arg14[%parallel_loop3A_1365, %parallel_loop3A_1366, %parallel_loop3A_1367] {strides = array<i32>} : memref<2x128x128xf32, #tpu.memory_space<vmem>>, vector<16xf32>,
        %parallel_loop3A_1369 = arith.mulf %parallel_loop3A_1205, %parallel_loop3A_1368 : vector<16xf32>
        %parallel_loop3A_1370 = arith.constant 2 : i32
        %parallel_loop3A_1371 = arith.addi %parallel_loop3A_1197, %parallel_loop3A_1370 : i32
        %parallel_loop3A_1372 = arith.index_cast %and3A_165 : i32 to index
        %parallel_loop3A_1373 = arith.index_cast %parallel_loop3A_1371 : i32 to index
        %parallel_loop3A_1374 = arith.constant 32 : index
        %parallel_loop3A_1375 = tpu.vector_load %arg14[%parallel_loop3A_1372, %parallel_loop3A_1373, %parallel_loop3A_1374] {strides = array<i32>} : memref<2x128x128xf32, #tpu.memory_space<vmem>>, vector<16xf32>,
        %parallel_loop3A_1376 = arith.mulf %parallel_loop3A_1209, %parallel_loop3A_1375 : vector<16xf32>
        %parallel_loop3A_1377 = arith.constant 2 : i32
        %parallel_loop3A_1378 = arith.addi %parallel_loop3A_1197, %parallel_loop3A_1377 : i32
        %parallel_loop3A_1379 = arith.index_cast %and3A_165 : i32 to index
        %parallel_loop3A_1380 = arith.index_cast %parallel_loop3A_1378 : i32 to index
        %parallel_loop3A_1381 = arith.constant 48 : index
        %parallel_loop3A_1382 = tpu.vector_load %arg14[%parallel_loop3A_1379, %parallel_loop3A_1380, %parallel_loop3A_1381] {strides = array<i32>} : memref<2x128x128xf32, #tpu.memory_space<vmem>>, vector<16xf32>,
        %parallel_loop3A_1383 = arith.mulf %parallel_loop3A_1213, %parallel_loop3A_1382 : vector<16xf32>
        %parallel_loop3A_1384 = arith.constant 2 : i32
        %parallel_loop3A_1385 = arith.addi %parallel_loop3A_1197, %parallel_loop3A_1384 : i32
        %parallel_loop3A_1386 = arith.index_cast %and3A_165 : i32 to index
        %parallel_loop3A_1387 = arith.index_cast %parallel_loop3A_1385 : i32 to index
        %parallel_loop3A_1388 = arith.constant 64 : index
        %parallel_loop3A_1389 = tpu.vector_load %arg14[%parallel_loop3A_1386, %parallel_loop3A_1387, %parallel_loop3A_1388] {strides = array<i32>} : memref<2x128x128xf32, #tpu.memory_space<vmem>>, vector<16xf32>,
        %parallel_loop3A_1390 = arith.mulf %parallel_loop3A_1217, %parallel_loop3A_1389 : vector<16xf32>
        %parallel_loop3A_1391 = arith.constant 2 : i32
        %parallel_loop3A_1392 = arith.addi %parallel_loop3A_1197, %parallel_loop3A_1391 : i32
        %parallel_loop3A_1393 = arith.index_cast %and3A_165 : i32 to index
        %parallel_loop3A_1394 = arith.index_cast %parallel_loop3A_1392 : i32 to index
        %parallel_loop3A_1395 = arith.constant 80 : index
        %parallel_loop3A_1396 = tpu.vector_load %arg14[%parallel_loop3A_1393, %parallel_loop3A_1394, %parallel_loop3A_1395] {strides = array<i32>} : memref<2x128x128xf32, #tpu.memory_space<vmem>>, vector<16xf32>,
        %parallel_loop3A_1397 = arith.mulf %parallel_loop3A_1221, %parallel_loop3A_1396 : vector<16xf32>
        %parallel_loop3A_1398 = arith.constant 2 : i32
        %parallel_loop3A_1399 = arith.addi %parallel_loop3A_1197, %parallel_loop3A_1398 : i32
        %parallel_loop3A_1400 = arith.index_cast %and3A_165 : i32 to index
        %parallel_loop3A_1401 = arith.index_cast %parallel_loop3A_1399 : i32 to index
        %parallel_loop3A_1402 = arith.constant 96 : index
        %parallel_loop3A_1403 = tpu.vector_load %arg14[%parallel_loop3A_1400, %parallel_loop3A_1401, %parallel_loop3A_1402] {strides = array<i32>} : memref<2x128x128xf32, #tpu.memory_space<vmem>>, vector<16xf32>,
        %parallel_loop3A_1404 = arith.mulf %parallel_loop3A_1225, %parallel_loop3A_1403 : vector<16xf32>
        %parallel_loop3A_1405 = arith.constant 2 : i32
        %parallel_loop3A_1406 = arith.addi %parallel_loop3A_1197, %parallel_loop3A_1405 : i32
        %parallel_loop3A_1407 = arith.index_cast %and3A_165 : i32 to index
        %parallel_loop3A_1408 = arith.index_cast %parallel_loop3A_1406 : i32 to index
        %parallel_loop3A_1409 = arith.constant 112 : index
        %parallel_loop3A_1410 = tpu.vector_load %arg14[%parallel_loop3A_1407, %parallel_loop3A_1408, %parallel_loop3A_1409] {strides = array<i32>} : memref<2x128x128xf32, #tpu.memory_space<vmem>>, vector<16xf32>,
        %parallel_loop3A_1411 = arith.mulf %parallel_loop3A_1229, %parallel_loop3A_1410 : vector<16xf32>
        %parallel_loop3A_1412 = arith.addf %parallel_loop3A_1362, %parallel_loop3A_1369 : vector<16xf32>
        %parallel_loop3A_1413 = arith.addf %parallel_loop3A_1376, %parallel_loop3A_1383 : vector<16xf32>
        %parallel_loop3A_1414 = arith.addf %parallel_loop3A_1390, %parallel_loop3A_1397 : vector<16xf32>
        %parallel_loop3A_1415 = arith.addf %parallel_loop3A_1404, %parallel_loop3A_1411 : vector<16xf32>
        %parallel_loop3A_1416 = arith.addf %parallel_loop3A_1412, %parallel_loop3A_1413 : vector<16xf32>
        %parallel_loop3A_1417 = arith.addf %parallel_loop3A_1414, %parallel_loop3A_1415 : vector<16xf32>
        %parallel_loop3A_1418 = arith.addf %parallel_loop3A_1416, %parallel_loop3A_1417 : vector<16xf32>
        %parallel_loop3A_1419 = arith.constant 3 : i32
        %parallel_loop3A_1420 = arith.addi %parallel_loop3A_1197, %parallel_loop3A_1419 : i32
        %parallel_loop3A_1421 = arith.index_cast %and3A_165 : i32 to index
        %parallel_loop3A_1422 = arith.index_cast %parallel_loop3A_1420 : i32 to index
        %parallel_loop3A_1423 = arith.constant 0 : index
        %parallel_loop3A_1424 = tpu.vector_load %arg14[%parallel_loop3A_1421, %parallel_loop3A_1422, %parallel_loop3A_1423] {strides = array<i32>} : memref<2x128x128xf32, #tpu.memory_space<vmem>>, vector<16xf32>,
        %parallel_loop3A_1425 = arith.mulf %parallel_loop3A_1201, %parallel_loop3A_1424 : vector<16xf32>
        %parallel_loop3A_1426 = arith.constant 3 : i32
        %parallel_loop3A_1427 = arith.addi %parallel_loop3A_1197, %parallel_loop3A_1426 : i32
        %parallel_loop3A_1428 = arith.index_cast %and3A_165 : i32 to index
        %parallel_loop3A_1429 = arith.index_cast %parallel_loop3A_1427 : i32 to index
        %parallel_loop3A_1430 = arith.constant 16 : index
        %parallel_loop3A_1431 = tpu.vector_load %arg14[%parallel_loop3A_1428, %parallel_loop3A_1429, %parallel_loop3A_1430] {strides = array<i32>} : memref<2x128x128xf32, #tpu.memory_space<vmem>>, vector<16xf32>,
        %parallel_loop3A_1432 = arith.mulf %parallel_loop3A_1205, %parallel_loop3A_1431 : vector<16xf32>
        %parallel_loop3A_1433 = arith.constant 3 : i32
        %parallel_loop3A_1434 = arith.addi %parallel_loop3A_1197, %parallel_loop3A_1433 : i32
        %parallel_loop3A_1435 = arith.index_cast %and3A_165 : i32 to index
        %parallel_loop3A_1436 = arith.index_cast %parallel_loop3A_1434 : i32 to index
        %parallel_loop3A_1437 = arith.constant 32 : index
        %parallel_loop3A_1438 = tpu.vector_load %arg14[%parallel_loop3A_1435, %parallel_loop3A_1436, %parallel_loop3A_1437] {strides = array<i32>} : memref<2x128x128xf32, #tpu.memory_space<vmem>>, vector<16xf32>,
        %parallel_loop3A_1439 = arith.mulf %parallel_loop3A_1209, %parallel_loop3A_1438 : vector<16xf32>
        %parallel_loop3A_1440 = arith.constant 3 : i32
        %parallel_loop3A_1441 = arith.addi %parallel_loop3A_1197, %parallel_loop3A_1440 : i32
        %parallel_loop3A_1442 = arith.index_cast %and3A_165 : i32 to index
        %parallel_loop3A_1443 = arith.index_cast %parallel_loop3A_1441 : i32 to index
        %parallel_loop3A_1444 = arith.constant 48 : index
        %parallel_loop3A_1445 = tpu.vector_load %arg14[%parallel_loop3A_1442, %parallel_loop3A_1443, %parallel_loop3A_1444] {strides = array<i32>} : memref<2x128x128xf32, #tpu.memory_space<vmem>>, vector<16xf32>,
        %parallel_loop3A_1446 = arith.mulf %parallel_loop3A_1213, %parallel_loop3A_1445 : vector<16xf32>
        %parallel_loop3A_1447 = arith.constant 3 : i32
        %parallel_loop3A_1448 = arith.addi %parallel_loop3A_1197, %parallel_loop3A_1447 : i32
        %parallel_loop3A_1449 = arith.index_cast %and3A_165 : i32 to index
        %parallel_loop3A_1450 = arith.index_cast %parallel_loop3A_1448 : i32 to index
        %parallel_loop3A_1451 = arith.constant 64 : index
        %parallel_loop3A_1452 = tpu.vector_load %arg14[%parallel_loop3A_1449, %parallel_loop3A_1450, %parallel_loop3A_1451] {strides = array<i32>} : memref<2x128x128xf32, #tpu.memory_space<vmem>>, vector<16xf32>,
        %parallel_loop3A_1453 = arith.mulf %parallel_loop3A_1217, %parallel_loop3A_1452 : vector<16xf32>
        %parallel_loop3A_1454 = arith.constant 3 : i32
        %parallel_loop3A_1455 = arith.addi %parallel_loop3A_1197, %parallel_loop3A_1454 : i32
        %parallel_loop3A_1456 = arith.index_cast %and3A_165 : i32 to index
        %parallel_loop3A_1457 = arith.index_cast %parallel_loop3A_1455 : i32 to index
        %parallel_loop3A_1458 = arith.constant 80 : index
        %parallel_loop3A_1459 = tpu.vector_load %arg14[%parallel_loop3A_1456, %parallel_loop3A_1457, %parallel_loop3A_1458] {strides = array<i32>} : memref<2x128x128xf32, #tpu.memory_space<vmem>>, vector<16xf32>,
        %parallel_loop3A_1460 = arith.mulf %parallel_loop3A_1221, %parallel_loop3A_1459 : vector<16xf32>
        %parallel_loop3A_1461 = arith.constant 3 : i32
        %parallel_loop3A_1462 = arith.addi %parallel_loop3A_1197, %parallel_loop3A_1461 : i32
        %parallel_loop3A_1463 = arith.index_cast %and3A_165 : i32 to index
        %parallel_loop3A_1464 = arith.index_cast %parallel_loop3A_1462 : i32 to index
        %parallel_loop3A_1465 = arith.constant 96 : index
        %parallel_loop3A_1466 = tpu.vector_load %arg14[%parallel_loop3A_1463, %parallel_loop3A_1464, %parallel_loop3A_1465] {strides = array<i32>} : memref<2x128x128xf32, #tpu.memory_space<vmem>>, vector<16xf32>,
        %parallel_loop3A_1467 = arith.mulf %parallel_loop3A_1225, %parallel_loop3A_1466 : vector<16xf32>
        %parallel_loop3A_1468 = arith.constant 3 : i32
        %parallel_loop3A_1469 = arith.addi %parallel_loop3A_1197, %parallel_loop3A_1468 : i32
        %parallel_loop3A_1470 = arith.index_cast %and3A_165 : i32 to index
        %parallel_loop3A_1471 = arith.index_cast %parallel_loop3A_1469 : i32 to index
        %parallel_loop3A_1472 = arith.constant 112 : index
        %parallel_loop3A_1473 = tpu.vector_load %arg14[%parallel_loop3A_1470, %parallel_loop3A_1471, %parallel_loop3A_1472] {strides = array<i32>} : memref<2x128x128xf32, #tpu.memory_space<vmem>>, vector<16xf32>,
        %parallel_loop3A_1474 = arith.mulf %parallel_loop3A_1229, %parallel_loop3A_1473 : vector<16xf32>
        %parallel_loop3A_1475 = arith.addf %parallel_loop3A_1425, %parallel_loop3A_1432 : vector<16xf32>
        %parallel_loop3A_1476 = arith.addf %parallel_loop3A_1439, %parallel_loop3A_1446 : vector<16xf32>
        %parallel_loop3A_1477 = arith.addf %parallel_loop3A_1453, %parallel_loop3A_1460 : vector<16xf32>
        %parallel_loop3A_1478 = arith.addf %parallel_loop3A_1467, %parallel_loop3A_1474 : vector<16xf32>
        %parallel_loop3A_1479 = arith.addf %parallel_loop3A_1475, %parallel_loop3A_1476 : vector<16xf32>
        %parallel_loop3A_1480 = arith.addf %parallel_loop3A_1477, %parallel_loop3A_1478 : vector<16xf32>
        %parallel_loop3A_1481 = arith.addf %parallel_loop3A_1479, %parallel_loop3A_1480 : vector<16xf32>
        %parallel_loop3A_1482 = arith.constant 4 : i32
        %parallel_loop3A_1483 = arith.addi %parallel_loop3A_1197, %parallel_loop3A_1482 : i32
        %parallel_loop3A_1484 = arith.index_cast %and3A_165 : i32 to index
        %parallel_loop3A_1485 = arith.index_cast %parallel_loop3A_1483 : i32 to index
        %parallel_loop3A_1486 = arith.constant 0 : index
        %parallel_loop3A_1487 = tpu.vector_load %arg14[%parallel_loop3A_1484, %parallel_loop3A_1485, %parallel_loop3A_1486] {strides = array<i32>} : memref<2x128x128xf32, #tpu.memory_space<vmem>>, vector<16xf32>,
        %parallel_loop3A_1488 = arith.mulf %parallel_loop3A_1201, %parallel_loop3A_1487 : vector<16xf32>
        %parallel_loop3A_1489 = arith.constant 4 : i32
        %parallel_loop3A_1490 = arith.addi %parallel_loop3A_1197, %parallel_loop3A_1489 : i32
        %parallel_loop3A_1491 = arith.index_cast %and3A_165 : i32 to index
        %parallel_loop3A_1492 = arith.index_cast %parallel_loop3A_1490 : i32 to index
        %parallel_loop3A_1493 = arith.constant 16 : index
        %parallel_loop3A_1494 = tpu.vector_load %arg14[%parallel_loop3A_1491, %parallel_loop3A_1492, %parallel_loop3A_1493] {strides = array<i32>} : memref<2x128x128xf32, #tpu.memory_space<vmem>>, vector<16xf32>,
        %parallel_loop3A_1495 = arith.mulf %parallel_loop3A_1205, %parallel_loop3A_1494 : vector<16xf32>
        %parallel_loop3A_1496 = arith.constant 4 : i32
        %parallel_loop3A_1497 = arith.addi %parallel_loop3A_1197, %parallel_loop3A_1496 : i32
        %parallel_loop3A_1498 = arith.index_cast %and3A_165 : i32 to index
        %parallel_loop3A_1499 = arith.index_cast %parallel_loop3A_1497 : i32 to index
        %parallel_loop3A_1500 = arith.constant 32 : index
        %parallel_loop3A_1501 = tpu.vector_load %arg14[%parallel_loop3A_1498, %parallel_loop3A_1499, %parallel_loop3A_1500] {strides = array<i32>} : memref<2x128x128xf32, #tpu.memory_space<vmem>>, vector<16xf32>,
        %parallel_loop3A_1502 = arith.mulf %parallel_loop3A_1209, %parallel_loop3A_1501 : vector<16xf32>
        %parallel_loop3A_1503 = arith.constant 4 : i32
        %parallel_loop3A_1504 = arith.addi %parallel_loop3A_1197, %parallel_loop3A_1503 : i32
        %parallel_loop3A_1505 = arith.index_cast %and3A_165 : i32 to index
        %parallel_loop3A_1506 = arith.index_cast %parallel_loop3A_1504 : i32 to index
        %parallel_loop3A_1507 = arith.constant 48 : index
        %parallel_loop3A_1508 = tpu.vector_load %arg14[%parallel_loop3A_1505, %parallel_loop3A_1506, %parallel_loop3A_1507] {strides = array<i32>} : memref<2x128x128xf32, #tpu.memory_space<vmem>>, vector<16xf32>,
        %parallel_loop3A_1509 = arith.mulf %parallel_loop3A_1213, %parallel_loop3A_1508 : vector<16xf32>
        %parallel_loop3A_1510 = arith.constant 4 : i32
        %parallel_loop3A_1511 = arith.addi %parallel_loop3A_1197, %parallel_loop3A_1510 : i32
        %parallel_loop3A_1512 = arith.index_cast %and3A_165 : i32 to index
        %parallel_loop3A_1513 = arith.index_cast %parallel_loop3A_1511 : i32 to index
        %parallel_loop3A_1514 = arith.constant 64 : index
        %parallel_loop3A_1515 = tpu.vector_load %arg14[%parallel_loop3A_1512, %parallel_loop3A_1513, %parallel_loop3A_1514] {strides = array<i32>} : memref<2x128x128xf32, #tpu.memory_space<vmem>>, vector<16xf32>,
        %parallel_loop3A_1516 = arith.mulf %parallel_loop3A_1217, %parallel_loop3A_1515 : vector<16xf32>
        %parallel_loop3A_1517 = arith.constant 4 : i32
        %parallel_loop3A_1518 = arith.addi %parallel_loop3A_1197, %parallel_loop3A_1517 : i32
        %parallel_loop3A_1519 = arith.index_cast %and3A_165 : i32 to index
        %parallel_loop3A_1520 = arith.index_cast %parallel_loop3A_1518 : i32 to index
        %parallel_loop3A_1521 = arith.constant 80 : index
        %parallel_loop3A_1522 = tpu.vector_load %arg14[%parallel_loop3A_1519, %parallel_loop3A_1520, %parallel_loop3A_1521] {strides = array<i32>} : memref<2x128x128xf32, #tpu.memory_space<vmem>>, vector<16xf32>,
        %parallel_loop3A_1523 = arith.mulf %parallel_loop3A_1221, %parallel_loop3A_1522 : vector<16xf32>
        %parallel_loop3A_1524 = arith.constant 4 : i32
        %parallel_loop3A_1525 = arith.addi %parallel_loop3A_1197, %parallel_loop3A_1524 : i32
        %parallel_loop3A_1526 = arith.index_cast %and3A_165 : i32 to index
        %parallel_loop3A_1527 = arith.index_cast %parallel_loop3A_1525 : i32 to index
        %parallel_loop3A_1528 = arith.constant 96 : index
        %parallel_loop3A_1529 = tpu.vector_load %arg14[%parallel_loop3A_1526, %parallel_loop3A_1527, %parallel_loop3A_1528] {strides = array<i32>} : memref<2x128x128xf32, #tpu.memory_space<vmem>>, vector<16xf32>,
        %parallel_loop3A_1530 = arith.mulf %parallel_loop3A_1225, %parallel_loop3A_1529 : vector<16xf32>
        %parallel_loop3A_1531 = arith.constant 4 : i32
        %parallel_loop3A_1532 = arith.addi %parallel_loop3A_1197, %parallel_loop3A_1531 : i32
        %parallel_loop3A_1533 = arith.index_cast %and3A_165 : i32 to index
        %parallel_loop3A_1534 = arith.index_cast %parallel_loop3A_1532 : i32 to index
        %parallel_loop3A_1535 = arith.constant 112 : index
        %parallel_loop3A_1536 = tpu.vector_load %arg14[%parallel_loop3A_1533, %parallel_loop3A_1534, %parallel_loop3A_1535] {strides = array<i32>} : memref<2x128x128xf32, #tpu.memory_space<vmem>>, vector<16xf32>,
        %parallel_loop3A_1537 = arith.mulf %parallel_loop3A_1229, %parallel_loop3A_1536 : vector<16xf32>
        %parallel_loop3A_1538 = arith.addf %parallel_loop3A_1488, %parallel_loop3A_1495 : vector<16xf32>
        %parallel_loop3A_1539 = arith.addf %parallel_loop3A_1502, %parallel_loop3A_1509 : vector<16xf32>
        %parallel_loop3A_1540 = arith.addf %parallel_loop3A_1516, %parallel_loop3A_1523 : vector<16xf32>
        %parallel_loop3A_1541 = arith.addf %parallel_loop3A_1530, %parallel_loop3A_1537 : vector<16xf32>
        %parallel_loop3A_1542 = arith.addf %parallel_loop3A_1538, %parallel_loop3A_1539 : vector<16xf32>
        %parallel_loop3A_1543 = arith.addf %parallel_loop3A_1540, %parallel_loop3A_1541 : vector<16xf32>
        %parallel_loop3A_1544 = arith.addf %parallel_loop3A_1542, %parallel_loop3A_1543 : vector<16xf32>
        %parallel_loop3A_1545 = arith.constant 5 : i32
        %parallel_loop3A_1546 = arith.addi %parallel_loop3A_1197, %parallel_loop3A_1545 : i32
        %parallel_loop3A_1547 = arith.index_cast %and3A_165 : i32 to index
        %parallel_loop3A_1548 = arith.index_cast %parallel_loop3A_1546 : i32 to index
        %parallel_loop3A_1549 = arith.constant 0 : index
        %parallel_loop3A_1550 = tpu.vector_load %arg14[%parallel_loop3A_1547, %parallel_loop3A_1548, %parallel_loop3A_1549] {strides = array<i32>} : memref<2x128x128xf32, #tpu.memory_space<vmem>>, vector<16xf32>,
        %parallel_loop3A_1551 = arith.mulf %parallel_loop3A_1201, %parallel_loop3A_1550 : vector<16xf32>
        %parallel_loop3A_1552 = arith.constant 5 : i32
        %parallel_loop3A_1553 = arith.addi %parallel_loop3A_1197, %parallel_loop3A_1552 : i32
        %parallel_loop3A_1554 = arith.index_cast %and3A_165 : i32 to index
        %parallel_loop3A_1555 = arith.index_cast %parallel_loop3A_1553 : i32 to index
        %parallel_loop3A_1556 = arith.constant 16 : index
        %parallel_loop3A_1557 = tpu.vector_load %arg14[%parallel_loop3A_1554, %parallel_loop3A_1555, %parallel_loop3A_1556] {strides = array<i32>} : memref<2x128x128xf32, #tpu.memory_space<vmem>>, vector<16xf32>,
        %parallel_loop3A_1558 = arith.mulf %parallel_loop3A_1205, %parallel_loop3A_1557 : vector<16xf32>
        %parallel_loop3A_1559 = arith.constant 5 : i32
        %parallel_loop3A_1560 = arith.addi %parallel_loop3A_1197, %parallel_loop3A_1559 : i32
        %parallel_loop3A_1561 = arith.index_cast %and3A_165 : i32 to index
        %parallel_loop3A_1562 = arith.index_cast %parallel_loop3A_1560 : i32 to index
        %parallel_loop3A_1563 = arith.constant 32 : index
        %parallel_loop3A_1564 = tpu.vector_load %arg14[%parallel_loop3A_1561, %parallel_loop3A_1562, %parallel_loop3A_1563] {strides = array<i32>} : memref<2x128x128xf32, #tpu.memory_space<vmem>>, vector<16xf32>,
        %parallel_loop3A_1565 = arith.mulf %parallel_loop3A_1209, %parallel_loop3A_1564 : vector<16xf32>
        %parallel_loop3A_1566 = arith.constant 5 : i32
        %parallel_loop3A_1567 = arith.addi %parallel_loop3A_1197, %parallel_loop3A_1566 : i32
        %parallel_loop3A_1568 = arith.index_cast %and3A_165 : i32 to index
        %parallel_loop3A_1569 = arith.index_cast %parallel_loop3A_1567 : i32 to index
        %parallel_loop3A_1570 = arith.constant 48 : index
        %parallel_loop3A_1571 = tpu.vector_load %arg14[%parallel_loop3A_1568, %parallel_loop3A_1569, %parallel_loop3A_1570] {strides = array<i32>} : memref<2x128x128xf32, #tpu.memory_space<vmem>>, vector<16xf32>,
        %parallel_loop3A_1572 = arith.mulf %parallel_loop3A_1213, %parallel_loop3A_1571 : vector<16xf32>
        %parallel_loop3A_1573 = arith.constant 5 : i32
        %parallel_loop3A_1574 = arith.addi %parallel_loop3A_1197, %parallel_loop3A_1573 : i32
        %parallel_loop3A_1575 = arith.index_cast %and3A_165 : i32 to index
        %parallel_loop3A_1576 = arith.index_cast %parallel_loop3A_1574 : i32 to index
        %parallel_loop3A_1577 = arith.constant 64 : index
        %parallel_loop3A_1578 = tpu.vector_load %arg14[%parallel_loop3A_1575, %parallel_loop3A_1576, %parallel_loop3A_1577] {strides = array<i32>} : memref<2x128x128xf32, #tpu.memory_space<vmem>>, vector<16xf32>,
        %parallel_loop3A_1579 = arith.mulf %parallel_loop3A_1217, %parallel_loop3A_1578 : vector<16xf32>
        %parallel_loop3A_1580 = arith.constant 5 : i32
        %parallel_loop3A_1581 = arith.addi %parallel_loop3A_1197, %parallel_loop3A_1580 : i32
        %parallel_loop3A_1582 = arith.index_cast %and3A_165 : i32 to index
        %parallel_loop3A_1583 = arith.index_cast %parallel_loop3A_1581 : i32 to index
        %parallel_loop3A_1584 = arith.constant 80 : index
        %parallel_loop3A_1585 = tpu.vector_load %arg14[%parallel_loop3A_1582, %parallel_loop3A_1583, %parallel_loop3A_1584] {strides = array<i32>} : memref<2x128x128xf32, #tpu.memory_space<vmem>>, vector<16xf32>,
        %parallel_loop3A_1586 = arith.mulf %parallel_loop3A_1221, %parallel_loop3A_1585 : vector<16xf32>
        %parallel_loop3A_1587 = arith.constant 5 : i32
        %parallel_loop3A_1588 = arith.addi %parallel_loop3A_1197, %parallel_loop3A_1587 : i32
        %parallel_loop3A_1589 = arith.index_cast %and3A_165 : i32 to index
        %parallel_loop3A_1590 = arith.index_cast %parallel_loop3A_1588 : i32 to index
        %parallel_loop3A_1591 = arith.constant 96 : index
        %parallel_loop3A_1592 = tpu.vector_load %arg14[%parallel_loop3A_1589, %parallel_loop3A_1590, %parallel_loop3A_1591] {strides = array<i32>} : memref<2x128x128xf32, #tpu.memory_space<vmem>>, vector<16xf32>,
        %parallel_loop3A_1593 = arith.mulf %parallel_loop3A_1225, %parallel_loop3A_1592 : vector<16xf32>
        %parallel_loop3A_1594 = arith.constant 5 : i32
        %parallel_loop3A_1595 = arith.addi %parallel_loop3A_1197, %parallel_loop3A_1594 : i32
        %parallel_loop3A_1596 = arith.index_cast %and3A_165 : i32 to index
        %parallel_loop3A_1597 = arith.index_cast %parallel_loop3A_1595 : i32 to index
        %parallel_loop3A_1598 = arith.constant 112 : index
        %parallel_loop3A_1599 = tpu.vector_load %arg14[%parallel_loop3A_1596, %parallel_loop3A_1597, %parallel_loop3A_1598] {strides = array<i32>} : memref<2x128x128xf32, #tpu.memory_space<vmem>>, vector<16xf32>,
        %parallel_loop3A_1600 = arith.mulf %parallel_loop3A_1229, %parallel_loop3A_1599 : vector<16xf32>
        %parallel_loop3A_1601 = arith.addf %parallel_loop3A_1551, %parallel_loop3A_1558 : vector<16xf32>
        %parallel_loop3A_1602 = arith.addf %parallel_loop3A_1565, %parallel_loop3A_1572 : vector<16xf32>
        %parallel_loop3A_1603 = arith.addf %parallel_loop3A_1579, %parallel_loop3A_1586 : vector<16xf32>
        %parallel_loop3A_1604 = arith.addf %parallel_loop3A_1593, %parallel_loop3A_1600 : vector<16xf32>
        %parallel_loop3A_1605 = arith.addf %parallel_loop3A_1601, %parallel_loop3A_1602 : vector<16xf32>
        %parallel_loop3A_1606 = arith.addf %parallel_loop3A_1603, %parallel_loop3A_1604 : vector<16xf32>
        %parallel_loop3A_1607 = arith.addf %parallel_loop3A_1605, %parallel_loop3A_1606 : vector<16xf32>
        %parallel_loop3A_1608 = arith.constant 6 : i32
        %parallel_loop3A_1609 = arith.addi %parallel_loop3A_1197, %parallel_loop3A_1608 : i32
        %parallel_loop3A_1610 = arith.index_cast %and3A_165 : i32 to index
        %parallel_loop3A_1611 = arith.index_cast %parallel_loop3A_1609 : i32 to index
        %parallel_loop3A_1612 = arith.constant 0 : index
        %parallel_loop3A_1613 = tpu.vector_load %arg14[%parallel_loop3A_1610, %parallel_loop3A_1611, %parallel_loop3A_1612] {strides = array<i32>} : memref<2x128x128xf32, #tpu.memory_space<vmem>>, vector<16xf32>,
        %parallel_loop3A_1614 = arith.mulf %parallel_loop3A_1201, %parallel_loop3A_1613 : vector<16xf32>
        %parallel_loop3A_1615 = arith.constant 6 : i32
        %parallel_loop3A_1616 = arith.addi %parallel_loop3A_1197, %parallel_loop3A_1615 : i32
        %parallel_loop3A_1617 = arith.index_cast %and3A_165 : i32 to index
        %parallel_loop3A_1618 = arith.index_cast %parallel_loop3A_1616 : i32 to index
        %parallel_loop3A_1619 = arith.constant 16 : index
        %parallel_loop3A_1620 = tpu.vector_load %arg14[%parallel_loop3A_1617, %parallel_loop3A_1618, %parallel_loop3A_1619] {strides = array<i32>} : memref<2x128x128xf32, #tpu.memory_space<vmem>>, vector<16xf32>,
        %parallel_loop3A_1621 = arith.mulf %parallel_loop3A_1205, %parallel_loop3A_1620 : vector<16xf32>
        %parallel_loop3A_1622 = arith.constant 6 : i32
        %parallel_loop3A_1623 = arith.addi %parallel_loop3A_1197, %parallel_loop3A_1622 : i32
        %parallel_loop3A_1624 = arith.index_cast %and3A_165 : i32 to index
        %parallel_loop3A_1625 = arith.index_cast %parallel_loop3A_1623 : i32 to index
        %parallel_loop3A_1626 = arith.constant 32 : index
        %parallel_loop3A_1627 = tpu.vector_load %arg14[%parallel_loop3A_1624, %parallel_loop3A_1625, %parallel_loop3A_1626] {strides = array<i32>} : memref<2x128x128xf32, #tpu.memory_space<vmem>>, vector<16xf32>,
        %parallel_loop3A_1628 = arith.mulf %parallel_loop3A_1209, %parallel_loop3A_1627 : vector<16xf32>
        %parallel_loop3A_1629 = arith.constant 6 : i32
        %parallel_loop3A_1630 = arith.addi %parallel_loop3A_1197, %parallel_loop3A_1629 : i32
        %parallel_loop3A_1631 = arith.index_cast %and3A_165 : i32 to index
        %parallel_loop3A_1632 = arith.index_cast %parallel_loop3A_1630 : i32 to index
        %parallel_loop3A_1633 = arith.constant 48 : index
        %parallel_loop3A_1634 = tpu.vector_load %arg14[%parallel_loop3A_1631, %parallel_loop3A_1632, %parallel_loop3A_1633] {strides = array<i32>} : memref<2x128x128xf32, #tpu.memory_space<vmem>>, vector<16xf32>,
        %parallel_loop3A_1635 = arith.mulf %parallel_loop3A_1213, %parallel_loop3A_1634 : vector<16xf32>
        %parallel_loop3A_1636 = arith.constant 6 : i32
        %parallel_loop3A_1637 = arith.addi %parallel_loop3A_1197, %parallel_loop3A_1636 : i32
        %parallel_loop3A_1638 = arith.index_cast %and3A_165 : i32 to index
        %parallel_loop3A_1639 = arith.index_cast %parallel_loop3A_1637 : i32 to index
        %parallel_loop3A_1640 = arith.constant 64 : index
        %parallel_loop3A_1641 = tpu.vector_load %arg14[%parallel_loop3A_1638, %parallel_loop3A_1639, %parallel_loop3A_1640] {strides = array<i32>} : memref<2x128x128xf32, #tpu.memory_space<vmem>>, vector<16xf32>,
        %parallel_loop3A_1642 = arith.mulf %parallel_loop3A_1217, %parallel_loop3A_1641 : vector<16xf32>
        %parallel_loop3A_1643 = arith.constant 6 : i32
        %parallel_loop3A_1644 = arith.addi %parallel_loop3A_1197, %parallel_loop3A_1643 : i32
        %parallel_loop3A_1645 = arith.index_cast %and3A_165 : i32 to index
        %parallel_loop3A_1646 = arith.index_cast %parallel_loop3A_1644 : i32 to index
        %parallel_loop3A_1647 = arith.constant 80 : index
        %parallel_loop3A_1648 = tpu.vector_load %arg14[%parallel_loop3A_1645, %parallel_loop3A_1646, %parallel_loop3A_1647] {strides = array<i32>} : memref<2x128x128xf32, #tpu.memory_space<vmem>>, vector<16xf32>,
        %parallel_loop3A_1649 = arith.mulf %parallel_loop3A_1221, %parallel_loop3A_1648 : vector<16xf32>
        %parallel_loop3A_1650 = arith.constant 6 : i32
        %parallel_loop3A_1651 = arith.addi %parallel_loop3A_1197, %parallel_loop3A_1650 : i32
        %parallel_loop3A_1652 = arith.index_cast %and3A_165 : i32 to index
        %parallel_loop3A_1653 = arith.index_cast %parallel_loop3A_1651 : i32 to index
        %parallel_loop3A_1654 = arith.constant 96 : index
        %parallel_loop3A_1655 = tpu.vector_load %arg14[%parallel_loop3A_1652, %parallel_loop3A_1653, %parallel_loop3A_1654] {strides = array<i32>} : memref<2x128x128xf32, #tpu.memory_space<vmem>>, vector<16xf32>,
        %parallel_loop3A_1656 = arith.mulf %parallel_loop3A_1225, %parallel_loop3A_1655 : vector<16xf32>
        %parallel_loop3A_1657 = arith.constant 6 : i32
        %parallel_loop3A_1658 = arith.addi %parallel_loop3A_1197, %parallel_loop3A_1657 : i32
        %parallel_loop3A_1659 = arith.index_cast %and3A_165 : i32 to index
        %parallel_loop3A_1660 = arith.index_cast %parallel_loop3A_1658 : i32 to index
        %parallel_loop3A_1661 = arith.constant 112 : index
        %parallel_loop3A_1662 = tpu.vector_load %arg14[%parallel_loop3A_1659, %parallel_loop3A_1660, %parallel_loop3A_1661] {strides = array<i32>} : memref<2x128x128xf32, #tpu.memory_space<vmem>>, vector<16xf32>,
        %parallel_loop3A_1663 = arith.mulf %parallel_loop3A_1229, %parallel_loop3A_1662 : vector<16xf32>
        %parallel_loop3A_1664 = arith.addf %parallel_loop3A_1614, %parallel_loop3A_1621 : vector<16xf32>
        %parallel_loop3A_1665 = arith.addf %parallel_loop3A_1628, %parallel_loop3A_1635 : vector<16xf32>
        %parallel_loop3A_1666 = arith.addf %parallel_loop3A_1642, %parallel_loop3A_1649 : vector<16xf32>
        %parallel_loop3A_1667 = arith.addf %parallel_loop3A_1656, %parallel_loop3A_1663 : vector<16xf32>
        %parallel_loop3A_1668 = arith.addf %parallel_loop3A_1664, %parallel_loop3A_1665 : vector<16xf32>
        %parallel_loop3A_1669 = arith.addf %parallel_loop3A_1666, %parallel_loop3A_1667 : vector<16xf32>
        %parallel_loop3A_1670 = arith.addf %parallel_loop3A_1668, %parallel_loop3A_1669 : vector<16xf32>
        %parallel_loop3A_1671 = arith.constant 7 : i32
        %parallel_loop3A_1672 = arith.addi %parallel_loop3A_1197, %parallel_loop3A_1671 : i32
        %parallel_loop3A_1673 = arith.index_cast %and3A_165 : i32 to index
        %parallel_loop3A_1674 = arith.index_cast %parallel_loop3A_1672 : i32 to index
        %parallel_loop3A_1675 = arith.constant 0 : index
        %parallel_loop3A_1676 = tpu.vector_load %arg14[%parallel_loop3A_1673, %parallel_loop3A_1674, %parallel_loop3A_1675] {strides = array<i32>} : memref<2x128x128xf32, #tpu.memory_space<vmem>>, vector<16xf32>,
        %parallel_loop3A_1677 = arith.mulf %parallel_loop3A_1201, %parallel_loop3A_1676 : vector<16xf32>
        %parallel_loop3A_1678 = arith.constant 7 : i32
        %parallel_loop3A_1679 = arith.addi %parallel_loop3A_1197, %parallel_loop3A_1678 : i32
        %parallel_loop3A_1680 = arith.index_cast %and3A_165 : i32 to index
        %parallel_loop3A_1681 = arith.index_cast %parallel_loop3A_1679 : i32 to index
        %parallel_loop3A_1682 = arith.constant 16 : index
        %parallel_loop3A_1683 = tpu.vector_load %arg14[%parallel_loop3A_1680, %parallel_loop3A_1681, %parallel_loop3A_1682] {strides = array<i32>} : memref<2x128x128xf32, #tpu.memory_space<vmem>>, vector<16xf32>,
        %parallel_loop3A_1684 = arith.mulf %parallel_loop3A_1205, %parallel_loop3A_1683 : vector<16xf32>
        %parallel_loop3A_1685 = arith.constant 7 : i32
        %parallel_loop3A_1686 = arith.addi %parallel_loop3A_1197, %parallel_loop3A_1685 : i32
        %parallel_loop3A_1687 = arith.index_cast %and3A_165 : i32 to index
        %parallel_loop3A_1688 = arith.index_cast %parallel_loop3A_1686 : i32 to index
        %parallel_loop3A_1689 = arith.constant 32 : index
        %parallel_loop3A_1690 = tpu.vector_load %arg14[%parallel_loop3A_1687, %parallel_loop3A_1688, %parallel_loop3A_1689] {strides = array<i32>} : memref<2x128x128xf32, #tpu.memory_space<vmem>>, vector<16xf32>,
        %parallel_loop3A_1691 = arith.mulf %parallel_loop3A_1209, %parallel_loop3A_1690 : vector<16xf32>
        %parallel_loop3A_1692 = arith.constant 7 : i32
        %parallel_loop3A_1693 = arith.addi %parallel_loop3A_1197, %parallel_loop3A_1692 : i32
        %parallel_loop3A_1694 = arith.index_cast %and3A_165 : i32 to index
        %parallel_loop3A_1695 = arith.index_cast %parallel_loop3A_1693 : i32 to index
        %parallel_loop3A_1696 = arith.constant 48 : index
        %parallel_loop3A_1697 = tpu.vector_load %arg14[%parallel_loop3A_1694, %parallel_loop3A_1695, %parallel_loop3A_1696] {strides = array<i32>} : memref<2x128x128xf32, #tpu.memory_space<vmem>>, vector<16xf32>,
        %parallel_loop3A_1698 = arith.mulf %parallel_loop3A_1213, %parallel_loop3A_1697 : vector<16xf32>
        %parallel_loop3A_1699 = arith.constant 7 : i32
        %parallel_loop3A_1700 = arith.addi %parallel_loop3A_1197, %parallel_loop3A_1699 : i32
        %parallel_loop3A_1701 = arith.index_cast %and3A_165 : i32 to index
        %parallel_loop3A_1702 = arith.index_cast %parallel_loop3A_1700 : i32 to index
        %parallel_loop3A_1703 = arith.constant 64 : index
        %parallel_loop3A_1704 = tpu.vector_load %arg14[%parallel_loop3A_1701, %parallel_loop3A_1702, %parallel_loop3A_1703] {strides = array<i32>} : memref<2x128x128xf32, #tpu.memory_space<vmem>>, vector<16xf32>,
        %parallel_loop3A_1705 = arith.mulf %parallel_loop3A_1217, %parallel_loop3A_1704 : vector<16xf32>
        %parallel_loop3A_1706 = arith.constant 7 : i32
        %parallel_loop3A_1707 = arith.addi %parallel_loop3A_1197, %parallel_loop3A_1706 : i32
        %parallel_loop3A_1708 = arith.index_cast %and3A_165 : i32 to index
        %parallel_loop3A_1709 = arith.index_cast %parallel_loop3A_1707 : i32 to index
        %parallel_loop3A_1710 = arith.constant 80 : index
        %parallel_loop3A_1711 = tpu.vector_load %arg14[%parallel_loop3A_1708, %parallel_loop3A_1709, %parallel_loop3A_1710] {strides = array<i32>} : memref<2x128x128xf32, #tpu.memory_space<vmem>>, vector<16xf32>,
        %parallel_loop3A_1712 = arith.mulf %parallel_loop3A_1221, %parallel_loop3A_1711 : vector<16xf32>
        %parallel_loop3A_1713 = arith.constant 7 : i32
        %parallel_loop3A_1714 = arith.addi %parallel_loop3A_1197, %parallel_loop3A_1713 : i32
        %parallel_loop3A_1715 = arith.index_cast %and3A_165 : i32 to index
        %parallel_loop3A_1716 = arith.index_cast %parallel_loop3A_1714 : i32 to index
        %parallel_loop3A_1717 = arith.constant 96 : index
        %parallel_loop3A_1718 = tpu.vector_load %arg14[%parallel_loop3A_1715, %parallel_loop3A_1716, %parallel_loop3A_1717] {strides = array<i32>} : memref<2x128x128xf32, #tpu.memory_space<vmem>>, vector<16xf32>,
        %parallel_loop3A_1719 = arith.mulf %parallel_loop3A_1225, %parallel_loop3A_1718 : vector<16xf32>
        %parallel_loop3A_1720 = arith.constant 7 : i32
        %parallel_loop3A_1721 = arith.addi %parallel_loop3A_1197, %parallel_loop3A_1720 : i32
        %parallel_loop3A_1722 = arith.index_cast %and3A_165 : i32 to index
        %parallel_loop3A_1723 = arith.index_cast %parallel_loop3A_1721 : i32 to index
        %parallel_loop3A_1724 = arith.constant 112 : index
        %parallel_loop3A_1725 = tpu.vector_load %arg14[%parallel_loop3A_1722, %parallel_loop3A_1723, %parallel_loop3A_1724] {strides = array<i32>} : memref<2x128x128xf32, #tpu.memory_space<vmem>>, vector<16xf32>,
        %parallel_loop3A_1726 = arith.mulf %parallel_loop3A_1229, %parallel_loop3A_1725 : vector<16xf32>
        %parallel_loop3A_1727 = arith.addf %parallel_loop3A_1677, %parallel_loop3A_1684 : vector<16xf32>
        %parallel_loop3A_1728 = arith.addf %parallel_loop3A_1691, %parallel_loop3A_1698 : vector<16xf32>
        %parallel_loop3A_1729 = arith.addf %parallel_loop3A_1705, %parallel_loop3A_1712 : vector<16xf32>
        %parallel_loop3A_1730 = arith.addf %parallel_loop3A_1719, %parallel_loop3A_1726 : vector<16xf32>
        %parallel_loop3A_1731 = arith.addf %parallel_loop3A_1727, %parallel_loop3A_1728 : vector<16xf32>
        %parallel_loop3A_1732 = arith.addf %parallel_loop3A_1729, %parallel_loop3A_1730 : vector<16xf32>
        %parallel_loop3A_1733 = arith.addf %parallel_loop3A_1731, %parallel_loop3A_1732 : vector<16xf32>
        %parallel_loop3A_1734 = tpu.iota {dimensions = array<i32: 0>} : vector<16xi32>
        %parallel_loop3A_1735 = arith.constant 1 : i32
        %parallel_loop3A_1736 = vector.broadcast %parallel_loop3A_1735 : i32 to vector<16xi32>
        %parallel_loop3A_1737 = arith.andi %parallel_loop3A_1734, %parallel_loop3A_1736 : vector<16xi32>
        %parallel_loop3A_1738 = arith.constant 0 : i32
        %parallel_loop3A_1739 = vector.broadcast %parallel_loop3A_1738 : i32 to vector<16xi32>
        %parallel_loop3A_1740 = arith.cmpi ne, %parallel_loop3A_1737, %parallel_loop3A_1739 : vector<16xi32>
        %parallel_loop3A_1741 = arith.select %parallel_loop3A_1740, %parallel_loop3A_813, %parallel_loop3A_750 : vector<16xi1>, vector<16xf32>
        %parallel_loop3A_1742 = arith.select %parallel_loop3A_1740, %parallel_loop3A_750, %parallel_loop3A_813 : vector<16xi1>, vector<16xf32>
        %parallel_loop3A_1743 = tpu.iota {dimensions = array<i32: 0>} : vector<16xi32>
        %parallel_loop3A_1744 = arith.constant 1 : i32
        %parallel_loop3A_1745 = vector.broadcast %parallel_loop3A_1744 : i32 to vector<16xi32>
        %parallel_loop3A_1746 = arith.xori %parallel_loop3A_1743, %parallel_loop3A_1745 : vector<16xi32>
        %parallel_loop3A_1747 = arith.constant 0 : i32
        %parallel_loop3A_1748 = vector.broadcast %parallel_loop3A_1747 : i32 to vector<16xi32>
        %parallel_loop3A_1749 = arith.cmpi slt, %parallel_loop3A_1746, %parallel_loop3A_1748 : vector<16xi32>
        %parallel_loop3A_1750 = arith.constant 16 : i32
        %parallel_loop3A_1751 = vector.broadcast %parallel_loop3A_1750 : i32 to vector<16xi32>
        %parallel_loop3A_1752 = arith.addi %parallel_loop3A_1746, %parallel_loop3A_1751 : vector<16xi32>
        %parallel_loop3A_1753 = arith.select %parallel_loop3A_1749, %parallel_loop3A_1752, %parallel_loop3A_1746 : vector<16xi1>, vector<16xi32>
        %parallel_loop3A_1754 = vector.shape_cast %parallel_loop3A_1753 : vector<16xi32> to vector<16x1xi32>
        %parallel_loop3A_1755 = vector.shape_cast %parallel_loop3A_1754 : vector<16x1xi32> to vector<16xi32>
        %parallel_loop3A_1756 = tpu.dynamic_gather %parallel_loop3A_1742[%parallel_loop3A_1755] in [0] : vector<16xf32>, vector<16xi32> -> vector<16xf32>
        %parallel_loop3A_1757 = arith.addf %parallel_loop3A_1741, %parallel_loop3A_1756 : vector<16xf32>
        %parallel_loop3A_1758 = arith.select %parallel_loop3A_1740, %parallel_loop3A_939, %parallel_loop3A_876 : vector<16xi1>, vector<16xf32>
        %parallel_loop3A_1759 = arith.select %parallel_loop3A_1740, %parallel_loop3A_876, %parallel_loop3A_939 : vector<16xi1>, vector<16xf32>
        %parallel_loop3A_1760 = tpu.iota {dimensions = array<i32: 0>} : vector<16xi32>
        %parallel_loop3A_1761 = arith.constant 1 : i32
        %parallel_loop3A_1762 = vector.broadcast %parallel_loop3A_1761 : i32 to vector<16xi32>
        %parallel_loop3A_1763 = arith.xori %parallel_loop3A_1760, %parallel_loop3A_1762 : vector<16xi32>
        %parallel_loop3A_1764 = arith.constant 0 : i32
        %parallel_loop3A_1765 = vector.broadcast %parallel_loop3A_1764 : i32 to vector<16xi32>
        %parallel_loop3A_1766 = arith.cmpi slt, %parallel_loop3A_1763, %parallel_loop3A_1765 : vector<16xi32>
        %parallel_loop3A_1767 = arith.constant 16 : i32
        %parallel_loop3A_1768 = vector.broadcast %parallel_loop3A_1767 : i32 to vector<16xi32>
        %parallel_loop3A_1769 = arith.addi %parallel_loop3A_1763, %parallel_loop3A_1768 : vector<16xi32>
        %parallel_loop3A_1770 = arith.select %parallel_loop3A_1766, %parallel_loop3A_1769, %parallel_loop3A_1763 : vector<16xi1>, vector<16xi32>
        %parallel_loop3A_1771 = vector.shape_cast %parallel_loop3A_1770 : vector<16xi32> to vector<16x1xi32>
        %parallel_loop3A_1772 = vector.shape_cast %parallel_loop3A_1771 : vector<16x1xi32> to vector<16xi32>
        %parallel_loop3A_1773 = tpu.dynamic_gather %parallel_loop3A_1759[%parallel_loop3A_1772] in [0] : vector<16xf32>, vector<16xi32> -> vector<16xf32>
        %parallel_loop3A_1774 = arith.addf %parallel_loop3A_1758, %parallel_loop3A_1773 : vector<16xf32>
        %parallel_loop3A_1775 = arith.select %parallel_loop3A_1740, %parallel_loop3A_1065, %parallel_loop3A_1002 : vector<16xi1>, vector<16xf32>
        %parallel_loop3A_1776 = arith.select %parallel_loop3A_1740, %parallel_loop3A_1002, %parallel_loop3A_1065 : vector<16xi1>, vector<16xf32>
        %parallel_loop3A_1777 = tpu.iota {dimensions = array<i32: 0>} : vector<16xi32>
        %parallel_loop3A_1778 = arith.constant 1 : i32
        %parallel_loop3A_1779 = vector.broadcast %parallel_loop3A_1778 : i32 to vector<16xi32>
        %parallel_loop3A_1780 = arith.xori %parallel_loop3A_1777, %parallel_loop3A_1779 : vector<16xi32>
        %parallel_loop3A_1781 = arith.constant 0 : i32
        %parallel_loop3A_1782 = vector.broadcast %parallel_loop3A_1781 : i32 to vector<16xi32>
        %parallel_loop3A_1783 = arith.cmpi slt, %parallel_loop3A_1780, %parallel_loop3A_1782 : vector<16xi32>
        %parallel_loop3A_1784 = arith.constant 16 : i32
        %parallel_loop3A_1785 = vector.broadcast %parallel_loop3A_1784 : i32 to vector<16xi32>
        %parallel_loop3A_1786 = arith.addi %parallel_loop3A_1780, %parallel_loop3A_1785 : vector<16xi32>
        %parallel_loop3A_1787 = arith.select %parallel_loop3A_1783, %parallel_loop3A_1786, %parallel_loop3A_1780 : vector<16xi1>, vector<16xi32>
        %parallel_loop3A_1788 = vector.shape_cast %parallel_loop3A_1787 : vector<16xi32> to vector<16x1xi32>
        %parallel_loop3A_1789 = vector.shape_cast %parallel_loop3A_1788 : vector<16x1xi32> to vector<16xi32>
        %parallel_loop3A_1790 = tpu.dynamic_gather %parallel_loop3A_1776[%parallel_loop3A_1789] in [0] : vector<16xf32>, vector<16xi32> -> vector<16xf32>
        %parallel_loop3A_1791 = arith.addf %parallel_loop3A_1775, %parallel_loop3A_1790 : vector<16xf32>
        %parallel_loop3A_1792 = arith.select %parallel_loop3A_1740, %parallel_loop3A_1191, %parallel_loop3A_1128 : vector<16xi1>, vector<16xf32>
        %parallel_loop3A_1793 = arith.select %parallel_loop3A_1740, %parallel_loop3A_1128, %parallel_loop3A_1191 : vector<16xi1>, vector<16xf32>
        %parallel_loop3A_1794 = tpu.iota {dimensions = array<i32: 0>} : vector<16xi32>
        %parallel_loop3A_1795 = arith.constant 1 : i32
        %parallel_loop3A_1796 = vector.broadcast %parallel_loop3A_1795 : i32 to vector<16xi32>
        %parallel_loop3A_1797 = arith.xori %parallel_loop3A_1794, %parallel_loop3A_1796 : vector<16xi32>
        %parallel_loop3A_1798 = arith.constant 0 : i32
        %parallel_loop3A_1799 = vector.broadcast %parallel_loop3A_1798 : i32 to vector<16xi32>
        %parallel_loop3A_1800 = arith.cmpi slt, %parallel_loop3A_1797, %parallel_loop3A_1799 : vector<16xi32>
        %parallel_loop3A_1801 = arith.constant 16 : i32
        %parallel_loop3A_1802 = vector.broadcast %parallel_loop3A_1801 : i32 to vector<16xi32>
        %parallel_loop3A_1803 = arith.addi %parallel_loop3A_1797, %parallel_loop3A_1802 : vector<16xi32>
        %parallel_loop3A_1804 = arith.select %parallel_loop3A_1800, %parallel_loop3A_1803, %parallel_loop3A_1797 : vector<16xi1>, vector<16xi32>
        %parallel_loop3A_1805 = vector.shape_cast %parallel_loop3A_1804 : vector<16xi32> to vector<16x1xi32>
        %parallel_loop3A_1806 = vector.shape_cast %parallel_loop3A_1805 : vector<16x1xi32> to vector<16xi32>
        %parallel_loop3A_1807 = tpu.dynamic_gather %parallel_loop3A_1793[%parallel_loop3A_1806] in [0] : vector<16xf32>, vector<16xi32> -> vector<16xf32>
        %parallel_loop3A_1808 = arith.addf %parallel_loop3A_1792, %parallel_loop3A_1807 : vector<16xf32>
        %parallel_loop3A_1809 = arith.select %parallel_loop3A_1740, %parallel_loop3A_1355, %parallel_loop3A_1292 : vector<16xi1>, vector<16xf32>
        %parallel_loop3A_1810 = arith.select %parallel_loop3A_1740, %parallel_loop3A_1292, %parallel_loop3A_1355 : vector<16xi1>, vector<16xf32>
        %parallel_loop3A_1811 = tpu.iota {dimensions = array<i32: 0>} : vector<16xi32>
        %parallel_loop3A_1812 = arith.constant 1 : i32
        %parallel_loop3A_1813 = vector.broadcast %parallel_loop3A_1812 : i32 to vector<16xi32>
        %parallel_loop3A_1814 = arith.xori %parallel_loop3A_1811, %parallel_loop3A_1813 : vector<16xi32>
        %parallel_loop3A_1815 = arith.constant 0 : i32
        %parallel_loop3A_1816 = vector.broadcast %parallel_loop3A_1815 : i32 to vector<16xi32>
        %parallel_loop3A_1817 = arith.cmpi slt, %parallel_loop3A_1814, %parallel_loop3A_1816 : vector<16xi32>
        %parallel_loop3A_1818 = arith.constant 16 : i32
        %parallel_loop3A_1819 = vector.broadcast %parallel_loop3A_1818 : i32 to vector<16xi32>
        %parallel_loop3A_1820 = arith.addi %parallel_loop3A_1814, %parallel_loop3A_1819 : vector<16xi32>
        %parallel_loop3A_1821 = arith.select %parallel_loop3A_1817, %parallel_loop3A_1820, %parallel_loop3A_1814 : vector<16xi1>, vector<16xi32>
        %parallel_loop3A_1822 = vector.shape_cast %parallel_loop3A_1821 : vector<16xi32> to vector<16x1xi32>
        %parallel_loop3A_1823 = vector.shape_cast %parallel_loop3A_1822 : vector<16x1xi32> to vector<16xi32>
        %parallel_loop3A_1824 = tpu.dynamic_gather %parallel_loop3A_1810[%parallel_loop3A_1823] in [0] : vector<16xf32>, vector<16xi32> -> vector<16xf32>
        %parallel_loop3A_1825 = arith.addf %parallel_loop3A_1809, %parallel_loop3A_1824 : vector<16xf32>
        %parallel_loop3A_1826 = arith.select %parallel_loop3A_1740, %parallel_loop3A_1481, %parallel_loop3A_1418 : vector<16xi1>, vector<16xf32>
        %parallel_loop3A_1827 = arith.select %parallel_loop3A_1740, %parallel_loop3A_1418, %parallel_loop3A_1481 : vector<16xi1>, vector<16xf32>
        %parallel_loop3A_1828 = tpu.iota {dimensions = array<i32: 0>} : vector<16xi32>
        %parallel_loop3A_1829 = arith.constant 1 : i32
        %parallel_loop3A_1830 = vector.broadcast %parallel_loop3A_1829 : i32 to vector<16xi32>
        %parallel_loop3A_1831 = arith.xori %parallel_loop3A_1828, %parallel_loop3A_1830 : vector<16xi32>
        %parallel_loop3A_1832 = arith.constant 0 : i32
        %parallel_loop3A_1833 = vector.broadcast %parallel_loop3A_1832 : i32 to vector<16xi32>
        %parallel_loop3A_1834 = arith.cmpi slt, %parallel_loop3A_1831, %parallel_loop3A_1833 : vector<16xi32>
        %parallel_loop3A_1835 = arith.constant 16 : i32
        %parallel_loop3A_1836 = vector.broadcast %parallel_loop3A_1835 : i32 to vector<16xi32>
        %parallel_loop3A_1837 = arith.addi %parallel_loop3A_1831, %parallel_loop3A_1836 : vector<16xi32>
        %parallel_loop3A_1838 = arith.select %parallel_loop3A_1834, %parallel_loop3A_1837, %parallel_loop3A_1831 : vector<16xi1>, vector<16xi32>
        %parallel_loop3A_1839 = vector.shape_cast %parallel_loop3A_1838 : vector<16xi32> to vector<16x1xi32>
        %parallel_loop3A_1840 = vector.shape_cast %parallel_loop3A_1839 : vector<16x1xi32> to vector<16xi32>
        %parallel_loop3A_1841 = tpu.dynamic_gather %parallel_loop3A_1827[%parallel_loop3A_1840] in [0] : vector<16xf32>, vector<16xi32> -> vector<16xf32>
        %parallel_loop3A_1842 = arith.addf %parallel_loop3A_1826, %parallel_loop3A_1841 : vector<16xf32>
        %parallel_loop3A_1843 = arith.select %parallel_loop3A_1740, %parallel_loop3A_1607, %parallel_loop3A_1544 : vector<16xi1>, vector<16xf32>
        %parallel_loop3A_1844 = arith.select %parallel_loop3A_1740, %parallel_loop3A_1544, %parallel_loop3A_1607 : vector<16xi1>, vector<16xf32>
        %parallel_loop3A_1845 = tpu.iota {dimensions = array<i32: 0>} : vector<16xi32>
        %parallel_loop3A_1846 = arith.constant 1 : i32
        %parallel_loop3A_1847 = vector.broadcast %parallel_loop3A_1846 : i32 to vector<16xi32>
        %parallel_loop3A_1848 = arith.xori %parallel_loop3A_1845, %parallel_loop3A_1847 : vector<16xi32>
        %parallel_loop3A_1849 = arith.constant 0 : i32
        %parallel_loop3A_1850 = vector.broadcast %parallel_loop3A_1849 : i32 to vector<16xi32>
        %parallel_loop3A_1851 = arith.cmpi slt, %parallel_loop3A_1848, %parallel_loop3A_1850 : vector<16xi32>
        %parallel_loop3A_1852 = arith.constant 16 : i32
        %parallel_loop3A_1853 = vector.broadcast %parallel_loop3A_1852 : i32 to vector<16xi32>
        %parallel_loop3A_1854 = arith.addi %parallel_loop3A_1848, %parallel_loop3A_1853 : vector<16xi32>
        %parallel_loop3A_1855 = arith.select %parallel_loop3A_1851, %parallel_loop3A_1854, %parallel_loop3A_1848 : vector<16xi1>, vector<16xi32>
        %parallel_loop3A_1856 = vector.shape_cast %parallel_loop3A_1855 : vector<16xi32> to vector<16x1xi32>
        %parallel_loop3A_1857 = vector.shape_cast %parallel_loop3A_1856 : vector<16x1xi32> to vector<16xi32>
        %parallel_loop3A_1858 = tpu.dynamic_gather %parallel_loop3A_1844[%parallel_loop3A_1857] in [0] : vector<16xf32>, vector<16xi32> -> vector<16xf32>
        %parallel_loop3A_1859 = arith.addf %parallel_loop3A_1843, %parallel_loop3A_1858 : vector<16xf32>
        %parallel_loop3A_1860 = arith.select %parallel_loop3A_1740, %parallel_loop3A_1733, %parallel_loop3A_1670 : vector<16xi1>, vector<16xf32>
        %parallel_loop3A_1861 = arith.select %parallel_loop3A_1740, %parallel_loop3A_1670, %parallel_loop3A_1733 : vector<16xi1>, vector<16xf32>
        %parallel_loop3A_1862 = tpu.iota {dimensions = array<i32: 0>} : vector<16xi32>
        %parallel_loop3A_1863 = arith.constant 1 : i32
        %parallel_loop3A_1864 = vector.broadcast %parallel_loop3A_1863 : i32 to vector<16xi32>
        %parallel_loop3A_1865 = arith.xori %parallel_loop3A_1862, %parallel_loop3A_1864 : vector<16xi32>
        %parallel_loop3A_1866 = arith.constant 0 : i32
        %parallel_loop3A_1867 = vector.broadcast %parallel_loop3A_1866 : i32 to vector<16xi32>
        %parallel_loop3A_1868 = arith.cmpi slt, %parallel_loop3A_1865, %parallel_loop3A_1867 : vector<16xi32>
        %parallel_loop3A_1869 = arith.constant 16 : i32
        %parallel_loop3A_1870 = vector.broadcast %parallel_loop3A_1869 : i32 to vector<16xi32>
        %parallel_loop3A_1871 = arith.addi %parallel_loop3A_1865, %parallel_loop3A_1870 : vector<16xi32>
        %parallel_loop3A_1872 = arith.select %parallel_loop3A_1868, %parallel_loop3A_1871, %parallel_loop3A_1865 : vector<16xi1>, vector<16xi32>
        %parallel_loop3A_1873 = vector.shape_cast %parallel_loop3A_1872 : vector<16xi32> to vector<16x1xi32>
        %parallel_loop3A_1874 = vector.shape_cast %parallel_loop3A_1873 : vector<16x1xi32> to vector<16xi32>
        %parallel_loop3A_1875 = tpu.dynamic_gather %parallel_loop3A_1861[%parallel_loop3A_1874] in [0] : vector<16xf32>, vector<16xi32> -> vector<16xf32>
        %parallel_loop3A_1876 = arith.addf %parallel_loop3A_1860, %parallel_loop3A_1875 : vector<16xf32>
        %parallel_loop3A_1877 = arith.constant 2 : i32
        %parallel_loop3A_1878 = vector.broadcast %parallel_loop3A_1877 : i32 to vector<16xi32>
        %parallel_loop3A_1879 = arith.andi %parallel_loop3A_1734, %parallel_loop3A_1878 : vector<16xi32>
        %parallel_loop3A_1880 = arith.constant 0 : i32
        %parallel_loop3A_1881 = vector.broadcast %parallel_loop3A_1880 : i32 to vector<16xi32>
        %parallel_loop3A_1882 = arith.cmpi ne, %parallel_loop3A_1879, %parallel_loop3A_1881 : vector<16xi32>
        %parallel_loop3A_1883 = arith.select %parallel_loop3A_1882, %parallel_loop3A_1774, %parallel_loop3A_1757 : vector<16xi1>, vector<16xf32>
        %parallel_loop3A_1884 = arith.select %parallel_loop3A_1882, %parallel_loop3A_1757, %parallel_loop3A_1774 : vector<16xi1>, vector<16xf32>
        %parallel_loop3A_1885 = tpu.iota {dimensions = array<i32: 0>} : vector<16xi32>
        %parallel_loop3A_1886 = arith.constant 2 : i32
        %parallel_loop3A_1887 = vector.broadcast %parallel_loop3A_1886 : i32 to vector<16xi32>
        %parallel_loop3A_1888 = arith.xori %parallel_loop3A_1885, %parallel_loop3A_1887 : vector<16xi32>
        %parallel_loop3A_1889 = arith.constant 0 : i32
        %parallel_loop3A_1890 = vector.broadcast %parallel_loop3A_1889 : i32 to vector<16xi32>
        %parallel_loop3A_1891 = arith.cmpi slt, %parallel_loop3A_1888, %parallel_loop3A_1890 : vector<16xi32>
        %parallel_loop3A_1892 = arith.constant 16 : i32
        %parallel_loop3A_1893 = vector.broadcast %parallel_loop3A_1892 : i32 to vector<16xi32>
        %parallel_loop3A_1894 = arith.addi %parallel_loop3A_1888, %parallel_loop3A_1893 : vector<16xi32>
        %parallel_loop3A_1895 = arith.select %parallel_loop3A_1891, %parallel_loop3A_1894, %parallel_loop3A_1888 : vector<16xi1>, vector<16xi32>
        %parallel_loop3A_1896 = vector.shape_cast %parallel_loop3A_1895 : vector<16xi32> to vector<16x1xi32>
        %parallel_loop3A_1897 = vector.shape_cast %parallel_loop3A_1896 : vector<16x1xi32> to vector<16xi32>
        %parallel_loop3A_1898 = tpu.dynamic_gather %parallel_loop3A_1884[%parallel_loop3A_1897] in [0] : vector<16xf32>, vector<16xi32> -> vector<16xf32>
        %parallel_loop3A_1899 = arith.addf %parallel_loop3A_1883, %parallel_loop3A_1898 : vector<16xf32>
        %parallel_loop3A_1900 = arith.select %parallel_loop3A_1882, %parallel_loop3A_1808, %parallel_loop3A_1791 : vector<16xi1>, vector<16xf32>
        %parallel_loop3A_1901 = arith.select %parallel_loop3A_1882, %parallel_loop3A_1791, %parallel_loop3A_1808 : vector<16xi1>, vector<16xf32>
        %parallel_loop3A_1902 = tpu.iota {dimensions = array<i32: 0>} : vector<16xi32>
        %parallel_loop3A_1903 = arith.constant 2 : i32
        %parallel_loop3A_1904 = vector.broadcast %parallel_loop3A_1903 : i32 to vector<16xi32>
        %parallel_loop3A_1905 = arith.xori %parallel_loop3A_1902, %parallel_loop3A_1904 : vector<16xi32>
        %parallel_loop3A_1906 = arith.constant 0 : i32
        %parallel_loop3A_1907 = vector.broadcast %parallel_loop3A_1906 : i32 to vector<16xi32>
        %parallel_loop3A_1908 = arith.cmpi slt, %parallel_loop3A_1905, %parallel_loop3A_1907 : vector<16xi32>
        %parallel_loop3A_1909 = arith.constant 16 : i32
        %parallel_loop3A_1910 = vector.broadcast %parallel_loop3A_1909 : i32 to vector<16xi32>
        %parallel_loop3A_1911 = arith.addi %parallel_loop3A_1905, %parallel_loop3A_1910 : vector<16xi32>
        %parallel_loop3A_1912 = arith.select %parallel_loop3A_1908, %parallel_loop3A_1911, %parallel_loop3A_1905 : vector<16xi1>, vector<16xi32>
        %parallel_loop3A_1913 = vector.shape_cast %parallel_loop3A_1912 : vector<16xi32> to vector<16x1xi32>
        %parallel_loop3A_1914 = vector.shape_cast %parallel_loop3A_1913 : vector<16x1xi32> to vector<16xi32>
        %parallel_loop3A_1915 = tpu.dynamic_gather %parallel_loop3A_1901[%parallel_loop3A_1914] in [0] : vector<16xf32>, vector<16xi32> -> vector<16xf32>
        %parallel_loop3A_1916 = arith.addf %parallel_loop3A_1900, %parallel_loop3A_1915 : vector<16xf32>
        %parallel_loop3A_1917 = arith.select %parallel_loop3A_1882, %parallel_loop3A_1842, %parallel_loop3A_1825 : vector<16xi1>, vector<16xf32>
        %parallel_loop3A_1918 = arith.select %parallel_loop3A_1882, %parallel_loop3A_1825, %parallel_loop3A_1842 : vector<16xi1>, vector<16xf32>
        %parallel_loop3A_1919 = tpu.iota {dimensions = array<i32: 0>} : vector<16xi32>
        %parallel_loop3A_1920 = arith.constant 2 : i32
        %parallel_loop3A_1921 = vector.broadcast %parallel_loop3A_1920 : i32 to vector<16xi32>
        %parallel_loop3A_1922 = arith.xori %parallel_loop3A_1919, %parallel_loop3A_1921 : vector<16xi32>
        %parallel_loop3A_1923 = arith.constant 0 : i32
        %parallel_loop3A_1924 = vector.broadcast %parallel_loop3A_1923 : i32 to vector<16xi32>
        %parallel_loop3A_1925 = arith.cmpi slt, %parallel_loop3A_1922, %parallel_loop3A_1924 : vector<16xi32>
        %parallel_loop3A_1926 = arith.constant 16 : i32
        %parallel_loop3A_1927 = vector.broadcast %parallel_loop3A_1926 : i32 to vector<16xi32>
        %parallel_loop3A_1928 = arith.addi %parallel_loop3A_1922, %parallel_loop3A_1927 : vector<16xi32>
        %parallel_loop3A_1929 = arith.select %parallel_loop3A_1925, %parallel_loop3A_1928, %parallel_loop3A_1922 : vector<16xi1>, vector<16xi32>
        %parallel_loop3A_1930 = vector.shape_cast %parallel_loop3A_1929 : vector<16xi32> to vector<16x1xi32>
        %parallel_loop3A_1931 = vector.shape_cast %parallel_loop3A_1930 : vector<16x1xi32> to vector<16xi32>
        %parallel_loop3A_1932 = tpu.dynamic_gather %parallel_loop3A_1918[%parallel_loop3A_1931] in [0] : vector<16xf32>, vector<16xi32> -> vector<16xf32>
        %parallel_loop3A_1933 = arith.addf %parallel_loop3A_1917, %parallel_loop3A_1932 : vector<16xf32>
        %parallel_loop3A_1934 = arith.select %parallel_loop3A_1882, %parallel_loop3A_1876, %parallel_loop3A_1859 : vector<16xi1>, vector<16xf32>
        %parallel_loop3A_1935 = arith.select %parallel_loop3A_1882, %parallel_loop3A_1859, %parallel_loop3A_1876 : vector<16xi1>, vector<16xf32>
        %parallel_loop3A_1936 = tpu.iota {dimensions = array<i32: 0>} : vector<16xi32>
        %parallel_loop3A_1937 = arith.constant 2 : i32
        %parallel_loop3A_1938 = vector.broadcast %parallel_loop3A_1937 : i32 to vector<16xi32>
        %parallel_loop3A_1939 = arith.xori %parallel_loop3A_1936, %parallel_loop3A_1938 : vector<16xi32>
        %parallel_loop3A_1940 = arith.constant 0 : i32
        %parallel_loop3A_1941 = vector.broadcast %parallel_loop3A_1940 : i32 to vector<16xi32>
        %parallel_loop3A_1942 = arith.cmpi slt, %parallel_loop3A_1939, %parallel_loop3A_1941 : vector<16xi32>
        %parallel_loop3A_1943 = arith.constant 16 : i32
        %parallel_loop3A_1944 = vector.broadcast %parallel_loop3A_1943 : i32 to vector<16xi32>
        %parallel_loop3A_1945 = arith.addi %parallel_loop3A_1939, %parallel_loop3A_1944 : vector<16xi32>
        %parallel_loop3A_1946 = arith.select %parallel_loop3A_1942, %parallel_loop3A_1945, %parallel_loop3A_1939 : vector<16xi1>, vector<16xi32>
        %parallel_loop3A_1947 = vector.shape_cast %parallel_loop3A_1946 : vector<16xi32> to vector<16x1xi32>
        %parallel_loop3A_1948 = vector.shape_cast %parallel_loop3A_1947 : vector<16x1xi32> to vector<16xi32>
        %parallel_loop3A_1949 = tpu.dynamic_gather %parallel_loop3A_1935[%parallel_loop3A_1948] in [0] : vector<16xf32>, vector<16xi32> -> vector<16xf32>
        %parallel_loop3A_1950 = arith.addf %parallel_loop3A_1934, %parallel_loop3A_1949 : vector<16xf32>
        %parallel_loop3A_1951 = arith.constant 4 : i32
        %parallel_loop3A_1952 = vector.broadcast %parallel_loop3A_1951 : i32 to vector<16xi32>
        %parallel_loop3A_1953 = arith.andi %parallel_loop3A_1734, %parallel_loop3A_1952 : vector<16xi32>
        %parallel_loop3A_1954 = arith.constant 0 : i32
        %parallel_loop3A_1955 = vector.broadcast %parallel_loop3A_1954 : i32 to vector<16xi32>
        %parallel_loop3A_1956 = arith.cmpi ne, %parallel_loop3A_1953, %parallel_loop3A_1955 : vector<16xi32>
        %parallel_loop3A_1957 = arith.select %parallel_loop3A_1956, %parallel_loop3A_1916, %parallel_loop3A_1899 : vector<16xi1>, vector<16xf32>
        %parallel_loop3A_1958 = arith.select %parallel_loop3A_1956, %parallel_loop3A_1899, %parallel_loop3A_1916 : vector<16xi1>, vector<16xf32>
        %parallel_loop3A_1959 = tpu.iota {dimensions = array<i32: 0>} : vector<16xi32>
        %parallel_loop3A_1960 = arith.constant 4 : i32
        %parallel_loop3A_1961 = vector.broadcast %parallel_loop3A_1960 : i32 to vector<16xi32>
        %parallel_loop3A_1962 = arith.xori %parallel_loop3A_1959, %parallel_loop3A_1961 : vector<16xi32>
        %parallel_loop3A_1963 = arith.constant 0 : i32
        %parallel_loop3A_1964 = vector.broadcast %parallel_loop3A_1963 : i32 to vector<16xi32>
        %parallel_loop3A_1965 = arith.cmpi slt, %parallel_loop3A_1962, %parallel_loop3A_1964 : vector<16xi32>
        %parallel_loop3A_1966 = arith.constant 16 : i32
        %parallel_loop3A_1967 = vector.broadcast %parallel_loop3A_1966 : i32 to vector<16xi32>
        %parallel_loop3A_1968 = arith.addi %parallel_loop3A_1962, %parallel_loop3A_1967 : vector<16xi32>
        %parallel_loop3A_1969 = arith.select %parallel_loop3A_1965, %parallel_loop3A_1968, %parallel_loop3A_1962 : vector<16xi1>, vector<16xi32>
        %parallel_loop3A_1970 = vector.shape_cast %parallel_loop3A_1969 : vector<16xi32> to vector<16x1xi32>
        %parallel_loop3A_1971 = vector.shape_cast %parallel_loop3A_1970 : vector<16x1xi32> to vector<16xi32>
        %parallel_loop3A_1972 = tpu.dynamic_gather %parallel_loop3A_1958[%parallel_loop3A_1971] in [0] : vector<16xf32>, vector<16xi32> -> vector<16xf32>
        %parallel_loop3A_1973 = arith.addf %parallel_loop3A_1957, %parallel_loop3A_1972 : vector<16xf32>
        %parallel_loop3A_1974 = arith.select %parallel_loop3A_1956, %parallel_loop3A_1950, %parallel_loop3A_1933 : vector<16xi1>, vector<16xf32>
        %parallel_loop3A_1975 = arith.select %parallel_loop3A_1956, %parallel_loop3A_1933, %parallel_loop3A_1950 : vector<16xi1>, vector<16xf32>
        %parallel_loop3A_1976 = tpu.iota {dimensions = array<i32: 0>} : vector<16xi32>
        %parallel_loop3A_1977 = arith.constant 4 : i32
        %parallel_loop3A_1978 = vector.broadcast %parallel_loop3A_1977 : i32 to vector<16xi32>
        %parallel_loop3A_1979 = arith.xori %parallel_loop3A_1976, %parallel_loop3A_1978 : vector<16xi32>
        %parallel_loop3A_1980 = arith.constant 0 : i32
        %parallel_loop3A_1981 = vector.broadcast %parallel_loop3A_1980 : i32 to vector<16xi32>
        %parallel_loop3A_1982 = arith.cmpi slt, %parallel_loop3A_1979, %parallel_loop3A_1981 : vector<16xi32>
        %parallel_loop3A_1983 = arith.constant 16 : i32
        %parallel_loop3A_1984 = vector.broadcast %parallel_loop3A_1983 : i32 to vector<16xi32>
        %parallel_loop3A_1985 = arith.addi %parallel_loop3A_1979, %parallel_loop3A_1984 : vector<16xi32>
        %parallel_loop3A_1986 = arith.select %parallel_loop3A_1982, %parallel_loop3A_1985, %parallel_loop3A_1979 : vector<16xi1>, vector<16xi32>
        %parallel_loop3A_1987 = vector.shape_cast %parallel_loop3A_1986 : vector<16xi32> to vector<16x1xi32>
        %parallel_loop3A_1988 = vector.shape_cast %parallel_loop3A_1987 : vector<16x1xi32> to vector<16xi32>
        %parallel_loop3A_1989 = tpu.dynamic_gather %parallel_loop3A_1975[%parallel_loop3A_1988] in [0] : vector<16xf32>, vector<16xi32> -> vector<16xf32>
        %parallel_loop3A_1990 = arith.addf %parallel_loop3A_1974, %parallel_loop3A_1989 : vector<16xf32>
        %parallel_loop3A_1991 = arith.constant 8 : i32
        %parallel_loop3A_1992 = vector.broadcast %parallel_loop3A_1991 : i32 to vector<16xi32>
        %parallel_loop3A_1993 = arith.andi %parallel_loop3A_1734, %parallel_loop3A_1992 : vector<16xi32>
        %parallel_loop3A_1994 = arith.constant 0 : i32
        %parallel_loop3A_1995 = vector.broadcast %parallel_loop3A_1994 : i32 to vector<16xi32>
        %parallel_loop3A_1996 = arith.cmpi ne, %parallel_loop3A_1993, %parallel_loop3A_1995 : vector<16xi32>
        %parallel_loop3A_1997 = arith.select %parallel_loop3A_1996, %parallel_loop3A_1990, %parallel_loop3A_1973 : vector<16xi1>, vector<16xf32>
        %parallel_loop3A_1998 = arith.select %parallel_loop3A_1996, %parallel_loop3A_1973, %parallel_loop3A_1990 : vector<16xi1>, vector<16xf32>
        %parallel_loop3A_1999 = tpu.iota {dimensions = array<i32: 0>} : vector<16xi32>
        %parallel_loop3A_2000 = arith.constant 8 : i32
        %parallel_loop3A_2001 = vector.broadcast %parallel_loop3A_2000 : i32 to vector<16xi32>
        %parallel_loop3A_2002 = arith.xori %parallel_loop3A_1999, %parallel_loop3A_2001 : vector<16xi32>
        %parallel_loop3A_2003 = arith.constant 0 : i32
        %parallel_loop3A_2004 = vector.broadcast %parallel_loop3A_2003 : i32 to vector<16xi32>
        %parallel_loop3A_2005 = arith.cmpi slt, %parallel_loop3A_2002, %parallel_loop3A_2004 : vector<16xi32>
        %parallel_loop3A_2006 = arith.constant 16 : i32
        %parallel_loop3A_2007 = vector.broadcast %parallel_loop3A_2006 : i32 to vector<16xi32>
        %parallel_loop3A_2008 = arith.addi %parallel_loop3A_2002, %parallel_loop3A_2007 : vector<16xi32>
        %parallel_loop3A_2009 = arith.select %parallel_loop3A_2005, %parallel_loop3A_2008, %parallel_loop3A_2002 : vector<16xi1>, vector<16xi32>
        %parallel_loop3A_2010 = vector.shape_cast %parallel_loop3A_2009 : vector<16xi32> to vector<16x1xi32>
        %parallel_loop3A_2011 = vector.shape_cast %parallel_loop3A_2010 : vector<16x1xi32> to vector<16xi32>
        %parallel_loop3A_2012 = tpu.dynamic_gather %parallel_loop3A_1998[%parallel_loop3A_2011] in [0] : vector<16xf32>, vector<16xi32> -> vector<16xf32>
        %parallel_loop3A_2013 = arith.addf %parallel_loop3A_1997, %parallel_loop3A_2012 : vector<16xf32>
        %parallel_loop3A_2014 = arith.constant 16 : i32
        %parallel_loop3A_2015 = arith.muli %parallel_loop3A_649, %parallel_loop3A_2014 : i32
        %parallel_loop3A_2016 = arith.index_cast %parallel_loop3A_2015 : i32 to index
        %parallel_loop3A_2017 = tpu.vector_load %arg16[%parallel_loop3A_2016] {strides = array<i32>} : memref<128xf32, #tpu.memory_space<vmem>>, vector<16xf32>,
        tpu.vector_store %arg16[%parallel_loop3A_2016], %parallel_loop3A_2013 {strides = array<i32>} : memref<128xf32, #tpu.memory_space<vmem>>, vector<16xf32>,
      } {sc.loop_unroll_factor = 2 : i64, sc.parallel_access}
      %get3A = arith.constant 0 : index
      %get3A_218 = tpu.vector_load %arg16[%get3A] {strides = array<i32>} : memref<128xf32, #tpu.memory_space<vmem>>, vector<16xf32>,
      %exp3A = math.exp %get3A_218 : vector<16xf32>
      %iota3A_219 = tpu.iota {dimensions = array<i32: 0>} : vector<16xi32>
      %xor3A = arith.constant 1 : i32
      %xor3A_220 = vector.broadcast %xor3A : i32 to vector<16xi32>
      %xor3A_221 = arith.xori %iota3A_219, %xor3A_220 : vector<16xi32>
      %lt3A_222 = arith.constant 0 : i32
      %lt3A_223 = vector.broadcast %lt3A_222 : i32 to vector<16xi32>
      %lt3A_224 = arith.cmpi slt, %xor3A_221, %lt3A_223 : vector<16xi32>
      %add3A_225 = arith.constant 16 : i32
      %add3A_226 = vector.broadcast %add3A_225 : i32 to vector<16xi32>
      %add3A_227 = arith.addi %xor3A_221, %add3A_226 : vector<16xi32>
      %select_n3A = arith.select %lt3A_224, %add3A_227, %xor3A_221 : vector<16xi1>, vector<16xi32>
      %reshape3A = vector.shape_cast %select_n3A : vector<16xi32> to vector<16x1xi32>
      %gather3A = vector.shape_cast %reshape3A : vector<16x1xi32> to vector<16xi32>
      %gather3A_228 = tpu.dynamic_gather %exp3A[%gather3A] in [0] : vector<16xf32>, vector<16xi32> -> vector<16xf32>
      %add3A_229 = arith.addf %exp3A, %gather3A_228 : vector<16xf32>
      %iota3A_230 = tpu.iota {dimensions = array<i32: 0>} : vector<16xi32>
      %xor3A_231 = arith.constant 2 : i32
      %xor3A_232 = vector.broadcast %xor3A_231 : i32 to vector<16xi32>
      %xor3A_233 = arith.xori %iota3A_230, %xor3A_232 : vector<16xi32>
      %lt3A_234 = arith.constant 0 : i32
      %lt3A_235 = vector.broadcast %lt3A_234 : i32 to vector<16xi32>
      %lt3A_236 = arith.cmpi slt, %xor3A_233, %lt3A_235 : vector<16xi32>
      %add3A_237 = arith.constant 16 : i32
      %add3A_238 = vector.broadcast %add3A_237 : i32 to vector<16xi32>
      %add3A_239 = arith.addi %xor3A_233, %add3A_238 : vector<16xi32>
      %select_n3A_240 = arith.select %lt3A_236, %add3A_239, %xor3A_233 : vector<16xi1>, vector<16xi32>
      %reshape3A_241 = vector.shape_cast %select_n3A_240 : vector<16xi32> to vector<16x1xi32>
      %gather3A_242 = vector.shape_cast %reshape3A_241 : vector<16x1xi32> to vector<16xi32>
      %gather3A_243 = tpu.dynamic_gather %add3A_229[%gather3A_242] in [0] : vector<16xf32>, vector<16xi32> -> vector<16xf32>
      %add3A_244 = arith.addf %add3A_229, %gather3A_243 : vector<16xf32>
      %iota3A_245 = tpu.iota {dimensions = array<i32: 0>} : vector<16xi32>
      %xor3A_246 = arith.constant 4 : i32
      %xor3A_247 = vector.broadcast %xor3A_246 : i32 to vector<16xi32>
      %xor3A_248 = arith.xori %iota3A_245, %xor3A_247 : vector<16xi32>
      %lt3A_249 = arith.constant 0 : i32
      %lt3A_250 = vector.broadcast %lt3A_249 : i32 to vector<16xi32>
      %lt3A_251 = arith.cmpi slt, %xor3A_248, %lt3A_250 : vector<16xi32>
      %add3A_252 = arith.constant 16 : i32
      %add3A_253 = vector.broadcast %add3A_252 : i32 to vector<16xi32>
      %add3A_254 = arith.addi %xor3A_248, %add3A_253 : vector<16xi32>
      %select_n3A_255 = arith.select %lt3A_251, %add3A_254, %xor3A_248 : vector<16xi1>, vector<16xi32>
      %reshape3A_256 = vector.shape_cast %select_n3A_255 : vector<16xi32> to vector<16x1xi32>
      %gather3A_257 = vector.shape_cast %reshape3A_256 : vector<16x1xi32> to vector<16xi32>
      %gather3A_258 = tpu.dynamic_gather %add3A_244[%gather3A_257] in [0] : vector<16xf32>, vector<16xi32> -> vector<16xf32>
      %add3A_259 = arith.addf %add3A_244, %gather3A_258 : vector<16xf32>
      %div3A = arith.divf %exp3A, %add3A_259 : vector<16xf32>
      %swap3A = arith.constant 0 : index
      %swap3A_260 = tpu.vector_load %arg17[%swap3A] {strides = array<i32>} : memref<128xf32, #tpu.memory_space<vmem>>, vector<16xf32>,
      tpu.vector_store %arg17[%swap3A], %div3A {strides = array<i32>} : memref<128xf32, #tpu.memory_space<vmem>>, vector<16xf32>,
      %get3A_261 = arith.constant 16 : index
      %get3A_262 = tpu.vector_load %arg16[%get3A_261] {strides = array<i32>} : memref<128xf32, #tpu.memory_space<vmem>>, vector<16xf32>,
      %exp3A_263 = math.exp %get3A_262 : vector<16xf32>
      %iota3A_264 = tpu.iota {dimensions = array<i32: 0>} : vector<16xi32>
      %xor3A_265 = arith.constant 1 : i32
      %xor3A_266 = vector.broadcast %xor3A_265 : i32 to vector<16xi32>
      %xor3A_267 = arith.xori %iota3A_264, %xor3A_266 : vector<16xi32>
      %lt3A_268 = arith.constant 0 : i32
      %lt3A_269 = vector.broadcast %lt3A_268 : i32 to vector<16xi32>
      %lt3A_270 = arith.cmpi slt, %xor3A_267, %lt3A_269 : vector<16xi32>
      %add3A_271 = arith.constant 16 : i32
      %add3A_272 = vector.broadcast %add3A_271 : i32 to vector<16xi32>
      %add3A_273 = arith.addi %xor3A_267, %add3A_272 : vector<16xi32>
      %select_n3A_274 = arith.select %lt3A_270, %add3A_273, %xor3A_267 : vector<16xi1>, vector<16xi32>
      %reshape3A_275 = vector.shape_cast %select_n3A_274 : vector<16xi32> to vector<16x1xi32>
      %gather3A_276 = vector.shape_cast %reshape3A_275 : vector<16x1xi32> to vector<16xi32>
      %gather3A_277 = tpu.dynamic_gather %exp3A_263[%gather3A_276] in [0] : vector<16xf32>, vector<16xi32> -> vector<16xf32>
      %add3A_278 = arith.addf %exp3A_263, %gather3A_277 : vector<16xf32>
      %iota3A_279 = tpu.iota {dimensions = array<i32: 0>} : vector<16xi32>
      %xor3A_280 = arith.constant 2 : i32
      %xor3A_281 = vector.broadcast %xor3A_280 : i32 to vector<16xi32>
      %xor3A_282 = arith.xori %iota3A_279, %xor3A_281 : vector<16xi32>
      %lt3A_283 = arith.constant 0 : i32
      %lt3A_284 = vector.broadcast %lt3A_283 : i32 to vector<16xi32>
      %lt3A_285 = arith.cmpi slt, %xor3A_282, %lt3A_284 : vector<16xi32>
      %add3A_286 = arith.constant 16 : i32
      %add3A_287 = vector.broadcast %add3A_286 : i32 to vector<16xi32>
      %add3A_288 = arith.addi %xor3A_282, %add3A_287 : vector<16xi32>
      %select_n3A_289 = arith.select %lt3A_285, %add3A_288, %xor3A_282 : vector<16xi1>, vector<16xi32>
      %reshape3A_290 = vector.shape_cast %select_n3A_289 : vector<16xi32> to vector<16x1xi32>
      %gather3A_291 = vector.shape_cast %reshape3A_290 : vector<16x1xi32> to vector<16xi32>
      %gather3A_292 = tpu.dynamic_gather %add3A_278[%gather3A_291] in [0] : vector<16xf32>, vector<16xi32> -> vector<16xf32>
      %add3A_293 = arith.addf %add3A_278, %gather3A_292 : vector<16xf32>
      %iota3A_294 = tpu.iota {dimensions = array<i32: 0>} : vector<16xi32>
      %xor3A_295 = arith.constant 4 : i32
      %xor3A_296 = vector.broadcast %xor3A_295 : i32 to vector<16xi32>
      %xor3A_297 = arith.xori %iota3A_294, %xor3A_296 : vector<16xi32>
      %lt3A_298 = arith.constant 0 : i32
      %lt3A_299 = vector.broadcast %lt3A_298 : i32 to vector<16xi32>
      %lt3A_300 = arith.cmpi slt, %xor3A_297, %lt3A_299 : vector<16xi32>
      %add3A_301 = arith.constant 16 : i32
      %add3A_302 = vector.broadcast %add3A_301 : i32 to vector<16xi32>
      %add3A_303 = arith.addi %xor3A_297, %add3A_302 : vector<16xi32>
      %select_n3A_304 = arith.select %lt3A_300, %add3A_303, %xor3A_297 : vector<16xi1>, vector<16xi32>
      %reshape3A_305 = vector.shape_cast %select_n3A_304 : vector<16xi32> to vector<16x1xi32>
      %gather3A_306 = vector.shape_cast %reshape3A_305 : vector<16x1xi32> to vector<16xi32>
      %gather3A_307 = tpu.dynamic_gather %add3A_293[%gather3A_306] in [0] : vector<16xf32>, vector<16xi32> -> vector<16xf32>
      %add3A_308 = arith.addf %add3A_293, %gather3A_307 : vector<16xf32>
      %div3A_309 = arith.divf %exp3A_263, %add3A_308 : vector<16xf32>
      %swap3A_310 = arith.constant 16 : index
      %swap3A_311 = tpu.vector_load %arg17[%swap3A_310] {strides = array<i32>} : memref<128xf32, #tpu.memory_space<vmem>>, vector<16xf32>,
      tpu.vector_store %arg17[%swap3A_310], %div3A_309 {strides = array<i32>} : memref<128xf32, #tpu.memory_space<vmem>>, vector<16xf32>,
      %get3A_312 = arith.constant 32 : index
      %get3A_313 = tpu.vector_load %arg16[%get3A_312] {strides = array<i32>} : memref<128xf32, #tpu.memory_space<vmem>>, vector<16xf32>,
      %exp3A_314 = math.exp %get3A_313 : vector<16xf32>
      %iota3A_315 = tpu.iota {dimensions = array<i32: 0>} : vector<16xi32>
      %xor3A_316 = arith.constant 1 : i32
      %xor3A_317 = vector.broadcast %xor3A_316 : i32 to vector<16xi32>
      %xor3A_318 = arith.xori %iota3A_315, %xor3A_317 : vector<16xi32>
      %lt3A_319 = arith.constant 0 : i32
      %lt3A_320 = vector.broadcast %lt3A_319 : i32 to vector<16xi32>
      %lt3A_321 = arith.cmpi slt, %xor3A_318, %lt3A_320 : vector<16xi32>
      %add3A_322 = arith.constant 16 : i32
      %add3A_323 = vector.broadcast %add3A_322 : i32 to vector<16xi32>
      %add3A_324 = arith.addi %xor3A_318, %add3A_323 : vector<16xi32>
      %select_n3A_325 = arith.select %lt3A_321, %add3A_324, %xor3A_318 : vector<16xi1>, vector<16xi32>
      %reshape3A_326 = vector.shape_cast %select_n3A_325 : vector<16xi32> to vector<16x1xi32>
      %gather3A_327 = vector.shape_cast %reshape3A_326 : vector<16x1xi32> to vector<16xi32>
      %gather3A_328 = tpu.dynamic_gather %exp3A_314[%gather3A_327] in [0] : vector<16xf32>, vector<16xi32> -> vector<16xf32>
      %add3A_329 = arith.addf %exp3A_314, %gather3A_328 : vector<16xf32>
      %iota3A_330 = tpu.iota {dimensions = array<i32: 0>} : vector<16xi32>
      %xor3A_331 = arith.constant 2 : i32
      %xor3A_332 = vector.broadcast %xor3A_331 : i32 to vector<16xi32>
      %xor3A_333 = arith.xori %iota3A_330, %xor3A_332 : vector<16xi32>
      %lt3A_334 = arith.constant 0 : i32
      %lt3A_335 = vector.broadcast %lt3A_334 : i32 to vector<16xi32>
      %lt3A_336 = arith.cmpi slt, %xor3A_333, %lt3A_335 : vector<16xi32>
      %add3A_337 = arith.constant 16 : i32
      %add3A_338 = vector.broadcast %add3A_337 : i32 to vector<16xi32>
      %add3A_339 = arith.addi %xor3A_333, %add3A_338 : vector<16xi32>
      %select_n3A_340 = arith.select %lt3A_336, %add3A_339, %xor3A_333 : vector<16xi1>, vector<16xi32>
      %reshape3A_341 = vector.shape_cast %select_n3A_340 : vector<16xi32> to vector<16x1xi32>
      %gather3A_342 = vector.shape_cast %reshape3A_341 : vector<16x1xi32> to vector<16xi32>
      %gather3A_343 = tpu.dynamic_gather %add3A_329[%gather3A_342] in [0] : vector<16xf32>, vector<16xi32> -> vector<16xf32>
      %add3A_344 = arith.addf %add3A_329, %gather3A_343 : vector<16xf32>
      %iota3A_345 = tpu.iota {dimensions = array<i32: 0>} : vector<16xi32>
      %xor3A_346 = arith.constant 4 : i32
      %xor3A_347 = vector.broadcast %xor3A_346 : i32 to vector<16xi32>
      %xor3A_348 = arith.xori %iota3A_345, %xor3A_347 : vector<16xi32>
      %lt3A_349 = arith.constant 0 : i32
      %lt3A_350 = vector.broadcast %lt3A_349 : i32 to vector<16xi32>
      %lt3A_351 = arith.cmpi slt, %xor3A_348, %lt3A_350 : vector<16xi32>
      %add3A_352 = arith.constant 16 : i32
      %add3A_353 = vector.broadcast %add3A_352 : i32 to vector<16xi32>
      %add3A_354 = arith.addi %xor3A_348, %add3A_353 : vector<16xi32>
      %select_n3A_355 = arith.select %lt3A_351, %add3A_354, %xor3A_348 : vector<16xi1>, vector<16xi32>
      %reshape3A_356 = vector.shape_cast %select_n3A_355 : vector<16xi32> to vector<16x1xi32>
      %gather3A_357 = vector.shape_cast %reshape3A_356 : vector<16x1xi32> to vector<16xi32>
      %gather3A_358 = tpu.dynamic_gather %add3A_344[%gather3A_357] in [0] : vector<16xf32>, vector<16xi32> -> vector<16xf32>
      %add3A_359 = arith.addf %add3A_344, %gather3A_358 : vector<16xf32>
      %div3A_360 = arith.divf %exp3A_314, %add3A_359 : vector<16xf32>
      %swap3A_361 = arith.constant 32 : index
      %swap3A_362 = tpu.vector_load %arg17[%swap3A_361] {strides = array<i32>} : memref<128xf32, #tpu.memory_space<vmem>>, vector<16xf32>,
      tpu.vector_store %arg17[%swap3A_361], %div3A_360 {strides = array<i32>} : memref<128xf32, #tpu.memory_space<vmem>>, vector<16xf32>,
      %get3A_363 = arith.constant 48 : index
      %get3A_364 = tpu.vector_load %arg16[%get3A_363] {strides = array<i32>} : memref<128xf32, #tpu.memory_space<vmem>>, vector<16xf32>,
      %exp3A_365 = math.exp %get3A_364 : vector<16xf32>
      %iota3A_366 = tpu.iota {dimensions = array<i32: 0>} : vector<16xi32>
      %xor3A_367 = arith.constant 1 : i32
      %xor3A_368 = vector.broadcast %xor3A_367 : i32 to vector<16xi32>
      %xor3A_369 = arith.xori %iota3A_366, %xor3A_368 : vector<16xi32>
      %lt3A_370 = arith.constant 0 : i32
      %lt3A_371 = vector.broadcast %lt3A_370 : i32 to vector<16xi32>
      %lt3A_372 = arith.cmpi slt, %xor3A_369, %lt3A_371 : vector<16xi32>
      %add3A_373 = arith.constant 16 : i32
      %add3A_374 = vector.broadcast %add3A_373 : i32 to vector<16xi32>
      %add3A_375 = arith.addi %xor3A_369, %add3A_374 : vector<16xi32>
      %select_n3A_376 = arith.select %lt3A_372, %add3A_375, %xor3A_369 : vector<16xi1>, vector<16xi32>
      %reshape3A_377 = vector.shape_cast %select_n3A_376 : vector<16xi32> to vector<16x1xi32>
      %gather3A_378 = vector.shape_cast %reshape3A_377 : vector<16x1xi32> to vector<16xi32>
      %gather3A_379 = tpu.dynamic_gather %exp3A_365[%gather3A_378] in [0] : vector<16xf32>, vector<16xi32> -> vector<16xf32>
      %add3A_380 = arith.addf %exp3A_365, %gather3A_379 : vector<16xf32>
      %iota3A_381 = tpu.iota {dimensions = array<i32: 0>} : vector<16xi32>
      %xor3A_382 = arith.constant 2 : i32
      %xor3A_383 = vector.broadcast %xor3A_382 : i32 to vector<16xi32>
      %xor3A_384 = arith.xori %iota3A_381, %xor3A_383 : vector<16xi32>
      %lt3A_385 = arith.constant 0 : i32
      %lt3A_386 = vector.broadcast %lt3A_385 : i32 to vector<16xi32>
      %lt3A_387 = arith.cmpi slt, %xor3A_384, %lt3A_386 : vector<16xi32>
      %add3A_388 = arith.constant 16 : i32
      %add3A_389 = vector.broadcast %add3A_388 : i32 to vector<16xi32>
      %add3A_390 = arith.addi %xor3A_384, %add3A_389 : vector<16xi32>
      %select_n3A_391 = arith.select %lt3A_387, %add3A_390, %xor3A_384 : vector<16xi1>, vector<16xi32>
      %reshape3A_392 = vector.shape_cast %select_n3A_391 : vector<16xi32> to vector<16x1xi32>
      %gather3A_393 = vector.shape_cast %reshape3A_392 : vector<16x1xi32> to vector<16xi32>
      %gather3A_394 = tpu.dynamic_gather %add3A_380[%gather3A_393] in [0] : vector<16xf32>, vector<16xi32> -> vector<16xf32>
      %add3A_395 = arith.addf %add3A_380, %gather3A_394 : vector<16xf32>
      %iota3A_396 = tpu.iota {dimensions = array<i32: 0>} : vector<16xi32>
      %xor3A_397 = arith.constant 4 : i32
      %xor3A_398 = vector.broadcast %xor3A_397 : i32 to vector<16xi32>
      %xor3A_399 = arith.xori %iota3A_396, %xor3A_398 : vector<16xi32>
      %lt3A_400 = arith.constant 0 : i32
      %lt3A_401 = vector.broadcast %lt3A_400 : i32 to vector<16xi32>
      %lt3A_402 = arith.cmpi slt, %xor3A_399, %lt3A_401 : vector<16xi32>
      %add3A_403 = arith.constant 16 : i32
      %add3A_404 = vector.broadcast %add3A_403 : i32 to vector<16xi32>
      %add3A_405 = arith.addi %xor3A_399, %add3A_404 : vector<16xi32>
      %select_n3A_406 = arith.select %lt3A_402, %add3A_405, %xor3A_399 : vector<16xi1>, vector<16xi32>
      %reshape3A_407 = vector.shape_cast %select_n3A_406 : vector<16xi32> to vector<16x1xi32>
      %gather3A_408 = vector.shape_cast %reshape3A_407 : vector<16x1xi32> to vector<16xi32>
      %gather3A_409 = tpu.dynamic_gather %add3A_395[%gather3A_408] in [0] : vector<16xf32>, vector<16xi32> -> vector<16xf32>
      %add3A_410 = arith.addf %add3A_395, %gather3A_409 : vector<16xf32>
      %div3A_411 = arith.divf %exp3A_365, %add3A_410 : vector<16xf32>
      %swap3A_412 = arith.constant 48 : index
      %swap3A_413 = tpu.vector_load %arg17[%swap3A_412] {strides = array<i32>} : memref<128xf32, #tpu.memory_space<vmem>>, vector<16xf32>,
      tpu.vector_store %arg17[%swap3A_412], %div3A_411 {strides = array<i32>} : memref<128xf32, #tpu.memory_space<vmem>>, vector<16xf32>,
      %get3A_414 = arith.constant 64 : index
      %get3A_415 = tpu.vector_load %arg16[%get3A_414] {strides = array<i32>} : memref<128xf32, #tpu.memory_space<vmem>>, vector<16xf32>,
      %exp3A_416 = math.exp %get3A_415 : vector<16xf32>
      %iota3A_417 = tpu.iota {dimensions = array<i32: 0>} : vector<16xi32>
      %xor3A_418 = arith.constant 1 : i32
      %xor3A_419 = vector.broadcast %xor3A_418 : i32 to vector<16xi32>
      %xor3A_420 = arith.xori %iota3A_417, %xor3A_419 : vector<16xi32>
      %lt3A_421 = arith.constant 0 : i32
      %lt3A_422 = vector.broadcast %lt3A_421 : i32 to vector<16xi32>
      %lt3A_423 = arith.cmpi slt, %xor3A_420, %lt3A_422 : vector<16xi32>
      %add3A_424 = arith.constant 16 : i32
      %add3A_425 = vector.broadcast %add3A_424 : i32 to vector<16xi32>
      %add3A_426 = arith.addi %xor3A_420, %add3A_425 : vector<16xi32>
      %select_n3A_427 = arith.select %lt3A_423, %add3A_426, %xor3A_420 : vector<16xi1>, vector<16xi32>
      %reshape3A_428 = vector.shape_cast %select_n3A_427 : vector<16xi32> to vector<16x1xi32>
      %gather3A_429 = vector.shape_cast %reshape3A_428 : vector<16x1xi32> to vector<16xi32>
      %gather3A_430 = tpu.dynamic_gather %exp3A_416[%gather3A_429] in [0] : vector<16xf32>, vector<16xi32> -> vector<16xf32>
      %add3A_431 = arith.addf %exp3A_416, %gather3A_430 : vector<16xf32>
      %iota3A_432 = tpu.iota {dimensions = array<i32: 0>} : vector<16xi32>
      %xor3A_433 = arith.constant 2 : i32
      %xor3A_434 = vector.broadcast %xor3A_433 : i32 to vector<16xi32>
      %xor3A_435 = arith.xori %iota3A_432, %xor3A_434 : vector<16xi32>
      %lt3A_436 = arith.constant 0 : i32
      %lt3A_437 = vector.broadcast %lt3A_436 : i32 to vector<16xi32>
      %lt3A_438 = arith.cmpi slt, %xor3A_435, %lt3A_437 : vector<16xi32>
      %add3A_439 = arith.constant 16 : i32
      %add3A_440 = vector.broadcast %add3A_439 : i32 to vector<16xi32>
      %add3A_441 = arith.addi %xor3A_435, %add3A_440 : vector<16xi32>
      %select_n3A_442 = arith.select %lt3A_438, %add3A_441, %xor3A_435 : vector<16xi1>, vector<16xi32>
      %reshape3A_443 = vector.shape_cast %select_n3A_442 : vector<16xi32> to vector<16x1xi32>
      %gather3A_444 = vector.shape_cast %reshape3A_443 : vector<16x1xi32> to vector<16xi32>
      %gather3A_445 = tpu.dynamic_gather %add3A_431[%gather3A_444] in [0] : vector<16xf32>, vector<16xi32> -> vector<16xf32>
      %add3A_446 = arith.addf %add3A_431, %gather3A_445 : vector<16xf32>
      %iota3A_447 = tpu.iota {dimensions = array<i32: 0>} : vector<16xi32>
      %xor3A_448 = arith.constant 4 : i32
      %xor3A_449 = vector.broadcast %xor3A_448 : i32 to vector<16xi32>
      %xor3A_450 = arith.xori %iota3A_447, %xor3A_449 : vector<16xi32>
      %lt3A_451 = arith.constant 0 : i32
      %lt3A_452 = vector.broadcast %lt3A_451 : i32 to vector<16xi32>
      %lt3A_453 = arith.cmpi slt, %xor3A_450, %lt3A_452 : vector<16xi32>
      %add3A_454 = arith.constant 16 : i32
      %add3A_455 = vector.broadcast %add3A_454 : i32 to vector<16xi32>
      %add3A_456 = arith.addi %xor3A_450, %add3A_455 : vector<16xi32>
      %select_n3A_457 = arith.select %lt3A_453, %add3A_456, %xor3A_450 : vector<16xi1>, vector<16xi32>
      %reshape3A_458 = vector.shape_cast %select_n3A_457 : vector<16xi32> to vector<16x1xi32>
      %gather3A_459 = vector.shape_cast %reshape3A_458 : vector<16x1xi32> to vector<16xi32>
      %gather3A_460 = tpu.dynamic_gather %add3A_446[%gather3A_459] in [0] : vector<16xf32>, vector<16xi32> -> vector<16xf32>
      %add3A_461 = arith.addf %add3A_446, %gather3A_460 : vector<16xf32>
      %div3A_462 = arith.divf %exp3A_416, %add3A_461 : vector<16xf32>
      %swap3A_463 = arith.constant 64 : index
      %swap3A_464 = tpu.vector_load %arg17[%swap3A_463] {strides = array<i32>} : memref<128xf32, #tpu.memory_space<vmem>>, vector<16xf32>,
      tpu.vector_store %arg17[%swap3A_463], %div3A_462 {strides = array<i32>} : memref<128xf32, #tpu.memory_space<vmem>>, vector<16xf32>,
      %get3A_465 = arith.constant 80 : index
      %get3A_466 = tpu.vector_load %arg16[%get3A_465] {strides = array<i32>} : memref<128xf32, #tpu.memory_space<vmem>>, vector<16xf32>,
      %exp3A_467 = math.exp %get3A_466 : vector<16xf32>
      %iota3A_468 = tpu.iota {dimensions = array<i32: 0>} : vector<16xi32>
      %xor3A_469 = arith.constant 1 : i32
      %xor3A_470 = vector.broadcast %xor3A_469 : i32 to vector<16xi32>
      %xor3A_471 = arith.xori %iota3A_468, %xor3A_470 : vector<16xi32>
      %lt3A_472 = arith.constant 0 : i32
      %lt3A_473 = vector.broadcast %lt3A_472 : i32 to vector<16xi32>
      %lt3A_474 = arith.cmpi slt, %xor3A_471, %lt3A_473 : vector<16xi32>
      %add3A_475 = arith.constant 16 : i32
      %add3A_476 = vector.broadcast %add3A_475 : i32 to vector<16xi32>
      %add3A_477 = arith.addi %xor3A_471, %add3A_476 : vector<16xi32>
      %select_n3A_478 = arith.select %lt3A_474, %add3A_477, %xor3A_471 : vector<16xi1>, vector<16xi32>
      %reshape3A_479 = vector.shape_cast %select_n3A_478 : vector<16xi32> to vector<16x1xi32>
      %gather3A_480 = vector.shape_cast %reshape3A_479 : vector<16x1xi32> to vector<16xi32>
      %gather3A_481 = tpu.dynamic_gather %exp3A_467[%gather3A_480] in [0] : vector<16xf32>, vector<16xi32> -> vector<16xf32>
      %add3A_482 = arith.addf %exp3A_467, %gather3A_481 : vector<16xf32>
      %iota3A_483 = tpu.iota {dimensions = array<i32: 0>} : vector<16xi32>
      %xor3A_484 = arith.constant 2 : i32
      %xor3A_485 = vector.broadcast %xor3A_484 : i32 to vector<16xi32>
      %xor3A_486 = arith.xori %iota3A_483, %xor3A_485 : vector<16xi32>
      %lt3A_487 = arith.constant 0 : i32
      %lt3A_488 = vector.broadcast %lt3A_487 : i32 to vector<16xi32>
      %lt3A_489 = arith.cmpi slt, %xor3A_486, %lt3A_488 : vector<16xi32>
      %add3A_490 = arith.constant 16 : i32
      %add3A_491 = vector.broadcast %add3A_490 : i32 to vector<16xi32>
      %add3A_492 = arith.addi %xor3A_486, %add3A_491 : vector<16xi32>
      %select_n3A_493 = arith.select %lt3A_489, %add3A_492, %xor3A_486 : vector<16xi1>, vector<16xi32>
      %reshape3A_494 = vector.shape_cast %select_n3A_493 : vector<16xi32> to vector<16x1xi32>
      %gather3A_495 = vector.shape_cast %reshape3A_494 : vector<16x1xi32> to vector<16xi32>
      %gather3A_496 = tpu.dynamic_gather %add3A_482[%gather3A_495] in [0] : vector<16xf32>, vector<16xi32> -> vector<16xf32>
      %add3A_497 = arith.addf %add3A_482, %gather3A_496 : vector<16xf32>
      %iota3A_498 = tpu.iota {dimensions = array<i32: 0>} : vector<16xi32>
      %xor3A_499 = arith.constant 4 : i32
      %xor3A_500 = vector.broadcast %xor3A_499 : i32 to vector<16xi32>
      %xor3A_501 = arith.xori %iota3A_498, %xor3A_500 : vector<16xi32>
      %lt3A_502 = arith.constant 0 : i32
      %lt3A_503 = vector.broadcast %lt3A_502 : i32 to vector<16xi32>
      %lt3A_504 = arith.cmpi slt, %xor3A_501, %lt3A_503 : vector<16xi32>
      %add3A_505 = arith.constant 16 : i32
      %add3A_506 = vector.broadcast %add3A_505 : i32 to vector<16xi32>
      %add3A_507 = arith.addi %xor3A_501, %add3A_506 : vector<16xi32>
      %select_n3A_508 = arith.select %lt3A_504, %add3A_507, %xor3A_501 : vector<16xi1>, vector<16xi32>
      %reshape3A_509 = vector.shape_cast %select_n3A_508 : vector<16xi32> to vector<16x1xi32>
      %gather3A_510 = vector.shape_cast %reshape3A_509 : vector<16x1xi32> to vector<16xi32>
      %gather3A_511 = tpu.dynamic_gather %add3A_497[%gather3A_510] in [0] : vector<16xf32>, vector<16xi32> -> vector<16xf32>
      %add3A_512 = arith.addf %add3A_497, %gather3A_511 : vector<16xf32>
      %div3A_513 = arith.divf %exp3A_467, %add3A_512 : vector<16xf32>
      %swap3A_514 = arith.constant 80 : index
      %swap3A_515 = tpu.vector_load %arg17[%swap3A_514] {strides = array<i32>} : memref<128xf32, #tpu.memory_space<vmem>>, vector<16xf32>,
      tpu.vector_store %arg17[%swap3A_514], %div3A_513 {strides = array<i32>} : memref<128xf32, #tpu.memory_space<vmem>>, vector<16xf32>,
      %get3A_516 = arith.constant 96 : index
      %get3A_517 = tpu.vector_load %arg16[%get3A_516] {strides = array<i32>} : memref<128xf32, #tpu.memory_space<vmem>>, vector<16xf32>,
      %exp3A_518 = math.exp %get3A_517 : vector<16xf32>
      %iota3A_519 = tpu.iota {dimensions = array<i32: 0>} : vector<16xi32>
      %xor3A_520 = arith.constant 1 : i32
      %xor3A_521 = vector.broadcast %xor3A_520 : i32 to vector<16xi32>
      %xor3A_522 = arith.xori %iota3A_519, %xor3A_521 : vector<16xi32>
      %lt3A_523 = arith.constant 0 : i32
      %lt3A_524 = vector.broadcast %lt3A_523 : i32 to vector<16xi32>
      %lt3A_525 = arith.cmpi slt, %xor3A_522, %lt3A_524 : vector<16xi32>
      %add3A_526 = arith.constant 16 : i32
      %add3A_527 = vector.broadcast %add3A_526 : i32 to vector<16xi32>
      %add3A_528 = arith.addi %xor3A_522, %add3A_527 : vector<16xi32>
      %select_n3A_529 = arith.select %lt3A_525, %add3A_528, %xor3A_522 : vector<16xi1>, vector<16xi32>
      %reshape3A_530 = vector.shape_cast %select_n3A_529 : vector<16xi32> to vector<16x1xi32>
      %gather3A_531 = vector.shape_cast %reshape3A_530 : vector<16x1xi32> to vector<16xi32>
      %gather3A_532 = tpu.dynamic_gather %exp3A_518[%gather3A_531] in [0] : vector<16xf32>, vector<16xi32> -> vector<16xf32>
      %add3A_533 = arith.addf %exp3A_518, %gather3A_532 : vector<16xf32>
      %iota3A_534 = tpu.iota {dimensions = array<i32: 0>} : vector<16xi32>
      %xor3A_535 = arith.constant 2 : i32
      %xor3A_536 = vector.broadcast %xor3A_535 : i32 to vector<16xi32>
      %xor3A_537 = arith.xori %iota3A_534, %xor3A_536 : vector<16xi32>
      %lt3A_538 = arith.constant 0 : i32
      %lt3A_539 = vector.broadcast %lt3A_538 : i32 to vector<16xi32>
      %lt3A_540 = arith.cmpi slt, %xor3A_537, %lt3A_539 : vector<16xi32>
      %add3A_541 = arith.constant 16 : i32
      %add3A_542 = vector.broadcast %add3A_541 : i32 to vector<16xi32>
      %add3A_543 = arith.addi %xor3A_537, %add3A_542 : vector<16xi32>
      %select_n3A_544 = arith.select %lt3A_540, %add3A_543, %xor3A_537 : vector<16xi1>, vector<16xi32>
      %reshape3A_545 = vector.shape_cast %select_n3A_544 : vector<16xi32> to vector<16x1xi32>
      %gather3A_546 = vector.shape_cast %reshape3A_545 : vector<16x1xi32> to vector<16xi32>
      %gather3A_547 = tpu.dynamic_gather %add3A_533[%gather3A_546] in [0] : vector<16xf32>, vector<16xi32> -> vector<16xf32>
      %add3A_548 = arith.addf %add3A_533, %gather3A_547 : vector<16xf32>
      %iota3A_549 = tpu.iota {dimensions = array<i32: 0>} : vector<16xi32>
      %xor3A_550 = arith.constant 4 : i32
      %xor3A_551 = vector.broadcast %xor3A_550 : i32 to vector<16xi32>
      %xor3A_552 = arith.xori %iota3A_549, %xor3A_551 : vector<16xi32>
      %lt3A_553 = arith.constant 0 : i32
      %lt3A_554 = vector.broadcast %lt3A_553 : i32 to vector<16xi32>
      %lt3A_555 = arith.cmpi slt, %xor3A_552, %lt3A_554 : vector<16xi32>
      %add3A_556 = arith.constant 16 : i32
      %add3A_557 = vector.broadcast %add3A_556 : i32 to vector<16xi32>
      %add3A_558 = arith.addi %xor3A_552, %add3A_557 : vector<16xi32>
      %select_n3A_559 = arith.select %lt3A_555, %add3A_558, %xor3A_552 : vector<16xi1>, vector<16xi32>
      %reshape3A_560 = vector.shape_cast %select_n3A_559 : vector<16xi32> to vector<16x1xi32>
      %gather3A_561 = vector.shape_cast %reshape3A_560 : vector<16x1xi32> to vector<16xi32>
      %gather3A_562 = tpu.dynamic_gather %add3A_548[%gather3A_561] in [0] : vector<16xf32>, vector<16xi32> -> vector<16xf32>
      %add3A_563 = arith.addf %add3A_548, %gather3A_562 : vector<16xf32>
      %div3A_564 = arith.divf %exp3A_518, %add3A_563 : vector<16xf32>
      %swap3A_565 = arith.constant 96 : index
      %swap3A_566 = tpu.vector_load %arg17[%swap3A_565] {strides = array<i32>} : memref<128xf32, #tpu.memory_space<vmem>>, vector<16xf32>,
      tpu.vector_store %arg17[%swap3A_565], %div3A_564 {strides = array<i32>} : memref<128xf32, #tpu.memory_space<vmem>>, vector<16xf32>,
      %get3A_567 = arith.constant 112 : index
      %get3A_568 = tpu.vector_load %arg16[%get3A_567] {strides = array<i32>} : memref<128xf32, #tpu.memory_space<vmem>>, vector<16xf32>,
      %exp3A_569 = math.exp %get3A_568 : vector<16xf32>
      %iota3A_570 = tpu.iota {dimensions = array<i32: 0>} : vector<16xi32>
      %xor3A_571 = arith.constant 1 : i32
      %xor3A_572 = vector.broadcast %xor3A_571 : i32 to vector<16xi32>
      %xor3A_573 = arith.xori %iota3A_570, %xor3A_572 : vector<16xi32>
      %lt3A_574 = arith.constant 0 : i32
      %lt3A_575 = vector.broadcast %lt3A_574 : i32 to vector<16xi32>
      %lt3A_576 = arith.cmpi slt, %xor3A_573, %lt3A_575 : vector<16xi32>
      %add3A_577 = arith.constant 16 : i32
      %add3A_578 = vector.broadcast %add3A_577 : i32 to vector<16xi32>
      %add3A_579 = arith.addi %xor3A_573, %add3A_578 : vector<16xi32>
      %select_n3A_580 = arith.select %lt3A_576, %add3A_579, %xor3A_573 : vector<16xi1>, vector<16xi32>
      %reshape3A_581 = vector.shape_cast %select_n3A_580 : vector<16xi32> to vector<16x1xi32>
      %gather3A_582 = vector.shape_cast %reshape3A_581 : vector<16x1xi32> to vector<16xi32>
      %gather3A_583 = tpu.dynamic_gather %exp3A_569[%gather3A_582] in [0] : vector<16xf32>, vector<16xi32> -> vector<16xf32>
      %add3A_584 = arith.addf %exp3A_569, %gather3A_583 : vector<16xf32>
      %iota3A_585 = tpu.iota {dimensions = array<i32: 0>} : vector<16xi32>
      %xor3A_586 = arith.constant 2 : i32
      %xor3A_587 = vector.broadcast %xor3A_586 : i32 to vector<16xi32>
      %xor3A_588 = arith.xori %iota3A_585, %xor3A_587 : vector<16xi32>
      %lt3A_589 = arith.constant 0 : i32
      %lt3A_590 = vector.broadcast %lt3A_589 : i32 to vector<16xi32>
      %lt3A_591 = arith.cmpi slt, %xor3A_588, %lt3A_590 : vector<16xi32>
      %add3A_592 = arith.constant 16 : i32
      %add3A_593 = vector.broadcast %add3A_592 : i32 to vector<16xi32>
      %add3A_594 = arith.addi %xor3A_588, %add3A_593 : vector<16xi32>
      %select_n3A_595 = arith.select %lt3A_591, %add3A_594, %xor3A_588 : vector<16xi1>, vector<16xi32>
      %reshape3A_596 = vector.shape_cast %select_n3A_595 : vector<16xi32> to vector<16x1xi32>
      %gather3A_597 = vector.shape_cast %reshape3A_596 : vector<16x1xi32> to vector<16xi32>
      %gather3A_598 = tpu.dynamic_gather %add3A_584[%gather3A_597] in [0] : vector<16xf32>, vector<16xi32> -> vector<16xf32>
      %add3A_599 = arith.addf %add3A_584, %gather3A_598 : vector<16xf32>
      %iota3A_600 = tpu.iota {dimensions = array<i32: 0>} : vector<16xi32>
      %xor3A_601 = arith.constant 4 : i32
      %xor3A_602 = vector.broadcast %xor3A_601 : i32 to vector<16xi32>
      %xor3A_603 = arith.xori %iota3A_600, %xor3A_602 : vector<16xi32>
      %lt3A_604 = arith.constant 0 : i32
      %lt3A_605 = vector.broadcast %lt3A_604 : i32 to vector<16xi32>
      %lt3A_606 = arith.cmpi slt, %xor3A_603, %lt3A_605 : vector<16xi32>
      %add3A_607 = arith.constant 16 : i32
      %add3A_608 = vector.broadcast %add3A_607 : i32 to vector<16xi32>
      %add3A_609 = arith.addi %xor3A_603, %add3A_608 : vector<16xi32>
      %select_n3A_610 = arith.select %lt3A_606, %add3A_609, %xor3A_603 : vector<16xi1>, vector<16xi32>
      %reshape3A_611 = vector.shape_cast %select_n3A_610 : vector<16xi32> to vector<16x1xi32>
      %gather3A_612 = vector.shape_cast %reshape3A_611 : vector<16x1xi32> to vector<16xi32>
      %gather3A_613 = tpu.dynamic_gather %add3A_599[%gather3A_612] in [0] : vector<16xf32>, vector<16xi32> -> vector<16xf32>
      %add3A_614 = arith.addf %add3A_599, %gather3A_613 : vector<16xf32>
      %div3A_615 = arith.divf %exp3A_569, %add3A_614 : vector<16xf32>
      %swap3A_616 = arith.constant 112 : index
      %swap3A_617 = tpu.vector_load %arg17[%swap3A_616] {strides = array<i32>} : memref<128xf32, #tpu.memory_space<vmem>>, vector<16xf32>,
      tpu.vector_store %arg17[%swap3A_616], %div3A_615 {strides = array<i32>} : memref<128xf32, #tpu.memory_space<vmem>>, vector<16xf32>,
      %parallel_loop3A_618 = arith.constant 0 : i32
      %parallel_loop3A_619 = arith.constant 16 : i32
      %parallel_loop3A_620 = arith.constant 1 : i32
      scf.for %parallel_loop3A_649 = %parallel_loop3A_618 to %parallel_loop3A_619 step %parallel_loop3A_620  : i32 {
        %parallel_loop3A_650 = arith.constant 8 : i32
        %parallel_loop3A_651 = arith.muli %parallel_loop3A_649, %parallel_loop3A_650 : i32
        %parallel_loop3A_652 = arith.constant 0 : i32
        %parallel_loop3A_653 = vector.broadcast %parallel_loop3A_652 : i32 to vector<16xi32>
        %parallel_loop3A_654 = arith.constant 8 : i32
        %parallel_loop3A_655 = arith.muli %parallel_loop3A_649, %parallel_loop3A_654 : i32
        %parallel_loop3A_656 = vector.broadcast %parallel_loop3A_655 : i32 to vector<16xi32>
        %parallel_loop3A_657 = arith.addi %parallel_loop3A_653, %parallel_loop3A_656 : vector<16xi32>
        %parallel_loop3A_658 = tpu.vector_load_idx %arg17[%parallel_loop3A_657] : memref<128xf32, #tpu.memory_space<vmem>>[vector<16xi32>], vector<16xf32>,
        %parallel_loop3A_659 = arith.constant 1 : i32
        %parallel_loop3A_660 = vector.broadcast %parallel_loop3A_659 : i32 to vector<16xi32>
        %parallel_loop3A_661 = arith.constant 8 : i32
        %parallel_loop3A_662 = arith.muli %parallel_loop3A_649, %parallel_loop3A_661 : i32
        %parallel_loop3A_663 = vector.broadcast %parallel_loop3A_662 : i32 to vector<16xi32>
        %parallel_loop3A_664 = arith.addi %parallel_loop3A_660, %parallel_loop3A_663 : vector<16xi32>
        %parallel_loop3A_665 = tpu.vector_load_idx %arg17[%parallel_loop3A_664] : memref<128xf32, #tpu.memory_space<vmem>>[vector<16xi32>], vector<16xf32>,
        %parallel_loop3A_666 = arith.constant 2 : i32
        %parallel_loop3A_667 = vector.broadcast %parallel_loop3A_666 : i32 to vector<16xi32>
        %parallel_loop3A_668 = arith.constant 8 : i32
        %parallel_loop3A_669 = arith.muli %parallel_loop3A_649, %parallel_loop3A_668 : i32
        %parallel_loop3A_670 = vector.broadcast %parallel_loop3A_669 : i32 to vector<16xi32>
        %parallel_loop3A_671 = arith.addi %parallel_loop3A_667, %parallel_loop3A_670 : vector<16xi32>
        %parallel_loop3A_672 = tpu.vector_load_idx %arg17[%parallel_loop3A_671] : memref<128xf32, #tpu.memory_space<vmem>>[vector<16xi32>], vector<16xf32>,
        %parallel_loop3A_673 = arith.constant 3 : i32
        %parallel_loop3A_674 = vector.broadcast %parallel_loop3A_673 : i32 to vector<16xi32>
        %parallel_loop3A_675 = arith.constant 8 : i32
        %parallel_loop3A_676 = arith.muli %parallel_loop3A_649, %parallel_loop3A_675 : i32
        %parallel_loop3A_677 = vector.broadcast %parallel_loop3A_676 : i32 to vector<16xi32>
        %parallel_loop3A_678 = arith.addi %parallel_loop3A_674, %parallel_loop3A_677 : vector<16xi32>
        %parallel_loop3A_679 = tpu.vector_load_idx %arg17[%parallel_loop3A_678] : memref<128xf32, #tpu.memory_space<vmem>>[vector<16xi32>], vector<16xf32>,
        %parallel_loop3A_680 = arith.constant 4 : i32
        %parallel_loop3A_681 = vector.broadcast %parallel_loop3A_680 : i32 to vector<16xi32>
        %parallel_loop3A_682 = arith.constant 8 : i32
        %parallel_loop3A_683 = arith.muli %parallel_loop3A_649, %parallel_loop3A_682 : i32
        %parallel_loop3A_684 = vector.broadcast %parallel_loop3A_683 : i32 to vector<16xi32>
        %parallel_loop3A_685 = arith.addi %parallel_loop3A_681, %parallel_loop3A_684 : vector<16xi32>
        %parallel_loop3A_686 = tpu.vector_load_idx %arg17[%parallel_loop3A_685] : memref<128xf32, #tpu.memory_space<vmem>>[vector<16xi32>], vector<16xf32>,
        %parallel_loop3A_687 = arith.constant 5 : i32
        %parallel_loop3A_688 = vector.broadcast %parallel_loop3A_687 : i32 to vector<16xi32>
        %parallel_loop3A_689 = arith.constant 8 : i32
        %parallel_loop3A_690 = arith.muli %parallel_loop3A_649, %parallel_loop3A_689 : i32
        %parallel_loop3A_691 = vector.broadcast %parallel_loop3A_690 : i32 to vector<16xi32>
        %parallel_loop3A_692 = arith.addi %parallel_loop3A_688, %parallel_loop3A_691 : vector<16xi32>
        %parallel_loop3A_693 = tpu.vector_load_idx %arg17[%parallel_loop3A_692] : memref<128xf32, #tpu.memory_space<vmem>>[vector<16xi32>], vector<16xf32>,
        %parallel_loop3A_694 = arith.constant 6 : i32
        %parallel_loop3A_695 = vector.broadcast %parallel_loop3A_694 : i32 to vector<16xi32>
        %parallel_loop3A_696 = arith.constant 8 : i32
        %parallel_loop3A_697 = arith.muli %parallel_loop3A_649, %parallel_loop3A_696 : i32
        %parallel_loop3A_698 = vector.broadcast %parallel_loop3A_697 : i32 to vector<16xi32>
        %parallel_loop3A_699 = arith.addi %parallel_loop3A_695, %parallel_loop3A_698 : vector<16xi32>
        %parallel_loop3A_700 = tpu.vector_load_idx %arg17[%parallel_loop3A_699] : memref<128xf32, #tpu.memory_space<vmem>>[vector<16xi32>], vector<16xf32>,
        %parallel_loop3A_701 = arith.constant 7 : i32
        %parallel_loop3A_702 = vector.broadcast %parallel_loop3A_701 : i32 to vector<16xi32>
        %parallel_loop3A_703 = arith.constant 8 : i32
        %parallel_loop3A_704 = arith.muli %parallel_loop3A_649, %parallel_loop3A_703 : i32
        %parallel_loop3A_705 = vector.broadcast %parallel_loop3A_704 : i32 to vector<16xi32>
        %parallel_loop3A_706 = arith.addi %parallel_loop3A_702, %parallel_loop3A_705 : vector<16xi32>
        %parallel_loop3A_707 = tpu.vector_load_idx %arg17[%parallel_loop3A_706] : memref<128xf32, #tpu.memory_space<vmem>>[vector<16xi32>], vector<16xf32>,
        %parallel_loop3A_708 = arith.constant 16 : i32
        %parallel_loop3A_709 = arith.muli %scan3A_164, %parallel_loop3A_708 : i32
        %parallel_loop3A_710 = vector.broadcast %parallel_loop3A_709 : i32 to vector<16xi32>
        %parallel_loop3A_711 = vector.broadcast %parallel_loop3A_649 : i32 to vector<16xi32>
        %parallel_loop3A_712 = arith.addi %parallel_loop3A_710, %parallel_loop3A_711 : vector<16xi32>
        %parallel_loop3A_713 = tpu.vector_load_idx %arg18[%parallel_loop3A_712] : memref<640xi32, #tpu.memory_space<vmem>>[vector<16xi32>], vector<16xi32>,
        %parallel_loop3A_714 = arith.constant 0 : i32
        %parallel_loop3A_715 = vector.broadcast %parallel_loop3A_714 : i32 to vector<16xi32>
        %parallel_loop3A_716 = arith.cmpi ne, %parallel_loop3A_713, %parallel_loop3A_715 : vector<16xi32>
        %parallel_loop3A_717 = arith.extui %parallel_loop3A_716 : vector<16xi1> to vector<16xi32>
        %parallel_loop3A_718 = arith.sitofp %parallel_loop3A_717 : vector<16xi32> to vector<16xf32>
        %parallel_loop3A_719 = arith.constant 0 : i32
        %parallel_loop3A_720 = arith.addi %parallel_loop3A_651, %parallel_loop3A_719 : i32
        %parallel_loop3A_721 = arith.index_cast %and3A_165 : i32 to index
        %parallel_loop3A_722 = arith.index_cast %parallel_loop3A_720 : i32 to index
        %parallel_loop3A_723 = arith.constant 0 : index
        %parallel_loop3A_724 = tpu.vector_load %arg15[%parallel_loop3A_721, %parallel_loop3A_722, %parallel_loop3A_723] {strides = array<i32>} : memref<2x128x128xf32, #tpu.memory_space<vmem>>, vector<16xf32>,
        %parallel_loop3A_725 = arith.mulf %parallel_loop3A_658, %parallel_loop3A_724 : vector<16xf32>
        %parallel_loop3A_726 = arith.constant 1 : i32
        %parallel_loop3A_727 = arith.addi %parallel_loop3A_651, %parallel_loop3A_726 : i32
        %parallel_loop3A_728 = arith.index_cast %and3A_165 : i32 to index
        %parallel_loop3A_729 = arith.index_cast %parallel_loop3A_727 : i32 to index
        %parallel_loop3A_730 = arith.constant 0 : index
        %parallel_loop3A_731 = tpu.vector_load %arg15[%parallel_loop3A_728, %parallel_loop3A_729, %parallel_loop3A_730] {strides = array<i32>} : memref<2x128x128xf32, #tpu.memory_space<vmem>>, vector<16xf32>,
        %parallel_loop3A_732 = arith.mulf %parallel_loop3A_665, %parallel_loop3A_731 : vector<16xf32>
        %parallel_loop3A_733 = arith.constant 2 : i32
        %parallel_loop3A_734 = arith.addi %parallel_loop3A_651, %parallel_loop3A_733 : i32
        %parallel_loop3A_735 = arith.index_cast %and3A_165 : i32 to index
        %parallel_loop3A_736 = arith.index_cast %parallel_loop3A_734 : i32 to index
        %parallel_loop3A_737 = arith.constant 0 : index
        %parallel_loop3A_738 = tpu.vector_load %arg15[%parallel_loop3A_735, %parallel_loop3A_736, %parallel_loop3A_737] {strides = array<i32>} : memref<2x128x128xf32, #tpu.memory_space<vmem>>, vector<16xf32>,
        %parallel_loop3A_739 = arith.mulf %parallel_loop3A_672, %parallel_loop3A_738 : vector<16xf32>
        %parallel_loop3A_740 = arith.constant 3 : i32
        %parallel_loop3A_741 = arith.addi %parallel_loop3A_651, %parallel_loop3A_740 : i32
        %parallel_loop3A_742 = arith.index_cast %and3A_165 : i32 to index
        %parallel_loop3A_743 = arith.index_cast %parallel_loop3A_741 : i32 to index
        %parallel_loop3A_744 = arith.constant 0 : index
        %parallel_loop3A_745 = tpu.vector_load %arg15[%parallel_loop3A_742, %parallel_loop3A_743, %parallel_loop3A_744] {strides = array<i32>} : memref<2x128x128xf32, #tpu.memory_space<vmem>>, vector<16xf32>,
        %parallel_loop3A_746 = arith.mulf %parallel_loop3A_679, %parallel_loop3A_745 : vector<16xf32>
        %parallel_loop3A_747 = arith.constant 4 : i32
        %parallel_loop3A_748 = arith.addi %parallel_loop3A_651, %parallel_loop3A_747 : i32
        %parallel_loop3A_749 = arith.index_cast %and3A_165 : i32 to index
        %parallel_loop3A_750 = arith.index_cast %parallel_loop3A_748 : i32 to index
        %parallel_loop3A_751 = arith.constant 0 : index
        %parallel_loop3A_752 = tpu.vector_load %arg15[%parallel_loop3A_749, %parallel_loop3A_750, %parallel_loop3A_751] {strides = array<i32>} : memref<2x128x128xf32, #tpu.memory_space<vmem>>, vector<16xf32>,
        %parallel_loop3A_753 = arith.mulf %parallel_loop3A_686, %parallel_loop3A_752 : vector<16xf32>
        %parallel_loop3A_754 = arith.constant 5 : i32
        %parallel_loop3A_755 = arith.addi %parallel_loop3A_651, %parallel_loop3A_754 : i32
        %parallel_loop3A_756 = arith.index_cast %and3A_165 : i32 to index
        %parallel_loop3A_757 = arith.index_cast %parallel_loop3A_755 : i32 to index
        %parallel_loop3A_758 = arith.constant 0 : index
        %parallel_loop3A_759 = tpu.vector_load %arg15[%parallel_loop3A_756, %parallel_loop3A_757, %parallel_loop3A_758] {strides = array<i32>} : memref<2x128x128xf32, #tpu.memory_space<vmem>>, vector<16xf32>,
        %parallel_loop3A_760 = arith.mulf %parallel_loop3A_693, %parallel_loop3A_759 : vector<16xf32>
        %parallel_loop3A_761 = arith.constant 6 : i32
        %parallel_loop3A_762 = arith.addi %parallel_loop3A_651, %parallel_loop3A_761 : i32
        %parallel_loop3A_763 = arith.index_cast %and3A_165 : i32 to index
        %parallel_loop3A_764 = arith.index_cast %parallel_loop3A_762 : i32 to index
        %parallel_loop3A_765 = arith.constant 0 : index
        %parallel_loop3A_766 = tpu.vector_load %arg15[%parallel_loop3A_763, %parallel_loop3A_764, %parallel_loop3A_765] {strides = array<i32>} : memref<2x128x128xf32, #tpu.memory_space<vmem>>, vector<16xf32>,
        %parallel_loop3A_767 = arith.mulf %parallel_loop3A_700, %parallel_loop3A_766 : vector<16xf32>
        %parallel_loop3A_768 = arith.constant 7 : i32
        %parallel_loop3A_769 = arith.addi %parallel_loop3A_651, %parallel_loop3A_768 : i32
        %parallel_loop3A_770 = arith.index_cast %and3A_165 : i32 to index
        %parallel_loop3A_771 = arith.index_cast %parallel_loop3A_769 : i32 to index
        %parallel_loop3A_772 = arith.constant 0 : index
        %parallel_loop3A_773 = tpu.vector_load %arg15[%parallel_loop3A_770, %parallel_loop3A_771, %parallel_loop3A_772] {strides = array<i32>} : memref<2x128x128xf32, #tpu.memory_space<vmem>>, vector<16xf32>,
        %parallel_loop3A_774 = arith.mulf %parallel_loop3A_707, %parallel_loop3A_773 : vector<16xf32>
        %parallel_loop3A_775 = arith.addf %parallel_loop3A_725, %parallel_loop3A_732 : vector<16xf32>
        %parallel_loop3A_776 = arith.addf %parallel_loop3A_739, %parallel_loop3A_746 : vector<16xf32>
        %parallel_loop3A_777 = arith.addf %parallel_loop3A_753, %parallel_loop3A_760 : vector<16xf32>
        %parallel_loop3A_778 = arith.addf %parallel_loop3A_767, %parallel_loop3A_774 : vector<16xf32>
        %parallel_loop3A_779 = arith.addf %parallel_loop3A_775, %parallel_loop3A_776 : vector<16xf32>
        %parallel_loop3A_780 = arith.addf %parallel_loop3A_777, %parallel_loop3A_778 : vector<16xf32>
        %parallel_loop3A_781 = arith.addf %parallel_loop3A_779, %parallel_loop3A_780 : vector<16xf32>
        %parallel_loop3A_782 = arith.mulf %parallel_loop3A_781, %parallel_loop3A_718 : vector<16xf32>
        %parallel_loop3A_783 = arith.index_cast %rem3A_167 : i32 to index
        %parallel_loop3A_784 = arith.index_cast %parallel_loop3A_649 : i32 to index
        %parallel_loop3A_785 = arith.constant 0 : index
        %parallel_loop3A_786 = tpu.vector_load %arg19[%parallel_loop3A_783, %parallel_loop3A_784, %parallel_loop3A_785] {strides = array<i32>} : memref<3x16x128xf32, #tpu.memory_space<vmem>>, vector<16xf32>,
        tpu.vector_store %arg19[%parallel_loop3A_783, %parallel_loop3A_784, %parallel_loop3A_785], %parallel_loop3A_782 {strides = array<i32>} : memref<3x16x128xf32, #tpu.memory_space<vmem>>, vector<16xf32>,
        %parallel_loop3A_787 = arith.constant 0 : i32
        %parallel_loop3A_788 = arith.addi %parallel_loop3A_651, %parallel_loop3A_787 : i32
        %parallel_loop3A_789 = arith.index_cast %and3A_165 : i32 to index
        %parallel_loop3A_790 = arith.index_cast %parallel_loop3A_788 : i32 to index
        %parallel_loop3A_791 = arith.constant 16 : index
        %parallel_loop3A_792 = tpu.vector_load %arg15[%parallel_loop3A_789, %parallel_loop3A_790, %parallel_loop3A_791] {strides = array<i32>} : memref<2x128x128xf32, #tpu.memory_space<vmem>>, vector<16xf32>,
        %parallel_loop3A_793 = arith.mulf %parallel_loop3A_658, %parallel_loop3A_792 : vector<16xf32>
        %parallel_loop3A_794 = arith.constant 1 : i32
        %parallel_loop3A_795 = arith.addi %parallel_loop3A_651, %parallel_loop3A_794 : i32
        %parallel_loop3A_796 = arith.index_cast %and3A_165 : i32 to index
        %parallel_loop3A_797 = arith.index_cast %parallel_loop3A_795 : i32 to index
        %parallel_loop3A_798 = arith.constant 16 : index
        %parallel_loop3A_799 = tpu.vector_load %arg15[%parallel_loop3A_796, %parallel_loop3A_797, %parallel_loop3A_798] {strides = array<i32>} : memref<2x128x128xf32, #tpu.memory_space<vmem>>, vector<16xf32>,
        %parallel_loop3A_800 = arith.mulf %parallel_loop3A_665, %parallel_loop3A_799 : vector<16xf32>
        %parallel_loop3A_801 = arith.constant 2 : i32
        %parallel_loop3A_802 = arith.addi %parallel_loop3A_651, %parallel_loop3A_801 : i32
        %parallel_loop3A_803 = arith.index_cast %and3A_165 : i32 to index
        %parallel_loop3A_804 = arith.index_cast %parallel_loop3A_802 : i32 to index
        %parallel_loop3A_805 = arith.constant 16 : index
        %parallel_loop3A_806 = tpu.vector_load %arg15[%parallel_loop3A_803, %parallel_loop3A_804, %parallel_loop3A_805] {strides = array<i32>} : memref<2x128x128xf32, #tpu.memory_space<vmem>>, vector<16xf32>,
        %parallel_loop3A_807 = arith.mulf %parallel_loop3A_672, %parallel_loop3A_806 : vector<16xf32>
        %parallel_loop3A_808 = arith.constant 3 : i32
        %parallel_loop3A_809 = arith.addi %parallel_loop3A_651, %parallel_loop3A_808 : i32
        %parallel_loop3A_810 = arith.index_cast %and3A_165 : i32 to index
        %parallel_loop3A_811 = arith.index_cast %parallel_loop3A_809 : i32 to index
        %parallel_loop3A_812 = arith.constant 16 : index
        %parallel_loop3A_813 = tpu.vector_load %arg15[%parallel_loop3A_810, %parallel_loop3A_811, %parallel_loop3A_812] {strides = array<i32>} : memref<2x128x128xf32, #tpu.memory_space<vmem>>, vector<16xf32>,
        %parallel_loop3A_814 = arith.mulf %parallel_loop3A_679, %parallel_loop3A_813 : vector<16xf32>
        %parallel_loop3A_815 = arith.constant 4 : i32
        %parallel_loop3A_816 = arith.addi %parallel_loop3A_651, %parallel_loop3A_815 : i32
        %parallel_loop3A_817 = arith.index_cast %and3A_165 : i32 to index
        %parallel_loop3A_818 = arith.index_cast %parallel_loop3A_816 : i32 to index
        %parallel_loop3A_819 = arith.constant 16 : index
        %parallel_loop3A_820 = tpu.vector_load %arg15[%parallel_loop3A_817, %parallel_loop3A_818, %parallel_loop3A_819] {strides = array<i32>} : memref<2x128x128xf32, #tpu.memory_space<vmem>>, vector<16xf32>,
        %parallel_loop3A_821 = arith.mulf %parallel_loop3A_686, %parallel_loop3A_820 : vector<16xf32>
        %parallel_loop3A_822 = arith.constant 5 : i32
        %parallel_loop3A_823 = arith.addi %parallel_loop3A_651, %parallel_loop3A_822 : i32
        %parallel_loop3A_824 = arith.index_cast %and3A_165 : i32 to index
        %parallel_loop3A_825 = arith.index_cast %parallel_loop3A_823 : i32 to index
        %parallel_loop3A_826 = arith.constant 16 : index
        %parallel_loop3A_827 = tpu.vector_load %arg15[%parallel_loop3A_824, %parallel_loop3A_825, %parallel_loop3A_826] {strides = array<i32>} : memref<2x128x128xf32, #tpu.memory_space<vmem>>, vector<16xf32>,
        %parallel_loop3A_828 = arith.mulf %parallel_loop3A_693, %parallel_loop3A_827 : vector<16xf32>
        %parallel_loop3A_829 = arith.constant 6 : i32
        %parallel_loop3A_830 = arith.addi %parallel_loop3A_651, %parallel_loop3A_829 : i32
        %parallel_loop3A_831 = arith.index_cast %and3A_165 : i32 to index
        %parallel_loop3A_832 = arith.index_cast %parallel_loop3A_830 : i32 to index
        %parallel_loop3A_833 = arith.constant 16 : index
        %parallel_loop3A_834 = tpu.vector_load %arg15[%parallel_loop3A_831, %parallel_loop3A_832, %parallel_loop3A_833] {strides = array<i32>} : memref<2x128x128xf32, #tpu.memory_space<vmem>>, vector<16xf32>,
        %parallel_loop3A_835 = arith.mulf %parallel_loop3A_700, %parallel_loop3A_834 : vector<16xf32>
        %parallel_loop3A_836 = arith.constant 7 : i32
        %parallel_loop3A_837 = arith.addi %parallel_loop3A_651, %parallel_loop3A_836 : i32
        %parallel_loop3A_838 = arith.index_cast %and3A_165 : i32 to index
        %parallel_loop3A_839 = arith.index_cast %parallel_loop3A_837 : i32 to index
        %parallel_loop3A_840 = arith.constant 16 : index
        %parallel_loop3A_841 = tpu.vector_load %arg15[%parallel_loop3A_838, %parallel_loop3A_839, %parallel_loop3A_840] {strides = array<i32>} : memref<2x128x128xf32, #tpu.memory_space<vmem>>, vector<16xf32>,
        %parallel_loop3A_842 = arith.mulf %parallel_loop3A_707, %parallel_loop3A_841 : vector<16xf32>
        %parallel_loop3A_843 = arith.addf %parallel_loop3A_793, %parallel_loop3A_800 : vector<16xf32>
        %parallel_loop3A_844 = arith.addf %parallel_loop3A_807, %parallel_loop3A_814 : vector<16xf32>
        %parallel_loop3A_845 = arith.addf %parallel_loop3A_821, %parallel_loop3A_828 : vector<16xf32>
        %parallel_loop3A_846 = arith.addf %parallel_loop3A_835, %parallel_loop3A_842 : vector<16xf32>
        %parallel_loop3A_847 = arith.addf %parallel_loop3A_843, %parallel_loop3A_844 : vector<16xf32>
        %parallel_loop3A_848 = arith.addf %parallel_loop3A_845, %parallel_loop3A_846 : vector<16xf32>
        %parallel_loop3A_849 = arith.addf %parallel_loop3A_847, %parallel_loop3A_848 : vector<16xf32>
        %parallel_loop3A_850 = arith.mulf %parallel_loop3A_849, %parallel_loop3A_718 : vector<16xf32>
        %parallel_loop3A_851 = arith.index_cast %rem3A_167 : i32 to index
        %parallel_loop3A_852 = arith.index_cast %parallel_loop3A_649 : i32 to index
        %parallel_loop3A_853 = arith.constant 16 : index
        %parallel_loop3A_854 = tpu.vector_load %arg19[%parallel_loop3A_851, %parallel_loop3A_852, %parallel_loop3A_853] {strides = array<i32>} : memref<3x16x128xf32, #tpu.memory_space<vmem>>, vector<16xf32>,
        tpu.vector_store %arg19[%parallel_loop3A_851, %parallel_loop3A_852, %parallel_loop3A_853], %parallel_loop3A_850 {strides = array<i32>} : memref<3x16x128xf32, #tpu.memory_space<vmem>>, vector<16xf32>,
        %parallel_loop3A_855 = arith.constant 0 : i32
        %parallel_loop3A_856 = arith.addi %parallel_loop3A_651, %parallel_loop3A_855 : i32
        %parallel_loop3A_857 = arith.index_cast %and3A_165 : i32 to index
        %parallel_loop3A_858 = arith.index_cast %parallel_loop3A_856 : i32 to index
        %parallel_loop3A_859 = arith.constant 32 : index
        %parallel_loop3A_860 = tpu.vector_load %arg15[%parallel_loop3A_857, %parallel_loop3A_858, %parallel_loop3A_859] {strides = array<i32>} : memref<2x128x128xf32, #tpu.memory_space<vmem>>, vector<16xf32>,
        %parallel_loop3A_861 = arith.mulf %parallel_loop3A_658, %parallel_loop3A_860 : vector<16xf32>
        %parallel_loop3A_862 = arith.constant 1 : i32
        %parallel_loop3A_863 = arith.addi %parallel_loop3A_651, %parallel_loop3A_862 : i32
        %parallel_loop3A_864 = arith.index_cast %and3A_165 : i32 to index
        %parallel_loop3A_865 = arith.index_cast %parallel_loop3A_863 : i32 to index
        %parallel_loop3A_866 = arith.constant 32 : index
        %parallel_loop3A_867 = tpu.vector_load %arg15[%parallel_loop3A_864, %parallel_loop3A_865, %parallel_loop3A_866] {strides = array<i32>} : memref<2x128x128xf32, #tpu.memory_space<vmem>>, vector<16xf32>,
        %parallel_loop3A_868 = arith.mulf %parallel_loop3A_665, %parallel_loop3A_867 : vector<16xf32>
        %parallel_loop3A_869 = arith.constant 2 : i32
        %parallel_loop3A_870 = arith.addi %parallel_loop3A_651, %parallel_loop3A_869 : i32
        %parallel_loop3A_871 = arith.index_cast %and3A_165 : i32 to index
        %parallel_loop3A_872 = arith.index_cast %parallel_loop3A_870 : i32 to index
        %parallel_loop3A_873 = arith.constant 32 : index
        %parallel_loop3A_874 = tpu.vector_load %arg15[%parallel_loop3A_871, %parallel_loop3A_872, %parallel_loop3A_873] {strides = array<i32>} : memref<2x128x128xf32, #tpu.memory_space<vmem>>, vector<16xf32>,
        %parallel_loop3A_875 = arith.mulf %parallel_loop3A_672, %parallel_loop3A_874 : vector<16xf32>
        %parallel_loop3A_876 = arith.constant 3 : i32
        %parallel_loop3A_877 = arith.addi %parallel_loop3A_651, %parallel_loop3A_876 : i32
        %parallel_loop3A_878 = arith.index_cast %and3A_165 : i32 to index
        %parallel_loop3A_879 = arith.index_cast %parallel_loop3A_877 : i32 to index
        %parallel_loop3A_880 = arith.constant 32 : index
        %parallel_loop3A_881 = tpu.vector_load %arg15[%parallel_loop3A_878, %parallel_loop3A_879, %parallel_loop3A_880] {strides = array<i32>} : memref<2x128x128xf32, #tpu.memory_space<vmem>>, vector<16xf32>,
        %parallel_loop3A_882 = arith.mulf %parallel_loop3A_679, %parallel_loop3A_881 : vector<16xf32>
        %parallel_loop3A_883 = arith.constant 4 : i32
        %parallel_loop3A_884 = arith.addi %parallel_loop3A_651, %parallel_loop3A_883 : i32
        %parallel_loop3A_885 = arith.index_cast %and3A_165 : i32 to index
        %parallel_loop3A_886 = arith.index_cast %parallel_loop3A_884 : i32 to index
        %parallel_loop3A_887 = arith.constant 32 : index
        %parallel_loop3A_888 = tpu.vector_load %arg15[%parallel_loop3A_885, %parallel_loop3A_886, %parallel_loop3A_887] {strides = array<i32>} : memref<2x128x128xf32, #tpu.memory_space<vmem>>, vector<16xf32>,
        %parallel_loop3A_889 = arith.mulf %parallel_loop3A_686, %parallel_loop3A_888 : vector<16xf32>
        %parallel_loop3A_890 = arith.constant 5 : i32
        %parallel_loop3A_891 = arith.addi %parallel_loop3A_651, %parallel_loop3A_890 : i32
        %parallel_loop3A_892 = arith.index_cast %and3A_165 : i32 to index
        %parallel_loop3A_893 = arith.index_cast %parallel_loop3A_891 : i32 to index
        %parallel_loop3A_894 = arith.constant 32 : index
        %parallel_loop3A_895 = tpu.vector_load %arg15[%parallel_loop3A_892, %parallel_loop3A_893, %parallel_loop3A_894] {strides = array<i32>} : memref<2x128x128xf32, #tpu.memory_space<vmem>>, vector<16xf32>,
        %parallel_loop3A_896 = arith.mulf %parallel_loop3A_693, %parallel_loop3A_895 : vector<16xf32>
        %parallel_loop3A_897 = arith.constant 6 : i32
        %parallel_loop3A_898 = arith.addi %parallel_loop3A_651, %parallel_loop3A_897 : i32
        %parallel_loop3A_899 = arith.index_cast %and3A_165 : i32 to index
        %parallel_loop3A_900 = arith.index_cast %parallel_loop3A_898 : i32 to index
        %parallel_loop3A_901 = arith.constant 32 : index
        %parallel_loop3A_902 = tpu.vector_load %arg15[%parallel_loop3A_899, %parallel_loop3A_900, %parallel_loop3A_901] {strides = array<i32>} : memref<2x128x128xf32, #tpu.memory_space<vmem>>, vector<16xf32>,
        %parallel_loop3A_903 = arith.mulf %parallel_loop3A_700, %parallel_loop3A_902 : vector<16xf32>
        %parallel_loop3A_904 = arith.constant 7 : i32
        %parallel_loop3A_905 = arith.addi %parallel_loop3A_651, %parallel_loop3A_904 : i32
        %parallel_loop3A_906 = arith.index_cast %and3A_165 : i32 to index
        %parallel_loop3A_907 = arith.index_cast %parallel_loop3A_905 : i32 to index
        %parallel_loop3A_908 = arith.constant 32 : index
        %parallel_loop3A_909 = tpu.vector_load %arg15[%parallel_loop3A_906, %parallel_loop3A_907, %parallel_loop3A_908] {strides = array<i32>} : memref<2x128x128xf32, #tpu.memory_space<vmem>>, vector<16xf32>,
        %parallel_loop3A_910 = arith.mulf %parallel_loop3A_707, %parallel_loop3A_909 : vector<16xf32>
        %parallel_loop3A_911 = arith.addf %parallel_loop3A_861, %parallel_loop3A_868 : vector<16xf32>
        %parallel_loop3A_912 = arith.addf %parallel_loop3A_875, %parallel_loop3A_882 : vector<16xf32>
        %parallel_loop3A_913 = arith.addf %parallel_loop3A_889, %parallel_loop3A_896 : vector<16xf32>
        %parallel_loop3A_914 = arith.addf %parallel_loop3A_903, %parallel_loop3A_910 : vector<16xf32>
        %parallel_loop3A_915 = arith.addf %parallel_loop3A_911, %parallel_loop3A_912 : vector<16xf32>
        %parallel_loop3A_916 = arith.addf %parallel_loop3A_913, %parallel_loop3A_914 : vector<16xf32>
        %parallel_loop3A_917 = arith.addf %parallel_loop3A_915, %parallel_loop3A_916 : vector<16xf32>
        %parallel_loop3A_918 = arith.mulf %parallel_loop3A_917, %parallel_loop3A_718 : vector<16xf32>
        %parallel_loop3A_919 = arith.index_cast %rem3A_167 : i32 to index
        %parallel_loop3A_920 = arith.index_cast %parallel_loop3A_649 : i32 to index
        %parallel_loop3A_921 = arith.constant 32 : index
        %parallel_loop3A_922 = tpu.vector_load %arg19[%parallel_loop3A_919, %parallel_loop3A_920, %parallel_loop3A_921] {strides = array<i32>} : memref<3x16x128xf32, #tpu.memory_space<vmem>>, vector<16xf32>,
        tpu.vector_store %arg19[%parallel_loop3A_919, %parallel_loop3A_920, %parallel_loop3A_921], %parallel_loop3A_918 {strides = array<i32>} : memref<3x16x128xf32, #tpu.memory_space<vmem>>, vector<16xf32>,
        %parallel_loop3A_923 = arith.constant 0 : i32
        %parallel_loop3A_924 = arith.addi %parallel_loop3A_651, %parallel_loop3A_923 : i32
        %parallel_loop3A_925 = arith.index_cast %and3A_165 : i32 to index
        %parallel_loop3A_926 = arith.index_cast %parallel_loop3A_924 : i32 to index
        %parallel_loop3A_927 = arith.constant 48 : index
        %parallel_loop3A_928 = tpu.vector_load %arg15[%parallel_loop3A_925, %parallel_loop3A_926, %parallel_loop3A_927] {strides = array<i32>} : memref<2x128x128xf32, #tpu.memory_space<vmem>>, vector<16xf32>,
        %parallel_loop3A_929 = arith.mulf %parallel_loop3A_658, %parallel_loop3A_928 : vector<16xf32>
        %parallel_loop3A_930 = arith.constant 1 : i32
        %parallel_loop3A_931 = arith.addi %parallel_loop3A_651, %parallel_loop3A_930 : i32
        %parallel_loop3A_932 = arith.index_cast %and3A_165 : i32 to index
        %parallel_loop3A_933 = arith.index_cast %parallel_loop3A_931 : i32 to index
        %parallel_loop3A_934 = arith.constant 48 : index
        %parallel_loop3A_935 = tpu.vector_load %arg15[%parallel_loop3A_932, %parallel_loop3A_933, %parallel_loop3A_934] {strides = array<i32>} : memref<2x128x128xf32, #tpu.memory_space<vmem>>, vector<16xf32>,
        %parallel_loop3A_936 = arith.mulf %parallel_loop3A_665, %parallel_loop3A_935 : vector<16xf32>
        %parallel_loop3A_937 = arith.constant 2 : i32
        %parallel_loop3A_938 = arith.addi %parallel_loop3A_651, %parallel_loop3A_937 : i32
        %parallel_loop3A_939 = arith.index_cast %and3A_165 : i32 to index
        %parallel_loop3A_940 = arith.index_cast %parallel_loop3A_938 : i32 to index
        %parallel_loop3A_941 = arith.constant 48 : index
        %parallel_loop3A_942 = tpu.vector_load %arg15[%parallel_loop3A_939, %parallel_loop3A_940, %parallel_loop3A_941] {strides = array<i32>} : memref<2x128x128xf32, #tpu.memory_space<vmem>>, vector<16xf32>,
        %parallel_loop3A_943 = arith.mulf %parallel_loop3A_672, %parallel_loop3A_942 : vector<16xf32>
        %parallel_loop3A_944 = arith.constant 3 : i32
        %parallel_loop3A_945 = arith.addi %parallel_loop3A_651, %parallel_loop3A_944 : i32
        %parallel_loop3A_946 = arith.index_cast %and3A_165 : i32 to index
        %parallel_loop3A_947 = arith.index_cast %parallel_loop3A_945 : i32 to index
        %parallel_loop3A_948 = arith.constant 48 : index
        %parallel_loop3A_949 = tpu.vector_load %arg15[%parallel_loop3A_946, %parallel_loop3A_947, %parallel_loop3A_948] {strides = array<i32>} : memref<2x128x128xf32, #tpu.memory_space<vmem>>, vector<16xf32>,
        %parallel_loop3A_950 = arith.mulf %parallel_loop3A_679, %parallel_loop3A_949 : vector<16xf32>
        %parallel_loop3A_951 = arith.constant 4 : i32
        %parallel_loop3A_952 = arith.addi %parallel_loop3A_651, %parallel_loop3A_951 : i32
        %parallel_loop3A_953 = arith.index_cast %and3A_165 : i32 to index
        %parallel_loop3A_954 = arith.index_cast %parallel_loop3A_952 : i32 to index
        %parallel_loop3A_955 = arith.constant 48 : index
        %parallel_loop3A_956 = tpu.vector_load %arg15[%parallel_loop3A_953, %parallel_loop3A_954, %parallel_loop3A_955] {strides = array<i32>} : memref<2x128x128xf32, #tpu.memory_space<vmem>>, vector<16xf32>,
        %parallel_loop3A_957 = arith.mulf %parallel_loop3A_686, %parallel_loop3A_956 : vector<16xf32>
        %parallel_loop3A_958 = arith.constant 5 : i32
        %parallel_loop3A_959 = arith.addi %parallel_loop3A_651, %parallel_loop3A_958 : i32
        %parallel_loop3A_960 = arith.index_cast %and3A_165 : i32 to index
        %parallel_loop3A_961 = arith.index_cast %parallel_loop3A_959 : i32 to index
        %parallel_loop3A_962 = arith.constant 48 : index
        %parallel_loop3A_963 = tpu.vector_load %arg15[%parallel_loop3A_960, %parallel_loop3A_961, %parallel_loop3A_962] {strides = array<i32>} : memref<2x128x128xf32, #tpu.memory_space<vmem>>, vector<16xf32>,
        %parallel_loop3A_964 = arith.mulf %parallel_loop3A_693, %parallel_loop3A_963 : vector<16xf32>
        %parallel_loop3A_965 = arith.constant 6 : i32
        %parallel_loop3A_966 = arith.addi %parallel_loop3A_651, %parallel_loop3A_965 : i32
        %parallel_loop3A_967 = arith.index_cast %and3A_165 : i32 to index
        %parallel_loop3A_968 = arith.index_cast %parallel_loop3A_966 : i32 to index
        %parallel_loop3A_969 = arith.constant 48 : index
        %parallel_loop3A_970 = tpu.vector_load %arg15[%parallel_loop3A_967, %parallel_loop3A_968, %parallel_loop3A_969] {strides = array<i32>} : memref<2x128x128xf32, #tpu.memory_space<vmem>>, vector<16xf32>,
        %parallel_loop3A_971 = arith.mulf %parallel_loop3A_700, %parallel_loop3A_970 : vector<16xf32>
        %parallel_loop3A_972 = arith.constant 7 : i32
        %parallel_loop3A_973 = arith.addi %parallel_loop3A_651, %parallel_loop3A_972 : i32
        %parallel_loop3A_974 = arith.index_cast %and3A_165 : i32 to index
        %parallel_loop3A_975 = arith.index_cast %parallel_loop3A_973 : i32 to index
        %parallel_loop3A_976 = arith.constant 48 : index
        %parallel_loop3A_977 = tpu.vector_load %arg15[%parallel_loop3A_974, %parallel_loop3A_975, %parallel_loop3A_976] {strides = array<i32>} : memref<2x128x128xf32, #tpu.memory_space<vmem>>, vector<16xf32>,
        %parallel_loop3A_978 = arith.mulf %parallel_loop3A_707, %parallel_loop3A_977 : vector<16xf32>
        %parallel_loop3A_979 = arith.addf %parallel_loop3A_929, %parallel_loop3A_936 : vector<16xf32>
        %parallel_loop3A_980 = arith.addf %parallel_loop3A_943, %parallel_loop3A_950 : vector<16xf32>
        %parallel_loop3A_981 = arith.addf %parallel_loop3A_957, %parallel_loop3A_964 : vector<16xf32>
        %parallel_loop3A_982 = arith.addf %parallel_loop3A_971, %parallel_loop3A_978 : vector<16xf32>
        %parallel_loop3A_983 = arith.addf %parallel_loop3A_979, %parallel_loop3A_980 : vector<16xf32>
        %parallel_loop3A_984 = arith.addf %parallel_loop3A_981, %parallel_loop3A_982 : vector<16xf32>
        %parallel_loop3A_985 = arith.addf %parallel_loop3A_983, %parallel_loop3A_984 : vector<16xf32>
        %parallel_loop3A_986 = arith.mulf %parallel_loop3A_985, %parallel_loop3A_718 : vector<16xf32>
        %parallel_loop3A_987 = arith.index_cast %rem3A_167 : i32 to index
        %parallel_loop3A_988 = arith.index_cast %parallel_loop3A_649 : i32 to index
        %parallel_loop3A_989 = arith.constant 48 : index
        %parallel_loop3A_990 = tpu.vector_load %arg19[%parallel_loop3A_987, %parallel_loop3A_988, %parallel_loop3A_989] {strides = array<i32>} : memref<3x16x128xf32, #tpu.memory_space<vmem>>, vector<16xf32>,
        tpu.vector_store %arg19[%parallel_loop3A_987, %parallel_loop3A_988, %parallel_loop3A_989], %parallel_loop3A_986 {strides = array<i32>} : memref<3x16x128xf32, #tpu.memory_space<vmem>>, vector<16xf32>,
        %parallel_loop3A_991 = arith.constant 0 : i32
        %parallel_loop3A_992 = arith.addi %parallel_loop3A_651, %parallel_loop3A_991 : i32
        %parallel_loop3A_993 = arith.index_cast %and3A_165 : i32 to index
        %parallel_loop3A_994 = arith.index_cast %parallel_loop3A_992 : i32 to index
        %parallel_loop3A_995 = arith.constant 64 : index
        %parallel_loop3A_996 = tpu.vector_load %arg15[%parallel_loop3A_993, %parallel_loop3A_994, %parallel_loop3A_995] {strides = array<i32>} : memref<2x128x128xf32, #tpu.memory_space<vmem>>, vector<16xf32>,
        %parallel_loop3A_997 = arith.mulf %parallel_loop3A_658, %parallel_loop3A_996 : vector<16xf32>
        %parallel_loop3A_998 = arith.constant 1 : i32
        %parallel_loop3A_999 = arith.addi %parallel_loop3A_651, %parallel_loop3A_998 : i32
        %parallel_loop3A_1000 = arith.index_cast %and3A_165 : i32 to index
        %parallel_loop3A_1001 = arith.index_cast %parallel_loop3A_999 : i32 to index
        %parallel_loop3A_1002 = arith.constant 64 : index
        %parallel_loop3A_1003 = tpu.vector_load %arg15[%parallel_loop3A_1000, %parallel_loop3A_1001, %parallel_loop3A_1002] {strides = array<i32>} : memref<2x128x128xf32, #tpu.memory_space<vmem>>, vector<16xf32>,
        %parallel_loop3A_1004 = arith.mulf %parallel_loop3A_665, %parallel_loop3A_1003 : vector<16xf32>
        %parallel_loop3A_1005 = arith.constant 2 : i32
        %parallel_loop3A_1006 = arith.addi %parallel_loop3A_651, %parallel_loop3A_1005 : i32
        %parallel_loop3A_1007 = arith.index_cast %and3A_165 : i32 to index
        %parallel_loop3A_1008 = arith.index_cast %parallel_loop3A_1006 : i32 to index
        %parallel_loop3A_1009 = arith.constant 64 : index
        %parallel_loop3A_1010 = tpu.vector_load %arg15[%parallel_loop3A_1007, %parallel_loop3A_1008, %parallel_loop3A_1009] {strides = array<i32>} : memref<2x128x128xf32, #tpu.memory_space<vmem>>, vector<16xf32>,
        %parallel_loop3A_1011 = arith.mulf %parallel_loop3A_672, %parallel_loop3A_1010 : vector<16xf32>
        %parallel_loop3A_1012 = arith.constant 3 : i32
        %parallel_loop3A_1013 = arith.addi %parallel_loop3A_651, %parallel_loop3A_1012 : i32
        %parallel_loop3A_1014 = arith.index_cast %and3A_165 : i32 to index
        %parallel_loop3A_1015 = arith.index_cast %parallel_loop3A_1013 : i32 to index
        %parallel_loop3A_1016 = arith.constant 64 : index
        %parallel_loop3A_1017 = tpu.vector_load %arg15[%parallel_loop3A_1014, %parallel_loop3A_1015, %parallel_loop3A_1016] {strides = array<i32>} : memref<2x128x128xf32, #tpu.memory_space<vmem>>, vector<16xf32>,
        %parallel_loop3A_1018 = arith.mulf %parallel_loop3A_679, %parallel_loop3A_1017 : vector<16xf32>
        %parallel_loop3A_1019 = arith.constant 4 : i32
        %parallel_loop3A_1020 = arith.addi %parallel_loop3A_651, %parallel_loop3A_1019 : i32
        %parallel_loop3A_1021 = arith.index_cast %and3A_165 : i32 to index
        %parallel_loop3A_1022 = arith.index_cast %parallel_loop3A_1020 : i32 to index
        %parallel_loop3A_1023 = arith.constant 64 : index
        %parallel_loop3A_1024 = tpu.vector_load %arg15[%parallel_loop3A_1021, %parallel_loop3A_1022, %parallel_loop3A_1023] {strides = array<i32>} : memref<2x128x128xf32, #tpu.memory_space<vmem>>, vector<16xf32>,
        %parallel_loop3A_1025 = arith.mulf %parallel_loop3A_686, %parallel_loop3A_1024 : vector<16xf32>
        %parallel_loop3A_1026 = arith.constant 5 : i32
        %parallel_loop3A_1027 = arith.addi %parallel_loop3A_651, %parallel_loop3A_1026 : i32
        %parallel_loop3A_1028 = arith.index_cast %and3A_165 : i32 to index
        %parallel_loop3A_1029 = arith.index_cast %parallel_loop3A_1027 : i32 to index
        %parallel_loop3A_1030 = arith.constant 64 : index
        %parallel_loop3A_1031 = tpu.vector_load %arg15[%parallel_loop3A_1028, %parallel_loop3A_1029, %parallel_loop3A_1030] {strides = array<i32>} : memref<2x128x128xf32, #tpu.memory_space<vmem>>, vector<16xf32>,
        %parallel_loop3A_1032 = arith.mulf %parallel_loop3A_693, %parallel_loop3A_1031 : vector<16xf32>
        %parallel_loop3A_1033 = arith.constant 6 : i32
        %parallel_loop3A_1034 = arith.addi %parallel_loop3A_651, %parallel_loop3A_1033 : i32
        %parallel_loop3A_1035 = arith.index_cast %and3A_165 : i32 to index
        %parallel_loop3A_1036 = arith.index_cast %parallel_loop3A_1034 : i32 to index
        %parallel_loop3A_1037 = arith.constant 64 : index
        %parallel_loop3A_1038 = tpu.vector_load %arg15[%parallel_loop3A_1035, %parallel_loop3A_1036, %parallel_loop3A_1037] {strides = array<i32>} : memref<2x128x128xf32, #tpu.memory_space<vmem>>, vector<16xf32>,
        %parallel_loop3A_1039 = arith.mulf %parallel_loop3A_700, %parallel_loop3A_1038 : vector<16xf32>
        %parallel_loop3A_1040 = arith.constant 7 : i32
        %parallel_loop3A_1041 = arith.addi %parallel_loop3A_651, %parallel_loop3A_1040 : i32
        %parallel_loop3A_1042 = arith.index_cast %and3A_165 : i32 to index
        %parallel_loop3A_1043 = arith.index_cast %parallel_loop3A_1041 : i32 to index
        %parallel_loop3A_1044 = arith.constant 64 : index
        %parallel_loop3A_1045 = tpu.vector_load %arg15[%parallel_loop3A_1042, %parallel_loop3A_1043, %parallel_loop3A_1044] {strides = array<i32>} : memref<2x128x128xf32, #tpu.memory_space<vmem>>, vector<16xf32>,
        %parallel_loop3A_1046 = arith.mulf %parallel_loop3A_707, %parallel_loop3A_1045 : vector<16xf32>
        %parallel_loop3A_1047 = arith.addf %parallel_loop3A_997, %parallel_loop3A_1004 : vector<16xf32>
        %parallel_loop3A_1048 = arith.addf %parallel_loop3A_1011, %parallel_loop3A_1018 : vector<16xf32>
        %parallel_loop3A_1049 = arith.addf %parallel_loop3A_1025, %parallel_loop3A_1032 : vector<16xf32>
        %parallel_loop3A_1050 = arith.addf %parallel_loop3A_1039, %parallel_loop3A_1046 : vector<16xf32>
        %parallel_loop3A_1051 = arith.addf %parallel_loop3A_1047, %parallel_loop3A_1048 : vector<16xf32>
        %parallel_loop3A_1052 = arith.addf %parallel_loop3A_1049, %parallel_loop3A_1050 : vector<16xf32>
        %parallel_loop3A_1053 = arith.addf %parallel_loop3A_1051, %parallel_loop3A_1052 : vector<16xf32>
        %parallel_loop3A_1054 = arith.mulf %parallel_loop3A_1053, %parallel_loop3A_718 : vector<16xf32>
        %parallel_loop3A_1055 = arith.index_cast %rem3A_167 : i32 to index
        %parallel_loop3A_1056 = arith.index_cast %parallel_loop3A_649 : i32 to index
        %parallel_loop3A_1057 = arith.constant 64 : index
        %parallel_loop3A_1058 = tpu.vector_load %arg19[%parallel_loop3A_1055, %parallel_loop3A_1056, %parallel_loop3A_1057] {strides = array<i32>} : memref<3x16x128xf32, #tpu.memory_space<vmem>>, vector<16xf32>,
        tpu.vector_store %arg19[%parallel_loop3A_1055, %parallel_loop3A_1056, %parallel_loop3A_1057], %parallel_loop3A_1054 {strides = array<i32>} : memref<3x16x128xf32, #tpu.memory_space<vmem>>, vector<16xf32>,
        %parallel_loop3A_1059 = arith.constant 0 : i32
        %parallel_loop3A_1060 = arith.addi %parallel_loop3A_651, %parallel_loop3A_1059 : i32
        %parallel_loop3A_1061 = arith.index_cast %and3A_165 : i32 to index
        %parallel_loop3A_1062 = arith.index_cast %parallel_loop3A_1060 : i32 to index
        %parallel_loop3A_1063 = arith.constant 80 : index
        %parallel_loop3A_1064 = tpu.vector_load %arg15[%parallel_loop3A_1061, %parallel_loop3A_1062, %parallel_loop3A_1063] {strides = array<i32>} : memref<2x128x128xf32, #tpu.memory_space<vmem>>, vector<16xf32>,
        %parallel_loop3A_1065 = arith.mulf %parallel_loop3A_658, %parallel_loop3A_1064 : vector<16xf32>
        %parallel_loop3A_1066 = arith.constant 1 : i32
        %parallel_loop3A_1067 = arith.addi %parallel_loop3A_651, %parallel_loop3A_1066 : i32
        %parallel_loop3A_1068 = arith.index_cast %and3A_165 : i32 to index
        %parallel_loop3A_1069 = arith.index_cast %parallel_loop3A_1067 : i32 to index
        %parallel_loop3A_1070 = arith.constant 80 : index
        %parallel_loop3A_1071 = tpu.vector_load %arg15[%parallel_loop3A_1068, %parallel_loop3A_1069, %parallel_loop3A_1070] {strides = array<i32>} : memref<2x128x128xf32, #tpu.memory_space<vmem>>, vector<16xf32>,
        %parallel_loop3A_1072 = arith.mulf %parallel_loop3A_665, %parallel_loop3A_1071 : vector<16xf32>
        %parallel_loop3A_1073 = arith.constant 2 : i32
        %parallel_loop3A_1074 = arith.addi %parallel_loop3A_651, %parallel_loop3A_1073 : i32
        %parallel_loop3A_1075 = arith.index_cast %and3A_165 : i32 to index
        %parallel_loop3A_1076 = arith.index_cast %parallel_loop3A_1074 : i32 to index
        %parallel_loop3A_1077 = arith.constant 80 : index
        %parallel_loop3A_1078 = tpu.vector_load %arg15[%parallel_loop3A_1075, %parallel_loop3A_1076, %parallel_loop3A_1077] {strides = array<i32>} : memref<2x128x128xf32, #tpu.memory_space<vmem>>, vector<16xf32>,
        %parallel_loop3A_1079 = arith.mulf %parallel_loop3A_672, %parallel_loop3A_1078 : vector<16xf32>
        %parallel_loop3A_1080 = arith.constant 3 : i32
        %parallel_loop3A_1081 = arith.addi %parallel_loop3A_651, %parallel_loop3A_1080 : i32
        %parallel_loop3A_1082 = arith.index_cast %and3A_165 : i32 to index
        %parallel_loop3A_1083 = arith.index_cast %parallel_loop3A_1081 : i32 to index
        %parallel_loop3A_1084 = arith.constant 80 : index
        %parallel_loop3A_1085 = tpu.vector_load %arg15[%parallel_loop3A_1082, %parallel_loop3A_1083, %parallel_loop3A_1084] {strides = array<i32>} : memref<2x128x128xf32, #tpu.memory_space<vmem>>, vector<16xf32>,
        %parallel_loop3A_1086 = arith.mulf %parallel_loop3A_679, %parallel_loop3A_1085 : vector<16xf32>
        %parallel_loop3A_1087 = arith.constant 4 : i32
        %parallel_loop3A_1088 = arith.addi %parallel_loop3A_651, %parallel_loop3A_1087 : i32
        %parallel_loop3A_1089 = arith.index_cast %and3A_165 : i32 to index
        %parallel_loop3A_1090 = arith.index_cast %parallel_loop3A_1088 : i32 to index
        %parallel_loop3A_1091 = arith.constant 80 : index
        %parallel_loop3A_1092 = tpu.vector_load %arg15[%parallel_loop3A_1089, %parallel_loop3A_1090, %parallel_loop3A_1091] {strides = array<i32>} : memref<2x128x128xf32, #tpu.memory_space<vmem>>, vector<16xf32>,
        %parallel_loop3A_1093 = arith.mulf %parallel_loop3A_686, %parallel_loop3A_1092 : vector<16xf32>
        %parallel_loop3A_1094 = arith.constant 5 : i32
        %parallel_loop3A_1095 = arith.addi %parallel_loop3A_651, %parallel_loop3A_1094 : i32
        %parallel_loop3A_1096 = arith.index_cast %and3A_165 : i32 to index
        %parallel_loop3A_1097 = arith.index_cast %parallel_loop3A_1095 : i32 to index
        %parallel_loop3A_1098 = arith.constant 80 : index
        %parallel_loop3A_1099 = tpu.vector_load %arg15[%parallel_loop3A_1096, %parallel_loop3A_1097, %parallel_loop3A_1098] {strides = array<i32>} : memref<2x128x128xf32, #tpu.memory_space<vmem>>, vector<16xf32>,
        %parallel_loop3A_1100 = arith.mulf %parallel_loop3A_693, %parallel_loop3A_1099 : vector<16xf32>
        %parallel_loop3A_1101 = arith.constant 6 : i32
        %parallel_loop3A_1102 = arith.addi %parallel_loop3A_651, %parallel_loop3A_1101 : i32
        %parallel_loop3A_1103 = arith.index_cast %and3A_165 : i32 to index
        %parallel_loop3A_1104 = arith.index_cast %parallel_loop3A_1102 : i32 to index
        %parallel_loop3A_1105 = arith.constant 80 : index
        %parallel_loop3A_1106 = tpu.vector_load %arg15[%parallel_loop3A_1103, %parallel_loop3A_1104, %parallel_loop3A_1105] {strides = array<i32>} : memref<2x128x128xf32, #tpu.memory_space<vmem>>, vector<16xf32>,
        %parallel_loop3A_1107 = arith.mulf %parallel_loop3A_700, %parallel_loop3A_1106 : vector<16xf32>
        %parallel_loop3A_1108 = arith.constant 7 : i32
        %parallel_loop3A_1109 = arith.addi %parallel_loop3A_651, %parallel_loop3A_1108 : i32
        %parallel_loop3A_1110 = arith.index_cast %and3A_165 : i32 to index
        %parallel_loop3A_1111 = arith.index_cast %parallel_loop3A_1109 : i32 to index
        %parallel_loop3A_1112 = arith.constant 80 : index
        %parallel_loop3A_1113 = tpu.vector_load %arg15[%parallel_loop3A_1110, %parallel_loop3A_1111, %parallel_loop3A_1112] {strides = array<i32>} : memref<2x128x128xf32, #tpu.memory_space<vmem>>, vector<16xf32>,
        %parallel_loop3A_1114 = arith.mulf %parallel_loop3A_707, %parallel_loop3A_1113 : vector<16xf32>
        %parallel_loop3A_1115 = arith.addf %parallel_loop3A_1065, %parallel_loop3A_1072 : vector<16xf32>
        %parallel_loop3A_1116 = arith.addf %parallel_loop3A_1079, %parallel_loop3A_1086 : vector<16xf32>
        %parallel_loop3A_1117 = arith.addf %parallel_loop3A_1093, %parallel_loop3A_1100 : vector<16xf32>
        %parallel_loop3A_1118 = arith.addf %parallel_loop3A_1107, %parallel_loop3A_1114 : vector<16xf32>
        %parallel_loop3A_1119 = arith.addf %parallel_loop3A_1115, %parallel_loop3A_1116 : vector<16xf32>
        %parallel_loop3A_1120 = arith.addf %parallel_loop3A_1117, %parallel_loop3A_1118 : vector<16xf32>
        %parallel_loop3A_1121 = arith.addf %parallel_loop3A_1119, %parallel_loop3A_1120 : vector<16xf32>
        %parallel_loop3A_1122 = arith.mulf %parallel_loop3A_1121, %parallel_loop3A_718 : vector<16xf32>
        %parallel_loop3A_1123 = arith.index_cast %rem3A_167 : i32 to index
        %parallel_loop3A_1124 = arith.index_cast %parallel_loop3A_649 : i32 to index
        %parallel_loop3A_1125 = arith.constant 80 : index
        %parallel_loop3A_1126 = tpu.vector_load %arg19[%parallel_loop3A_1123, %parallel_loop3A_1124, %parallel_loop3A_1125] {strides = array<i32>} : memref<3x16x128xf32, #tpu.memory_space<vmem>>, vector<16xf32>,
        tpu.vector_store %arg19[%parallel_loop3A_1123, %parallel_loop3A_1124, %parallel_loop3A_1125], %parallel_loop3A_1122 {strides = array<i32>} : memref<3x16x128xf32, #tpu.memory_space<vmem>>, vector<16xf32>,
        %parallel_loop3A_1127 = arith.constant 0 : i32
        %parallel_loop3A_1128 = arith.addi %parallel_loop3A_651, %parallel_loop3A_1127 : i32
        %parallel_loop3A_1129 = arith.index_cast %and3A_165 : i32 to index
        %parallel_loop3A_1130 = arith.index_cast %parallel_loop3A_1128 : i32 to index
        %parallel_loop3A_1131 = arith.constant 96 : index
        %parallel_loop3A_1132 = tpu.vector_load %arg15[%parallel_loop3A_1129, %parallel_loop3A_1130, %parallel_loop3A_1131] {strides = array<i32>} : memref<2x128x128xf32, #tpu.memory_space<vmem>>, vector<16xf32>,
        %parallel_loop3A_1133 = arith.mulf %parallel_loop3A_658, %parallel_loop3A_1132 : vector<16xf32>
        %parallel_loop3A_1134 = arith.constant 1 : i32
        %parallel_loop3A_1135 = arith.addi %parallel_loop3A_651, %parallel_loop3A_1134 : i32
        %parallel_loop3A_1136 = arith.index_cast %and3A_165 : i32 to index
        %parallel_loop3A_1137 = arith.index_cast %parallel_loop3A_1135 : i32 to index
        %parallel_loop3A_1138 = arith.constant 96 : index
        %parallel_loop3A_1139 = tpu.vector_load %arg15[%parallel_loop3A_1136, %parallel_loop3A_1137, %parallel_loop3A_1138] {strides = array<i32>} : memref<2x128x128xf32, #tpu.memory_space<vmem>>, vector<16xf32>,
        %parallel_loop3A_1140 = arith.mulf %parallel_loop3A_665, %parallel_loop3A_1139 : vector<16xf32>
        %parallel_loop3A_1141 = arith.constant 2 : i32
        %parallel_loop3A_1142 = arith.addi %parallel_loop3A_651, %parallel_loop3A_1141 : i32
        %parallel_loop3A_1143 = arith.index_cast %and3A_165 : i32 to index
        %parallel_loop3A_1144 = arith.index_cast %parallel_loop3A_1142 : i32 to index
        %parallel_loop3A_1145 = arith.constant 96 : index
        %parallel_loop3A_1146 = tpu.vector_load %arg15[%parallel_loop3A_1143, %parallel_loop3A_1144, %parallel_loop3A_1145] {strides = array<i32>} : memref<2x128x128xf32, #tpu.memory_space<vmem>>, vector<16xf32>,
        %parallel_loop3A_1147 = arith.mulf %parallel_loop3A_672, %parallel_loop3A_1146 : vector<16xf32>
        %parallel_loop3A_1148 = arith.constant 3 : i32
        %parallel_loop3A_1149 = arith.addi %parallel_loop3A_651, %parallel_loop3A_1148 : i32
        %parallel_loop3A_1150 = arith.index_cast %and3A_165 : i32 to index
        %parallel_loop3A_1151 = arith.index_cast %parallel_loop3A_1149 : i32 to index
        %parallel_loop3A_1152 = arith.constant 96 : index
        %parallel_loop3A_1153 = tpu.vector_load %arg15[%parallel_loop3A_1150, %parallel_loop3A_1151, %parallel_loop3A_1152] {strides = array<i32>} : memref<2x128x128xf32, #tpu.memory_space<vmem>>, vector<16xf32>,
        %parallel_loop3A_1154 = arith.mulf %parallel_loop3A_679, %parallel_loop3A_1153 : vector<16xf32>
        %parallel_loop3A_1155 = arith.constant 4 : i32
        %parallel_loop3A_1156 = arith.addi %parallel_loop3A_651, %parallel_loop3A_1155 : i32
        %parallel_loop3A_1157 = arith.index_cast %and3A_165 : i32 to index
        %parallel_loop3A_1158 = arith.index_cast %parallel_loop3A_1156 : i32 to index
        %parallel_loop3A_1159 = arith.constant 96 : index
        %parallel_loop3A_1160 = tpu.vector_load %arg15[%parallel_loop3A_1157, %parallel_loop3A_1158, %parallel_loop3A_1159] {strides = array<i32>} : memref<2x128x128xf32, #tpu.memory_space<vmem>>, vector<16xf32>,
        %parallel_loop3A_1161 = arith.mulf %parallel_loop3A_686, %parallel_loop3A_1160 : vector<16xf32>
        %parallel_loop3A_1162 = arith.constant 5 : i32
        %parallel_loop3A_1163 = arith.addi %parallel_loop3A_651, %parallel_loop3A_1162 : i32
        %parallel_loop3A_1164 = arith.index_cast %and3A_165 : i32 to index
        %parallel_loop3A_1165 = arith.index_cast %parallel_loop3A_1163 : i32 to index
        %parallel_loop3A_1166 = arith.constant 96 : index
        %parallel_loop3A_1167 = tpu.vector_load %arg15[%parallel_loop3A_1164, %parallel_loop3A_1165, %parallel_loop3A_1166] {strides = array<i32>} : memref<2x128x128xf32, #tpu.memory_space<vmem>>, vector<16xf32>,
        %parallel_loop3A_1168 = arith.mulf %parallel_loop3A_693, %parallel_loop3A_1167 : vector<16xf32>
        %parallel_loop3A_1169 = arith.constant 6 : i32
        %parallel_loop3A_1170 = arith.addi %parallel_loop3A_651, %parallel_loop3A_1169 : i32
        %parallel_loop3A_1171 = arith.index_cast %and3A_165 : i32 to index
        %parallel_loop3A_1172 = arith.index_cast %parallel_loop3A_1170 : i32 to index
        %parallel_loop3A_1173 = arith.constant 96 : index
        %parallel_loop3A_1174 = tpu.vector_load %arg15[%parallel_loop3A_1171, %parallel_loop3A_1172, %parallel_loop3A_1173] {strides = array<i32>} : memref<2x128x128xf32, #tpu.memory_space<vmem>>, vector<16xf32>,
        %parallel_loop3A_1175 = arith.mulf %parallel_loop3A_700, %parallel_loop3A_1174 : vector<16xf32>
        %parallel_loop3A_1176 = arith.constant 7 : i32
        %parallel_loop3A_1177 = arith.addi %parallel_loop3A_651, %parallel_loop3A_1176 : i32
        %parallel_loop3A_1178 = arith.index_cast %and3A_165 : i32 to index
        %parallel_loop3A_1179 = arith.index_cast %parallel_loop3A_1177 : i32 to index
        %parallel_loop3A_1180 = arith.constant 96 : index
        %parallel_loop3A_1181 = tpu.vector_load %arg15[%parallel_loop3A_1178, %parallel_loop3A_1179, %parallel_loop3A_1180] {strides = array<i32>} : memref<2x128x128xf32, #tpu.memory_space<vmem>>, vector<16xf32>,
        %parallel_loop3A_1182 = arith.mulf %parallel_loop3A_707, %parallel_loop3A_1181 : vector<16xf32>
        %parallel_loop3A_1183 = arith.addf %parallel_loop3A_1133, %parallel_loop3A_1140 : vector<16xf32>
        %parallel_loop3A_1184 = arith.addf %parallel_loop3A_1147, %parallel_loop3A_1154 : vector<16xf32>
        %parallel_loop3A_1185 = arith.addf %parallel_loop3A_1161, %parallel_loop3A_1168 : vector<16xf32>
        %parallel_loop3A_1186 = arith.addf %parallel_loop3A_1175, %parallel_loop3A_1182 : vector<16xf32>
        %parallel_loop3A_1187 = arith.addf %parallel_loop3A_1183, %parallel_loop3A_1184 : vector<16xf32>
        %parallel_loop3A_1188 = arith.addf %parallel_loop3A_1185, %parallel_loop3A_1186 : vector<16xf32>
        %parallel_loop3A_1189 = arith.addf %parallel_loop3A_1187, %parallel_loop3A_1188 : vector<16xf32>
        %parallel_loop3A_1190 = arith.mulf %parallel_loop3A_1189, %parallel_loop3A_718 : vector<16xf32>
        %parallel_loop3A_1191 = arith.index_cast %rem3A_167 : i32 to index
        %parallel_loop3A_1192 = arith.index_cast %parallel_loop3A_649 : i32 to index
        %parallel_loop3A_1193 = arith.constant 96 : index
        %parallel_loop3A_1194 = tpu.vector_load %arg19[%parallel_loop3A_1191, %parallel_loop3A_1192, %parallel_loop3A_1193] {strides = array<i32>} : memref<3x16x128xf32, #tpu.memory_space<vmem>>, vector<16xf32>,
        tpu.vector_store %arg19[%parallel_loop3A_1191, %parallel_loop3A_1192, %parallel_loop3A_1193], %parallel_loop3A_1190 {strides = array<i32>} : memref<3x16x128xf32, #tpu.memory_space<vmem>>, vector<16xf32>,
        %parallel_loop3A_1195 = arith.constant 0 : i32
        %parallel_loop3A_1196 = arith.addi %parallel_loop3A_651, %parallel_loop3A_1195 : i32
        %parallel_loop3A_1197 = arith.index_cast %and3A_165 : i32 to index
        %parallel_loop3A_1198 = arith.index_cast %parallel_loop3A_1196 : i32 to index
        %parallel_loop3A_1199 = arith.constant 112 : index
        %parallel_loop3A_1200 = tpu.vector_load %arg15[%parallel_loop3A_1197, %parallel_loop3A_1198, %parallel_loop3A_1199] {strides = array<i32>} : memref<2x128x128xf32, #tpu.memory_space<vmem>>, vector<16xf32>,
        %parallel_loop3A_1201 = arith.mulf %parallel_loop3A_658, %parallel_loop3A_1200 : vector<16xf32>
        %parallel_loop3A_1202 = arith.constant 1 : i32
        %parallel_loop3A_1203 = arith.addi %parallel_loop3A_651, %parallel_loop3A_1202 : i32
        %parallel_loop3A_1204 = arith.index_cast %and3A_165 : i32 to index
        %parallel_loop3A_1205 = arith.index_cast %parallel_loop3A_1203 : i32 to index
        %parallel_loop3A_1206 = arith.constant 112 : index
        %parallel_loop3A_1207 = tpu.vector_load %arg15[%parallel_loop3A_1204, %parallel_loop3A_1205, %parallel_loop3A_1206] {strides = array<i32>} : memref<2x128x128xf32, #tpu.memory_space<vmem>>, vector<16xf32>,
        %parallel_loop3A_1208 = arith.mulf %parallel_loop3A_665, %parallel_loop3A_1207 : vector<16xf32>
        %parallel_loop3A_1209 = arith.constant 2 : i32
        %parallel_loop3A_1210 = arith.addi %parallel_loop3A_651, %parallel_loop3A_1209 : i32
        %parallel_loop3A_1211 = arith.index_cast %and3A_165 : i32 to index
        %parallel_loop3A_1212 = arith.index_cast %parallel_loop3A_1210 : i32 to index
        %parallel_loop3A_1213 = arith.constant 112 : index
        %parallel_loop3A_1214 = tpu.vector_load %arg15[%parallel_loop3A_1211, %parallel_loop3A_1212, %parallel_loop3A_1213] {strides = array<i32>} : memref<2x128x128xf32, #tpu.memory_space<vmem>>, vector<16xf32>,
        %parallel_loop3A_1215 = arith.mulf %parallel_loop3A_672, %parallel_loop3A_1214 : vector<16xf32>
        %parallel_loop3A_1216 = arith.constant 3 : i32
        %parallel_loop3A_1217 = arith.addi %parallel_loop3A_651, %parallel_loop3A_1216 : i32
        %parallel_loop3A_1218 = arith.index_cast %and3A_165 : i32 to index
        %parallel_loop3A_1219 = arith.index_cast %parallel_loop3A_1217 : i32 to index
        %parallel_loop3A_1220 = arith.constant 112 : index
        %parallel_loop3A_1221 = tpu.vector_load %arg15[%parallel_loop3A_1218, %parallel_loop3A_1219, %parallel_loop3A_1220] {strides = array<i32>} : memref<2x128x128xf32, #tpu.memory_space<vmem>>, vector<16xf32>,
        %parallel_loop3A_1222 = arith.mulf %parallel_loop3A_679, %parallel_loop3A_1221 : vector<16xf32>
        %parallel_loop3A_1223 = arith.constant 4 : i32
        %parallel_loop3A_1224 = arith.addi %parallel_loop3A_651, %parallel_loop3A_1223 : i32
        %parallel_loop3A_1225 = arith.index_cast %and3A_165 : i32 to index
        %parallel_loop3A_1226 = arith.index_cast %parallel_loop3A_1224 : i32 to index
        %parallel_loop3A_1227 = arith.constant 112 : index
        %parallel_loop3A_1228 = tpu.vector_load %arg15[%parallel_loop3A_1225, %parallel_loop3A_1226, %parallel_loop3A_1227] {strides = array<i32>} : memref<2x128x128xf32, #tpu.memory_space<vmem>>, vector<16xf32>,
        %parallel_loop3A_1229 = arith.mulf %parallel_loop3A_686, %parallel_loop3A_1228 : vector<16xf32>
        %parallel_loop3A_1230 = arith.constant 5 : i32
        %parallel_loop3A_1231 = arith.addi %parallel_loop3A_651, %parallel_loop3A_1230 : i32
        %parallel_loop3A_1232 = arith.index_cast %and3A_165 : i32 to index
        %parallel_loop3A_1233 = arith.index_cast %parallel_loop3A_1231 : i32 to index
        %parallel_loop3A_1234 = arith.constant 112 : index
        %parallel_loop3A_1235 = tpu.vector_load %arg15[%parallel_loop3A_1232, %parallel_loop3A_1233, %parallel_loop3A_1234] {strides = array<i32>} : memref<2x128x128xf32, #tpu.memory_space<vmem>>, vector<16xf32>,
        %parallel_loop3A_1236 = arith.mulf %parallel_loop3A_693, %parallel_loop3A_1235 : vector<16xf32>
        %parallel_loop3A_1237 = arith.constant 6 : i32
        %parallel_loop3A_1238 = arith.addi %parallel_loop3A_651, %parallel_loop3A_1237 : i32
        %parallel_loop3A_1239 = arith.index_cast %and3A_165 : i32 to index
        %parallel_loop3A_1240 = arith.index_cast %parallel_loop3A_1238 : i32 to index
        %parallel_loop3A_1241 = arith.constant 112 : index
        %parallel_loop3A_1242 = tpu.vector_load %arg15[%parallel_loop3A_1239, %parallel_loop3A_1240, %parallel_loop3A_1241] {strides = array<i32>} : memref<2x128x128xf32, #tpu.memory_space<vmem>>, vector<16xf32>,
        %parallel_loop3A_1243 = arith.mulf %parallel_loop3A_700, %parallel_loop3A_1242 : vector<16xf32>
        %parallel_loop3A_1244 = arith.constant 7 : i32
        %parallel_loop3A_1245 = arith.addi %parallel_loop3A_651, %parallel_loop3A_1244 : i32
        %parallel_loop3A_1246 = arith.index_cast %and3A_165 : i32 to index
        %parallel_loop3A_1247 = arith.index_cast %parallel_loop3A_1245 : i32 to index
        %parallel_loop3A_1248 = arith.constant 112 : index
        %parallel_loop3A_1249 = tpu.vector_load %arg15[%parallel_loop3A_1246, %parallel_loop3A_1247, %parallel_loop3A_1248] {strides = array<i32>} : memref<2x128x128xf32, #tpu.memory_space<vmem>>, vector<16xf32>,
        %parallel_loop3A_1250 = arith.mulf %parallel_loop3A_707, %parallel_loop3A_1249 : vector<16xf32>
        %parallel_loop3A_1251 = arith.addf %parallel_loop3A_1201, %parallel_loop3A_1208 : vector<16xf32>
        %parallel_loop3A_1252 = arith.addf %parallel_loop3A_1215, %parallel_loop3A_1222 : vector<16xf32>
        %parallel_loop3A_1253 = arith.addf %parallel_loop3A_1229, %parallel_loop3A_1236 : vector<16xf32>
        %parallel_loop3A_1254 = arith.addf %parallel_loop3A_1243, %parallel_loop3A_1250 : vector<16xf32>
        %parallel_loop3A_1255 = arith.addf %parallel_loop3A_1251, %parallel_loop3A_1252 : vector<16xf32>
        %parallel_loop3A_1256 = arith.addf %parallel_loop3A_1253, %parallel_loop3A_1254 : vector<16xf32>
        %parallel_loop3A_1257 = arith.addf %parallel_loop3A_1255, %parallel_loop3A_1256 : vector<16xf32>
        %parallel_loop3A_1258 = arith.mulf %parallel_loop3A_1257, %parallel_loop3A_718 : vector<16xf32>
        %parallel_loop3A_1259 = arith.index_cast %rem3A_167 : i32 to index
        %parallel_loop3A_1260 = arith.index_cast %parallel_loop3A_649 : i32 to index
        %parallel_loop3A_1261 = arith.constant 112 : index
        %parallel_loop3A_1262 = tpu.vector_load %arg19[%parallel_loop3A_1259, %parallel_loop3A_1260, %parallel_loop3A_1261] {strides = array<i32>} : memref<3x16x128xf32, #tpu.memory_space<vmem>>, vector<16xf32>,
        tpu.vector_store %arg19[%parallel_loop3A_1259, %parallel_loop3A_1260, %parallel_loop3A_1261], %parallel_loop3A_1258 {strides = array<i32>} : memref<3x16x128xf32, #tpu.memory_space<vmem>>, vector<16xf32>,
      } {sc.loop_unroll_factor = 4 : i64, sc.parallel_access}
      %dma_start3A_621 = arith.constant 0 : i32
      %dma_start3A_622 = arith.constant 0 : i32
      %dma_start3A_623 = tpu.memref_slice %arg13[%rem3A_167, %dma_start3A_621, %dma_start3A_622] : memref<3x16x128xf32, #tpu.memory_space<vmem>> -> memref<1x16x128xf32, #tpu.memory_space<vmem>>
      %dma_start3A_624 = tpu.memref_squeeze %dma_start3A_623 : memref<1x16x128xf32, #tpu.memory_space<vmem>> -> memref<16x128xf32, #tpu.memory_space<vmem>>
      %dma_start3A_625 = arith.constant 0 : i32
      %dma_start3A_626 = tpu.memref_slice %arg8[%add3A_170, %dma_start3A_625] : memref<20480x256xf32, #tpu.memory_space<hbm>> -> memref<16x128xf32, #tpu.memory_space<hbm>>
      %dma_start3A_627 = tpu.memref_slice %arg21[%rem3A_167] : memref<3x!tpu.dma_semaphore, #tpu.memory_space<semaphore_mem>> -> memref<1x!tpu.dma_semaphore, #tpu.memory_space<semaphore_mem>>
      %dma_start3A_628 = tpu.memref_squeeze %dma_start3A_627 : memref<1x!tpu.dma_semaphore, #tpu.memory_space<semaphore_mem>> -> memref<!tpu.dma_semaphore, #tpu.memory_space<semaphore_mem>>
      %dma_start3A_629 = arith.constant 0 : i32
      %dma_start3A_630 = tpu.memref_slice %arg8[%add3A_170, %dma_start3A_629] : memref<20480x256xf32, #tpu.memory_space<hbm>> -> memref<16x128xf32, #tpu.memory_space<hbm>>
      %dma_start3A_631 = arith.constant 0 : i32
      %dma_start3A_632 = arith.constant 0 : i32
      %dma_start3A_633 = tpu.memref_slice %arg13[%rem3A_167, %dma_start3A_631, %dma_start3A_632] : memref<3x16x128xf32, #tpu.memory_space<vmem>> -> memref<1x16x128xf32, #tpu.memory_space<vmem>>
      %dma_start3A_634 = tpu.memref_squeeze %dma_start3A_633 : memref<1x16x128xf32, #tpu.memory_space<vmem>> -> memref<16x128xf32, #tpu.memory_space<vmem>>
      tpu.enqueue_dma source(%dma_start3A_634 : memref<16x128xf32, #tpu.memory_space<vmem>>) target(%dma_start3A_630 : memref<16x128xf32, #tpu.memory_space<hbm>>) target_semaphore(%dma_start3A_628 : memref<!tpu.dma_semaphore, #tpu.memory_space<semaphore_mem>>)
      %dma_start3A_635 = arith.constant 0 : i32
      %dma_start3A_636 = arith.constant 0 : i32
      %dma_start3A_637 = tpu.memref_slice %arg19[%rem3A_167, %dma_start3A_635, %dma_start3A_636] : memref<3x16x128xf32, #tpu.memory_space<vmem>> -> memref<1x16x128xf32, #tpu.memory_space<vmem>>
      %dma_start3A_638 = tpu.memref_squeeze %dma_start3A_637 : memref<1x16x128xf32, #tpu.memory_space<vmem>> -> memref<16x128xf32, #tpu.memory_space<vmem>>
      %dma_start3A_639 = arith.constant 128 : i32
      %dma_start3A_640 = tpu.memref_slice %arg8[%add3A_170, %dma_start3A_639] : memref<20480x256xf32, #tpu.memory_space<hbm>> -> memref<16x128xf32, #tpu.memory_space<hbm>>
      %dma_start3A_641 = tpu.memref_slice %arg21[%rem3A_167] : memref<3x!tpu.dma_semaphore, #tpu.memory_space<semaphore_mem>> -> memref<1x!tpu.dma_semaphore, #tpu.memory_space<semaphore_mem>>
      %dma_start3A_642 = tpu.memref_squeeze %dma_start3A_641 : memref<1x!tpu.dma_semaphore, #tpu.memory_space<semaphore_mem>> -> memref<!tpu.dma_semaphore, #tpu.memory_space<semaphore_mem>>
      %dma_start3A_643 = arith.constant 128 : i32
      %dma_start3A_644 = tpu.memref_slice %arg8[%add3A_170, %dma_start3A_643] : memref<20480x256xf32, #tpu.memory_space<hbm>> -> memref<16x128xf32, #tpu.memory_space<hbm>>
      %dma_start3A_645 = arith.constant 0 : i32
      %dma_start3A_646 = arith.constant 0 : i32
      %dma_start3A_647 = tpu.memref_slice %arg19[%rem3A_167, %dma_start3A_645, %dma_start3A_646] : memref<3x16x128xf32, #tpu.memory_space<vmem>> -> memref<1x16x128xf32, #tpu.memory_space<vmem>>
      %dma_start3A_648 = tpu.memref_squeeze %dma_start3A_647 : memref<1x16x128xf32, #tpu.memory_space<vmem>> -> memref<16x128xf32, #tpu.memory_space<vmem>>
      tpu.enqueue_dma source(%dma_start3A_648 : memref<16x128xf32, #tpu.memory_space<vmem>>) target(%dma_start3A_644 : memref<16x128xf32, #tpu.memory_space<hbm>>) target_semaphore(%dma_start3A_642 : memref<!tpu.dma_semaphore, #tpu.memory_space<semaphore_mem>>)
    }
    %scan3A_66 = arith.constant 40 : i32
    %rem3A = arith.constant 37 : i32
    %rem3A_67 = arith.constant 3 : i32
    %rem3A_68 = arith.remsi %rem3A, %rem3A_67 : i32
    %add3A_69 = arith.constant 592 : i32
    %add3A_70 = arith.addi %mul3A_2, %add3A_69 : i32
    %dma_wait3A = arith.constant 0 : i32
    %dma_wait3A_71 = arith.constant 0 : i32
    %dma_wait3A_72 = tpu.memref_slice %arg13[%rem3A_68, %dma_wait3A, %dma_wait3A_71] : memref<3x16x128xf32, #tpu.memory_space<vmem>> -> memref<1x16x128xf32, #tpu.memory_space<vmem>>
    %dma_wait3A_73 = tpu.memref_squeeze %dma_wait3A_72 : memref<1x16x128xf32, #tpu.memory_space<vmem>> -> memref<16x128xf32, #tpu.memory_space<vmem>>
    %dma_wait3A_74 = arith.constant 0 : i32
    %dma_wait3A_75 = tpu.memref_slice %arg8[%add3A_70, %dma_wait3A_74] : memref<20480x256xf32, #tpu.memory_space<hbm>> -> memref<16x128xf32, #tpu.memory_space<hbm>>
    %dma_wait3A_76 = tpu.memref_slice %arg21[%rem3A_68] : memref<3x!tpu.dma_semaphore, #tpu.memory_space<semaphore_mem>> -> memref<1x!tpu.dma_semaphore, #tpu.memory_space<semaphore_mem>>
    %dma_wait3A_77 = tpu.memref_squeeze %dma_wait3A_76 : memref<1x!tpu.dma_semaphore, #tpu.memory_space<semaphore_mem>> -> memref<!tpu.dma_semaphore, #tpu.memory_space<semaphore_mem>>
    %dma_wait3A_78 = arith.constant 0 : i32
    %dma_wait3A_79 = tpu.memref_slice %arg8[%add3A_70, %dma_wait3A_78] : memref<20480x256xf32, #tpu.memory_space<hbm>> -> memref<16x128xf32, #tpu.memory_space<hbm>>
    %dma_wait3A_80 = arith.constant 0 : i32
    %dma_wait3A_81 = arith.constant 0 : i32
    %dma_wait3A_82 = tpu.memref_slice %arg13[%rem3A_68, %dma_wait3A_80, %dma_wait3A_81] : memref<3x16x128xf32, #tpu.memory_space<vmem>> -> memref<1x16x128xf32, #tpu.memory_space<vmem>>
    %dma_wait3A_83 = tpu.memref_squeeze %dma_wait3A_82 : memref<1x16x128xf32, #tpu.memory_space<vmem>> -> memref<16x128xf32, #tpu.memory_space<vmem>>
    tpu.wait_dma2 semaphore(%dma_wait3A_77 : memref<!tpu.dma_semaphore, #tpu.memory_space<semaphore_mem>>) src(%dma_wait3A_83 : memref<16x128xf32, #tpu.memory_space<vmem>>) dst(%dma_wait3A_79 : memref<16x128xf32, #tpu.memory_space<hbm>>)
    %dma_wait3A_84 = arith.constant 0 : i32
    %dma_wait3A_85 = arith.constant 0 : i32
    %dma_wait3A_86 = tpu.memref_slice %arg19[%rem3A_68, %dma_wait3A_84, %dma_wait3A_85] : memref<3x16x128xf32, #tpu.memory_space<vmem>> -> memref<1x16x128xf32, #tpu.memory_space<vmem>>
    %dma_wait3A_87 = tpu.memref_squeeze %dma_wait3A_86 : memref<1x16x128xf32, #tpu.memory_space<vmem>> -> memref<16x128xf32, #tpu.memory_space<vmem>>
    %dma_wait3A_88 = arith.constant 128 : i32
    %dma_wait3A_89 = tpu.memref_slice %arg8[%add3A_70, %dma_wait3A_88] : memref<20480x256xf32, #tpu.memory_space<hbm>> -> memref<16x128xf32, #tpu.memory_space<hbm>>
    %dma_wait3A_90 = tpu.memref_slice %arg21[%rem3A_68] : memref<3x!tpu.dma_semaphore, #tpu.memory_space<semaphore_mem>> -> memref<1x!tpu.dma_semaphore, #tpu.memory_space<semaphore_mem>>
    %dma_wait3A_91 = tpu.memref_squeeze %dma_wait3A_90 : memref<1x!tpu.dma_semaphore, #tpu.memory_space<semaphore_mem>> -> memref<!tpu.dma_semaphore, #tpu.memory_space<semaphore_mem>>
    %dma_wait3A_92 = arith.constant 128 : i32
    %dma_wait3A_93 = tpu.memref_slice %arg8[%add3A_70, %dma_wait3A_92] : memref<20480x256xf32, #tpu.memory_space<hbm>> -> memref<16x128xf32, #tpu.memory_space<hbm>>
    %dma_wait3A_94 = arith.constant 0 : i32
    %dma_wait3A_95 = arith.constant 0 : i32
    %dma_wait3A_96 = tpu.memref_slice %arg19[%rem3A_68, %dma_wait3A_94, %dma_wait3A_95] : memref<3x16x128xf32, #tpu.memory_space<vmem>> -> memref<1x16x128xf32, #tpu.memory_space<vmem>>
    %dma_wait3A_97 = tpu.memref_squeeze %dma_wait3A_96 : memref<1x16x128xf32, #tpu.memory_space<vmem>> -> memref<16x128xf32, #tpu.memory_space<vmem>>
    tpu.wait_dma2 semaphore(%dma_wait3A_91 : memref<!tpu.dma_semaphore, #tpu.memory_space<semaphore_mem>>) src(%dma_wait3A_97 : memref<16x128xf32, #tpu.memory_space<vmem>>) dst(%dma_wait3A_93 : memref<16x128xf32, #tpu.memory_space<hbm>>)
    %rem3A_98 = arith.constant 38 : i32
    %rem3A_99 = arith.constant 3 : i32
    %rem3A_100 = arith.remsi %rem3A_98, %rem3A_99 : i32
    %add3A_101 = arith.constant 608 : i32
    %add3A_102 = arith.addi %mul3A_2, %add3A_101 : i32
    %dma_wait3A_103 = arith.constant 0 : i32
    %dma_wait3A_104 = arith.constant 0 : i32
    %dma_wait3A_105 = tpu.memref_slice %arg13[%rem3A_100, %dma_wait3A_103, %dma_wait3A_104] : memref<3x16x128xf32, #tpu.memory_space<vmem>> -> memref<1x16x128xf32, #tpu.memory_space<vmem>>
    %dma_wait3A_106 = tpu.memref_squeeze %dma_wait3A_105 : memref<1x16x128xf32, #tpu.memory_space<vmem>> -> memref<16x128xf32, #tpu.memory_space<vmem>>
    %dma_wait3A_107 = arith.constant 0 : i32
    %dma_wait3A_108 = tpu.memref_slice %arg8[%add3A_102, %dma_wait3A_107] : memref<20480x256xf32, #tpu.memory_space<hbm>> -> memref<16x128xf32, #tpu.memory_space<hbm>>
    %dma_wait3A_109 = tpu.memref_slice %arg21[%rem3A_100] : memref<3x!tpu.dma_semaphore, #tpu.memory_space<semaphore_mem>> -> memref<1x!tpu.dma_semaphore, #tpu.memory_space<semaphore_mem>>
    %dma_wait3A_110 = tpu.memref_squeeze %dma_wait3A_109 : memref<1x!tpu.dma_semaphore, #tpu.memory_space<semaphore_mem>> -> memref<!tpu.dma_semaphore, #tpu.memory_space<semaphore_mem>>
    %dma_wait3A_111 = arith.constant 0 : i32
    %dma_wait3A_112 = tpu.memref_slice %arg8[%add3A_102, %dma_wait3A_111] : memref<20480x256xf32, #tpu.memory_space<hbm>> -> memref<16x128xf32, #tpu.memory_space<hbm>>
    %dma_wait3A_113 = arith.constant 0 : i32
    %dma_wait3A_114 = arith.constant 0 : i32
    %dma_wait3A_115 = tpu.memref_slice %arg13[%rem3A_100, %dma_wait3A_113, %dma_wait3A_114] : memref<3x16x128xf32, #tpu.memory_space<vmem>> -> memref<1x16x128xf32, #tpu.memory_space<vmem>>
    %dma_wait3A_116 = tpu.memref_squeeze %dma_wait3A_115 : memref<1x16x128xf32, #tpu.memory_space<vmem>> -> memref<16x128xf32, #tpu.memory_space<vmem>>
    tpu.wait_dma2 semaphore(%dma_wait3A_110 : memref<!tpu.dma_semaphore, #tpu.memory_space<semaphore_mem>>) src(%dma_wait3A_116 : memref<16x128xf32, #tpu.memory_space<vmem>>) dst(%dma_wait3A_112 : memref<16x128xf32, #tpu.memory_space<hbm>>)
    %dma_wait3A_117 = arith.constant 0 : i32
    %dma_wait3A_118 = arith.constant 0 : i32
    %dma_wait3A_119 = tpu.memref_slice %arg19[%rem3A_100, %dma_wait3A_117, %dma_wait3A_118] : memref<3x16x128xf32, #tpu.memory_space<vmem>> -> memref<1x16x128xf32, #tpu.memory_space<vmem>>
    %dma_wait3A_120 = tpu.memref_squeeze %dma_wait3A_119 : memref<1x16x128xf32, #tpu.memory_space<vmem>> -> memref<16x128xf32, #tpu.memory_space<vmem>>
    %dma_wait3A_121 = arith.constant 128 : i32
    %dma_wait3A_122 = tpu.memref_slice %arg8[%add3A_102, %dma_wait3A_121] : memref<20480x256xf32, #tpu.memory_space<hbm>> -> memref<16x128xf32, #tpu.memory_space<hbm>>
    %dma_wait3A_123 = tpu.memref_slice %arg21[%rem3A_100] : memref<3x!tpu.dma_semaphore, #tpu.memory_space<semaphore_mem>> -> memref<1x!tpu.dma_semaphore, #tpu.memory_space<semaphore_mem>>
    %dma_wait3A_124 = tpu.memref_squeeze %dma_wait3A_123 : memref<1x!tpu.dma_semaphore, #tpu.memory_space<semaphore_mem>> -> memref<!tpu.dma_semaphore, #tpu.memory_space<semaphore_mem>>
    %dma_wait3A_125 = arith.constant 128 : i32
    %dma_wait3A_126 = tpu.memref_slice %arg8[%add3A_102, %dma_wait3A_125] : memref<20480x256xf32, #tpu.memory_space<hbm>> -> memref<16x128xf32, #tpu.memory_space<hbm>>
    %dma_wait3A_127 = arith.constant 0 : i32
    %dma_wait3A_128 = arith.constant 0 : i32
    %dma_wait3A_129 = tpu.memref_slice %arg19[%rem3A_100, %dma_wait3A_127, %dma_wait3A_128] : memref<3x16x128xf32, #tpu.memory_space<vmem>> -> memref<1x16x128xf32, #tpu.memory_space<vmem>>
    %dma_wait3A_130 = tpu.memref_squeeze %dma_wait3A_129 : memref<1x16x128xf32, #tpu.memory_space<vmem>> -> memref<16x128xf32, #tpu.memory_space<vmem>>
    tpu.wait_dma2 semaphore(%dma_wait3A_124 : memref<!tpu.dma_semaphore, #tpu.memory_space<semaphore_mem>>) src(%dma_wait3A_130 : memref<16x128xf32, #tpu.memory_space<vmem>>) dst(%dma_wait3A_126 : memref<16x128xf32, #tpu.memory_space<hbm>>)
    %rem3A_131 = arith.constant 39 : i32
    %rem3A_132 = arith.constant 3 : i32
    %rem3A_133 = arith.remsi %rem3A_131, %rem3A_132 : i32
    %add3A_134 = arith.constant 624 : i32
    %add3A_135 = arith.addi %mul3A_2, %add3A_134 : i32
    %dma_wait3A_136 = arith.constant 0 : i32
    %dma_wait3A_137 = arith.constant 0 : i32
    %dma_wait3A_138 = tpu.memref_slice %arg13[%rem3A_133, %dma_wait3A_136, %dma_wait3A_137] : memref<3x16x128xf32, #tpu.memory_space<vmem>> -> memref<1x16x128xf32, #tpu.memory_space<vmem>>
    %dma_wait3A_139 = tpu.memref_squeeze %dma_wait3A_138 : memref<1x16x128xf32, #tpu.memory_space<vmem>> -> memref<16x128xf32, #tpu.memory_space<vmem>>
    %dma_wait3A_140 = arith.constant 0 : i32
    %dma_wait3A_141 = tpu.memref_slice %arg8[%add3A_135, %dma_wait3A_140] : memref<20480x256xf32, #tpu.memory_space<hbm>> -> memref<16x128xf32, #tpu.memory_space<hbm>>
    %dma_wait3A_142 = tpu.memref_slice %arg21[%rem3A_133] : memref<3x!tpu.dma_semaphore, #tpu.memory_space<semaphore_mem>> -> memref<1x!tpu.dma_semaphore, #tpu.memory_space<semaphore_mem>>
    %dma_wait3A_143 = tpu.memref_squeeze %dma_wait3A_142 : memref<1x!tpu.dma_semaphore, #tpu.memory_space<semaphore_mem>> -> memref<!tpu.dma_semaphore, #tpu.memory_space<semaphore_mem>>
    %dma_wait3A_144 = arith.constant 0 : i32
    %dma_wait3A_145 = tpu.memref_slice %arg8[%add3A_135, %dma_wait3A_144] : memref<20480x256xf32, #tpu.memory_space<hbm>> -> memref<16x128xf32, #tpu.memory_space<hbm>>
    %dma_wait3A_146 = arith.constant 0 : i32
    %dma_wait3A_147 = arith.constant 0 : i32
    %dma_wait3A_148 = tpu.memref_slice %arg13[%rem3A_133, %dma_wait3A_146, %dma_wait3A_147] : memref<3x16x128xf32, #tpu.memory_space<vmem>> -> memref<1x16x128xf32, #tpu.memory_space<vmem>>
    %dma_wait3A_149 = tpu.memref_squeeze %dma_wait3A_148 : memref<1x16x128xf32, #tpu.memory_space<vmem>> -> memref<16x128xf32, #tpu.memory_space<vmem>>
    tpu.wait_dma2 semaphore(%dma_wait3A_143 : memref<!tpu.dma_semaphore, #tpu.memory_space<semaphore_mem>>) src(%dma_wait3A_149 : memref<16x128xf32, #tpu.memory_space<vmem>>) dst(%dma_wait3A_145 : memref<16x128xf32, #tpu.memory_space<hbm>>)
    %dma_wait3A_150 = arith.constant 0 : i32
    %dma_wait3A_151 = arith.constant 0 : i32
    %dma_wait3A_152 = tpu.memref_slice %arg19[%rem3A_133, %dma_wait3A_150, %dma_wait3A_151] : memref<3x16x128xf32, #tpu.memory_space<vmem>> -> memref<1x16x128xf32, #tpu.memory_space<vmem>>
    %dma_wait3A_153 = tpu.memref_squeeze %dma_wait3A_152 : memref<1x16x128xf32, #tpu.memory_space<vmem>> -> memref<16x128xf32, #tpu.memory_space<vmem>>
    %dma_wait3A_154 = arith.constant 128 : i32
    %dma_wait3A_155 = tpu.memref_slice %arg8[%add3A_135, %dma_wait3A_154] : memref<20480x256xf32, #tpu.memory_space<hbm>> -> memref<16x128xf32, #tpu.memory_space<hbm>>
    %dma_wait3A_156 = tpu.memref_slice %arg21[%rem3A_133] : memref<3x!tpu.dma_semaphore, #tpu.memory_space<semaphore_mem>> -> memref<1x!tpu.dma_semaphore, #tpu.memory_space<semaphore_mem>>
    %dma_wait3A_157 = tpu.memref_squeeze %dma_wait3A_156 : memref<1x!tpu.dma_semaphore, #tpu.memory_space<semaphore_mem>> -> memref<!tpu.dma_semaphore, #tpu.memory_space<semaphore_mem>>
    %dma_wait3A_158 = arith.constant 128 : i32
    %dma_wait3A_159 = tpu.memref_slice %arg8[%add3A_135, %dma_wait3A_158] : memref<20480x256xf32, #tpu.memory_space<hbm>> -> memref<16x128xf32, #tpu.memory_space<hbm>>
    %dma_wait3A_160 = arith.constant 0 : i32
    %dma_wait3A_161 = arith.constant 0 : i32
    %dma_wait3A_162 = tpu.memref_slice %arg19[%rem3A_133, %dma_wait3A_160, %dma_wait3A_161] : memref<3x16x128xf32, #tpu.memory_space<vmem>> -> memref<1x16x128xf32, #tpu.memory_space<vmem>>
    %dma_wait3A_163 = tpu.memref_squeeze %dma_wait3A_162 : memref<1x16x128xf32, #tpu.memory_space<vmem>> -> memref<16x128xf32, #tpu.memory_space<vmem>>
    tpu.wait_dma2 semaphore(%dma_wait3A_157 : memref<!tpu.dma_semaphore, #tpu.memory_space<semaphore_mem>>) src(%dma_wait3A_163 : memref<16x128xf32, #tpu.memory_space<vmem>>) dst(%dma_wait3A_159 : memref<16x128xf32, #tpu.memory_space<hbm>>)
    return
  }
}

</mosaic_0001>

<sc_bundles>
// kernel: kernel.3.cloned.1.call-start
scs
__scs_entry_jumppad:
0x0: {  	(pc) =	sbr.rel $0x88, $3  }
0x1: {  	(tag) =	ssettag $0x0;
	lr =	simm.s32 $0x1  }
0x2: {  	[smem:$0x3F9B] =	sst lr;
	_ =	strace $0xD0000000  }
0x3: {  	_ = 	snop  }
0x4: {  	_ = 	snop  }
0x5: {  	_ = 	snop  }
0x6: {  	_ = 	snop  }
0x7: {  	_ = 	snop  }
__scs_overlays_trampoline_lowered:
0x8: {  	[smem:$0x3FAA] =	sst s0  }
0x9: {  	[smem:$0x3FAB] =	sst s1  }
0xa: {  	[smem:$0x3FAC] =	sst s2  }
0xb: {  	[smem:$0x3FAD] =	sst s3  }
0xc: {  	[smem:$0x3FAE] =	sst s4  }
0xd: {  	[smem:$0x3FAF] =	sst s5  }
0xe: {  	[smem:$0x3FB0] =	sst s6  }
0xf: {  	[smem:$0x3FB1] =	sst s7  }
0x10: {  	[smem:$0x3FB2] =	sst s8  }
0x11: {  	[smem:$0x3FB3] =	sst s9;
	s0 =	simm.s32 @!p0 $0x0  }
0x12: {  	s1 =	sld [smem:$0x3F99];
	s0 =	simm.s32 @p0 $0x1  }
0x13: {  	[smem:$0x3FB4] =	sst s0;
	s0 =	simm.s32 @!p1 $0x0  }
0x14: {  	s2 =	sld [smem:$0x3F98];
	s0 =	simm.s32 @p1 $0x1  }
0x15: {  	[smem:$0x3FB5] =	sst s0;
	s0 =	simm.s32 @!p2 $0x0  }
0x16: {  	s3 =	sld [smem:$0x3FDB];
	s0 =	simm.s32 @p2 $0x1  }
0x17: {  	s4 =	simm.s32 $0x1BF5;
	[smem:$0x3FB7] =	sst s0  }
0x18: {  	s0 =	sld [smem:$0x3F9A];
	_ =	swait.ge [sflag:s4], $0x0  }
0x19: {  	s7 =	sld [smem:$0x3F9B]  }
0x1a: {  	s8 =	sadd.s32 $0xFFFFE003, lr  }
0x1b: {  	s9 =	sadd.s32 $0xFFFFFEF7, lr;
	s5 =	simm.s32 $0xFFFFFFFF;
	p2 =	slt.u32 s8, $0xFFFFF086  }
0x1c: {  	p1 =	slt.u32 s9, $0xF7A;
	s5 =	simm.s32 @!p2 $0x0  }
0x1d: {  	s5 =	simm.s32 @p1 $0x1;
	p0 =	seq.s32 s7, s2  }
0x1e: {  	s7 =	smul.u32 @!p0 $0xF7A, s2;
	p2 =	seq.s32 @!p0 s5, $0x0  }
0x1f: {  	s9 =	smul.u32 $0xF7A, s1;
	s8 =	simm.s32 @!p0 $0x1BF5;
	p2 =	por !p2, p0  }
0x20: {  	[sflag:s8] =	ssyncset.s32 @!p0 $0xFFFFF086;
	s6 =	sadd.s32 @!p0 s3, s7;
	s7 =	simm.s32 @!p0 $0x108  }
0x21: {  	s3 =	sadd.s32 s3, s9;
	s6 =	sadd.s32 @!p0 $0x88, s6;
	s7 =	simm.s32 @p2 $0x1082  }
0x22: {  	[simem:s7], [sflag:s8] =	dma.local @!p0 [hbm:s6], $0xF7A  }
0x23: {  	s9 =	sor.u32 $0xD0000000, s2;
	s6 =	simm.s32 $0x108;
	_ =	swait.ge @!p0 [sflag:s8], $0x0  }
0x24: {  	s3 =	sadd.s32 $0x88, s3;
	s6 =	simm.s32 @!p1 $0x1082;
	[sflag:s4] =	ssyncset.s32 $0xFFFFF086  }
0x25: {  	[simem:s6], [sflag:s4] =	dma.local [hbm:s3], $0xF7A  }
0x26: {  	[smem:$0x3F9B] =	sst s1;
	(tag) =	ssettag s2;
	_ =	strace s9  }
0x27: {  	s1 =	sld [smem:$0x3FAB]  }
0x28: {  	s2 =	sld [smem:$0x3FAC]  }
0x29: {  	s4 =	sld [smem:$0x3FAE]  }
0x2a: {  	p0 =	seq.s32 s5, $0x0;
	s5 =	sld [smem:$0x3FAF]  }
0x2b: {  	s6 =	sld [smem:$0x3FB0]  }
0x2c: {  	s7 =	sld [smem:$0x3FB1]  }
0x2d: {  	s3 =	simm.s32 $0x108;
	s8 =	sld [smem:$0x3FB2]  }
0x2e: {  	s3 =	simm.s32 @!p0 $0x1082;
	s9 =	sld [smem:$0x3FB3]  }
0x2f: {  	lr =	sadd.s32 s0, s3;
	s0 =	sld [smem:$0x3FAA]  }
0x30: {  	s3 =	sld [smem:$0x3FAD]  }
0x31: {  	[smem:$0x3FB6] =	sst s10  }
0x32: {  	s10 =	sld [smem:$0x3FB4];
	_ =	sdelay $0x3  }
0x33: {  	p0 =	seq.s32 s10, $0x1;
	s10 =	sld [smem:$0x3FB6];
	_ =	sdelay $0x3  }
0x34: {  	[smem:$0x3FB6] =	sst s10  }
0x35: {  	s10 =	sld [smem:$0x3FB5];
	_ =	sdelay $0x3  }
0x36: {  	p1 =	seq.s32 s10, $0x1;
	s10 =	sld [smem:$0x3FB6];
	_ =	sdelay $0x3  }
0x37: {  	[smem:$0x3FB6] =	sst s10  }
0x38: {  	s10 =	sld [smem:$0x3FB7]  }
0x39: {  	_ = 	snop;
	(pc) =	sbr.ind lr, $3  }
0x3a: {  	_ = 	snop  }
0x3b: {  	_ = 	snop  }
0x3c: {  	p2 =	seq.s32 s10, $0x1;
	s10 =	sld [smem:$0x3FB6]  }
0x3d: {  	_ =	shalt  }
0x3e: {  	_ =	shalt  }
0x3f: {  	_ =	shalt  }
0x40: {  	_ =	shalt  }
0x41: {  	_ =	shalt  }
0x42: {  	_ =	shalt  }
0x43: {  	_ =	shalt  }
0x44: {  	_ =	shalt  }
0x45: {  	_ =	shalt  }
0x46: {  	_ =	shalt  }
0x47: {  	_ =	shalt  }
0x48: {  	_ =	shalt  }
0x49: {  	_ =	shalt  }
0x4a: {  	_ =	shalt  }
0x4b: {  	_ =	shalt  }
0x4c: {  	_ =	shalt  }
0x4d: {  	_ =	shalt  }
0x4e: {  	_ =	shalt  }
0x4f: {  	_ =	shalt  }
0x50: {  	_ =	shalt  }
0x51: {  	_ =	shalt  }
0x52: {  	_ =	shalt  }
0x53: {  	_ =	shalt  }
0x54: {  	_ =	shalt  }
0x55: {  	_ =	shalt  }
0x56: {  	_ =	shalt  }
0x57: {  	_ =	shalt  }
0x58: {  	_ =	shalt  }
0x59: {  	_ =	shalt  }
0x5a: {  	_ =	shalt  }
0x5b: {  	_ =	shalt  }
0x5c: {  	_ =	shalt  }
0x5d: {  	_ =	shalt  }
0x5e: {  	_ =	shalt  }
0x5f: {  	_ =	shalt  }
0x60: {  	_ =	shalt  }
0x61: {  	_ =	shalt  }
0x62: {  	_ =	shalt  }
0x63: {  	_ =	shalt  }
0x64: {  	_ =	shalt  }
0x65: {  	_ =	shalt  }
0x66: {  	_ =	shalt  }
0x67: {  	_ =	shalt  }
0x68: {  	_ =	shalt  }
0x69: {  	_ =	shalt  }
0x6a: {  	_ =	shalt  }
0x6b: {  	_ =	shalt  }
0x6c: {  	_ =	shalt  }
0x6d: {  	_ =	shalt  }
0x6e: {  	_ =	shalt  }
0x6f: {  	_ =	shalt  }
0x70: {  	_ =	shalt  }
0x71: {  	_ =	shalt  }
0x72: {  	_ =	shalt  }
0x73: {  	_ =	shalt  }
0x74: {  	_ =	shalt  }
0x75: {  	_ =	shalt  }
0x76: {  	_ =	shalt  }
0x77: {  	_ =	shalt  }
0x78: {  	_ =	shalt  }
0x79: {  	_ =	shalt  }
0x7a: {  	_ =	shalt  }
0x7b: {  	_ =	shalt  }
0x7c: {  	_ =	shalt  }
0x7d: {  	_ =	shalt  }
0x7e: {  	_ =	shalt  }
0x7f: {  	_ =	shalt  }
0x80: {  	_ =	shalt  }
0x81: {  	_ =	shalt  }
0x82: {  	_ =	shalt  }
0x83: {  	_ =	shalt  }
0x84: {  	_ =	shalt  }
0x85: {  	_ =	shalt  }
0x86: {  	_ =	shalt  }
0x87: {  	_ =	shalt  }
.Lfunc_end0:
.L_simem_size_0:
called_computation_lowered:
.L_overlay_start_0:
0x88: {  	s2 =	sld [smem:$0x3FD9]  }
0x89: {  	s3 =	sld [smem:$0x3FFE];
	_ =	sdelay $0x1  }
0x8a: {  	s1 =	srdreg.scid  }
0x8b: {  	s0 =	sand.u32 $0x1, s1  }
0x8c: {  	s17 =	sshll.u32 s0, $0xA;
	s2 =	sadd.s32 s3, s2  }
0x8d: {  	s2 =	sadd.s32 s2, s17  }
0x8e: {  	[smem:$0x3FC2] =	sst s2  }
0x8f: {  	_ = 	snop  }
0x90: {  	s2 =	sld [smem:$0x3FC9]  }
0x91: {  	s18 =	sld [smem:$0x3FD0];
	(tm) =	ssettm $0x1  }
0x92: {  	s4 =	sld [smem:$0x3FFB];
	_ =	sdelay $0x3  }
0x93: {  	_ =	strace s4  }
0x94: {  	s4 =	sld [smem:$0x3FFC];
	_ =	sdelay $0x3  }
0x95: {  	_ =	strace s4  }
0x96: {  	s4 =	sld [smem:$0x3FFD];
	_ =	sdelay $0x3  }
0x97: {  	_ =	strace s4  }
0x98: {  	_ =	strace $0x8FFFFFFF  }
0x99: {  	s19 =	sld [smem:$0x3FDB];
	_ =	sdelay $0x1  }
0x9a: {  	s5 =	simm.s32 $_scs_section_size  }
0x9b: {  	s6 =	simm.s32 $_size__tile_overlayer_lowered;
	s7 =	simm.s32 $_tile_overlayer_lowered  }
0x9c: {  	s22 =	simm.s32 $0x1BFF;
	s21 =	sshll.u32 s7, $0x1;
	s4 =	sadd.s32 s5, s19  }
0x9d: {  	s8 =	simm.s32 $0x0;
	s20 =	sshll.u32 s6, $0x1;
	s6 =	sadd.s32 s21, s4  }
0x9e: {  	[timem:s8], [sflag:s22] =	dma.local [hbm:s6], s20  }
0x9f: {  	_ =	swait.ge [sflag:s22], s20  }
0xa0: {  	s5 =	ssub.s32 $0x0, s20;
	[sflag:s22] =	ssyncset.done $0x0  }
0xa1: {  	[sflag:s22] =	ssyncadd.s32 s5;
	_ =	sdelay $0x1  }
0xa2: {  	s23 =	simm.s32 $0x1B8B  }
0xa3: {  	_ =	swait.ge [sflag:s23], $0x1  }
0xa4: {  	[sflag:s23] =	ssyncset.done $0x0  }
0xa5: {  	s25 =	simm.s32 $0x1B8E;
	s24 =	sld [smem:$0x3FFE];
	[sflag:s23] =	ssyncadd.s32 $0xFFFFFFFF  }
0xa6: {  	s26 =	simm.s32 $execute0_lowered;
	[smem:$0x3FD2] =	sst s25  }
0xa7: {  	s6 =	sshll.u32 s26, $0x1;
	_ =	strace $0x80000046;
	[dreg:$0x1] =	wrdreg $0xFFFFFFFF  }
0xa8: {  	s28 =	simm.s32 $_size_execute0_lowered;
	s4 =	sadd.s32 s4, s6;
	[dreg:$0x0] =	wrdreg $0x0  }
0xa9: {  	s6 =	sshll.u32 s28, $0x1;
	[dreg:$0x2] =	wrdreg s4  }
0xaa: {  	[dreg:$0x3] =	wrdreg s6  }
0xab: {  	[dreg:$0x4] =	wrdreg $0xC0  }
0xac: {  	_ =	task [dreg:s8], $0x5FFFF  }
0xad: {  	[dreg:$0x1] =	wrdreg $0xFFFFFFFF  }
0xae: {  	[dreg:$0x0] =	wrdreg $0x60  }
0xaf: {  	[dreg:$0x2] =	wrdreg s24  }
0xb0: {  	[dreg:$0x3] =	wrdreg s2  }
0xb1: {  	[dreg:$0x4] =	wrdreg s18  }
0xb2: {  	[dreg:$0x5] =	wrdreg $0x9  }
0xb3: {  	_ =	task.clear_ibuf [dreg:s8], $0x6FFFF;
	_ =	strace $0x90000046  }
0xb4: {  	s29 =	simm.s32 $0x9;
	_ =	strace $0x80000048  }
0xb5: {  	_ =	swait.ge [sflag:s29], $0x1  }
0xb6: {  	[sflag:s29] =	ssyncadd.s32 $0xFFFFFFFF  }
0xb7: {  	_ =	strace $0x90000048  }
0xb8: {  	_ =	sfence  }
0xb9: {  	s30 =	sld [smem:$0x0];
	_ =	sdelay $0x2  }
0xba: {  	s31 =	sshll.u32 s1, $0xD;
	s1 =	sshrl.u32 s1, $0x2  }
0xbb: {  	s3 =	sand.u32 $0x4000, s31;
	s1 =	sadd.s32 s1, s30  }
0xbc: {  	s0 =	sor.u32 s3, s0;
	s1 =	sshll.u32 s1, $0x11  }
0xbd: {  	s0 =	sor.u32 s1, s0  }
0xbe: {  	s0 =	sadd.s32 $0x8F2B, s0  }
0xbf: {  	[sflag:s0] =	ssyncadd.remote.s32 $0x1  }
0xc0: {  	_ =	sfence.sel $0xFFFF  }
0xc1: {  	[dreg:$0x0] =	wrdreg $0xFFFFFFFF;
	(pc) =	sbr.abs _section_cstart, $3  }
0xc2: {  	[dreg:$0x1] =	wrdreg $0xFFFFFFFF  }
0xc3: {  	_ =	task.clear_ibuf [dreg:s8], $0x2FFFF;
	_ =	strace $0x9FFFFFFF  }
0xc4: {  	(tm) =	ssettm $0x7FFFFFFF  }
0xc5: {  	_ =	shalt  }
tec
execute0_lowered:
.L_overlay_start_1:
0x0: {  	(tag) =	ssettag $0x1  }
0x1: {  	vm0 =	vcmask $0xB08;
	vm1 =	vcmask $0x300  }
0x2: {  	v0 =	vimm.s32 $0xEFCDAB89;
	v1 =	vimm.s32 $0x67452301;
	v53 =	vimm.s32 $0xDCFE98BA  }
0x3: {  	v55 =	vimm.s32 $0x54761032;
	v2 =	vimm.s32 $0xBA98FEDC;
	v3 =	vimm.s32 $0x32107654  }
0x4: {  	s0 =	rddreg [dreg:$0x0];
	vm2 =	vcmask $0x700;
	v56 =	vimm.s32 $0xFEDCBA98;
	vm0 =	vmor vm1, vm0  }
0x5: {  	s1 =	rddreg [dreg:$0x1];
	vm1 =	vcmask $0x1310;
	v0 =	vunpack.c.l.s4.s8 v0;
	v1 =	vunpack.c.l.s4.s8 v1  }
0x6: {  	s2 =	rddreg [dreg:$0x2];
	v54 =	vunpack.c.l.s4.s8 v53;
	v2 =	vunpack.c.l.s4.s8 v2;
	vm0 =	vmor vm0, vm1  }
0x7: {  	s3 =	srdreg.scid;
	s4 =	stileid.u32;
	vm1 =	vcmask $0x1B18;
	v0 =	vunpack.c.0.s8.s32 v0;
	v1 =	vunpack.c.0.s8.s32 v1  }
0x8: {  	s6 =	simm.s32 $0x0;
	s15 =	simm.s32 $0x6;
	s18 =	simm.s32 $0x16900;
	v3 =	vunpack.c.l.s4.s8 v3;
	vm0 =	vmor vm0, vm1;
	vm1 =	vcmask $0x2320  }
0x9: {  	s28 =	simm.s32 $0x4;
	s29 =	simm.s32 $0x5;
	s30 =	simm.s32 $0x3;
	v2 =	vunpack.c.0.s8.s32 v2;
	v0 =	vcombine.low v1, v0;
	v1 =	vunpack.c.l.s4.s8 v55  }
0xa: {  	s31 =	simm.s32 $0x0;
	s3 =	sand.u32 $0x1, s3;
	s5 =	sshll.u32 s4, $0x1;
	v3 =	vunpack.c.0.s8.s32 v3;
	vm0 =	vmor vm0, vm1;
	vm1 =	vcmask $0x2B28  }
0xb: {  	[smem:$0x7FF] =	sst s6;
	s6 =	sadd.s32 $0x1400, s0;
	s7 =	sor.u32 s3, s5;
	v61 =	vand.u32 $0xF, v0;
	v0 =	vunpack.c.0.s8.s32 v54;
	v1 =	vunpack.c.0.s8.s32 v1  }
0xc: {  	v57 =	vimm.s32 $0x76543210;
	s13 =	sadd.s32 $0x80, s2;
	s3 =	ssub.s32 $0x2, s3;
	s21 =	smul.u32 $0x2800, s7;
	vm0 =	vmor vm0, vm1;
	vm1 =	vcmask $0x3330  }
0xd: {  	_ =	strace $0x80000047;
	s5 =	smul.u32 $0x280, s7;
	s10 =	sshrl.u32 s3, $0x1;
	v2 =	vcombine.low v3, v2;
	v0 =	vcombine.low v1, v0;
	v1 =	vunpack.c.l.s4.s8 v56  }
0xe: {  	s12 =	smul.u32 $0x14000, s7;
	s3 =	ssub.s32 s3, s10;
	s25 =	sadd.s32 s6, s21;
	v3 =	vunpack.c.l.s4.s8 v57;
	vm0 =	vmor vm0, vm1;
	vm1 =	vcmask $0x3B38  }
0xf: {  	s8 =	sadd.s32 s5, s0;
	s26 =	smax.u32 s3, $0x1;
	[dreg:$0x8] =	wrdreg s25;
	vm0 =	vmor vm0, vm1;
	vm1 =	vcmask $0x1710;
	v58 =	vunpack.c.0.s8.s32 v1  }
0x10: {  	s9 =	sshrl.u32 s5, $0x3;
	s22 =	sadd.s32 $0x51400, s8;
	[dreg:$0x9] =	wrdreg s26;
	v59 =	vunpack.c.0.s8.s32 v3;
	v63 =	vand.u32 $0xF, v2;
	vm1 =	vmor vm2, vm1  }
0x11: {  	s0 =	sadd.s32 s9, s0;
	s23 =	sadd.s32 $0x56400, s8;
	[dreg:$0x4] =	wrdreg s22;
	vm2 =	vcmask $0x2720;
	v62 =	vand.u32 $0xF, v0;
	v0 =	vand.u32 $0xF, v58  }
0x12: {  	s24 =	sadd.s32 $0x5B400, s8;
	s8 =	simm.s32 $0x3C00;
	[dreg:$0x5] =	wrdreg s23;
	[tilespmem:$0x1FFF0] =	vst v63;
	vm1 =	vmor vm1, vm2;
	vm2 =	vcmask $0x3730;
	v0 =	vcombine.low v0, v59  }
0x13: {  	vm3 =	vcmask $0xF00;
	s25 =	simm.s32 $0x400;
	[dreg:$0x6] =	wrdreg s24;
	s0 =	sadd.s32 $0xA00, s0;
	vm1 =	vmor vm1, vm2;
	vm2 =	vcmask $0x2F20;
	[tilespmem:$0x1FFE0] =	vst v62  }
0x14: {  	s26 =	simm.s32 $0x800;
	s24 =	simm.s32 $0x16880;
	[dreg:$0x7] =	wrdreg s0;
	vm2 =	vmor vm3, vm2;
	vm3 =	vmmov $0xff;
	[tilespmem:$0x1FFD0] =	vst v0  }
.LBB2_1:
0x15: {  	s0 =	simm.s32 $0x0;
	s3 =	rddreg [dreg:$0x4]  }
0x16: {  	[tilespmem:s0], [sflag:$0x6] =	stream.linear.gather [hbm4b:s3+s0], $0x1400, $0x38;
	[tilespmem:$0x18380] =	vst v63  }
0x17: {  	_ =	swait.ge [sflag:s15], $0x1400  }
0x18: {  	[sflag:s15] =	ssyncset.done $0x0  }
0x19: {  	s4 =	simm.s32 $0x1400;
	s21 =	rddreg [dreg:$0x5];
	[sflag:s15] =	ssyncadd.s32 $0xFFFFEC00  }
0x1a: {  	[tilespmem:s4], [sflag:$0x6] =	stream.linear.gather [hbm4b:s21+s0], $0x1400, $0x38;
	[tilespmem:$0x18380] =	vst v63  }
0x1b: {  	_ =	swait.ge [sflag:s15], $0x1400  }
0x1c: {  	[sflag:s15] =	ssyncset.done $0x0  }
0x1d: {  	s22 =	rddreg [dreg:$0x6];
	[sflag:s15] =	ssyncadd.s32 $0xFFFFEC00  }
0x1e: {  	[tilespmem:s8], [sflag:$0x6] =	stream.linear.gather [hbm4b:s22+s0], $0x1400, $0x38;
	[tilespmem:$0x18380] =	vst v63  }
0x1f: {  	_ =	swait.ge [sflag:s15], $0x1400  }
0x20: {  	[sflag:s15] =	ssyncset.done $0x0  }
0x21: {  	s23 =	rddreg [dreg:$0x7];
	[sflag:s15] =	ssyncadd.s32 $0xFFFFEC00  }
0x22: {  	[tilespmem:s18], [sflag:$0x6] =	stream.linear.gather [hbm4b:s23+s0], $0x280, $0x38;
	[tilespmem:$0x18380] =	vst v63  }
0x23: {  	_ =	swait.ge [sflag:s15], $0x280  }
0x24: {  	[sflag:s15] =	ssyncset.done $0x0  }
0x25: {  	s0 =	simm.s32 $0x0;
	[sflag:s15] =	ssyncadd.s32 $0xFFFFFD80  }
0x26: {  	v0 =	vld [tilespmem:s0+$0x70]  }
0x27: {  	v1 =	vld [tilespmem:s0+$0x0]  }
0x28: {  	v2 =	vld [tilespmem:s0+$0x1470]  }
0x29: {  	v3 =	vld [tilespmem:s0+$0x10]  }
0x2a: {  	v4 =	vld [tilespmem:s0+$0x20]  }
0x2b: {  	v6 =	vld [tilespmem:s0+$0x30]  }
0x2c: {  	v9 =	vld [tilespmem:s0+$0x40];
	v0 =	vmul.u32 $0x14, v0  }
0x2d: {  	v10 =	vld [tilespmem:s0+$0x50]  }
0x2e: {  	v11 =	vld [tilespmem:s0+$0x60];
	v0 =	vadd.s32 v2, v0  }
0x2f: {  	[tilespmem:s0+$0x2870] =	vst v0;
	v0 =	vld [tilespmem:s0+$0x1400]  }
0x30: {  	v12 =	vld [tilespmem:s0+$0x1410]  }
0x31: {  	v7 =	vld [tilespmem:s0+$0x1420]  }
0x32: {  	v5 =	vld [tilespmem:s0+$0x1430];
	v1 =	vmul.u32 $0x14, v1  }
0x33: {  	v13 =	vmul.u32 $0x14, v3;
	v8 =	vmul.u32 $0x14, v4;
	v2 =	vld [tilespmem:s0+$0x1440]  }
0x34: {  	v3 =	vld [tilespmem:s0+$0x1450];
	v6 =	vmul.u32 $0x14, v6;
	v4 =	vmul.u32 $0x14, v9;
	v0 =	vadd.s32 v0, v1  }
0x35: {  	s7 =	simm.s32 $0x400;
	s3 =	simm.s32 $0x80;
	v9 =	vld [tilespmem:s0+$0x1460];
	v1 =	vmul.u32 $0x14, v10;
	v10 =	vadd.s32 v12, v13;
	[tilespmem:s0+$0x2800] =	vst v0;
	v0 =	vmul.u32 $0x14, v11  }
.LBB2_2:
0x36: {  	p0 =	sne.s32 s7, $0x4E00;
	v11 =	vld [tilespmem:s3+$0x70];
	[tilespmem:s0+$0x2810] =	vst v10;
	v7 =	vadd.s32 v7, v8  }
0x37: {  	v8 =	vld [tilespmem:s3+$0x0];
	[tilespmem:s0+$0x2820] =	vst v7;
	v5 =	vadd.s32 v5, v6  }
0x38: {  	v6 =	vld [tilespmem:s3+$0x1470];
	[tilespmem:s0+$0x2830] =	vst v5;
	v2 =	vadd.s32 v2, v4  }
0x39: {  	v4 =	vld [tilespmem:s3+$0x10];
	[tilespmem:s0+$0x2840] =	vst v2;
	v1 =	vadd.s32 v3, v1  }
0x3a: {  	v2 =	vld [tilespmem:s3+$0x20];
	[tilespmem:s0+$0x2850] =	vst v1;
	v0 =	vadd.s32 v9, v0  }
0x3b: {  	v1 =	vld [tilespmem:s3+$0x30];
	v3 =	vmul.u32 $0x14, v11;
	[tilespmem:s0+$0x2860] =	vst v0;
	s0 =	smov.u32 s3  }
0x3c: {  	v9 =	vmul.u32 $0x14, v8;
	v0 =	vld [tilespmem:s0+$0x40]  }
0x3d: {  	v10 =	vld [tilespmem:s0+$0x50];
	v3 =	vadd.s32 v6, v3  }
0x3e: {  	v11 =	vmul.u32 $0x14, v4;
	v12 =	vld [tilespmem:s0+$0x60];
	[tilespmem:s0+$0x2870] =	vst v3  }
0x3f: {  	v3 =	vld [tilespmem:s0+$0x1400];
	v8 =	vmul.u32 $0x14, v2  }
0x40: {  	v13 =	vld [tilespmem:s0+$0x1410];
	v6 =	vmul.u32 $0x14, v1  }
.Ltmp0:
0x41: {  	v7 =	vld [tilespmem:s0+$0x1420];
	v4 =	vmul.u32 $0x14, v0;
	(pc) =	sbr.rel @p0 .LBB2_2-.Ltmp0, $4  }
0x42: {  	v5 =	vld [tilespmem:s0+$0x1430];
	v1 =	vmul.u32 $0x14, v10  }
0x43: {  	v2 =	vld [tilespmem:s0+$0x1440];
	v0 =	vmul.u32 $0x14, v12  }
0x44: {  	v9 =	vadd.s32 v3, v9;
	v3 =	vld [tilespmem:s0+$0x1450]  }
0x45: {  	s3 =	sshra.s32 s7, $0x2;
	s7 =	sadd.s32 $0x200, s7;
	[tilespmem:s0+$0x2800] =	vst v9;
	v10 =	vadd.s32 v13, v11;
	v9 =	vld [tilespmem:s0+$0x1460]  }
0x46: {  	v11 =	vld [tilespmem:s3+$0x70];
	[tilespmem:s0+$0x2810] =	vst v10;
	v7 =	vadd.s32 v7, v8  }
0x47: {  	v44 =	vld [tilespmem:s3+$0x0];
	[tilespmem:s0+$0x2820] =	vst v7;
	v5 =	vadd.s32 v5, v6  }
0x48: {  	v45 =	vld [tilespmem:s3+$0x1470];
	[tilespmem:s0+$0x2830] =	vst v5;
	v2 =	vadd.s32 v2, v4  }
0x49: {  	v46 =	vld [tilespmem:s3+$0x10];
	[tilespmem:s0+$0x2840] =	vst v2;
	v1 =	vadd.s32 v3, v1  }
0x4a: {  	v2 =	vld [tilespmem:s3+$0x20];
	[tilespmem:s0+$0x2850] =	vst v1;
	v0 =	vadd.s32 v9, v0  }
0x4b: {  	v1 =	vld [tilespmem:s3+$0x30];
	[tilespmem:s0+$0x2860] =	vst v0  }
0x4c: {  	v48 =	vld [tilespmem:s3+$0x40]  }
0x4d: {  	v5 =	vld [tilespmem:s3+$0x50]  }
0x4e: {  	v49 =	vld [tilespmem:s3+$0x60]  }
0x4f: {  	v50 =	vld [tilespmem:s3+$0x1400]  }
0x50: {  	v7 =	vld [tilespmem:s3+$0x1410]  }
0x51: {  	v47 =	vmul.u32 $0x14, v11;
	v51 =	vld [tilespmem:s3+$0x1420]  }
0x52: {  	v8 =	vmul.u32 $0x14, v44;
	v10 =	vld [tilespmem:s3+$0x1430]  }
0x53: {  	v52 =	vld [tilespmem:s3+$0x1440];
	v0 =	vadd.s32 v45, v47;
	v4 =	vmul.u32 $0x14, v46  }
0x54: {  	v53 =	vld [tilespmem:s3+$0x1450];
	[tilespmem:s3+$0x2870] =	vst v0;
	v2 =	vmul.u32 $0x14, v2;
	v0 =	vadd.s32 v50, v8  }
0x55: {  	v56 =	vld [tilespmem:s3+$0x1460];
	v54 =	vmul.u32 $0x14, v1;
	v55 =	vadd.s32 v7, v4;
	[tilespmem:s3+$0x2800] =	vst v0  }
0x56: {  	v3 =	vmul.u32 $0x14, v48;
	v57 =	vadd.s32 v51, v2;
	[tilespmem:s3+$0x2810] =	vst v55  }
0x57: {  	v58 =	vmul.u32 $0x14, v5;
	[tilespmem:s3+$0x2820] =	vst v57;
	v0 =	vadd.s32 v10, v54  }
0x58: {  	v59 =	vmul.u32 $0x14, v49;
	[tilespmem:s3+$0x2830] =	vst v0;
	v60 =	vadd.s32 v52, v3  }
0x59: {  	v62 =	vadd.s32 v53, v58;
	[tilespmem:s3+$0x2840] =	vst v60  }
0x5a: {  	v63 =	vadd.s32 v56, v59;
	[tilespmem:s3+$0x2850] =	vst v62  }
0x5b: {  	s19 =	simm.s32 $0x80;
	s20 =	simm.s32 $0x2800;
	s4 =	simm.s32 $0x6800;
	[tilespmem:s3+$0x2860] =	vst v63  }
0x5c: {  	[tilespmem:s4], [sflag:$0x1] =	stream.indirect.gather [hbm4b:s6+s19], $0x80, s20, s19, $0xb8;
	[tilespmem:$0x18380] =	vst v63  }
0x5d: {  	s21 =	simm.s32 $0xE800  }
0x5e: {  	[tilespmem:s21], [sflag:$0x1] =	stream.indirect.gather [hbm4b:s1+s19], $0x80, s8, s19, $0xb8;
	[tilespmem:$0x18380] =	vst v63  }
0x5f: {  	s22 =	rddreg [dreg:$0x8];
	s23 =	simm.s32 $0x5000;
	s0 =	simm.s32 $0x0  }
0x60: {  	[tilespmem:s23], [sflag:$0x1] =	stream.linear.gather [hbm4b:s22+s0], $0x800, $0x38;
	[tilespmem:$0x18380] =	vst v63  }
.LBB2_4:
0x61: {  	p0 =	seq.s32 s0, $0x27  }
0x62: {  	p1 =	slt.u32 @!p0 s0, $0x2  }
0x63: {  	p1 =	por p1, p0  }
0x64: {  	s7 =	smov.u32 s0;
	s0 =	sadd.s32 @!p1 $0xFFFFFFFE, s0  }
0x65: {  	s3 =	sand.u32 @!p1 $0xFF, s0  }
0x66: {  	s3 =	smul.u32 @!p1 $0xAB, s3;
	_ =	sdelay $0x1  }
0x67: {  	s3 =	sshrl.u32 @!p1 s3, $0x9  }
0x68: {  	s3 =	smul.u32 @!p1 $0x3, s3;
	_ =	sdelay $0x1  }
0x69: {  	s0 =	ssub.s32 @!p1 s0, s3  }
0x6a: {  	s0 =	sand.u32 @!p1 $0xFF, s0  }
0x6b: {  	s3 =	sadd.s32 @!p1 $0x3, s0  }
0x6c: {  	s8 =	sand.u32 $0x1, s7;
	_ =	swait.ge @!p1 [sflag:s3], $0x800  }
0x6d: {  	s9 =	sxor.u32 @!p0 $0x1, s8;
	[sflag:s3] =	ssyncset.done @!p1 $0x0  }
0x6e: {  	s16 =	simm.s32 @!p0 $0x80;
	s10 =	sshll.u32 @!p0 s9, $0xE;
	[sflag:s3] =	ssyncadd.s32 @!p1 $0xFFFFF800  }
0x6f: {  	s9 =	sadd.s32 @!p0 $0x1, s9;
	s0 =	sadd.s32 $0x1, s7;
	_ =	swait.ge @!p1 [sflag:s3], $0x800  }
0x70: {  	s11 =	sshll.u32 @!p0 s0, $0x7;
	s17 =	smul.u32 @!p0 $0xAB, s0;
	[sflag:s3] =	ssyncset.done @!p1 $0x0  }
0x71: {  	s14 =	sadd.s32 @!p0 $0x2800, s11;
	[sflag:s3] =	ssyncadd.s32 @!p1 $0xFFFFF800;
	s3 =	sadd.s32 @!p0 $0x6800, s10  }
0x72: {  	[tilespmem:s3], [sflag:s9] =	stream.indirect.gather @!p0 [hbm4b:s6+s16], $0x80, s14, s16, $0xb8;
	[tilespmem:$0x18380] =	vst v63  }
0x73: {  	s3 =	sshrl.u32 @!p0 s17, $0x9  }
0x74: {  	s3 =	sand.u32 @!p0 $0x7F, s3  }
0x75: {  	s11 =	sadd.s32 @!p0 $0x3C00, s11;
	s10 =	sadd.s32 @!p0 $0xE800, s10;
	s3 =	smul.u32 @!p0 $0x3, s3  }
0x76: {  	[tilespmem:s10], [sflag:s9] =	stream.indirect.gather @!p0 [hbm4b:s1+s16], $0x80, s11, s16, $0xb8;
	[tilespmem:$0x18380] =	vst v63  }
0x77: {  	s10 =	sshll.u32 @!p0 s0, $0xB;
	s3 =	ssub.s32 @!p0 s0, s3  }
0x78: {  	s10 =	sadd.s32 @!p0 s12, s10;
	s3 =	sand.u32 @!p0 $0xFF, s3  }
0x79: {  	s4 =	smul.u32 $0xAB, s7;
	s10 =	sshrl.u32 @!p0 s10, $0x3;
	s3 =	sshll.u32 @!p0 s3, $0xB  }
0x7a: {  	s14 =	simm.s32 @!p0 $0x0;
	s10 =	sadd.s32 @!p0 s6, s10;
	s3 =	sadd.s32 @!p0 $0x5000, s3  }
0x7b: {  	[tilespmem:s3], [sflag:s9] =	stream.linear.gather @!p0 [hbm4b:s10+s14], $0x800, $0x38;
	[tilespmem:$0x18380] =	vst v63  }
0x7c: {  	s14 =	sadd.s32 $0x1, s8  }
0x7d: {  	s17 =	sshrl.u32 s4, $0x9;
	_ =	swait.ge [sflag:s14], $0x4000  }
0x7e: {  	s3 =	sand.u32 $0x7F, s17;
	[sflag:s14] =	ssyncset.done $0x0  }
0x7f: {  	s3 =	smul.u32 $0x3, s3;
	[sflag:s14] =	ssyncadd.s32 $0xFFFFC000  }
0x80: {  	_ =	swait.ge [sflag:s14], $0x4000  }
0x81: {  	s23 =	sshll.u32 s8, $0xE;
	s3 =	ssub.s32 s7, s3;
	[sflag:s14] =	ssyncset.done $0x0  }
0x82: {  	s19 =	sadd.s32 $0x6800, s23;
	s3 =	sand.u32 $0xFF, s3;
	[sflag:s14] =	ssyncadd.s32 $0xFFFFC000  }
0x83: {  	v6 =	vmov s19;
	s22 =	sshll.u32 s3, $0xB;
	_ =	swait.ge [sflag:s14], $0x800  }
0x84: {  	s16 =	sshll.u32 s7, $0x4;
	s20 =	sadd.s32 $0x5000, s22;
	[sflag:s14] =	ssyncset.done $0x0  }
0x85: {  	s21 =	sadd.s32 s5, s16;
	s17 =	simm.s32 $0x0;
	v51 =	vmov s20;
	[sflag:s14] =	ssyncadd.s32 $0xFFFFF800  }
.LBB2_5:
0x86: {  	s8 =	sshll.u32 s17, $0xB  }
0x87: {  	s8 =	sand.u32 $0x3FFFF800, s8  }
0x88: {  	v59 =	vld.idx.msk [tilespmem:v6+s8+$0x0 ss:$0x1], $0xffff  }
0x89: {  	v0 =	vld.idx.msk [tilespmem:v6+s8+$0x10 ss:$0x1], $0xffff  }
0x8a: {  	v1 =	vld.idx.msk [tilespmem:v6+s8+$0x20 ss:$0x1], $0xffff  }
0x8b: {  	v2 =	vld.idx.msk [tilespmem:v6+s8+$0x30 ss:$0x1], $0xffff  }
0x8c: {  	v3 =	vld.idx.msk [tilespmem:v6+s8+$0x40 ss:$0x1], $0xffff  }
0x8d: {  	v4 =	vld.idx.msk [tilespmem:v6+s8+$0x50 ss:$0x1], $0xffff  }
0x8e: {  	v23 =	vld.idx.msk [tilespmem:v6+s8+$0x60 ss:$0x1], $0xffff  }
0x8f: {  	v24 =	vld.idx.msk [tilespmem:v6+s8+$0x70 ss:$0x1], $0xffff  }
0x90: {  	v25 =	vld.idx.msk [tilespmem:v6+s8+$0x80 ss:$0x1], $0xffff  }
0x91: {  	v26 =	vld.idx.msk [tilespmem:v6+s8+$0x90 ss:$0x1], $0xffff  }
0x92: {  	v27 =	vld.idx.msk [tilespmem:v6+s8+$0xA0 ss:$0x1], $0xffff  }
0x93: {  	v28 =	vld.idx.msk [tilespmem:v6+s8+$0xB0 ss:$0x1], $0xffff  }
0x94: {  	v29 =	vld.idx.msk [tilespmem:v6+s8+$0xC0 ss:$0x1], $0xffff  }
0x95: {  	v30 =	vld.idx.msk [tilespmem:v6+s8+$0xD0 ss:$0x1], $0xffff  }
0x96: {  	v31 =	vld.idx.msk [tilespmem:v6+s8+$0xE0 ss:$0x1], $0xffff  }
0x97: {  	v32 =	vld.idx.msk [tilespmem:v6+s8+$0xF0 ss:$0x1], $0xffff  }
0x98: {  	v33 =	vld.idx.msk [tilespmem:v6+s8+$0x100 ss:$0x1], $0xffff  }
0x99: {  	v34 =	vld.idx.msk [tilespmem:v6+s8+$0x110 ss:$0x1], $0xffff  }
0x9a: {  	v36 =	vld.idx.msk [tilespmem:v6+s8+$0x120 ss:$0x1], $0xffff  }
0x9b: {  	v35 =	vld.idx.msk [tilespmem:v6+s8+$0x130 ss:$0x1], $0xffff  }
0x9c: {  	v38 =	vld.idx.msk [tilespmem:v6+s8+$0x140 ss:$0x1], $0xffff  }
0x9d: {  	v37 =	vld.idx.msk [tilespmem:v6+s8+$0x150 ss:$0x1], $0xffff  }
0x9e: {  	v40 =	vld.idx.msk [tilespmem:v6+s8+$0x160 ss:$0x1], $0xffff  }
0x9f: {  	v39 =	vld.idx.msk [tilespmem:v6+s8+$0x170 ss:$0x1], $0xffff  }
0xa0: {  	v42 =	vld.idx.msk [tilespmem:v6+s8+$0x180 ss:$0x1], $0xffff  }
0xa1: {  	v41 =	vld.idx.msk [tilespmem:v6+s8+$0x190 ss:$0x1], $0xffff  }
0xa2: {  	v44 =	vld.idx.msk [tilespmem:v6+s8+$0x1A0 ss:$0x1], $0xffff  }
0xa3: {  	v43 =	vld.idx.msk [tilespmem:v6+s8+$0x1B0 ss:$0x1], $0xffff  }
0xa4: {  	v46 =	vld.idx.msk [tilespmem:v6+s8+$0x1C0 ss:$0x1], $0xffff  }
0xa5: {  	v45 =	vld.idx.msk [tilespmem:v6+s8+$0x1D0 ss:$0x1], $0xffff  }
0xa6: {  	v48 =	vld.idx.msk [tilespmem:v6+s8+$0x1E0 ss:$0x1], $0xffff  }
0xa7: {  	v47 =	vld.idx.msk [tilespmem:v6+s8+$0x1F0 ss:$0x1], $0xffff  }
0xa8: {  	v5 =	vld.idx.msk [tilespmem:v6+s8+$0x200 ss:$0x1], $0xffff  }
0xa9: {  	v49 =	vld.idx.msk [tilespmem:v6+s8+$0x210 ss:$0x1], $0xffff  }
0xaa: {  	v50 =	vld.idx.msk [tilespmem:v6+s8+$0x220 ss:$0x1], $0xffff  }
0xab: {  	v63 =	vld.idx.msk [tilespmem:v6+s8+$0x230 ss:$0x1], $0xffff  }
0xac: {  	v58 =	vld.idx.msk [tilespmem:v6+s8+$0x240 ss:$0x1], $0xffff  }
0xad: {  	v55 =	vld.idx.msk [tilespmem:v6+s8+$0x250 ss:$0x1], $0xffff  }
0xae: {  	v52 =	vld.idx.msk [tilespmem:v6+s8+$0x260 ss:$0x1], $0xffff  }
0xaf: {  	v57 =	vld.idx.msk [tilespmem:v6+s8+$0x270 ss:$0x1], $0xffff  }
0xb0: {  	v54 =	vld.idx.msk [tilespmem:v6+s8+$0x280 ss:$0x1], $0xffff  }
0xb1: {  	v53 =	vld.idx.msk [tilespmem:v6+s8+$0x290 ss:$0x1], $0xffff  }
0xb2: {  	v60 =	vmov v61;
	v61 =	vld.idx.msk [tilespmem:v6+s8+$0x2A0 ss:$0x1], $0xffff  }
0xb3: {  	v56 =	vld.idx.msk [tilespmem:v6+s8+$0x2B0 ss:$0x1], $0xffff  }
0xb4: {  	v10 =	vld.idx.msk [tilespmem:v6+s8+$0x2C0 ss:$0x1], $0xffff  }
0xb5: {  	v20 =	vld.idx.msk [tilespmem:v6+s8+$0x2D0 ss:$0x1], $0xffff  }
0xb6: {  	v21 =	vld.idx.msk [tilespmem:v6+s8+$0x2E0 ss:$0x1], $0xffff  }
0xb7: {  	v22 =	vld.idx.msk [tilespmem:v6+s8+$0x2F0 ss:$0x1], $0xffff  }
0xb8: {  	v62 =	vld.idx.msk [tilespmem:v6+s8+$0x300 ss:$0x1], $0xffff  }
0xb9: {  	v16 =	vld.idx.msk [tilespmem:v6+s8+$0x310 ss:$0x1], $0xffff  }
0xba: {  	v17 =	vld.idx.msk [tilespmem:v6+s8+$0x320 ss:$0x1], $0xffff  }
0xbb: {  	v18 =	vld.idx.msk [tilespmem:v6+s8+$0x330 ss:$0x1], $0xffff  }
0xbc: {  	v19 =	vld.idx.msk [tilespmem:v6+s8+$0x340 ss:$0x1], $0xffff  }
0xbd: {  	[tilespmem:$0x1F990] =	vst v20;
	v20 =	vld.idx.msk [tilespmem:v6+s8+$0x350 ss:$0x1], $0xffff  }
0xbe: {  	[tilespmem:$0x1F9A0] =	vst v21;
	v21 =	vld.idx.msk [tilespmem:v6+s8+$0x360 ss:$0x1], $0xffff  }
0xbf: {  	[tilespmem:$0x1F9B0] =	vst v22;
	v22 =	vld.idx.msk [tilespmem:v6+s8+$0x370 ss:$0x1], $0xffff  }
0xc0: {  	[tilespmem:$0x1F9C0] =	vst v62;
	v62 =	vld.idx.msk [tilespmem:v6+s8+$0x380 ss:$0x1], $0xffff  }
0xc1: {  	[tilespmem:$0x1F9D0] =	vst v16;
	v16 =	vld.idx.msk [tilespmem:v6+s8+$0x390 ss:$0x1], $0xffff  }
0xc2: {  	[tilespmem:$0x1F9E0] =	vst v17;
	v17 =	vld.idx.msk [tilespmem:v6+s8+$0x3A0 ss:$0x1], $0xffff  }
0xc3: {  	[tilespmem:$0x1F9F0] =	vst v18;
	v18 =	vld.idx.msk [tilespmem:v6+s8+$0x3B0 ss:$0x1], $0xffff  }
0xc4: {  	[tilespmem:$0x1FA00] =	vst v19;
	v19 =	vld.idx.msk [tilespmem:v6+s8+$0x3C0 ss:$0x1], $0xffff  }
0xc5: {  	s10 =	sshllo.u32 s17, $0x1;
	[tilespmem:$0x1FA10] =	vst v20;
	v20 =	vld.idx.msk [tilespmem:v6+s8+$0x3D0 ss:$0x1], $0xffff  }
0xc6: {  	s11 =	sshll.u32 s10, $0xA;
	[tilespmem:$0x1FA20] =	vst v21;
	v21 =	vld.idx.msk [tilespmem:v6+s8+$0x3E0 ss:$0x1], $0xffff  }
0xc7: {  	[tilespmem:$0x1FA30] =	vst v22;
	v22 =	vld.idx.msk [tilespmem:v6+s8+$0x3F0 ss:$0x1], $0xffff;
	s8 =	sand.u32 $0x3FFFFC00, s11  }
0xc8: {  	[tilespmem:$0x1FA40] =	vst v62;
	v62 =	vld.idx.msk [tilespmem:v6+s8+$0x0 ss:$0x1], $0xffff;
	_ =	sdelay $0x4  }
0xc9: {  	[tilespmem:$0x1FAC0] =	vst v62;
	v62 =	vld.idx.msk [tilespmem:v6+s8+$0x10 ss:$0x1], $0xffff;
	_ =	sdelay $0x4  }
0xca: {  	[tilespmem:$0x1FAD0] =	vst v62;
	v62 =	vld.idx.msk [tilespmem:v6+s8+$0x20 ss:$0x1], $0xffff;
	_ =	sdelay $0x4  }
0xcb: {  	[tilespmem:$0x1FAE0] =	vst v62;
	v62 =	vld.idx.msk [tilespmem:v6+s8+$0x30 ss:$0x1], $0xffff;
	_ =	sdelay $0x4  }
0xcc: {  	[tilespmem:$0x1FAF0] =	vst v62;
	v62 =	vld.idx.msk [tilespmem:v6+s8+$0x40 ss:$0x1], $0xffff;
	_ =	sdelay $0x4  }
0xcd: {  	[tilespmem:$0x1FB00] =	vst v62;
	v62 =	vld.idx.msk [tilespmem:v6+s8+$0x50 ss:$0x1], $0xffff;
	_ =	sdelay $0x4  }
0xce: {  	[tilespmem:$0x1FB10] =	vst v62;
	v62 =	vld.idx.msk [tilespmem:v6+s8+$0x60 ss:$0x1], $0xffff;
	_ =	sdelay $0x4  }
0xcf: {  	[tilespmem:$0x1FB20] =	vst v62;
	v62 =	vld.idx.msk [tilespmem:v6+s8+$0x70 ss:$0x1], $0xffff;
	_ =	sdelay $0x4  }
0xd0: {  	[tilespmem:$0x1FB30] =	vst v62;
	v62 =	vld.idx.msk [tilespmem:v6+s8+$0x80 ss:$0x1], $0xffff;
	_ =	sdelay $0x3  }
0xd1: {  	s7 =	sshll.u32 s17, $0x8  }
0xd2: {  	s7 =	sand.u32 $0x3FFFFF00, s7;
	[tilespmem:$0x1FB40] =	vst v62;
	v62 =	vld.idx.msk [tilespmem:v6+s8+$0x90 ss:$0x1], $0xffff  }
0xd3: {  	v14 =	vld.idx.msk [tilespmem:v51+s7+$0x0 ss:$0x1], $0xffff  }
0xd4: {  	v15 =	vld.idx.msk [tilespmem:v51+s7+$0x10 ss:$0x1], $0xffff  }
0xd5: {  	v7 =	vld.idx.msk [tilespmem:v51+s7+$0x20 ss:$0x1], $0xffff  }
0xd6: {  	v13 =	vld.idx.msk [tilespmem:v51+s7+$0x30 ss:$0x1], $0xffff  }
0xd7: {  	[tilespmem:$0x1FB50] =	vst v62;
	v62 =	vld.idx.msk [tilespmem:v6+s8+$0xA0 ss:$0x1], $0xffff  }
0xd8: {  	v8 =	vld.idx.msk [tilespmem:v51+s7+$0x40 ss:$0x1], $0xffff  }
0xd9: {  	v12 =	vld.idx.msk [tilespmem:v51+s7+$0x50 ss:$0x1], $0xffff  }
0xda: {  	v9 =	vld.idx.msk [tilespmem:v51+s7+$0x60 ss:$0x1], $0xffff  }
0xdb: {  	s9 =	sshll.u32 s10, $0x7;
	v11 =	vld.idx.msk [tilespmem:v51+s7+$0x70 ss:$0x1], $0xffff  }
0xdc: {  	s9 =	sand.u32 $0x3FFFFF80, s9;
	[tilespmem:$0x1FB60] =	vst v62;
	v62 =	vld.idx.msk [tilespmem:v6+s8+$0xB0 ss:$0x1], $0xffff  }
0xdd: {  	[tilespmem:$0x1F980] =	vst v10;
	v10 =	vld.idx.msk [tilespmem:v51+s9+$0x60 ss:$0x1], $0xffff  }
0xde: {  	[tilespmem:$0x1FA80] =	vst v19;
	v19 =	vld.idx.msk [tilespmem:v51+s9+$0x30 ss:$0x1], $0xffff  }
0xdf: {  	v59 =	vmul.f32 v59, v14;
	[tilespmem:$0x1FA50] =	vst v16;
	v16 =	vld.idx.msk [tilespmem:v51+s9+$0x40 ss:$0x1], $0xffff  }
0xe0: {  	v0 =	vmul.f32 v0, v15;
	v1 =	vmul.f32 v1, v7;
	[tilespmem:$0x1FA60] =	vst v17;
	v17 =	vld.idx.msk [tilespmem:v51+s9+$0x50 ss:$0x1], $0xffff  }
0xe1: {  	v3 =	vmul.f32 v3, v8;
	v4 =	vmul.f32 v4, v12;
	[tilespmem:$0x1FB70] =	vst v62;
	v62 =	vld.idx.msk [tilespmem:v6+s8+$0xC0 ss:$0x1], $0xffff  }
0xe2: {  	v23 =	vmul.f32 v23, v9;
	v24 =	vmul.f32 v24, v11;
	[tilespmem:$0x1FA70] =	vst v18;
	v18 =	vld.idx.msk [tilespmem:v51+s9+$0x70 ss:$0x1], $0xffff  }
0xe3: {  	v2 =	vmul.f32 v2, v13;
	v0 =	vadd.f32 v0, v59;
	v3 =	vadd.f32 v4, v3;
	v59 =	vld.idx.msk [tilespmem:v6+s8+$0x1E0 ss:$0x1], $0xffff  }
0xe4: {  	v4 =	vmul.f32 v29, v8;
	v23 =	vadd.f32 v24, v23;
	v24 =	vmul.f32 v31, v9;
	v29 =	vld.idx.msk [tilespmem:v6+s8+$0x230 ss:$0x1], $0xffff  }
0xe5: {  	v31 =	vmul.f32 v33, v14;
	v33 =	vmul.f32 v36, v7;
	v36 =	vld.idx.msk [tilespmem:v6+s8+$0x270 ss:$0x1], $0xffff;
	[tilespmem:$0x1FA90] =	vst v20  }
0xe6: {  	[tilespmem:$0x1FB80] =	vst v62;
	v62 =	vld.idx.msk [tilespmem:v6+s8+$0xD0 ss:$0x1], $0xffff  }
0xe7: {  	v1 =	vadd.f32 v2, v1;
	[tilespmem:$0x1FAB0] =	vst v22;
	v22 =	vld.idx.msk [tilespmem:v51+s9+$0x0 ss:$0x1], $0xffff  }
0xe8: {  	v2 =	vmul.f32 v27, v7;
	v27 =	vmul.f32 v28, v13;
	[tilespmem:$0x1FAA0] =	vst v21;
	v21 =	vld.idx.msk [tilespmem:v51+s9+$0x10 ss:$0x1], $0xffff  }
0xe9: {  	v28 =	vmul.f32 v30, v12;
	v20 =	vld.idx.msk [tilespmem:v51+s9+$0x20 ss:$0x1], $0xffff;
	[tilespmem:$0x1FCA0] =	vst v59;
	v59 =	vmul.f32 v32, v11  }
0xea: {  	v25 =	vmul.f32 v25, v14;
	v26 =	vmul.f32 v26, v15;
	v32 =	vld.idx.msk [tilespmem:v6+s8+$0x210 ss:$0x1], $0xffff  }
0xeb: {  	v4 =	vadd.f32 v28, v4;
	v24 =	vadd.f32 v59, v24;
	[tilespmem:$0x1FB90] =	vst v62;
	v62 =	vld.idx.msk [tilespmem:v6+s8+$0xE0 ss:$0x1], $0xffff  }
0xec: {  	[tilespmem:$0x1FD20] =	vst v36;
	v36 =	vmul.f32 v47, v11;
	v47 =	vmul.f32 v52, v9;
	v52 =	vld.idx.msk [tilespmem:v6+s8+$0x320 ss:$0x1], $0xffff  }
0xed: {  	v30 =	vadd.f32 v24, v4;
	v4 =	vld.idx.msk [tilespmem:v6+s8+$0x240 ss:$0x1], $0xffff  }
0xee: {  	v25 =	vadd.f32 v26, v25;
	v2 =	vadd.f32 v27, v2;
	[tilespmem:$0x1FCE0] =	vst v29;
	v29 =	vld [tilespmem:$0x1FA40]  }
0xef: {  	v0 =	vadd.f32 v1, v0;
	v28 =	vadd.f32 v23, v3;
	v59 =	vld.idx.msk [tilespmem:v6+s8+$0x220 ss:$0x1], $0xffff;
	[tilespmem:$0x1FCC0] =	vst v32  }
0xf0: {  	v32 =	vmul.f32 v34, v15;
	v34 =	vmul.f32 v35, v13;
	[tilespmem:$0x1FBA0] =	vst v62;
	v62 =	vld.idx.msk [tilespmem:v6+s8+$0xF0 ss:$0x1], $0xffff  }
0xf1: {  	v0 =	vadd.f32 v28, v0;
	v35 =	vmul.f32 v38, v8;
	v38 =	vmul.f32 v39, v11;
	v39 =	vld.idx.msk [tilespmem:v6+s8+$0x280 ss:$0x1], $0xffff  }
0xf2: {  	v2 =	vadd.f32 v2, v25;
	[tilespmem:$0x1FCF0] =	vst v4;
	v4 =	vld.idx.msk [tilespmem:v6+s8+$0x250 ss:$0x1], $0xffff  }
0xf3: {  	[tilespmem:$0x1FDD0] =	vst v0;
	v0 =	vadd.f32 v32, v31;
	v31 =	vld.idx.msk [tilespmem:v6+s8+$0x2A0 ss:$0x1], $0xffff  }
0xf4: {  	[tilespmem:$0x1FCD0] =	vst v59;
	v59 =	vadd.f32 v30, v2;
	v2 =	vadd.f32 v34, v33;
	v34 =	vld.idx.msk [tilespmem:v6+s8+$0x2B0 ss:$0x1], $0xffff  }
0xf5: {  	[tilespmem:$0x1FBB0] =	vst v62;
	v62 =	vld.idx.msk [tilespmem:v6+s8+$0x100 ss:$0x1], $0xffff  }
0xf6: {  	v32 =	vmul.f32 v46, v8;
	v46 =	vmul.f32 v55, v12;
	v55 =	vld.idx.msk [tilespmem:v6+s8+$0x310 ss:$0x1], $0xffff  }
0xf7: {  	v33 =	vmul.f32 v45, v12;
	[tilespmem:$0x1FD00] =	vst v4;
	v4 =	vld.idx.msk [tilespmem:v6+s8+$0x260 ss:$0x1], $0xffff  }
0xf8: {  	v45 =	vmul.f32 v58, v8;
	v58 =	vld.idx.msk [tilespmem:v6+s8+$0x340 ss:$0x1], $0xffff  }
0xf9: {  	v0 =	vadd.f32 v2, v0;
	v2 =	vadd.f32 v33, v32;
	v33 =	vld.idx.msk [tilespmem:v6+s8+$0x350 ss:$0x1], $0xffff;
	[tilespmem:$0x1FD30] =	vst v39  }
0xfa: {  	[tilespmem:$0x1FBC0] =	vst v62;
	v62 =	vld.idx.msk [tilespmem:v6+s8+$0x110 ss:$0x1], $0xffff  }
0xfb: {  	v39 =	vld.idx.msk [tilespmem:v6+s8+$0x2E0 ss:$0x1], $0xffff;
	[tilespmem:$0x1FD60] =	vst v34  }
0xfc: {  	v34 =	vld [tilespmem:$0x1F9B0];
	[tilespmem:$0x1FD10] =	vst v4;
	v4 =	vmul.f32 v37, v12;
	v37 =	vmul.f32 v40, v9  }
0xfd: {  	v40 =	vmul.f32 v41, v15;
	v41 =	vld.idx.msk [tilespmem:v6+s8+$0x290 ss:$0x1], $0xffff  }
0xfe: {  	v3 =	vadd.f32 v38, v37;
	v37 =	vld.idx.msk [tilespmem:v6+s8+$0x2C0 ss:$0x1], $0xffff  }
0xff: {  	[tilespmem:$0x1FBD0] =	vst v62;
	v62 =	vld.idx.msk [tilespmem:v6+s8+$0x120 ss:$0x1], $0xffff  }
0x100: {  	v1 =	vadd.f32 v4, v35;
	v4 =	vmul.f32 v42, v14;
	v42 =	vmul.f32 v44, v7;
	v38 =	vld.idx.msk [tilespmem:v6+s8+$0x2D0 ss:$0x1], $0xffff  }
0x101: {  	v44 =	vmul.f32 v43, v13;
	v43 =	vmul.f32 v63, v13;
	v63 =	vld [tilespmem:$0x1F990]  }
0x102: {  	v35 =	vmul.f32 v48, v9;
	v48 =	vmul.f32 v54, v14;
	v54 =	vld [tilespmem:$0x1FA20]  }
0x103: {  	v4 =	vadd.f32 v40, v4;
	v40 =	vmul.f32 v5, v14;
	v5 =	vld.idx.msk [tilespmem:v6+s8+$0x2F0 ss:$0x1], $0xffff  }
0x104: {  	[tilespmem:$0x1FBE0] =	vst v62;
	v62 =	vld.idx.msk [tilespmem:v6+s8+$0x130 ss:$0x1], $0xffff  }
0x105: {  	v23 =	vadd.f32 v44, v42;
	v44 =	vld.idx.msk [tilespmem:v6+s8+$0x300 ss:$0x1], $0xffff  }
0x106: {  	v42 =	vmul.f32 v50, v7;
	v50 =	vmul.f32 v61, v7;
	v61 =	vld [tilespmem:$0x1F980]  }
0x107: {  	v56 =	vmul.f32 v56, v13;
	v1 =	vadd.f32 v3, v1;
	v3 =	vadd.f32 v36, v35;
	v36 =	vld [tilespmem:$0x1F9C0]  }
0x108: {  	[tilespmem:$0x1FD40] =	vst v41;
	v41 =	vmul.f32 v49, v15;
	v49 =	vmul.f32 v53, v15;
	v53 =	vld.idx.msk [tilespmem:v6+s8+$0x360 ss:$0x1], $0xffff  }
0x109: {  	[tilespmem:$0x1FBF0] =	vst v62;
	v62 =	vld.idx.msk [tilespmem:v6+s8+$0x140 ss:$0x1], $0xffff  }
0x10a: {  	v27 =	vadd.f32 v56, v50;
	v50 =	vld.idx.msk [tilespmem:v6+s8+$0x370 ss:$0x1], $0xffff  }
0x10b: {  	v56 =	vld.idx.msk [tilespmem:v6+s8+$0x3B0 ss:$0x1], $0xffff  }
0x10c: {  	v2 =	vadd.f32 v3, v2;
	v3 =	vadd.f32 v43, v42;
	v42 =	vld [tilespmem:$0x1F9F0]  }
0x10d: {  	v25 =	vadd.f32 v1, v0;
	v0 =	vadd.f32 v46, v45;
	v45 =	vld [tilespmem:$0x1FA00]  }
0x10e: {  	[tilespmem:$0x1FC00] =	vst v62;
	v62 =	vld.idx.msk [tilespmem:v6+s8+$0x150 ss:$0x1], $0xffff  }
0x10f: {  	[tilespmem:$0x1FD70] =	vst v37;
	v37 =	vld [tilespmem:$0x1F9D0]  }
0x110: {  	v4 =	vadd.f32 v23, v4;
	v23 =	vadd.f32 v41, v40;
	v41 =	vld [tilespmem:$0x1F9E0]  }
0x111: {  	v24 =	vadd.f32 v49, v48;
	v48 =	vld [tilespmem:$0x1FA10]  }
0x112: {  	v26 =	vadd.f32 v2, v4;
	v4 =	vmul.f32 v57, v11;
	v57 =	vld.idx.msk [tilespmem:v6+s8+$0x330 ss:$0x1], $0xffff  }
0x113: {  	[tilespmem:$0x1FC10] =	vst v62;
	v62 =	vld.idx.msk [tilespmem:v6+s8+$0x160 ss:$0x1], $0xffff  }
0x114: {  	[tilespmem:$0x1FDA0] =	vst v44;
	v44 =	vld.idx.msk [tilespmem:v6+s8+$0x380 ss:$0x1], $0xffff  }
0x115: {  	v23 =	vadd.f32 v3, v23;
	v3 =	vld.idx.msk [tilespmem:v6+s8+$0x390 ss:$0x1], $0xffff  }
0x116: {  	v24 =	vadd.f32 v27, v24;
	v27 =	vld.idx.msk [tilespmem:v6+s8+$0x3A0 ss:$0x1], $0xffff  }
0x117: {  	v1 =	vmul.f32 v61, v8;
	v61 =	vld [tilespmem:$0x1FA30]  }
0x118: {  	[tilespmem:$0x1FC20] =	vst v62;
	v62 =	vld.idx.msk [tilespmem:v6+s8+$0x170 ss:$0x1], $0xffff  }
0x119: {  	v2 =	vadd.f32 v4, v47;
	v4 =	vld [tilespmem:$0x1F9A0]  }
0x11a: {  	v47 =	vld.idx.msk [tilespmem:v6+s8+$0x3C0 ss:$0x1], $0xffff  }
0x11b: {  	v43 =	vmul.f32 v42, v13;
	v42 =	vld [tilespmem:$0x1FAA0]  }
0x11c: {  	v46 =	vmul.f32 v45, v8;
	v45 =	vld [tilespmem:$0x1FAB0]  }
0x11d: {  	v0 =	vadd.f32 v2, v0;
	[tilespmem:$0x1FC30] =	vst v62;
	v62 =	vld.idx.msk [tilespmem:v6+s8+$0x180 ss:$0x1], $0xffff  }
0x11e: {  	[tilespmem:$0x1FD80] =	vst v38;
	v38 =	vmul.f32 v37, v15;
	v37 =	vld [tilespmem:$0x1FA70]  }
0x11f: {  	v32 =	vadd.f32 v0, v23;
	v0 =	vmul.f32 v36, v14;
	v23 =	vld.idx.msk [tilespmem:v6+s8+$0x3D0 ss:$0x1], $0xffff  }
0x120: {  	s7 =	sor.u32 $0x1, s17;
	[tilespmem:$0x1FD50] =	vst v31;
	v30 =	vmul.f32 v63, v12;
	v63 =	vmul.f32 v61, v11;
	v61 =	vld [tilespmem:$0x1FB10]  }
0x121: {  	s14 =	sshll.u32 s7, $0x8;
	[tilespmem:$0x1FDB0] =	vst v58;
	v49 =	vmul.f32 v48, v12;
	v0 =	vadd.f32 v38, v0;
	v38 =	vld [tilespmem:$0x1FA80]  }
0x122: {  	s9 =	sand.u32 $0x3FFFFF00, s14;
	v31 =	vmul.f32 v34, v11;
	v58 =	vmul.f32 v54, v9;
	[tilespmem:$0x1FC40] =	vst v62;
	v62 =	vld.idx.msk [tilespmem:v6+s8+$0x190 ss:$0x1], $0xffff  }
0x123: {  	v28 =	vadd.f32 v49, v46;
	v4 =	vmul.f32 v4, v9;
	v46 =	vmul.f32 v45, v11;
	v11 =	vld.idx.msk [tilespmem:v51+s9+$0x30 ss:$0x1], $0xffff  }
0x124: {  	v35 =	vadd.f32 v30, v1;
	v45 =	vld [tilespmem:$0x1FAF0]  }
0x125: {  	v34 =	vadd.f32 v63, v58;
	v58 =	vld [tilespmem:$0x1FB00];
	v4 =	vadd.f32 v31, v4  }
0x126: {  	v31 =	vld [tilespmem:$0x1FA50]  }
0x127: {  	v4 =	vadd.f32 v4, v35;
	[tilespmem:$0x1FC50] =	vst v62;
	v62 =	vld.idx.msk [tilespmem:v6+s8+$0x1A0 ss:$0x1], $0xffff  }
0x128: {  	v35 =	vld [tilespmem:$0x1FA60]  }
0x129: {  	v40 =	vadd.f32 v4, v24;
	v4 =	vmul.f32 v41, v7;
	v41 =	vld [tilespmem:$0x1FA90]  }
0x12a: {  	[tilespmem:$0x1FD90] =	vst v39;
	v39 =	vmul.f32 v38, v8;
	v8 =	vld.idx.msk [tilespmem:v51+s9+$0x10 ss:$0x1], $0xffff  }
0x12b: {  	v15 =	vmul.f32 v31, v15;
	v31 =	vld.idx.msk [tilespmem:v6+s8+$0x3F0 ss:$0x1], $0xffff  }
0x12c: {  	[tilespmem:$0x1FC60] =	vst v62;
	v62 =	vld.idx.msk [tilespmem:v6+s8+$0x1B0 ss:$0x1], $0xffff  }
0x12d: {  	v24 =	vadd.f32 v43, v4;
	v4 =	vld.idx.msk [tilespmem:v6+s8+$0x3E0 ss:$0x1], $0xffff  }
0x12e: {  	v14 =	vmul.f32 v29, v14;
	v43 =	vmul.f32 v42, v9;
	v9 =	vld.idx.msk [tilespmem:v51+s9+$0x20 ss:$0x1], $0xffff  }
0x12f: {  	v36 =	vmul.f32 v35, v7;
	v7 =	vld.idx.msk [tilespmem:v51+s9+$0x0 ss:$0x1], $0xffff  }
0x130: {  	v14 =	vadd.f32 v15, v14;
	v15 =	vld.idx.msk [tilespmem:v51+s9+$0x70 ss:$0x1], $0xffff  }
0x131: {  	[tilespmem:$0x1FC70] =	vst v62;
	v62 =	vld.idx.msk [tilespmem:v6+s8+$0x1C0 ss:$0x1], $0xffff  }
0x132: {  	v13 =	vmul.f32 v37, v13;
	v49 =	vadd.f32 v46, v43;
	v43 =	vld [tilespmem:$0x1FAE0];
	v12 =	vmul.f32 v41, v12  }
0x133: {  	v41 =	vld [tilespmem:$0x1FAD0]  }
0x134: {  	v13 =	vadd.f32 v13, v36;
	v48 =	vadd.f32 v12, v39;
	v12 =	vld.idx.msk [tilespmem:v51+s9+$0x40 ss:$0x1], $0xffff  }
0x135: {  	v0 =	vadd.f32 v24, v0;
	v39 =	vld [tilespmem:$0x1FAC0]  }
0x136: {  	v54 =	vadd.f32 v13, v14;
	v24 =	vadd.f32 v49, v48;
	[tilespmem:$0x1FC80] =	vst v62;
	v62 =	vld.idx.msk [tilespmem:v6+s8+$0x1D0 ss:$0x1], $0xffff  }
0x137: {  	v48 =	vld [tilespmem:$0x1FB20]  }
0x138: {  	v24 =	vadd.f32 v24, v54;
	v54 =	vld [tilespmem:$0x1FB30]  }
0x139: {  	v46 =	vmul.f32 v45, v19;
	v45 =	vld [tilespmem:$0x1FB60]  }
0x13a: {  	[tilespmem:$0x1FDC0] =	vst v33;
	v28 =	vadd.f32 v34, v28;
	v42 =	vmul.f32 v41, v21;
	v41 =	vld [tilespmem:$0x1FB40];
	v33 =	vmul.f32 v39, v22  }
0x13b: {  	v35 =	vmul.f32 v43, v20;
	[tilespmem:$0x1FC90] =	vst v62;
	v62 =	vld.idx.msk [tilespmem:v6+s8+$0x1F0 ss:$0x1], $0xffff  }
0x13c: {  	v30 =	vadd.f32 v28, v0;
	v0 =	vmul.f32 v58, v16;
	v33 =	vadd.f32 v42, v33;
	v42 =	vld [tilespmem:$0x1FB50]  }
0x13d: {  	v35 =	vadd.f32 v46, v35;
	v49 =	vmul.f32 v48, v10;
	v58 =	vmul.f32 v54, v18;
	v46 =	vld [tilespmem:$0x1FB70]  }
0x13e: {  	v36 =	vmul.f32 v45, v20;
	v45 =	vld [tilespmem:$0x1FBA0]  }
0x13f: {  	s19 =	sshll.u32 s7, $0xB;
	v29 =	vadd.f32 v58, v49;
	v49 =	vld [tilespmem:$0x1FBB0]  }
0x140: {  	[tilespmem:$0x1FCB0] =	vst v62;
	v62 =	vld.idx.msk [tilespmem:v6+s8+$0x200 ss:$0x1], $0xffff;
	s8 =	sand.u32 $0x3FFFF800, s19  }
0x141: {  	v43 =	vld.idx.msk [tilespmem:v6+s8+$0x10 ss:$0x1], $0xffff  }
0x142: {  	v13 =	vld.idx.msk [tilespmem:v51+s9+$0x50 ss:$0x1], $0xffff  }
0x143: {  	v14 =	vld.idx.msk [tilespmem:v51+s9+$0x60 ss:$0x1], $0xffff;
	v34 =	vmul.f32 v41, v22  }
0x144: {  	v38 =	vmul.f32 v42, v21;
	v48 =	vmul.f32 v46, v19;
	v42 =	vld [tilespmem:$0x1FB80]  }
0x145: {  	v46 =	vmul.f32 v45, v10;
	v54 =	vmul.f32 v49, v18;
	v41 =	vld.idx.msk [tilespmem:v6+s8+$0x20 ss:$0x1], $0xffff  }
0x146: {  	[tilespmem:$0x1FDF0] =	vst v43;
	v43 =	vld [tilespmem:$0x1FB90]  }
0x147: {  	v37 =	vadd.f32 v54, v46;
	v54 =	vld [tilespmem:$0x1FBE0]  }
0x148: {  	v63 =	vmul.f32 v61, v17;
	v33 =	vadd.f32 v35, v33;
	v35 =	vld [tilespmem:$0x1FBF0]  }
0x149: {  	v39 =	vld.idx.msk [tilespmem:v6+s8+$0x0 ss:$0x1], $0xffff  }
0x14a: {  	v0 =	vadd.f32 v63, v0;
	v63 =	vld.idx.msk [tilespmem:v6+s8+$0x30 ss:$0x1], $0xffff  }
0x14b: {  	v28 =	vmul.f32 v42, v16;
	[tilespmem:$0x1FE00] =	vst v41;
	v41 =	vmul.f32 v43, v17;
	v43 =	vld [tilespmem:$0x1FBD0]  }
0x14c: {  	v58 =	vld.idx.msk [tilespmem:v6+s8+$0x40 ss:$0x1], $0xffff  }
0x14d: {  	v36 =	vadd.f32 v48, v36;
	v48 =	vld.idx.msk [tilespmem:v6+s8+$0x50 ss:$0x1], $0xffff;
	v28 =	vadd.f32 v41, v28  }
0x14e: {  	v61 =	vld.idx.msk [tilespmem:v6+s8+$0x60 ss:$0x1], $0xffff  }
0x14f: {  	v28 =	vadd.f32 v37, v28;
	v37 =	vld [tilespmem:$0x1FBC0]  }
0x150: {  	v45 =	vmul.f32 v43, v21;
	v43 =	vld.idx.msk [tilespmem:v6+s8+$0xB0 ss:$0x1], $0xffff  }
0x151: {  	v46 =	vld.idx.msk [tilespmem:v6+s8+$0x90 ss:$0x1], $0xffff  }
0x152: {  	[tilespmem:$0x1FDE0] =	vst v39;
	v39 =	vld [tilespmem:$0x1FC10]  }
0x153: {  	v0 =	vadd.f32 v29, v0;
	[tilespmem:$0x1FE10] =	vst v58;
	v58 =	vmul.f32 v54, v20;
	v54 =	vld [tilespmem:$0x1FC30]  }
0x154: {  	v34 =	vadd.f32 v38, v34;
	v38 =	vmul.f32 v37, v22;
	v37 =	vld.idx.msk [tilespmem:v6+s8+$0xA0 ss:$0x1], $0xffff  }
0x155: {  	v2 =	vadd.f32 v0, v33;
	[tilespmem:$0x1FE50] =	vst v43;
	v43 =	vld [tilespmem:$0x1FC50]  }
0x156: {  	v36 =	vadd.f32 v36, v34;
	v33 =	vadd.f32 v45, v38;
	v45 =	vld [tilespmem:$0x1FC20]  }
0x157: {  	v38 =	vld [tilespmem:$0x1FC00]  }
0x158: {  	v49 =	vld.idx.msk [tilespmem:v6+s8+$0x70 ss:$0x1], $0xffff;
	v41 =	vadd.f32 v28, v36;
	v36 =	vmul.f32 v35, v19  }
0x159: {  	v42 =	vmul.f32 v39, v17;
	v39 =	vld.idx.msk [tilespmem:v6+s8+$0xC0 ss:$0x1], $0xffff  }
0x15a: {  	[tilespmem:$0x1FE30] =	vst v46;
	v28 =	vadd.f32 v36, v58;
	v58 =	vmul.f32 v54, v18;
	v54 =	vld [tilespmem:$0x1FC70]  }
0x15b: {  	[tilespmem:$0x1FE40] =	vst v37;
	v37 =	vmul.f32 v43, v21;
	v43 =	vld [tilespmem:$0x1FCA0];
	v46 =	vmul.f32 v45, v10  }
0x15c: {  	v34 =	vmul.f32 v38, v16;
	v45 =	vld.idx.msk [tilespmem:v6+s8+$0xD0 ss:$0x1], $0xffff  }
0x15d: {  	v29 =	vadd.f32 v58, v46;
	v46 =	vld [tilespmem:$0x1FC60]  }
0x15e: {  	v34 =	vadd.f32 v42, v34;
	v42 =	vld [tilespmem:$0x1FC40]  }
0x15f: {  	[tilespmem:$0x1FE60] =	vst v39;
	v39 =	vld [tilespmem:$0x1FC90]  }
0x160: {  	v58 =	vld.idx.msk [tilespmem:v6+s8+$0xE0 ss:$0x1], $0xffff  }
0x161: {  	v28 =	vadd.f32 v28, v33;
	v33 =	vld [tilespmem:$0x1FC80]  }
0x162: {  	v38 =	vmul.f32 v54, v19;
	v36 =	vmul.f32 v46, v20;
	v46 =	vld [tilespmem:$0x1FCB0]  }
0x163: {  	[tilespmem:$0x1FE70] =	vst v45;
	v45 =	vmul.f32 v43, v10;
	v43 =	vld.idx.msk [tilespmem:v6+s8+$0x120 ss:$0x1], $0xffff;
	v35 =	vmul.f32 v42, v22  }
0x164: {  	v42 =	vld.idx.msk [tilespmem:v6+s8+$0xF0 ss:$0x1], $0xffff  }
0x165: {  	[tilespmem:$0x1FE80] =	vst v58;
	v58 =	vld.idx.msk [tilespmem:v6+s8+$0x100 ss:$0x1], $0xffff;
	v35 =	vadd.f32 v37, v35;
	v36 =	vadd.f32 v38, v36  }
0x166: {  	v38 =	vld.idx.msk [tilespmem:v6+s8+$0x110 ss:$0x1], $0xffff  }
0x167: {  	v35 =	vadd.f32 v36, v35;
	v36 =	vmul.f32 v62, v22;
	v62 =	vld.idx.msk [tilespmem:v6+s8+$0x140 ss:$0x1], $0xffff;
	v54 =	vmul.f32 v46, v18  }
0x168: {  	v39 =	vmul.f32 v39, v17;
	v46 =	vld.idx.msk [tilespmem:v6+s8+$0x130 ss:$0x1], $0xffff  }
0x169: {  	v33 =	vmul.f32 v33, v16;
	v29 =	vadd.f32 v29, v34;
	v34 =	vadd.f32 v54, v45;
	v45 =	vld [tilespmem:$0x1FCC0]  }
0x16a: {  	[tilespmem:$0x1FEA0] =	vst v58;
	v58 =	vld [tilespmem:$0x1FCE0]  }
0x16b: {  	v33 =	vadd.f32 v39, v33;
	v54 =	vld [tilespmem:$0x1FCD0]  }
0x16c: {  	[tilespmem:$0x1FE90] =	vst v42;
	v42 =	vld.idx.msk [tilespmem:v6+s8+$0x150 ss:$0x1], $0xffff  }
0x16d: {  	v33 =	vadd.f32 v34, v33;
	v34 =	vld [tilespmem:$0x1FD00]  }
0x16e: {  	[tilespmem:$0x1FE20] =	vst v61;
	v37 =	vmul.f32 v45, v21;
	v45 =	vadd.f32 v29, v28;
	v29 =	vld [tilespmem:$0x1FCF0]  }
0x16f: {  	v61 =	vld.idx.msk [tilespmem:v6+s8+$0x80 ss:$0x1], $0xffff;
	[tilespmem:$0x1FEC0] =	vst v43  }
0x170: {  	[tilespmem:$0x1FEB0] =	vst v38;
	v39 =	vmul.f32 v58, v19;
	v38 =	vmul.f32 v54, v20;
	v54 =	vld [tilespmem:$0x1FD10]  }
0x171: {  	[tilespmem:$0x1FEE0] =	vst v62;
	v58 =	vld [tilespmem:$0x1FD20];
	v62 =	vadd.f32 v33, v35  }
0x172: {  	[tilespmem:$0x1FEF0] =	vst v42;
	v35 =	vld [tilespmem:$0x1FD60];
	v36 =	vadd.f32 v37, v36;
	v42 =	vadd.f32 v39, v38  }
0x173: {  	[tilespmem:$0x1FED0] =	vst v46;
	v46 =	vmul.f32 v34, v17;
	v34 =	vld [tilespmem:$0x1FD50];
	v43 =	vmul.f32 v29, v16  }
0x174: {  	v36 =	vadd.f32 v42, v36;
	v42 =	vld [tilespmem:$0x1FD30]  }
0x175: {  	v33 =	vmul.f32 v54, v10;
	v54 =	vadd.f32 v46, v43;
	v43 =	vld [tilespmem:$0x1FD40]  }
0x176: {  	v28 =	vld.idx.msk [tilespmem:v6+s8+$0x170 ss:$0x1], $0xffff  }
0x177: {  	v39 =	vld.idx.msk [tilespmem:v6+s8+$0x180 ss:$0x1], $0xffff;
	v1 =	vmul.f32 v58, v18  }
0x178: {  	v58 =	vld.idx.msk [tilespmem:v6+s8+$0x190 ss:$0x1], $0xffff  }
0x179: {  	v33 =	vadd.f32 v1, v33;
	v37 =	vmul.f32 v42, v22;
	v42 =	vld.idx.msk [tilespmem:v6+s8+$0x1A0 ss:$0x1], $0xffff  }
0x17a: {  	v38 =	vmul.f32 v34, v20;
	v34 =	vld [tilespmem:$0x1FD80];
	v46 =	vmul.f32 v43, v21  }
0x17b: {  	v33 =	vadd.f32 v33, v54;
	v54 =	vmul.f32 v35, v19;
	v35 =	vld [tilespmem:$0x1FD90]  }
0x17c: {  	v37 =	vadd.f32 v46, v37;
	v46 =	vld [tilespmem:$0x1FD70]  }
0x17d: {  	v29 =	vld.idx.msk [tilespmem:v6+s8+$0x160 ss:$0x1], $0xffff  }
0x17e: {  	[tilespmem:$0x1FF10] =	vst v42;
	v42 =	vld.idx.msk [tilespmem:v6+s8+$0x1C0 ss:$0x1], $0xffff  }
0x17f: {  	v0 =	vmul.f32 v34, v17;
	v34 =	vld.idx.msk [tilespmem:v6+s8+$0x1B0 ss:$0x1], $0xffff  }
0x180: {  	v5 =	vmul.f32 v5, v18;
	v1 =	vmul.f32 v35, v10;
	v35 =	vld.idx.msk [tilespmem:v6+s8+$0x200 ss:$0x1], $0xffff  }
0x181: {  	[tilespmem:$0x1FF00] =	vst v58;
	v58 =	vmul.f32 v46, v16;
	v46 =	vld [tilespmem:$0x1FDA0]  }
0x182: {  	v38 =	vadd.f32 v54, v38;
	v1 =	vadd.f32 v5, v1;
	v5 =	vmul.f32 v55, v21;
	v55 =	vld.idx.msk [tilespmem:v6+s8+$0x1F0 ss:$0x1], $0xffff  }
0x183: {  	[tilespmem:$0x1FF20] =	vst v42;
	v42 =	vld [tilespmem:$0x1FDC0]  }
0x184: {  	v3 =	vmul.f32 v3, v21;
	v21 =	vadd.f32 v38, v37;
	v38 =	vld [tilespmem:$0x1FDB0]  }
0x185: {  	v0 =	vadd.f32 v0, v58;
	v58 =	vld.idx.msk [tilespmem:v6+s8+$0x1D0 ss:$0x1], $0xffff  }
0x186: {  	v54 =	vmul.f32 v46, v22;
	v22 =	vmul.f32 v44, v22;
	v44 =	vld.idx.msk [tilespmem:v6+s8+$0x1E0 ss:$0x1], $0xffff  }
0x187: {  	[tilespmem:$0x1FF40] =	vst v55;
	v55 =	vld.idx.msk [tilespmem:v6+s8+$0x220 ss:$0x1], $0xffff  }
0x188: {  	v46 =	vmul.f32 v52, v20;
	v43 =	vmul.f32 v42, v17;
	v42 =	vld.idx.msk [tilespmem:v6+s8+$0x260 ss:$0x1], $0xffff  }
0x189: {  	v20 =	vmul.f32 v27, v20;
	v27 =	vmul.f32 v38, v16;
	v38 =	vld.idx.msk [tilespmem:v6+s8+$0x2D0 ss:$0x1], $0xffff  }
0x18a: {  	v57 =	vmul.f32 v57, v19;
	v5 =	vadd.f32 v5, v54;
	v54 =	vld.idx.msk [tilespmem:v6+s8+$0x210 ss:$0x1], $0xffff  }
0x18b: {  	[tilespmem:$0x1FF30] =	vst v44;
	v44 =	vmul.f32 v53, v10;
	v10 =	vmul.f32 v4, v10;
	v4 =	vld.idx.msk [tilespmem:v6+s8+$0x280 ss:$0x1], $0xffff  }
0x18c: {  	v0 =	vadd.f32 v1, v0;
	v1 =	vadd.f32 v57, v46;
	v46 =	vmul.f32 v50, v18;
	v50 =	vld.idx.msk [tilespmem:v6+s8+$0x230 ss:$0x1], $0xffff  }
0x18d: {  	v19 =	vmul.f32 v56, v19;
	v18 =	vmul.f32 v31, v18;
	v31 =	vld.idx.msk [tilespmem:v6+s8+$0x270 ss:$0x1], $0xffff  }
0x18e: {  	v3 =	vadd.f32 v3, v22;
	v22 =	vld.idx.msk [tilespmem:v6+s8+$0x2A0 ss:$0x1], $0xffff  }
0x18f: {  	v27 =	vadd.f32 v43, v27;
	v19 =	vadd.f32 v19, v20;
	v43 =	vld.idx.msk [tilespmem:v6+s8+$0x2C0 ss:$0x1], $0xffff  }
0x190: {  	v16 =	vmul.f32 v47, v16;
	v17 =	vmul.f32 v23, v17;
	[tilespmem:$0x1FF60] =	vst v4;
	v4 =	vld.idx.msk [tilespmem:v6+s8+$0x290 ss:$0x1], $0xffff  }
0x191: {  	v3 =	vadd.f32 v19, v3;
	v19 =	vld.idx.msk [tilespmem:v6+s8+$0x340 ss:$0x1], $0xffff  }
0x192: {  	v16 =	vadd.f32 v17, v16;
	v53 =	vld.idx.msk [tilespmem:v6+s8+$0x250 ss:$0x1], $0xffff  }
0x193: {  	v57 =	vadd.f32 v46, v44;
	v44 =	vld.idx.msk [tilespmem:v6+s8+$0x240 ss:$0x1], $0xffff;
	v20 =	vadd.f32 v18, v10  }
0x194: {  	v56 =	vsel vm0, v24, v30;
	v1 =	vadd.f32 v1, v5;
	v46 =	vld.idx.msk [tilespmem:v6+s8+$0x2B0 ss:$0x1], $0xffff  }
0x195: {  	v23 =	vsel vm0, v26, v25;
	v5 =	vadd.f32 v57, v27;
	v16 =	vadd.f32 v20, v16;
	[tilespmem:$0x1FF70] =	vst v4;
	v4 =	vld [tilespmem:$0x1FDD0]  }
0x196: {  	v20 =	vadd.f32 v33, v36;
	v27 =	vsel vm0, v40, v32;
	v40 =	vsel vm0, v32, v40;
	v36 =	vld.idx.msk [tilespmem:v6+s8+$0x300 ss:$0x1], $0xffff  }
0x197: {  	v57 =	vsel vm0, v41, v2;
	v2 =	vsel vm0, v2, v41;
	v32 =	vld.idx.msk [tilespmem:v6+s8+$0x320 ss:$0x1], $0xffff;
	v17 =	vperm.xlane v27, v60  }
0x198: {  	v41 =	vld.idx.msk [tilespmem:v6+s8+$0x330 ss:$0x1], $0xffff;
	v1 =	vadd.f32 v5, v1;
	v5 =	vadd.f32 v16, v3;
	v16 =	vperm.xlane v23, v60  }
0x199: {  	[tilespmem:$0x1FF50] =	vst v35;
	v35 =	vsel vm0, v25, v26;
	v23 =	vadd.f32 v17, v40;
	v40 =	vld.idx.msk [tilespmem:v6+s8+$0x2E0 ss:$0x1], $0xffff  }
0x19a: {  	v0 =	vadd.f32 v0, v21;
	v47 =	vadd.f32 v16, v35;
	v35 =	vld.idx.msk [tilespmem:v6+s8+$0x2F0 ss:$0x1], $0xffff;
	v21 =	vsel vm0, v59, v4  }
0x19b: {  	v16 =	vld [tilespmem:$0x1FFE0];
	v33 =	vsel vm0, v4, v59;
	v59 =	vsel vm0, v62, v45;
	v3 =	vperm.xlane v21, v60  }
0x19c: {  	v52 =	vsel vm0, v45, v62;
	v10 =	vsel vm0, v30, v24;
	v45 =	vld.idx.msk [tilespmem:v6+s8+$0x360 ss:$0x1], $0xffff;
	v30 =	vperm.xlane v59, v60  }
0x19d: {  	v21 =	vadd.f32 v3, v33;
	v33 =	vld.idx.msk [tilespmem:v6+s8+$0x310 ss:$0x1], $0xffff  }
0x19e: {  	v3 =	vperm.xlane v56, v60;
	v24 =	vadd.f32 v30, v52;
	v56 =	vsel vm0, v0, v20;
	v30 =	vld [tilespmem:$0x1FDE0]  }
0x19f: {  	v17 =	vperm.xlane v57, v60;
	v57 =	vperm.xlane v56, v60;
	v56 =	vld [tilespmem:$0x1FE00]  }
0x1a0: {  	v62 =	vsel vm1, v47, v21;
	v18 =	vsel vm1, v21, v47;
	v21 =	vld.idx.msk [tilespmem:v6+s8+$0x350 ss:$0x1], $0xffff  }
0x1a1: {  	v59 =	vsel vm0, v5, v1;
	v47 =	vld [tilespmem:$0x1FDF0]  }
0x1a2: {  	v37 =	vadd.f32 v3, v10;
	v10 =	vperm.xlane v59, v60;
	v59 =	vmul.f32 v63, v11;
	v63 =	vld.idx.msk [tilespmem:v6+s8+$0x380 ss:$0x1], $0xffff  }
0x1a3: {  	v2 =	vadd.f32 v17, v2;
	v17 =	vsel vm0, v1, v5;
	v27 =	vperm.xlane v62, v16;
	v62 =	vld.idx.msk [tilespmem:v6+s8+$0x390 ss:$0x1], $0xffff  }
0x1a4: {  	v5 =	vadd.f32 v10, v17;
	v10 =	vld [tilespmem:$0x1FE10]  }
0x1a5: {  	v0 =	vsel vm0, v20, v0;
	v17 =	vld [tilespmem:$0x1FFE0]  }
0x1a6: {  	v25 =	vadd.f32 v57, v0;
	v27 =	vadd.f32 v27, v18;
	v18 =	vld.idx.msk [tilespmem:v6+s8+$0x370 ss:$0x1], $0xffff  }
0x1a7: {  	v20 =	vsel vm1, v23, v37;
	v0 =	vsel vm1, v37, v23;
	v57 =	vmul.f32 v56, v9;
	v56 =	vld [tilespmem:$0x1FFE0]  }
0x1a8: {  	v37 =	vmul.f32 v30, v7;
	[tilespmem:$0x1FF90] =	vst v27;
	v52 =	vmul.f32 v47, v8;
	v27 =	vld.idx.msk [tilespmem:v6+s8+$0x3A0 ss:$0x1], $0xffff  }
0x1a9: {  	v48 =	vmul.f32 v48, v13;
	v47 =	vsel vm1, v2, v24;
	v26 =	vadd.f32 v59, v57;
	v59 =	vld [tilespmem:$0x1FFE0]  }
0x1aa: {  	[tilespmem:$0x1FF80] =	vst v22;
	v2 =	vsel vm1, v24, v2;
	v16 =	vmul.f32 v10, v12;
	v22 =	vadd.f32 v52, v37;
	v37 =	vld [tilespmem:$0x1FE20]  }
0x1ab: {  	v2 =	vperm.xlane v2, v17;
	v17 =	vld.idx.msk [tilespmem:v6+s8+$0x3C0 ss:$0x1], $0xffff  }
0x1ac: {  	v24 =	vadd.f32 v48, v16;
	v16 =	vld.idx.msk [tilespmem:v6+s8+$0x3E0 ss:$0x1], $0xffff  }
0x1ad: {  	s4 =	sshllo.u32 s7, $0x1;
	v48 =	vld.idx.msk [tilespmem:v6+s8+$0x3F0 ss:$0x1], $0xffff  }
0x1ae: {  	s10 =	sshll.u32 s4, $0x7;
	v22 =	vadd.f32 v26, v22;
	v26 =	vld [tilespmem:$0x1FE40]  }
0x1af: {  	s10 =	sand.u32 $0x3FFFFF80, s10;
	v10 =	vperm.xlane v0, v59;
	v59 =	vld.idx.msk [tilespmem:v6+s8+$0x3B0 ss:$0x1], $0xffff  }
0x1b0: {  	v52 =	vmul.f32 v37, v14;
	v37 =	vsel vm1, v5, v25;
	v5 =	vsel vm1, v25, v5;
	v25 =	vld.idx.msk [tilespmem:v51+s10+$0x20 ss:$0x1], $0xffff  }
0x1b1: {  	v57 =	vperm.xlane v37, v56;
	v37 =	vld [tilespmem:$0x1FE50]  }
0x1b2: {  	v49 =	vmul.f32 v49, v15;
	v56 =	vld [tilespmem:$0x1FE60]  }
0x1b3: {  	v30 =	vmul.f32 v26, v9;
	v26 =	vld.idx.msk [tilespmem:v51+s10+$0x30 ss:$0x1], $0xffff  }
0x1b4: {  	v23 =	vadd.f32 v49, v52;
	v49 =	vadd.f32 v10, v20;
	v20 =	vld [tilespmem:$0x1FED0]  }
0x1b5: {  	v0 =	vadd.f32 v57, v5;
	v5 =	vmul.f32 v61, v7;
	v61 =	vld [tilespmem:$0x1FE30]  }
0x1b6: {  	s11 =	sshll.u32 s4, $0xA;
	[tilespmem:$0x1FFA0] =	vst v49;
	v49 =	vld.idx.msk [tilespmem:v6+s8+$0x3D0 ss:$0x1], $0xffff  }
0x1b7: {  	v23 =	vadd.f32 v23, v24;
	v24 =	vld.idx.msk [tilespmem:v51+s10+$0x10 ss:$0x1], $0xffff;
	s8 =	sand.u32 $0x3FFFFC00, s11  }
0x1b8: {  	v53 =	vmul.f32 v53, v13;
	v44 =	vmul.f32 v44, v12;
	v4 =	vld.idx.msk [tilespmem:v6+s8+$0x40 ss:$0x1], $0xffff  }
0x1b9: {  	v40 =	vmul.f32 v40, v14;
	v35 =	vmul.f32 v35, v15;
	v3 =	vld.idx.msk [tilespmem:v6+s8+$0x50 ss:$0x1], $0xffff  }
0x1ba: {  	v44 =	vadd.f32 v53, v44;
	v36 =	vmul.f32 v36, v7;
	v53 =	vld.idx.msk [tilespmem:v6+s8+$0xA0 ss:$0x1], $0xffff  }
0x1bb: {  	v35 =	vadd.f32 v35, v40;
	v40 =	vmul.f32 v41, v11;
	v33 =	vmul.f32 v33, v8;
	v41 =	vld.idx.msk [tilespmem:v6+s8+$0x120 ss:$0x1], $0xffff  }
0x1bc: {  	v32 =	vmul.f32 v32, v9;
	v52 =	vadd.f32 v2, v47;
	v10 =	vmul.f32 v61, v8;
	v61 =	vld [tilespmem:$0x1FE70]  }
0x1bd: {  	v33 =	vadd.f32 v33, v36;
	v36 =	vld.idx.msk [tilespmem:v6+s8+$0x150 ss:$0x1], $0xffff  }
0x1be: {  	v32 =	vadd.f32 v40, v32;
	[tilespmem:$0x1FFB0] =	vst v52;
	v52 =	vmul.f32 v37, v11;
	v37 =	vld [tilespmem:$0x1FE80]  }
0x1bf: {  	v57 =	vmul.f32 v56, v12;
	v56 =	vld [tilespmem:$0x1FE90]  }
0x1c0: {  	v32 =	vadd.f32 v32, v33;
	v33 =	vld.idx.msk [tilespmem:v6+s8+$0x170 ss:$0x1], $0xffff  }
0x1c1: {  	v47 =	vadd.f32 v23, v22;
	v23 =	vld.idx.msk [tilespmem:v51+s10+$0x0 ss:$0x1], $0xffff;
	v5 =	vadd.f32 v10, v5;
	v10 =	vmul.f32 v61, v13  }
0x1c2: {  	v61 =	vld [tilespmem:$0x1FEB0]  }
0x1c3: {  	v1 =	vadd.f32 v10, v57;
	v57 =	vld [tilespmem:$0x1FEA0]  }
0x1c4: {  	[tilespmem:$0x1FFC0] =	vst v0;
	v22 =	vadd.f32 v52, v30;
	v52 =	vmul.f32 v37, v14;
	v0 =	vmul.f32 v56, v15;
	v37 =	vld [tilespmem:$0x1FEE0]  }
0x1c5: {  	v10 =	vld [tilespmem:$0x1FEC0]  }
0x1c6: {  	v0 =	vadd.f32 v0, v52;
	v52 =	vld [tilespmem:$0x1FEF0]  }
0x1c7: {  	v56 =	vmul.f32 v20, v11;
	v20 =	vld.idx.msk [tilespmem:v51+s10+$0x40 ss:$0x1], $0xffff  }
0x1c8: {  	v5 =	vadd.f32 v22, v5;
	v22 =	vld.idx.msk [tilespmem:v51+s10+$0x50 ss:$0x1], $0xffff;
	v61 =	vmul.f32 v61, v8;
	v2 =	vmul.f32 v57, v7  }
0x1c9: {  	v57 =	vmul.f32 v37, v12;
	v37 =	vmul.f32 v28, v15;
	v28 =	vld.idx.msk [tilespmem:v51+s10+$0x60 ss:$0x1], $0xffff  }
0x1ca: {  	v30 =	vmul.f32 v10, v9;
	v10 =	vmul.f32 v29, v14;
	v29 =	vld.idx.msk [tilespmem:v6+s8+$0x0 ss:$0x1], $0xffff  }
0x1cb: {  	v0 =	vadd.f32 v0, v1;
	v52 =	vmul.f32 v52, v13;
	v2 =	vadd.f32 v61, v2;
	v61 =	vld [tilespmem:$0x1FF00]  }
0x1cc: {  	v30 =	vadd.f32 v56, v30;
	v1 =	vadd.f32 v37, v10;
	v37 =	vld [tilespmem:$0x1FF20]  }
0x1cd: {  	v56 =	vld.idx.msk [tilespmem:v51+s10+$0x70 ss:$0x1], $0xffff;
	v52 =	vadd.f32 v52, v57  }
0x1ce: {  	v10 =	vld [tilespmem:$0x1FF10];
	v2 =	vadd.f32 v30, v2  }
0x1cf: {  	v30 =	vmul.f32 v39, v7;
	v1 =	vadd.f32 v1, v52;
	v39 =	vadd.f32 v0, v5;
	v5 =	vld.idx.msk [tilespmem:v6+s8+$0x30 ss:$0x1], $0xffff  }
0x1d0: {  	v57 =	vmul.f32 v61, v8;
	v61 =	vld.idx.msk [tilespmem:v6+s8+$0x10 ss:$0x1], $0xffff  }
0x1d1: {  	v0 =	vmul.f32 v37, v12;
	v37 =	vadd.f32 v1, v2;
	v1 =	vld [tilespmem:$0x1FF30]  }
0x1d2: {  	v34 =	vmul.f32 v34, v11;
	v58 =	vmul.f32 v58, v13;
	v2 =	vld [tilespmem:$0x1FF40]  }
0x1d3: {  	v54 =	vmul.f32 v54, v8;
	v52 =	vmul.f32 v10, v9;
	v10 =	vld.idx.msk [tilespmem:v6+s8+$0x20 ss:$0x1], $0xffff  }
0x1d4: {  	v50 =	vmul.f32 v50, v11;
	v31 =	vmul.f32 v31, v15;
	v30 =	vadd.f32 v57, v30;
	v57 =	vld [tilespmem:$0x1FF50]  }
0x1d5: {  	v45 =	vmul.f32 v45, v14;
	v34 =	vadd.f32 v34, v52;
	v52 =	vmul.f32 v55, v9;
	v55 =	vld.idx.msk [tilespmem:v6+s8+$0x60 ss:$0x1], $0xffff  }
0x1d6: {  	v18 =	vmul.f32 v18, v15;
	v4 =	vmul.f32 v4, v20;
	v0 =	vadd.f32 v58, v0;
	v58 =	vld.idx.msk [tilespmem:v6+s8+$0x70 ss:$0x1], $0xffff  }
0x1d7: {  	v50 =	vadd.f32 v50, v52;
	v52 =	vld.idx.msk [tilespmem:v6+s8+$0x90 ss:$0x1], $0xffff;
	v1 =	vmul.f32 v1, v14;
	v2 =	vmul.f32 v2, v15  }
0x1d8: {  	v3 =	vmul.f32 v3, v22;
	v5 =	vmul.f32 v5, v26;
	v30 =	vadd.f32 v34, v30;
	v34 =	vld.idx.msk [tilespmem:v6+s8+$0xB0 ss:$0x1], $0xffff  }
0x1d9: {  	v10 =	vmul.f32 v10, v25;
	v1 =	vadd.f32 v2, v1;
	v2 =	vmul.f32 v42, v14;
	v42 =	vld.idx.msk [tilespmem:v6+s8+$0x80 ss:$0x1], $0xffff  }
0x1da: {  	v18 =	vadd.f32 v18, v45;
	v15 =	vmul.f32 v48, v15;
	v14 =	vmul.f32 v16, v14;
	v16 =	vld.idx.msk [tilespmem:v6+s8+$0x1A0 ss:$0x1], $0xffff  }
0x1db: {  	v45 =	vmul.f32 v55, v28;
	v48 =	vmul.f32 v58, v56;
	v5 =	vadd.f32 v5, v10;
	v10 =	vld.idx.msk [tilespmem:v6+s8+$0x1F0 ss:$0x1], $0xffff  }
0x1dc: {  	v3 =	vadd.f32 v3, v4;
	v57 =	vmul.f32 v57, v7;
	v14 =	vadd.f32 v15, v14;
	v15 =	vld.idx.msk [tilespmem:v6+s8+$0x200 ss:$0x1], $0xffff  }
0x1dd: {  	v2 =	vadd.f32 v31, v2;
	v4 =	vadd.f32 v48, v45;
	v45 =	vld.idx.msk [tilespmem:v6+s8+$0x2A0 ss:$0x1], $0xffff  }
0x1de: {  	v54 =	vadd.f32 v54, v57;
	v48 =	vld.idx.msk [tilespmem:v6+s8+$0x2D0 ss:$0x1], $0xffff  }
0x1df: {  	v2 =	vadd.f32 v2, v44;
	v44 =	vld.idx.msk [tilespmem:v6+s8+$0xC0 ss:$0x1], $0xffff  }
0x1e0: {  	v57 =	vadd.f32 v50, v54;
	v50 =	vld [tilespmem:$0x1FF60]  }
0x1e1: {  	v54 =	vld [tilespmem:$0x1FF70]  }
0x1e2: {  	v38 =	vmul.f32 v38, v13;
	v43 =	vmul.f32 v43, v12;
	v31 =	vadd.f32 v2, v57;
	v57 =	vld [tilespmem:$0x1FF80]  }
0x1e3: {  	v3 =	vadd.f32 v4, v3;
	v4 =	vld.idx.msk [tilespmem:v6+s8+$0x220 ss:$0x1], $0xffff  }
0x1e4: {  	v0 =	vadd.f32 v1, v0;
	v2 =	vadd.f32 v38, v43;
	v38 =	vld.idx.msk [tilespmem:v6+s8+$0x110 ss:$0x1], $0xffff  }
0x1e5: {  	v41 =	vmul.f32 v41, v25;
	v36 =	vmul.f32 v36, v22;
	v43 =	vld.idx.msk [tilespmem:v6+s8+$0x140 ss:$0x1], $0xffff  }
0x1e6: {  	v30 =	vadd.f32 v0, v30;
	v0 =	vmul.f32 v50, v7;
	v50 =	vmul.f32 v54, v8;
	v54 =	vld.idx.msk [tilespmem:v6+s8+$0xD0 ss:$0x1], $0xffff  }
0x1e7: {  	v1 =	vmul.f32 v57, v9;
	v57 =	vmul.f32 v46, v11;
	v46 =	vld.idx.msk [tilespmem:v6+s8+$0xE0 ss:$0x1], $0xffff  }
0x1e8: {  	v7 =	vmul.f32 v63, v7;
	v8 =	vmul.f32 v62, v8;
	v0 =	vadd.f32 v50, v0;
	v50 =	vld.idx.msk [tilespmem:v6+s8+$0xF0 ss:$0x1], $0xffff  }
0x1e9: {  	v33 =	vmul.f32 v33, v56;
	v9 =	vmul.f32 v27, v9;
	v27 =	vld.idx.msk [tilespmem:v6+s8+$0x180 ss:$0x1], $0xffff  }
0x1ea: {  	v40 =	vmul.f32 v61, v24;
	v7 =	vadd.f32 v8, v7;
	v8 =	vmul.f32 v29, v23;
	v29 =	vld.idx.msk [tilespmem:v6+s8+$0x240 ss:$0x1], $0xffff  }
0x1eb: {  	v11 =	vmul.f32 v59, v11;
	v59 =	vmul.f32 v17, v12;
	v17 =	vld.idx.msk [tilespmem:v6+s8+$0x260 ss:$0x1], $0xffff  }
0x1ec: {  	v16 =	vmul.f32 v16, v25;
	v10 =	vmul.f32 v10, v56;
	v1 =	vadd.f32 v57, v1;
	v57 =	vld.idx.msk [tilespmem:v6+s8+$0x100 ss:$0x1], $0xffff  }
0x1ed: {  	v15 =	vmul.f32 v15, v23;
	v2 =	vadd.f32 v35, v2;
	v9 =	vadd.f32 v11, v9;
	v11 =	vld.idx.msk [tilespmem:v6+s8+$0x1C0 ss:$0x1], $0xffff  }
0x1ee: {  	v0 =	vadd.f32 v1, v0;
	v1 =	vmul.f32 v19, v12;
	v19 =	vmul.f32 v21, v13;
	v21 =	vld.idx.msk [tilespmem:v6+s8+$0x130 ss:$0x1], $0xffff  }
0x1ef: {  	v35 =	vmul.f32 v49, v13;
	v49 =	vmul.f32 v34, v26;
	v8 =	vadd.f32 v40, v8;
	v13 =	vld.idx.msk [tilespmem:v6+s8+$0x190 ss:$0x1], $0xffff  }
0x1f0: {  	v4 =	vmul.f32 v4, v25;
	v38 =	vmul.f32 v38, v24;
	v12 =	vld.idx.msk [tilespmem:v6+s8+$0x1D0 ss:$0x1], $0xffff  }
0x1f1: {  	v7 =	vadd.f32 v9, v7;
	v9 =	vld.idx.msk [tilespmem:v6+s8+$0x210 ss:$0x1], $0xffff;
	v5 =	vadd.f32 v5, v8;
	v8 =	vmul.f32 v52, v24  }
0x1f2: {  	v52 =	vmul.f32 v44, v20;
	v44 =	vld.idx.msk [tilespmem:v6+s8+$0x390 ss:$0x1], $0xffff;
	v55 =	vmul.f32 v50, v56;
	v1 =	vadd.f32 v19, v1  }
0x1f3: {  	v27 =	vmul.f32 v27, v23;
	v19 =	vld.idx.msk [tilespmem:v6+s8+$0x160 ss:$0x1], $0xffff;
	v3 =	vadd.f32 v3, v5;
	v5 =	vmul.f32 v53, v25  }
0x1f4: {  	v53 =	vmul.f32 v54, v22;
	v58 =	vmul.f32 v57, v23;
	v57 =	vld.idx.msk [tilespmem:v6+s8+$0x330 ss:$0x1], $0xffff;
	v18 =	vadd.f32 v18, v1  }
0x1f5: {  	v54 =	vmul.f32 v46, v28;
	v1 =	vadd.f32 v2, v0;
	v2 =	vadd.f32 v35, v59;
	v59 =	vld.idx.msk [tilespmem:v6+s8+$0x270 ss:$0x1], $0xffff  }
0x1f6: {  	v17 =	vmul.f32 v17, v28;
	v11 =	vmul.f32 v11, v20;
	v5 =	vadd.f32 v49, v5;
	v49 =	vld.idx.msk [tilespmem:v6+s8+$0x2F0 ss:$0x1], $0xffff  }
0x1f7: {  	v34 =	vadd.f32 v53, v52;
	v40 =	vadd.f32 v55, v54;
	v52 =	vld.idx.msk [tilespmem:v6+s8+$0x300 ss:$0x1], $0xffff;
	v55 =	vmul.f32 v29, v20  }
0x1f8: {  	v53 =	vld.idx.msk [tilespmem:v6+s8+$0x310 ss:$0x1], $0xffff;
	v21 =	vmul.f32 v21, v26;
	v35 =	vadd.f32 v38, v58;
	v13 =	vmul.f32 v13, v24  }
0x1f9: {  	v54 =	vld.idx.msk [tilespmem:v6+s8+$0x320 ss:$0x1], $0xffff;
	v12 =	vmul.f32 v12, v22;
	v9 =	vmul.f32 v9, v24;
	v0 =	vadd.f32 v18, v32  }
0x1fa: {  	v18 =	vld.idx.msk [tilespmem:v6+s8+$0x1B0 ss:$0x1], $0xffff;
	v2 =	vadd.f32 v14, v2;
	v34 =	vadd.f32 v40, v34;
	v38 =	vsel vm0, v1, v31  }
0x1fb: {  	v32 =	vld.idx.msk [tilespmem:v6+s8+$0x1E0 ss:$0x1], $0xffff;
	v40 =	vsel vm0, v47, v39;
	v1 =	vsel vm0, v31, v1;
	v21 =	vadd.f32 v21, v41  }
0x1fc: {  	v14 =	vld.idx.msk [tilespmem:v6+s8+$0x230 ss:$0x1], $0xffff;
	v19 =	vmul.f32 v19, v28;
	v13 =	vadd.f32 v13, v27;
	v9 =	vadd.f32 v9, v15  }
0x1fd: {  	v15 =	vld.idx.msk [tilespmem:v6+s8+$0x360 ss:$0x1], $0xffff;
	v2 =	vadd.f32 v2, v7;
	v7 =	vmul.f32 v42, v23;
	v57 =	vmul.f32 v57, v26  }
0x1fe: {  	v42 =	vld.idx.msk [tilespmem:v6+s8+$0x280 ss:$0x1], $0xffff;
	v21 =	vadd.f32 v21, v35;
	v58 =	vmul.f32 v59, v56;
	v35 =	vmul.f32 v48, v22  }
0x1ff: {  	v19 =	vadd.f32 v33, v19;
	v33 =	vld.idx.msk [tilespmem:v6+s8+$0x2C0 ss:$0x1], $0xffff;
	v27 =	vmul.f32 v53, v24;
	v53 =	vmul.f32 v54, v25  }
0x200: {  	v59 =	vld.idx.msk [tilespmem:v6+s8+$0x340 ss:$0x1], $0xffff;
	v7 =	vadd.f32 v8, v7;
	v18 =	vmul.f32 v18, v26;
	v50 =	vmul.f32 v32, v28  }
0x201: {  	v11 =	vadd.f32 v12, v11;
	v8 =	vld.idx.msk [tilespmem:v6+s8+$0x250 ss:$0x1], $0xffff;
	v14 =	vmul.f32 v14, v26;
	v32 =	vmul.f32 v52, v23  }
0x202: {  	v41 =	vld.idx.msk [tilespmem:v6+s8+$0x380 ss:$0x1], $0xffff;
	v5 =	vadd.f32 v5, v7;
	v7 =	vmul.f32 v43, v20;
	v16 =	vadd.f32 v18, v16  }
0x203: {  	v46 =	vld.idx.msk [tilespmem:v6+s8+$0x2B0 ss:$0x1], $0xffff;
	v15 =	vmul.f32 v15, v28;
	v10 =	vadd.f32 v10, v50;
	v4 =	vadd.f32 v14, v4  }
0x204: {  	v48 =	vld.idx.msk [tilespmem:v6+s8+$0x3B0 ss:$0x1], $0xffff;
	v42 =	vmul.f32 v42, v23;
	v7 =	vadd.f32 v36, v7;
	v33 =	vmul.f32 v33, v20  }
0x205: {  	v43 =	vld.idx.msk [tilespmem:v6+s8+$0x290 ss:$0x1], $0xffff;
	v5 =	vadd.f32 v34, v5;
	v34 =	vmul.f32 v49, v56;
	v59 =	vmul.f32 v59, v20  }
0x206: {  	v52 =	vld.idx.msk [tilespmem:v6+s8+$0x3E0 ss:$0x1], $0xffff;
	v36 =	vsel vm0, v30, v37;
	v8 =	vmul.f32 v8, v22;
	v13 =	vadd.f32 v16, v13  }
0x207: {  	v14 =	vld.idx.msk [tilespmem:v6+s8+$0x350 ss:$0x1], $0xffff;
	v10 =	vadd.f32 v10, v11;
	v4 =	vadd.f32 v4, v9;
	v9 =	vmul.f32 v41, v23  }
0x208: {  	v49 =	vld.idx.msk [tilespmem:v6+s8+$0x3C0 ss:$0x1], $0xffff;
	v16 =	vmul.f32 v44, v24;
	v41 =	vsel vm0, v37, v30;
	v7 =	vadd.f32 v19, v7  }
0x209: {  	v11 =	vld.idx.msk [tilespmem:v6+s8+$0x370 ss:$0x1], $0xffff;
	v33 =	vadd.f32 v35, v33;
	v35 =	vsel vm0, v39, v47;
	v8 =	vadd.f32 v8, v55  }
0x20a: {  	v19 =	vld.idx.msk [tilespmem:v6+s8+$0x2E0 ss:$0x1], $0xffff;
	v10 =	vadd.f32 v10, v13;
	v43 =	vmul.f32 v43, v24;
	v9 =	vadd.f32 v16, v9  }
0x20b: {  	v55 =	vld.idx.msk [tilespmem:v6+s8+$0x3F0 ss:$0x1], $0xffff;
	v13 =	vmul.f32 v48, v26;
	v7 =	vadd.f32 v7, v21;
	v21 =	vadd.f32 v58, v17  }
0x20c: {  	v58 =	vadd.f32 v27, v32;
	v14 =	vmul.f32 v14, v22;
	v27 =	vmul.f32 v52, v28  }
0x20d: {  	v12 =	vadd.f32 v43, v42;
	v17 =	vmul.f32 v49, v20;
	v8 =	vadd.f32 v21, v8  }
0x20e: {  	v42 =	vsel vm0, v2, v0;
	v43 =	vsel vm0, v5, v3;
	v11 =	vmul.f32 v11, v56  }
0x20f: {  	v50 =	vld.idx.msk [tilespmem:v6+s8+$0x3D0 ss:$0x1], $0xffff;
	v19 =	vmul.f32 v19, v28;
	v4 =	vadd.f32 v8, v4;
	v8 =	vmul.f32 v45, v25  }
0x210: {  	v14 =	vadd.f32 v14, v59;
	v45 =	vmul.f32 v46, v26;
	v46 =	vld.idx.msk [tilespmem:v6+s8+$0x3A0 ss:$0x1], $0xffff;
	v21 =	vmul.f32 v55, v56  }
0x211: {  	v0 =	vsel vm0, v0, v2;
	v11 =	vadd.f32 v11, v15;
	v19 =	vadd.f32 v34, v19  }
0x212: {  	v32 =	vld [tilespmem:$0x1FF90];
	v16 =	vperm.xlane v43, v60;
	v8 =	vadd.f32 v45, v8;
	v15 =	vadd.f32 v21, v27  }
0x213: {  	v44 =	vsel vm0, v10, v7;
	v11 =	vadd.f32 v11, v14;
	v19 =	vadd.f32 v19, v33;
	v33 =	vld [tilespmem:$0x1FFA0]  }
0x214: {  	v45 =	vsel vm0, v3, v5;
	v8 =	vadd.f32 v8, v12;
	v12 =	vadd.f32 v57, v53  }
0x215: {  	v2 =	vadd.f32 v16, v45;
	v54 =	vmul.f32 v46, v25;
	v25 =	vmul.f32 v50, v22  }
0x216: {  	v46 =	vperm.xlane v44, v60;
	v12 =	vadd.f32 v12, v58;
	v8 =	vadd.f32 v19, v8  }
0x217: {  	v5 =	vsel vm0, v7, v10;
	v13 =	vadd.f32 v13, v54;
	v28 =	vadd.f32 v25, v17  }
0x218: {  	v3 =	vadd.f32 v46, v5;
	v34 =	vsel vm2, v33, v32;
	v11 =	vadd.f32 v11, v12  }
0x219: {  	v62 =	vld [tilespmem:$0x1FFE0];
	v12 =	vperm.xlane v35, v60;
	v9 =	vadd.f32 v13, v9;
	v29 =	vadd.f32 v15, v28  }
0x21a: {  	v5 =	vsel vm0, v8, v4;
	v4 =	vsel vm0, v4, v8;
	v13 =	vperm.xlane v36, v60  }
0x21b: {  	v15 =	vperm.xlane v38, v60;
	v5 =	vperm.xlane v5, v60;
	v9 =	vadd.f32 v29, v9  }
0x21c: {  	v50 =	vsel vm1, v3, v2;
	v12 =	vadd.f32 v12, v40;
	v13 =	vadd.f32 v13, v41  }
0x21d: {  	v1 =	vadd.f32 v15, v1;
	v15 =	vperm.xlane v42, v60;
	v7 =	vsel vm0, v9, v11  }
0x21e: {  	v63 =	vld [tilespmem:$0x1FFF0];
	v2 =	vsel vm1, v2, v3;
	v53 =	vperm.xlane v50, v62;
	v7 =	vperm.xlane v7, v60  }
0x21f: {  	v59 =	vld [tilespmem:$0x1FFC0];
	v0 =	vadd.f32 v15, v0;
	v47 =	vsel vm1, v13, v12;
	v8 =	vsel vm0, v11, v9  }
0x220: {  	v58 =	vld [tilespmem:$0x1FFB0];
	v4 =	vadd.f32 v5, v4;
	v48 =	vperm.xlane v47, v62;
	v5 =	vadd.f32 v7, v8  }
0x221: {  	v49 =	vsel vm1, v0, v1;
	v0 =	vsel vm1, v1, v0;
	v1 =	vadd.f32 v53, v2  }
0x222: {  	v7 =	vsel vm1, v12, v13;
	v9 =	vperm.xlane v49, v62;
	v52 =	vsel vm1, v5, v4  }
0x223: {  	v8 =	vperm.xlane v34, v63;
	v7 =	vadd.f32 v48, v7;
	v54 =	vperm.xlane v52, v62  }
0x224: {  	v0 =	vadd.f32 v9, v0;
	v55 =	vsel vm1, v4, v5;
	v4 =	vsel vm2, v32, v33  }
0x225: {  	v57 =	vadd.f32 v8, v4;
	v4 =	vsel vm2, v59, v58;
	v56 =	vadd.f32 v54, v55  }
0x226: {  	v4 =	vperm.xlane v4, v63  }
0x227: {  	v5 =	vsel vm2, v0, v7;
	v0 =	vsel vm2, v7, v0;
	v7 =	vld [tilespmem:$0x1FFD0];
	v8 =	vsel vm2, v56, v1  }
0x228: {  	v9 =	vsel vm2, v58, v59;
	v5 =	vperm.xlane v5, v63;
	v8 =	vperm.xlane v8, v63  }
0x229: {  	v4 =	vadd.f32 v4, v9;
	v1 =	vsel vm2, v1, v56  }
0x22a: {  	v0 =	vadd.f32 v5, v0;
	v1 =	vadd.f32 v8, v1  }
0x22b: {  	v61 =	vmov v60;
	v60 =	vsel vm3, v4, v57  }
0x22c: {  	p0 =	slt.u32 s17, $0x6;
	v2 =	vperm.xlane v60, v7;
	v5 =	vsel vm3, v1, v0  }
.Ltmp1:
0x22d: {  	v3 =	vsel vm3, v57, v4;
	v4 =	vperm.xlane v5, v7;
	(pc) =	sbr.rel @p0 .LBB2_5-.Ltmp1, $4  }
0x22e: {  	s14 =	sshll.u32 s17, $0x4;
	v2 =	vadd.f32 v3, v2;
	v0 =	vsel vm3, v0, v1  }
0x22f: {  	s7 =	sshll.u32 s7, $0x4;
	s8 =	sand.u32 $0x3FFFFFF0, s14;
	v0 =	vadd.f32 v0, v4  }
0x230: {  	s7 =	sand.u32 $0x3FFFFFF0, s7;
	s19 =	sadd.s32 $0x2, s17;
	[tilespmem:s8+$0x16800] =	vst v2  }
0x231: {  	s17 =	smov.u32 s19;
	[tilespmem:s7+$0x16800] =	vst v0  }
0x232: {  	v0 =	vld [tilespmem:$0x16800];
	_ =	sdelay $0x4  }
0x233: {  	v0 =	vmul.f32 $1.442695020e+00, v0;
	_ =	sdelay $0x1  }
0x234: {  	(erf) = vpow2.f32 v0;
	_ =	sdelay $0x8  }
0x235: {  	v0 =	vpop (erf)  }
0x236: {  	v1 =	vperm.xlane v0, v61;
	_ =	sdelay $0x1  }
0x237: {  	v1 =	vadd.f32 v0, v1;
	_ =	sdelay $0x1  }
0x238: {  	v2 =	vperm.xlane v1, v62;
	_ =	sdelay $0x1  }
0x239: {  	v47 =	vld [tilespmem:$0x16810];
	v1 =	vadd.f32 v1, v2;
	_ =	sdelay $0x1  }
0x23a: {  	v3 =	vperm.xlane v1, v63;
	_ =	sdelay $0x1  }
0x23b: {  	v1 =	vadd.f32 v1, v3  }
0x23c: {  	v2 =	vmul.f32 $1.442695020e+00, v47  }
0x23d: {  	(erf) = vrcp.f32 v1  }
0x23e: {  	(erf) = vpow2.f32 v2;
	_ =	sdelay $0x7  }
0x23f: {  	v1 =	vpop (erf)  }
0x240: {  	v2 =	vpop (erf)  }
0x241: {  	v3 =	vperm.xlane v2, v61;
	_ =	sdelay $0x1  }
0x242: {  	v3 =	vadd.f32 v2, v3;
	_ =	sdelay $0x1  }
0x243: {  	v4 =	vperm.xlane v3, v62;
	_ =	sdelay $0x1  }
0x244: {  	v3 =	vadd.f32 v3, v4;
	v4 =	vld [tilespmem:$0x16820];
	_ =	sdelay $0x1  }
0x245: {  	v5 =	vperm.xlane v3, v63;
	_ =	sdelay $0x1  }
0x246: {  	v3 =	vadd.f32 v3, v5  }
0x247: {  	v4 =	vmul.f32 $1.442695020e+00, v4  }
0x248: {  	(erf) = vrcp.f32 v3  }
0x249: {  	(erf) = vpow2.f32 v4;
	_ =	sdelay $0x7  }
0x24a: {  	v3 =	vpop (erf)  }
0x24b: {  	v4 =	vpop (erf)  }
0x24c: {  	v5 =	vperm.xlane v4, v61;
	_ =	sdelay $0x1  }
0x24d: {  	v5 =	vadd.f32 v4, v5;
	_ =	sdelay $0x1  }
0x24e: {  	v6 =	vperm.xlane v5, v62;
	_ =	sdelay $0x1  }
0x24f: {  	v5 =	vadd.f32 v5, v6;
	v6 =	vld [tilespmem:$0x16830];
	_ =	sdelay $0x1  }
0x250: {  	v7 =	vperm.xlane v5, v63;
	_ =	sdelay $0x1  }
0x251: {  	v5 =	vadd.f32 v5, v7  }
0x252: {  	v6 =	vmul.f32 $1.442695020e+00, v6  }
0x253: {  	(erf) = vrcp.f32 v5  }
0x254: {  	(erf) = vpow2.f32 v6;
	_ =	sdelay $0x7  }
0x255: {  	v5 =	vpop (erf)  }
0x256: {  	v6 =	vpop (erf)  }
0x257: {  	v7 =	vperm.xlane v6, v61;
	_ =	sdelay $0x1  }
0x258: {  	v7 =	vadd.f32 v6, v7;
	_ =	sdelay $0x1  }
0x259: {  	v8 =	vperm.xlane v7, v62;
	_ =	sdelay $0x1  }
0x25a: {  	v7 =	vadd.f32 v7, v8;
	v8 =	vld [tilespmem:$0x16840];
	_ =	sdelay $0x1  }
0x25b: {  	v9 =	vperm.xlane v7, v63;
	_ =	sdelay $0x1  }
0x25c: {  	v7 =	vadd.f32 v7, v9  }
0x25d: {  	v8 =	vmul.f32 $1.442695020e+00, v8  }
0x25e: {  	(erf) = vrcp.f32 v7  }
0x25f: {  	(erf) = vpow2.f32 v8;
	_ =	sdelay $0x7  }
0x260: {  	v7 =	vpop (erf)  }
0x261: {  	v8 =	vpop (erf)  }
0x262: {  	v48 =	vperm.xlane v8, v61;
	_ =	sdelay $0x1  }
0x263: {  	v9 =	vadd.f32 v8, v48;
	_ =	sdelay $0x1  }
0x264: {  	v10 =	vperm.xlane v9, v62;
	_ =	sdelay $0x1  }
0x265: {  	v49 =	vld [tilespmem:$0x16850];
	v9 =	vadd.f32 v9, v10;
	_ =	sdelay $0x1  }
0x266: {  	v11 =	vperm.xlane v9, v63;
	_ =	sdelay $0x1  }
0x267: {  	v9 =	vadd.f32 v9, v11  }
0x268: {  	v10 =	vmul.f32 $1.442695020e+00, v49  }
0x269: {  	(erf) = vrcp.f32 v9  }
0x26a: {  	(erf) = vpow2.f32 v10;
	_ =	sdelay $0x7  }
0x26b: {  	v9 =	vpop (erf)  }
0x26c: {  	v10 =	vpop (erf)  }
0x26d: {  	v50 =	vperm.xlane v10, v61;
	_ =	sdelay $0x1  }
0x26e: {  	v11 =	vadd.f32 v10, v50;
	_ =	sdelay $0x1  }
0x26f: {  	v12 =	vperm.xlane v11, v62;
	_ =	sdelay $0x1  }
0x270: {  	v51 =	vld [tilespmem:$0x16860];
	v11 =	vadd.f32 v11, v12;
	_ =	sdelay $0x1  }
0x271: {  	v13 =	vperm.xlane v11, v63;
	_ =	sdelay $0x1  }
0x272: {  	v11 =	vadd.f32 v11, v13  }
0x273: {  	v12 =	vmul.f32 $1.442695020e+00, v51  }
0x274: {  	(erf) = vrcp.f32 v11  }
0x275: {  	(erf) = vpow2.f32 v12;
	_ =	sdelay $0x7  }
0x276: {  	v11 =	vpop (erf)  }
0x277: {  	v12 =	vpop (erf)  }
0x278: {  	v52 =	vperm.xlane v12, v61;
	_ =	sdelay $0x1  }
0x279: {  	v13 =	vadd.f32 v12, v52;
	_ =	sdelay $0x1  }
0x27a: {  	v14 =	vperm.xlane v13, v62;
	_ =	sdelay $0x1  }
0x27b: {  	v53 =	vld [tilespmem:$0x16870];
	v13 =	vadd.f32 v13, v14;
	_ =	sdelay $0x1  }
0x27c: {  	v15 =	vperm.xlane v13, v63;
	_ =	sdelay $0x1  }
0x27d: {  	v13 =	vadd.f32 v13, v15  }
0x27e: {  	v14 =	vmul.f32 $1.442695020e+00, v53  }
0x27f: {  	(erf) = vrcp.f32 v13  }
0x280: {  	(erf) = vpow2.f32 v14;
	_ =	sdelay $0x7  }
0x281: {  	v13 =	vpop (erf)  }
0x282: {  	v14 =	vpop (erf)  }
0x283: {  	v54 =	vperm.xlane v14, v61;
	_ =	sdelay $0x1  }
0x284: {  	v15 =	vadd.f32 v14, v54;
	_ =	sdelay $0x1  }
0x285: {  	v16 =	vperm.xlane v15, v62;
	_ =	sdelay $0x1  }
0x286: {  	v15 =	vadd.f32 v15, v16;
	_ =	sdelay $0x1  }
0x287: {  	v16 =	vperm.xlane v15, v63;
	_ =	sdelay $0x1  }
0x288: {  	v15 =	vadd.f32 v15, v16;
	_ =	sdelay $0x1  }
0x289: {  	(erf) = vrcp.f32 v15;
	_ =	sdelay $0x2  }
0x28a: {  	v0 =	vmul.f32 v1, v0  }
0x28b: {  	v55 =	vmul.f32 v3, v2  }
0x28c: {  	[tilespmem:$0x16880] =	vst v0;
	v56 =	vmul.f32 v5, v4  }
0x28d: {  	[tilespmem:$0x16890] =	vst v55;
	v57 =	vmul.f32 v7, v6  }
0x28e: {  	[tilespmem:$0x168A0] =	vst v56;
	v58 =	vmul.f32 v9, v8  }
0x28f: {  	[tilespmem:$0x168B0] =	vst v57;
	v59 =	vmul.f32 v11, v10  }
0x290: {  	s7 =	sadd.s32 $0xE800, s23;
	[tilespmem:$0x168C0] =	vst v58;
	v60 =	vmul.f32 v13, v12;
	v62 =	vpop (erf)  }
0x291: {  	v5 =	vmov s7;
	[tilespmem:$0x168D0] =	vst v59;
	v63 =	vmul.f32 v62, v14  }
0x292: {  	s22 =	sadd.s32 $0x16B80, s22;
	[tilespmem:$0x168E0] =	vst v60  }
0x293: {  	s23 =	simm.s32 $0x0;
	v6 =	vmov s22;
	[tilespmem:$0x168F0] =	vst v63  }
.LBB2_7:
0x294: {  	s11 =	sshll.u32 s23, $0xA  }
0x295: {  	s19 =	sand.u32 $0x3FFFFC00, s11  }
0x296: {  	s7 =	sshll.u32 s23, $0x3;
	v34 =	vld.idx.msk [tilespmem:v5+s19+$0x0 ss:$0x1], $0xffff  }
0x297: {  	v0 =	vmov s7;
	v35 =	vld.idx.msk [tilespmem:v5+s19+$0x80 ss:$0x1], $0xffff  }
0x298: {  	v1 =	vor.u32 $0x1, v0;
	v36 =	vld.idx.msk [tilespmem:v5+s19+$0x100 ss:$0x1], $0xffff  }
0x299: {  	v2 =	vor.u32 $0x2, v0;
	v16 =	vld.idx.msk [tilespmem:v5+s19+$0x280 ss:$0x1], $0xffff  }
0x29a: {  	v3 =	vor.u32 $0x3, v0;
	v17 =	vld.idx.msk [tilespmem:v5+s19+$0x300 ss:$0x1], $0xffff  }
0x29b: {  	v4 =	vor.u32 $0x4, v0;
	v18 =	vld.idx.msk [tilespmem:v5+s19+$0x380 ss:$0x1], $0xffff  }
0x29c: {  	v7 =	vor.u32 $0x5, v0;
	v10 =	vld.idx.msk [tilespmem:v0+s24+$0x0], $0xffff  }
0x29d: {  	v33 =	vor.u32 $0x6, v0;
	v13 =	vld.idx.msk [tilespmem:v1+s24+$0x0], $0xffff  }
0x29e: {  	v14 =	vld.idx.msk [tilespmem:v2+s24+$0x0], $0xffff  }
0x29f: {  	v15 =	vld.idx.msk [tilespmem:v3+s24+$0x0], $0xffff  }
0x2a0: {  	v0 =	vor.u32 $0x7, v0;
	v11 =	vld.idx.msk [tilespmem:v4+s24+$0x0], $0xffff  }
0x2a1: {  	v12 =	vld.idx.msk [tilespmem:v7+s24+$0x0], $0xffff  }
0x2a2: {  	s14 =	sadd.s32 s16, s23;
	v9 =	vld.idx.msk [tilespmem:v33+s24+$0x0], $0xffff  }
0x2a3: {  	v3 =	vld.idx.msk [tilespmem:v5+s19+$0x180 ss:$0x1], $0xffff;
	v7 =	vmov s14  }
0x2a4: {  	v4 =	vld.idx.msk [tilespmem:v5+s19+$0x200 ss:$0x1], $0xffff;
	v7 =	vand.u32 $0xFFFFFFFC, v7  }
0x2a5: {  	v7 =	vbroadcast v7, $0x0;
	v8 =	vld.idx.msk [tilespmem:v0+s24+$0x0], $0xffff;
	_ =	sdelay $0x1  }
0x2a6: {  	v0 =	vmul.f32 v34, v10;
	v1 =	vmul.f32 v35, v13  }
0x2a7: {  	v2 =	vmul.f32 v36, v14;
	v3 =	vmul.f32 v3, v15  }
0x2a8: {  	v4 =	vmul.f32 v4, v11;
	v16 =	vmul.f32 v16, v12  }
0x2a9: {  	v17 =	vmul.f32 v17, v9;
	v18 =	vmul.f32 v18, v8  }
0x2aa: {  	v0 =	vadd.f32 v1, v0;
	v37 =	vadd.f32 v3, v2;
	v7 =	vld.idx.msk [tilespmem:v7+s18+$0x0], $0xffff  }
0x2ab: {  	v38 =	vadd.f32 v16, v4;
	v3 =	vadd.f32 v18, v17;
	_ =	sdelay $0x1  }
0x2ac: {  	v0 =	vadd.f32 v37, v0;
	v39 =	vadd.f32 v3, v38;
	_ =	sdelay $0x1  }
0x2ad: {  	v55 =	vimm.s32 $0x0;
	vm4 =	vne.s32 v7, $0x0;
	v0 =	vadd.f32 v39, v0  }
0x2ae: {  	v7 =	vsel vm4, $0x3F800000, v55  }
0x2af: {  	s17 =	sshll.u32 s23, $0x7;
	v0 =	vmul.f32 v7, v0  }
0x2b0: {  	s17 =	sand.u32 $0x3FFFFF80, s17  }
0x2b1: {  	[tilespmem:v6+s17+$0x0 ss:$0x1] =	vst.idx.msk $0xffff, v0  }
0x2b2: {  	v0 =	vld.idx.msk [tilespmem:v5+s19+$0x10 ss:$0x1], $0xffff  }
0x2b3: {  	v40 =	vld.idx.msk [tilespmem:v5+s19+$0x90 ss:$0x1], $0xffff  }
0x2b4: {  	v41 =	vld.idx.msk [tilespmem:v5+s19+$0x110 ss:$0x1], $0xffff  }
0x2b5: {  	v3 =	vld.idx.msk [tilespmem:v5+s19+$0x190 ss:$0x1], $0xffff  }
0x2b6: {  	v4 =	vld.idx.msk [tilespmem:v5+s19+$0x210 ss:$0x1], $0xffff  }
0x2b7: {  	v42 =	vld.idx.msk [tilespmem:v5+s19+$0x290 ss:$0x1], $0xffff  }
0x2b8: {  	v43 =	vld.idx.msk [tilespmem:v5+s19+$0x310 ss:$0x1], $0xffff  }
0x2b9: {  	v44 =	vld.idx.msk [tilespmem:v5+s19+$0x390 ss:$0x1], $0xffff;
	_ =	sdelay $0x1  }
0x2ba: {  	v0 =	vmul.f32 v0, v10;
	v1 =	vmul.f32 v40, v13  }
0x2bb: {  	v2 =	vmul.f32 v41, v14;
	v3 =	vmul.f32 v3, v15  }
0x2bc: {  	v4 =	vmul.f32 v4, v11;
	v16 =	vmul.f32 v42, v12  }
0x2bd: {  	v17 =	vmul.f32 v43, v9;
	v18 =	vmul.f32 v44, v8  }
0x2be: {  	s4 =	sor.u32 $0x1, s23;
	v0 =	vadd.f32 v1, v0;
	v45 =	vadd.f32 v3, v2  }
0x2bf: {  	s8 =	sshll.u32 s4, $0x3;
	s10 =	sshll.u32 s4, $0xA;
	v46 =	vadd.f32 v16, v4;
	v3 =	vadd.f32 v18, v17  }
0x2c0: {  	v4 =	vmov s8;
	s8 =	sand.u32 $0x3FFFFC00, s10  }
0x2c1: {  	v53 =	vld.idx.msk [tilespmem:v5+s8+$0x0 ss:$0x1], $0xffff;
	v0 =	vadd.f32 v45, v0;
	v47 =	vadd.f32 v3, v46  }
0x2c2: {  	v54 =	vld.idx.msk [tilespmem:v5+s8+$0x80 ss:$0x1], $0xffff  }
0x2c3: {  	v56 =	vld.idx.msk [tilespmem:v5+s8+$0x100 ss:$0x1], $0xffff;
	v0 =	vadd.f32 v47, v0  }
0x2c4: {  	v59 =	vld.idx.msk [tilespmem:v5+s8+$0x280 ss:$0x1], $0xffff  }
0x2c5: {  	v60 =	vld.idx.msk [tilespmem:v5+s8+$0x300 ss:$0x1], $0xffff;
	v0 =	vmul.f32 v7, v0  }
0x2c6: {  	v62 =	vld.idx.msk [tilespmem:v5+s8+$0x380 ss:$0x1], $0xffff  }
0x2c7: {  	v16 =	vld.idx.msk [tilespmem:v4+s24+$0x0], $0xffff;
	[tilespmem:v6+s17+$0x10 ss:$0x1] =	vst.idx.msk $0xffff, v0  }
0x2c8: {  	v0 =	vld.idx.msk [tilespmem:v5+s19+$0x20 ss:$0x1], $0xffff  }
0x2c9: {  	v49 =	vld.idx.msk [tilespmem:v5+s19+$0x120 ss:$0x1], $0xffff  }
0x2ca: {  	v3 =	vld.idx.msk [tilespmem:v5+s19+$0x1A0 ss:$0x1], $0xffff  }
0x2cb: {  	v50 =	vor.u32 $0x1, v4;
	v22 =	vld.idx.msk [tilespmem:v5+s19+$0x220 ss:$0x1], $0xffff  }
0x2cc: {  	v19 =	vor.u32 $0x2, v4;
	v23 =	vld.idx.msk [tilespmem:v5+s19+$0x2A0 ss:$0x1], $0xffff  }
0x2cd: {  	v20 =	vor.u32 $0x3, v4;
	v24 =	vld.idx.msk [tilespmem:v5+s19+$0x320 ss:$0x1], $0xffff  }
0x2ce: {  	v21 =	vor.u32 $0x4, v4;
	v25 =	vld.idx.msk [tilespmem:v5+s19+$0x3A0 ss:$0x1], $0xffff  }
0x2cf: {  	v26 =	vor.u32 $0x5, v4;
	v48 =	vld.idx.msk [tilespmem:v5+s19+$0xA0 ss:$0x1], $0xffff  }
0x2d0: {  	v27 =	vor.u32 $0x6, v4;
	v4 =	vor.u32 $0x7, v4;
	v18 =	vld.idx.msk [tilespmem:v50+s24+$0x0], $0xffff  }
0x2d1: {  	v17 =	vld.idx.msk [tilespmem:v19+s24+$0x0], $0xffff;
	v2 =	vmul.f32 v49, v14;
	v3 =	vmul.f32 v3, v15  }
0x2d2: {  	v19 =	vld.idx.msk [tilespmem:v20+s24+$0x0], $0xffff;
	v51 =	vmul.f32 v22, v11;
	v28 =	vmul.f32 v23, v12  }
0x2d3: {  	v20 =	vld.idx.msk [tilespmem:v21+s24+$0x0], $0xffff;
	v24 =	vmul.f32 v24, v9;
	v25 =	vmul.f32 v25, v8  }
0x2d4: {  	v21 =	vld.idx.msk [tilespmem:v26+s24+$0x0], $0xffff;
	v0 =	vmul.f32 v0, v10;
	v1 =	vmul.f32 v48, v13;
	v52 =	vadd.f32 v3, v2  }
0x2d5: {  	s9 =	sadd.s32 s16, s4;
	v23 =	vld.idx.msk [tilespmem:v4+s24+$0x0], $0xffff;
	v3 =	vadd.f32 v28, v51;
	v4 =	vadd.f32 v25, v24  }
0x2d6: {  	v58 =	vmov s9;
	v22 =	vld.idx.msk [tilespmem:v27+s24+$0x0], $0xffff;
	v0 =	vadd.f32 v1, v0  }
0x2d7: {  	v1 =	vand.u32 $0xFFFFFFFD, v58;
	v57 =	vadd.f32 v4, v3;
	v3 =	vld.idx.msk [tilespmem:v5+s8+$0x180 ss:$0x1], $0xffff  }
0x2d8: {  	v1 =	vbroadcast v1, $0x0;
	v0 =	vadd.f32 v52, v0;
	v4 =	vld.idx.msk [tilespmem:v5+s8+$0x200 ss:$0x1], $0xffff  }
0x2d9: {  	v63 =	vmul.f32 v53, v16  }
0x2da: {  	v33 =	vmul.f32 v54, v18;
	v26 =	vmul.f32 v59, v21;
	v0 =	vadd.f32 v57, v0  }
0x2db: {  	v25 =	vmul.f32 v56, v17;
	v27 =	vmul.f32 v60, v22  }
0x2dc: {  	v28 =	vmul.f32 v62, v23;
	v0 =	vmul.f32 v7, v0  }
0x2dd: {  	v3 =	vmul.f32 v3, v19;
	v4 =	vmul.f32 v4, v20  }
0x2de: {  	v36 =	vadd.f32 v28, v27;
	v1 =	vld.idx.msk [tilespmem:v1+s18+$0x0], $0xffff;
	[tilespmem:v6+s17+$0x20 ss:$0x1] =	vst.idx.msk $0xffff, v0;
	v0 =	vadd.f32 v33, v63  }
0x2df: {  	v34 =	vld.idx.msk [tilespmem:v5+s19+$0x30 ss:$0x1], $0xffff;
	v35 =	vadd.f32 v3, v25;
	v4 =	vadd.f32 v26, v4  }
0x2e0: {  	v30 =	vld.idx.msk [tilespmem:v5+s19+$0x130 ss:$0x1], $0xffff  }
0x2e1: {  	v3 =	vld.idx.msk [tilespmem:v5+s19+$0x1B0 ss:$0x1], $0xffff;
	v0 =	vadd.f32 v35, v0;
	v39 =	vadd.f32 v36, v4  }
0x2e2: {  	v40 =	vld.idx.msk [tilespmem:v5+s19+$0x3B0 ss:$0x1], $0xffff  }
0x2e3: {  	v4 =	vld.idx.msk [tilespmem:v5+s19+$0x330 ss:$0x1], $0xffff;
	vm4 =	vne.s32 v1, $0x0;
	v0 =	vadd.f32 v39, v0  }
0x2e4: {  	v29 =	vld.idx.msk [tilespmem:v5+s19+$0xB0 ss:$0x1], $0xffff;
	v24 =	vsel vm4, $0x3F800000, v55  }
0x2e5: {  	s7 =	sshll.u32 s4, $0x7;
	v37 =	vld.idx.msk [tilespmem:v5+s19+$0x230 ss:$0x1], $0xffff;
	v0 =	vmul.f32 v24, v0  }
0x2e6: {  	s7 =	sand.u32 $0x3FFFFF80, s7;
	v38 =	vld.idx.msk [tilespmem:v5+s19+$0x2B0 ss:$0x1], $0xffff  }
0x2e7: {  	v43 =	vmul.f32 v30, v14;
	v3 =	vmul.f32 v3, v15;
	[tilespmem:v6+s7+$0x0 ss:$0x1] =	vst.idx.msk $0xffff, v0  }
0x2e8: {  	v44 =	vmul.f32 v4, v9;
	v4 =	vmul.f32 v40, v8;
	v45 =	vld.idx.msk [tilespmem:v5+s8+$0x10 ss:$0x1], $0xffff  }
0x2e9: {  	v46 =	vadd.f32 v3, v43;
	v3 =	vld.idx.msk [tilespmem:v5+s8+$0x90 ss:$0x1], $0xffff  }
0x2ea: {  	v41 =	vmul.f32 v34, v10;
	v42 =	vmul.f32 v29, v13;
	v0 =	vadd.f32 v4, v44;
	v4 =	vld.idx.msk [tilespmem:v5+s8+$0x110 ss:$0x1], $0xffff  }
0x2eb: {  	v26 =	vmul.f32 v37, v11;
	v27 =	vmul.f32 v38, v12;
	v47 =	vld.idx.msk [tilespmem:v5+s8+$0x190 ss:$0x1], $0xffff  }
0x2ec: {  	v48 =	vld.idx.msk [tilespmem:v5+s8+$0x210 ss:$0x1], $0xffff  }
0x2ed: {  	v1 =	vadd.f32 v42, v41;
	v26 =	vadd.f32 v27, v26;
	v49 =	vld.idx.msk [tilespmem:v5+s8+$0x290 ss:$0x1], $0xffff  }
0x2ee: {  	v50 =	vld.idx.msk [tilespmem:v5+s8+$0x310 ss:$0x1], $0xffff  }
0x2ef: {  	v1 =	vadd.f32 v46, v1;
	v51 =	vld.idx.msk [tilespmem:v5+s8+$0x390 ss:$0x1], $0xffff;
	v0 =	vadd.f32 v0, v26  }
0x2f0: {  	v25 =	vmul.f32 v45, v16  }
0x2f1: {  	v0 =	vadd.f32 v0, v1;
	v3 =	vmul.f32 v3, v18;
	v52 =	vmul.f32 v4, v17  }
0x2f2: {  	v4 =	vmul.f32 v47, v19;
	v2 =	vmul.f32 v48, v20  }
0x2f3: {  	v26 =	vmul.f32 v49, v21;
	v0 =	vmul.f32 v7, v0  }
0x2f4: {  	v1 =	vmul.f32 v50, v22;
	v28 =	vmul.f32 v51, v23  }
0x2f5: {  	v3 =	vadd.f32 v3, v25;
	v2 =	vadd.f32 v26, v2;
	[tilespmem:v6+s17+$0x30 ss:$0x1] =	vst.idx.msk $0xffff, v0  }
0x2f6: {  	v1 =	vadd.f32 v28, v1;
	v0 =	vadd.f32 v4, v52;
	v53 =	vld.idx.msk [tilespmem:v5+s19+$0x40 ss:$0x1], $0xffff  }
0x2f7: {  	v54 =	vld.idx.msk [tilespmem:v5+s19+$0xC0 ss:$0x1], $0xffff  }
0x2f8: {  	v56 =	vld.idx.msk [tilespmem:v5+s19+$0x140 ss:$0x1], $0xffff;
	v1 =	vadd.f32 v1, v2;
	v0 =	vadd.f32 v0, v3  }
0x2f9: {  	v4 =	vld.idx.msk [tilespmem:v5+s19+$0x1C0 ss:$0x1], $0xffff  }
0x2fa: {  	v3 =	vld.idx.msk [tilespmem:v5+s19+$0x3C0 ss:$0x1], $0xffff;
	v0 =	vadd.f32 v1, v0  }
0x2fb: {  	v57 =	vld.idx.msk [tilespmem:v5+s19+$0x240 ss:$0x1], $0xffff  }
0x2fc: {  	v58 =	vld.idx.msk [tilespmem:v5+s19+$0x2C0 ss:$0x1], $0xffff;
	v0 =	vmul.f32 v24, v0  }
0x2fd: {  	v59 =	vld.idx.msk [tilespmem:v5+s19+$0x340 ss:$0x1], $0xffff  }
0x2fe: {  	[tilespmem:v6+s7+$0x10 ss:$0x1] =	vst.idx.msk $0xffff, v0  }
0x2ff: {  	v60 =	vmul.f32 v53, v10;
	v33 =	vmul.f32 v3, v8;
	v3 =	vld.idx.msk [tilespmem:v5+s8+$0x20 ss:$0x1], $0xffff  }
0x300: {  	v62 =	vmul.f32 v54, v13;
	v63 =	vmul.f32 v56, v14;
	v34 =	vld.idx.msk [tilespmem:v5+s8+$0xA0 ss:$0x1], $0xffff  }
0x301: {  	v4 =	vmul.f32 v4, v15;
	v25 =	vmul.f32 v57, v11;
	v35 =	vld.idx.msk [tilespmem:v5+s8+$0x120 ss:$0x1], $0xffff  }
0x302: {  	s9 =	sor.u32 $0x2, s23;
	v26 =	vmul.f32 v58, v12;
	v32 =	vmul.f32 v59, v9;
	v36 =	vld.idx.msk [tilespmem:v5+s8+$0x1A0 ss:$0x1], $0xffff  }
0x303: {  	s10 =	sshll.u32 s9, $0x3;
	v1 =	vadd.f32 v62, v60;
	v4 =	vadd.f32 v4, v63;
	v37 =	vld.idx.msk [tilespmem:v5+s8+$0x2A0 ss:$0x1], $0xffff  }
0x304: {  	v57 =	vmov s10;
	v25 =	vadd.f32 v26, v25;
	v0 =	vadd.f32 v33, v32;
	v38 =	vld.idx.msk [tilespmem:v5+s8+$0x320 ss:$0x1], $0xffff  }
0x305: {  	v60 =	vor.u32 $0x5, v57;
	v39 =	vld.idx.msk [tilespmem:v5+s8+$0x3A0 ss:$0x1], $0xffff  }
0x306: {  	v1 =	vadd.f32 v4, v1;
	v4 =	vld.idx.msk [tilespmem:v5+s8+$0x220 ss:$0x1], $0xffff;
	v0 =	vadd.f32 v0, v25  }
0x307: {  	v3 =	vmul.f32 v3, v16  }
0x308: {  	v0 =	vadd.f32 v0, v1;
	v27 =	vmul.f32 v34, v18;
	v2 =	vmul.f32 v35, v17  }
0x309: {  	s14 =	sshll.u32 s9, $0xA;
	v26 =	vmul.f32 v36, v19;
	v25 =	vmul.f32 v37, v21  }
0x30a: {  	s10 =	sand.u32 $0x3FFFFC00, s14;
	v29 =	vld.idx.msk [tilespmem:v60+s24+$0x0], $0xffff;
	v1 =	vmul.f32 v38, v22;
	v0 =	vmul.f32 v7, v0  }
0x30b: {  	v28 =	vmul.f32 v39, v23;
	v38 =	vld.idx.msk [tilespmem:v5+s10+$0x100 ss:$0x1], $0xffff;
	v4 =	vmul.f32 v4, v20  }
0x30c: {  	v39 =	vld.idx.msk [tilespmem:v5+s10+$0x180 ss:$0x1], $0xffff;
	v3 =	vadd.f32 v27, v3;
	v2 =	vadd.f32 v26, v2;
	[tilespmem:v6+s17+$0x40 ss:$0x1] =	vst.idx.msk $0xffff, v0  }
0x30d: {  	v1 =	vadd.f32 v28, v1;
	v40 =	vadd.f32 v25, v4;
	v4 =	vld.idx.msk [tilespmem:v5+s19+$0x50 ss:$0x1], $0xffff  }
0x30e: {  	v41 =	vld.idx.msk [tilespmem:v5+s19+$0xD0 ss:$0x1], $0xffff  }
0x30f: {  	v2 =	vadd.f32 v2, v3;
	v42 =	vld.idx.msk [tilespmem:v5+s19+$0x150 ss:$0x1], $0xffff;
	v0 =	vadd.f32 v1, v40  }
0x310: {  	v3 =	vld.idx.msk [tilespmem:v5+s19+$0x1D0 ss:$0x1], $0xffff  }
0x311: {  	v43 =	vld.idx.msk [tilespmem:v5+s19+$0x250 ss:$0x1], $0xffff;
	v0 =	vadd.f32 v0, v2  }
0x312: {  	v44 =	vld.idx.msk [tilespmem:v5+s19+$0x2D0 ss:$0x1], $0xffff  }
0x313: {  	v45 =	vld.idx.msk [tilespmem:v5+s19+$0x350 ss:$0x1], $0xffff;
	v0 =	vmul.f32 v24, v0  }
0x314: {  	v46 =	vld.idx.msk [tilespmem:v5+s19+$0x3D0 ss:$0x1], $0xffff  }
0x315: {  	v40 =	vld.idx.msk [tilespmem:v5+s10+$0x200 ss:$0x1], $0xffff;
	[tilespmem:v6+s7+$0x20 ss:$0x1] =	vst.idx.msk $0xffff, v0  }
0x316: {  	v0 =	vld.idx.msk [tilespmem:v5+s8+$0x30 ss:$0x1], $0xffff  }
0x317: {  	v4 =	vmul.f32 v4, v10;
	v25 =	vmul.f32 v41, v13;
	v47 =	vld.idx.msk [tilespmem:v5+s8+$0xB0 ss:$0x1], $0xffff  }
0x318: {  	v1 =	vmul.f32 v42, v14;
	v3 =	vmul.f32 v3, v15;
	v48 =	vld.idx.msk [tilespmem:v5+s8+$0x130 ss:$0x1], $0xffff  }
0x319: {  	v2 =	vmul.f32 v43, v11;
	v26 =	vmul.f32 v44, v12;
	v31 =	vld.idx.msk [tilespmem:v5+s8+$0x1B0 ss:$0x1], $0xffff  }
0x31a: {  	s11 =	sadd.s32 s16, s9;
	s14 =	sor.u32 $0x3, s23;
	v58 =	vor.u32 $0x3, v57;
	v27 =	vmul.f32 v45, v9;
	v28 =	vmul.f32 v46, v8;
	v32 =	vld.idx.msk [tilespmem:v5+s8+$0x230 ss:$0x1], $0xffff  }
0x31b: {  	v62 =	vmov s11;
	s11 =	sshll.u32 s14, $0x3;
	v4 =	vadd.f32 v25, v4;
	v1 =	vadd.f32 v3, v1;
	v33 =	vld.idx.msk [tilespmem:v5+s8+$0x2B0 ss:$0x1], $0xffff  }
0x31c: {  	v36 =	vmov s11;
	v2 =	vadd.f32 v26, v2;
	v49 =	vadd.f32 v28, v27;
	v34 =	vld.idx.msk [tilespmem:v5+s8+$0x330 ss:$0x1], $0xffff  }
0x31d: {  	v37 =	vor.u32 $0x3, v36;
	v46 =	vor.u32 $0x4, v36;
	v28 =	vand.u32 $0xFFFFFFFE, v62;
	v35 =	vld.idx.msk [tilespmem:v5+s8+$0x3B0 ss:$0x1], $0xffff  }
0x31e: {  	v41 =	vld.idx.msk [tilespmem:v5+s10+$0x280 ss:$0x1], $0xffff;
	v1 =	vadd.f32 v1, v4;
	v2 =	vadd.f32 v49, v2;
	v0 =	vmul.f32 v0, v16  }
0x31f: {  	s4 =	sshll.u32 s14, $0xA;
	v42 =	vld.idx.msk [tilespmem:v5+s10+$0x300 ss:$0x1], $0xffff;
	v49 =	vor.u32 $0x7, v36;
	v3 =	vmul.f32 v47, v18;
	v50 =	vmul.f32 v48, v17  }
0x320: {  	s11 =	sand.u32 $0x3FFFFC00, s4;
	v45 =	vld.idx.msk [tilespmem:v5+s10+$0x380 ss:$0x1], $0xffff;
	v1 =	vadd.f32 v2, v1;
	v51 =	vmul.f32 v31, v19;
	v4 =	vmul.f32 v32, v20  }
0x321: {  	v62 =	vld.idx.msk [tilespmem:v5+s11+$0x380 ss:$0x1], $0xffff;
	v2 =	vor.u32 $0x7, v57;
	v52 =	vmul.f32 v33, v21;
	v53 =	vmul.f32 v34, v22  }
0x322: {  	v54 =	vmul.f32 v35, v23;
	v1 =	vmul.f32 v7, v1;
	v32 =	vld.idx.msk [tilespmem:v58+s24+$0x0], $0xffff;
	v47 =	vor.u32 $0x5, v36  }
0x323: {  	v33 =	vld.idx.msk [tilespmem:v36+s24+$0x0], $0xffff;
	v48 =	vor.u32 $0x6, v36;
	v0 =	vadd.f32 v3, v0;
	v3 =	vadd.f32 v51, v50  }
0x324: {  	v58 =	vld.idx.msk [tilespmem:v5+s11+$0x80 ss:$0x1], $0xffff;
	v4 =	vadd.f32 v52, v4;
	v25 =	vadd.f32 v54, v53;
	v52 =	vor.u32 $0x1, v36  }
0x325: {  	v53 =	vor.u32 $0x2, v36;
	v36 =	vld.idx.msk [tilespmem:v37+s24+$0x0], $0xffff;
	v0 =	vadd.f32 v3, v0;
	v3 =	vor.u32 $0x1, v57  }
0x326: {  	[tilespmem:v6+s17+$0x50 ss:$0x1] =	vst.idx.msk $0xffff, v1;
	v37 =	vld.idx.msk [tilespmem:v46+s24+$0x0], $0xffff;
	v56 =	vadd.f32 v25, v4;
	v4 =	vor.u32 $0x2, v57  }
0x327: {  	v43 =	vld.idx.msk [tilespmem:v5+s19+$0x60 ss:$0x1], $0xffff  }
0x328: {  	v44 =	vld.idx.msk [tilespmem:v5+s19+$0xE0 ss:$0x1], $0xffff  }
0x329: {  	v59 =	vor.u32 $0x4, v57;
	v27 =	vld.idx.msk [tilespmem:v2+s24+$0x0], $0xffff  }
0x32a: {  	v30 =	vld.idx.msk [tilespmem:v3+s24+$0x0], $0xffff;
	v3 =	vor.u32 $0x6, v57  }
0x32b: {  	v31 =	vld.idx.msk [tilespmem:v4+s24+$0x0], $0xffff;
	v4 =	vbroadcast v28, $0x0  }
0x32c: {  	v25 =	vld.idx.msk [tilespmem:v57+s24+$0x0], $0xffff  }
0x32d: {  	v50 =	vmul.f32 v39, v32;
	v39 =	vld.idx.msk [tilespmem:v48+s24+$0x0], $0xffff  }
0x32e: {  	v28 =	vld.idx.msk [tilespmem:v59+s24+$0x0], $0xffff  }
0x32f: {  	v26 =	vld.idx.msk [tilespmem:v3+s24+$0x0], $0xffff  }
0x330: {  	v3 =	vld.idx.msk [tilespmem:v5+s10+$0x0 ss:$0x1], $0xffff  }
0x331: {  	v63 =	vld.idx.msk [tilespmem:v4+s18+$0x0], $0xffff  }
0x332: {  	v0 =	vadd.f32 v56, v0;
	v4 =	vld.idx.msk [tilespmem:v5+s10+$0x80 ss:$0x1], $0xffff  }
0x333: {  	v34 =	vld.idx.msk [tilespmem:v52+s24+$0x0], $0xffff  }
0x334: {  	v41 =	vmul.f32 v41, v29;
	v35 =	vld.idx.msk [tilespmem:v53+s24+$0x0], $0xffff;
	v0 =	vmul.f32 v24, v0  }
0x335: {  	v45 =	vmul.f32 v45, v27;
	v57 =	vld.idx.msk [tilespmem:v5+s11+$0x0 ss:$0x1], $0xffff;
	v54 =	vmul.f32 v38, v31  }
0x336: {  	v59 =	vld.idx.msk [tilespmem:v5+s11+$0x200 ss:$0x1], $0xffff;
	[tilespmem:v6+s7+$0x30 ss:$0x1] =	vst.idx.msk $0xffff, v0;
	v56 =	vmul.f32 v40, v28;
	v42 =	vmul.f32 v42, v26  }
0x337: {  	v1 =	vld.idx.msk [tilespmem:v5+s8+$0x40 ss:$0x1], $0xffff;
	v3 =	vmul.f32 v3, v25;
	v4 =	vmul.f32 v4, v30  }
0x338: {  	v0 =	vld.idx.msk [tilespmem:v5+s8+$0xC0 ss:$0x1], $0xffff;
	v41 =	vadd.f32 v41, v56;
	v42 =	vadd.f32 v45, v42  }
0x339: {  	v38 =	vld.idx.msk [tilespmem:v47+s24+$0x0], $0xffff;
	v3 =	vadd.f32 v4, v3;
	v4 =	vadd.f32 v50, v54  }
0x33a: {  	v40 =	vld.idx.msk [tilespmem:v49+s24+$0x0], $0xffff  }
0x33b: {  	s4 =	sadd.s32 s16, s14;
	v47 =	vld.idx.msk [tilespmem:v5+s11+$0x100 ss:$0x1], $0xffff;
	v3 =	vadd.f32 v4, v3;
	v4 =	vadd.f32 v42, v41  }
0x33c: {  	v56 =	vld.idx.msk [tilespmem:v5+s11+$0x180 ss:$0x1], $0xffff;
	vm4 =	vne.s32 v63, $0x0;
	v63 =	vmov s4  }
0x33d: {  	v60 =	vadd.f32 v4, v3;
	v3 =	vld.idx.msk [tilespmem:v5+s11+$0x280 ss:$0x1], $0xffff  }
0x33e: {  	v41 =	vsel vm4, $0x3F800000, v55;
	v4 =	vld.idx.msk [tilespmem:v5+s11+$0x300 ss:$0x1], $0xffff  }
0x33f: {  	s9 =	sshll.u32 s9, $0x7;
	v51 =	vld.idx.msk [tilespmem:v5+s8+$0x140 ss:$0x1], $0xffff;
	v2 =	vmul.f32 v41, v60  }
0x340: {  	s9 =	sand.u32 $0x3FFFFF80, s9;
	v52 =	vld.idx.msk [tilespmem:v5+s8+$0x1C0 ss:$0x1], $0xffff;
	v57 =	vmul.f32 v57, v33;
	v48 =	vmul.f32 v59, v37  }
0x341: {  	v47 =	vmul.f32 v47, v35;
	v49 =	vmul.f32 v62, v40;
	v50 =	vld.idx.msk [tilespmem:v63+s18+$0x0], $0xffff;
	[tilespmem:v6+s9+$0x0 ss:$0x1] =	vst.idx.msk $0xffff, v2  }
0x342: {  	v45 =	vmul.f32 v58, v34;
	v42 =	vmul.f32 v56, v36;
	v58 =	vld.idx.msk [tilespmem:v5+s10+$0x10 ss:$0x1], $0xffff  }
0x343: {  	v53 =	vld.idx.msk [tilespmem:v5+s10+$0x90 ss:$0x1], $0xffff;
	v3 =	vmul.f32 v3, v38;
	v4 =	vmul.f32 v4, v39  }
0x344: {  	v42 =	vadd.f32 v42, v47;
	v2 =	vadd.f32 v45, v57;
	v54 =	vld.idx.msk [tilespmem:v5+s10+$0x110 ss:$0x1], $0xffff  }
0x345: {  	v59 =	vld.idx.msk [tilespmem:v5+s10+$0x190 ss:$0x1], $0xffff;
	v3 =	vadd.f32 v3, v48;
	v4 =	vadd.f32 v49, v4  }
0x346: {  	v47 =	vld.idx.msk [tilespmem:v5+s10+$0x210 ss:$0x1], $0xffff  }
0x347: {  	v60 =	vld.idx.msk [tilespmem:v5+s10+$0x290 ss:$0x1], $0xffff;
	v2 =	vadd.f32 v42, v2;
	v3 =	vadd.f32 v4, v3  }
0x348: {  	v62 =	vld.idx.msk [tilespmem:v5+s10+$0x390 ss:$0x1], $0xffff  }
0x349: {  	vm4 =	vne.s32 v50, $0x0;
	v4 =	vld.idx.msk [tilespmem:v5+s10+$0x310 ss:$0x1], $0xffff;
	v2 =	vadd.f32 v3, v2  }
0x34a: {  	v56 =	vld.idx.msk [tilespmem:v5+s8+$0x3C0 ss:$0x1], $0xffff;
	v42 =	vsel vm4, $0x3F800000, v55;
	v46 =	vmul.f32 v58, v25  }
0x34b: {  	s14 =	sshll.u32 s14, $0x7;
	v63 =	vld.idx.msk [tilespmem:v5+s8+$0x340 ss:$0x1], $0xffff;
	v53 =	vmul.f32 v53, v30;
	v2 =	vmul.f32 v42, v2  }
0x34c: {  	s14 =	sand.u32 $0x3FFFFF80, s14;
	v50 =	vld.idx.msk [tilespmem:v5+s8+$0x2C0 ss:$0x1], $0xffff;
	v54 =	vmul.f32 v54, v31;
	v45 =	vmul.f32 v59, v32  }
0x34d: {  	v47 =	vmul.f32 v47, v28;
	v48 =	vmul.f32 v60, v29;
	v3 =	vld.idx.msk [tilespmem:v5+s8+$0x240 ss:$0x1], $0xffff;
	[tilespmem:v6+s14+$0x0 ss:$0x1] =	vst.idx.msk $0xffff, v2  }
0x34e: {  	v60 =	vmul.f32 v4, v26;
	v4 =	vmul.f32 v62, v27;
	v49 =	vld.idx.msk [tilespmem:v5+s11+$0x10 ss:$0x1], $0xffff  }
0x34f: {  	v46 =	vadd.f32 v53, v46;
	v45 =	vadd.f32 v45, v54;
	v53 =	vld.idx.msk [tilespmem:v5+s11+$0x90 ss:$0x1], $0xffff  }
0x350: {  	v47 =	vadd.f32 v48, v47;
	v2 =	vadd.f32 v4, v60;
	v4 =	vld.idx.msk [tilespmem:v5+s11+$0x110 ss:$0x1], $0xffff  }
0x351: {  	v1 =	vmul.f32 v1, v16;
	v48 =	vld.idx.msk [tilespmem:v5+s11+$0x190 ss:$0x1], $0xffff  }
0x352: {  	v0 =	vmul.f32 v0, v18;
	v45 =	vadd.f32 v45, v46;
	v46 =	vld.idx.msk [tilespmem:v5+s11+$0x210 ss:$0x1], $0xffff;
	v2 =	vadd.f32 v2, v47  }
0x353: {  	v56 =	vmul.f32 v56, v23;
	v63 =	vmul.f32 v63, v22;
	v62 =	vld.idx.msk [tilespmem:v5+s11+$0x290 ss:$0x1], $0xffff  }
0x354: {  	v50 =	vmul.f32 v50, v21;
	v3 =	vmul.f32 v3, v20;
	v55 =	vld.idx.msk [tilespmem:v5+s11+$0x390 ss:$0x1], $0xffff;
	v2 =	vadd.f32 v2, v45  }
0x355: {  	v52 =	vmul.f32 v52, v19;
	v0 =	vadd.f32 v0, v1;
	v47 =	vmul.f32 v51, v17;
	v45 =	vld.idx.msk [tilespmem:v5+s11+$0x310 ss:$0x1], $0xffff  }
0x356: {  	v57 =	vld.idx.msk [tilespmem:v5+s19+$0x160 ss:$0x1], $0xffff;
	v63 =	vadd.f32 v56, v63;
	v3 =	vadd.f32 v50, v3;
	v60 =	vmul.f32 v41, v2  }
0x357: {  	v47 =	vadd.f32 v52, v47;
	v49 =	vmul.f32 v49, v33;
	v52 =	vmul.f32 v53, v34;
	v53 =	vld.idx.msk [tilespmem:v5+s19+$0x260 ss:$0x1], $0xffff  }
0x358: {  	v1 =	vmul.f32 v4, v35;
	v4 =	vmul.f32 v48, v36;
	v2 =	vld.idx.msk [tilespmem:v5+s19+$0x1E0 ss:$0x1], $0xffff;
	[tilespmem:v6+s9+$0x10 ss:$0x1] =	vst.idx.msk $0xffff, v60  }
0x359: {  	v3 =	vadd.f32 v63, v3;
	v46 =	vmul.f32 v46, v37;
	v62 =	vmul.f32 v62, v38;
	v48 =	vld.idx.msk [tilespmem:v5+s10+$0x20 ss:$0x1], $0xffff  }
0x35a: {  	v55 =	vmul.f32 v55, v40;
	v0 =	vadd.f32 v47, v0;
	v54 =	vld.idx.msk [tilespmem:v5+s10+$0xA0 ss:$0x1], $0xffff;
	v45 =	vmul.f32 v45, v39  }
0x35b: {  	v49 =	vadd.f32 v52, v49;
	v1 =	vadd.f32 v4, v1;
	v60 =	vld.idx.msk [tilespmem:v5+s10+$0x120 ss:$0x1], $0xffff  }
0x35c: {  	v46 =	vadd.f32 v62, v46;
	v4 =	vld.idx.msk [tilespmem:v5+s10+$0x1A0 ss:$0x1], $0xffff;
	v45 =	vadd.f32 v55, v45  }
0x35d: {  	v0 =	vadd.f32 v3, v0;
	v62 =	vld.idx.msk [tilespmem:v5+s10+$0x220 ss:$0x1], $0xffff  }
0x35e: {  	v63 =	vld.idx.msk [tilespmem:v5+s10+$0x2A0 ss:$0x1], $0xffff;
	v1 =	vadd.f32 v1, v49;
	v45 =	vadd.f32 v45, v46  }
0x35f: {  	v3 =	vld.idx.msk [tilespmem:v5+s10+$0x320 ss:$0x1], $0xffff  }
0x360: {  	v58 =	vld.idx.msk [tilespmem:v5+s10+$0x3A0 ss:$0x1], $0xffff;
	v0 =	vmul.f32 v24, v0;
	v1 =	vadd.f32 v45, v1  }
0x361: {  	v52 =	vld.idx.msk [tilespmem:v5+s19+$0x3E0 ss:$0x1], $0xffff;
	v48 =	vmul.f32 v48, v25  }
0x362: {  	v49 =	vld.idx.msk [tilespmem:v5+s19+$0x360 ss:$0x1], $0xffff;
	[tilespmem:v6+s7+$0x40 ss:$0x1] =	vst.idx.msk $0xffff, v0;
	v59 =	vmul.f32 v54, v30;
	v1 =	vmul.f32 v42, v1  }
0x363: {  	v55 =	vld.idx.msk [tilespmem:v5+s8+$0xD0 ss:$0x1], $0xffff;
	v60 =	vmul.f32 v60, v31;
	v4 =	vmul.f32 v4, v32  }
0x364: {  	v56 =	vld.idx.msk [tilespmem:v5+s8+$0x150 ss:$0x1], $0xffff;
	v47 =	vmul.f32 v62, v28;
	v50 =	vmul.f32 v63, v29;
	[tilespmem:v6+s14+$0x10 ss:$0x1] =	vst.idx.msk $0xffff, v1  }
0x365: {  	v62 =	vmul.f32 v3, v26;
	v3 =	vmul.f32 v58, v27;
	v46 =	vld.idx.msk [tilespmem:v5+s11+$0x20 ss:$0x1], $0xffff  }
0x366: {  	v48 =	vadd.f32 v59, v48;
	v0 =	vadd.f32 v4, v60;
	v4 =	vld.idx.msk [tilespmem:v5+s11+$0xA0 ss:$0x1], $0xffff  }
0x367: {  	v47 =	vadd.f32 v50, v47;
	v1 =	vadd.f32 v3, v62;
	v3 =	vld.idx.msk [tilespmem:v5+s11+$0x120 ss:$0x1], $0xffff  }
0x368: {  	v50 =	vld.idx.msk [tilespmem:v5+s11+$0x1A0 ss:$0x1], $0xffff  }
0x369: {  	v0 =	vadd.f32 v0, v48;
	v60 =	vld.idx.msk [tilespmem:v5+s11+$0x320 ss:$0x1], $0xffff;
	v1 =	vadd.f32 v1, v47  }
0x36a: {  	v62 =	vld.idx.msk [tilespmem:v5+s11+$0x3A0 ss:$0x1], $0xffff  }
0x36b: {  	v43 =	vmul.f32 v43, v10;
	v44 =	vmul.f32 v44, v13;
	v63 =	vld.idx.msk [tilespmem:v5+s11+$0x2A0 ss:$0x1], $0xffff;
	v0 =	vadd.f32 v1, v0  }
0x36c: {  	v47 =	vld.idx.msk [tilespmem:v5+s11+$0x220 ss:$0x1], $0xffff  }
0x36d: {  	v43 =	vadd.f32 v44, v43;
	v44 =	vld.idx.msk [tilespmem:v5+s8+$0x2D0 ss:$0x1], $0xffff;
	v0 =	vmul.f32 v41, v0  }
0x36e: {  	v54 =	vld.idx.msk [tilespmem:v5+s8+$0x50 ss:$0x1], $0xffff;
	v46 =	vmul.f32 v46, v33;
	v4 =	vmul.f32 v4, v34  }
0x36f: {  	v45 =	vld.idx.msk [tilespmem:v5+s19+$0x2E0 ss:$0x1], $0xffff;
	v1 =	vmul.f32 v60, v39;
	v51 =	vmul.f32 v62, v40;
	[tilespmem:v6+s9+$0x20 ss:$0x1] =	vst.idx.msk $0xffff, v0  }
0x370: {  	v0 =	vmul.f32 v3, v35;
	v3 =	vmul.f32 v50, v36;
	v50 =	vld.idx.msk [tilespmem:v5+s10+$0x30 ss:$0x1], $0xffff  }
0x371: {  	v48 =	vmul.f32 v63, v38;
	v47 =	vmul.f32 v47, v37;
	v59 =	vld.idx.msk [tilespmem:v5+s10+$0xB0 ss:$0x1], $0xffff  }
0x372: {  	v4 =	vadd.f32 v4, v46;
	v1 =	vadd.f32 v51, v1;
	v60 =	vld.idx.msk [tilespmem:v5+s10+$0x130 ss:$0x1], $0xffff  }
0x373: {  	v63 =	vadd.f32 v48, v47;
	v47 =	vld.idx.msk [tilespmem:v5+s10+$0x230 ss:$0x1], $0xffff;
	v0 =	vadd.f32 v3, v0  }
0x374: {  	v2 =	vmul.f32 v2, v15;
	v48 =	vld.idx.msk [tilespmem:v5+s10+$0x2B0 ss:$0x1], $0xffff  }
0x375: {  	v52 =	vmul.f32 v52, v8;
	v46 =	vld.idx.msk [tilespmem:v5+s10+$0x330 ss:$0x1], $0xffff;
	v1 =	vadd.f32 v1, v63;
	v0 =	vadd.f32 v0, v4  }
0x376: {  	v45 =	vmul.f32 v45, v12;
	v51 =	vmul.f32 v53, v11;
	v53 =	vld.idx.msk [tilespmem:v5+s10+$0x3B0 ss:$0x1], $0xffff  }
0x377: {  	v3 =	vld.idx.msk [tilespmem:v5+s10+$0x1B0 ss:$0x1], $0xffff;
	v4 =	vmul.f32 v57, v14;
	v0 =	vadd.f32 v1, v0;
	v1 =	vmul.f32 v49, v9  }
0x378: {  	v58 =	vld.idx.msk [tilespmem:v5+s8+$0x1D0 ss:$0x1], $0xffff;
	v50 =	vmul.f32 v50, v25;
	v57 =	vmul.f32 v59, v30  }
0x379: {  	v49 =	vld.idx.msk [tilespmem:v5+s8+$0x250 ss:$0x1], $0xffff;
	v59 =	vmul.f32 v60, v31;
	v0 =	vmul.f32 v42, v0  }
0x37a: {  	v2 =	vadd.f32 v2, v4;
	v4 =	vld.idx.msk [tilespmem:v5+s8+$0x350 ss:$0x1], $0xffff;
	v47 =	vmul.f32 v47, v28;
	v48 =	vmul.f32 v48, v29  }
0x37b: {  	v60 =	vld.idx.msk [tilespmem:v5+s8+$0x3D0 ss:$0x1], $0xffff;
	v62 =	vmul.f32 v46, v26;
	v63 =	vmul.f32 v53, v27;
	[tilespmem:v6+s14+$0x20 ss:$0x1] =	vst.idx.msk $0xffff, v0  }
0x37c: {  	v3 =	vmul.f32 v3, v32;
	v50 =	vadd.f32 v57, v50;
	v0 =	vadd.f32 v45, v51;
	v51 =	vld.idx.msk [tilespmem:v5+s11+$0x30 ss:$0x1], $0xffff  }
0x37d: {  	v47 =	vadd.f32 v48, v47;
	v1 =	vadd.f32 v52, v1;
	v53 =	vld.idx.msk [tilespmem:v5+s11+$0xB0 ss:$0x1], $0xffff  }
0x37e: {  	v3 =	vadd.f32 v3, v59;
	v45 =	vadd.f32 v63, v62;
	v46 =	vld.idx.msk [tilespmem:v5+s11+$0x130 ss:$0x1], $0xffff  }
0x37f: {  	v2 =	vadd.f32 v2, v43;
	v48 =	vmul.f32 v54, v16;
	v59 =	vmul.f32 v56, v17;
	v43 =	vld.idx.msk [tilespmem:v5+s11+$0x1B0 ss:$0x1], $0xffff  }
0x380: {  	v62 =	vmul.f32 v58, v19;
	v3 =	vadd.f32 v3, v50;
	v52 =	vld.idx.msk [tilespmem:v5+s11+$0x2B0 ss:$0x1], $0xffff;
	v45 =	vadd.f32 v45, v47  }
0x381: {  	v63 =	vmul.f32 v44, v21;
	v49 =	vmul.f32 v49, v20;
	v57 =	vld.idx.msk [tilespmem:v5+s11+$0x3B0 ss:$0x1], $0xffff  }
0x382: {  	v4 =	vmul.f32 v4, v22;
	v47 =	vld.idx.msk [tilespmem:v5+s11+$0x230 ss:$0x1], $0xffff;
	v0 =	vadd.f32 v1, v0;
	v3 =	vadd.f32 v45, v3  }
0x383: {  	v58 =	vmul.f32 v60, v23;
	v1 =	vmul.f32 v55, v18;
	v45 =	vld.idx.msk [tilespmem:v5+s11+$0x330 ss:$0x1], $0xffff  }
0x384: {  	v59 =	vadd.f32 v62, v59;
	v0 =	vadd.f32 v0, v2;
	v3 =	vmul.f32 v41, v3  }
0x385: {  	v2 =	vadd.f32 v63, v49;
	v60 =	vmul.f32 v51, v33;
	v62 =	vmul.f32 v53, v34  }
0x386: {  	v43 =	vmul.f32 v43, v36;
	v63 =	vmul.f32 v52, v38;
	[tilespmem:v6+s9+$0x30 ss:$0x1] =	vst.idx.msk $0xffff, v3  }
0x387: {  	v4 =	vadd.f32 v58, v4;
	v47 =	vmul.f32 v47, v37;
	v3 =	vmul.f32 v46, v35;
	v46 =	vld.idx.msk [tilespmem:v5+s10+$0x40 ss:$0x1], $0xffff  }
0x388: {  	v1 =	vadd.f32 v1, v48;
	v44 =	vmul.f32 v57, v40;
	v56 =	vld.idx.msk [tilespmem:v5+s10+$0xC0 ss:$0x1], $0xffff;
	v45 =	vmul.f32 v45, v39  }
0x389: {  	v50 =	vadd.f32 v62, v60;
	v57 =	vld.idx.msk [tilespmem:v5+s10+$0x140 ss:$0x1], $0xffff;
	v47 =	vadd.f32 v63, v47  }
0x38a: {  	v58 =	vld.idx.msk [tilespmem:v5+s10+$0x1C0 ss:$0x1], $0xffff;
	v3 =	vadd.f32 v43, v3;
	v44 =	vadd.f32 v44, v45  }
0x38b: {  	v1 =	vadd.f32 v59, v1;
	v2 =	vadd.f32 v4, v2;
	v4 =	vld.idx.msk [tilespmem:v5+s10+$0x240 ss:$0x1], $0xffff  }
0x38c: {  	v59 =	vld.idx.msk [tilespmem:v5+s10+$0x2C0 ss:$0x1], $0xffff;
	v3 =	vadd.f32 v3, v50;
	v44 =	vadd.f32 v44, v47  }
0x38d: {  	v0 =	vmul.f32 v7, v0;
	v1 =	vadd.f32 v2, v1;
	v60 =	vld.idx.msk [tilespmem:v5+s10+$0x340 ss:$0x1], $0xffff  }
0x38e: {  	v62 =	vld.idx.msk [tilespmem:v5+s10+$0x3C0 ss:$0x1], $0xffff;
	v3 =	vadd.f32 v44, v3  }
0x38f: {  	[tilespmem:v6+s17+$0x60 ss:$0x1] =	vst.idx.msk $0xffff, v0;
	v63 =	vmul.f32 v24, v1;
	v46 =	vmul.f32 v46, v25  }
0x390: {  	v0 =	vld.idx.msk [tilespmem:v5+s19+$0x70 ss:$0x1], $0xffff;
	v54 =	vmul.f32 v56, v30;
	v3 =	vmul.f32 v42, v3  }
0x391: {  	v1 =	vld.idx.msk [tilespmem:v5+s19+$0xF0 ss:$0x1], $0xffff;
	[tilespmem:v6+s7+$0x50 ss:$0x1] =	vst.idx.msk $0xffff, v63;
	v55 =	vmul.f32 v57, v31;
	v43 =	vmul.f32 v58, v32  }
0x392: {  	v49 =	vld.idx.msk [tilespmem:v5+s8+$0x60 ss:$0x1], $0xffff;
	v4 =	vmul.f32 v4, v28;
	v45 =	vmul.f32 v59, v29;
	[tilespmem:v6+s14+$0x30 ss:$0x1] =	vst.idx.msk $0xffff, v3  }
0x393: {  	v2 =	vmul.f32 v60, v26;
	v3 =	vmul.f32 v62, v27;
	v56 =	vld.idx.msk [tilespmem:v5+s11+$0x40 ss:$0x1], $0xffff  }
0x394: {  	v46 =	vadd.f32 v54, v46;
	v43 =	vadd.f32 v43, v55;
	v57 =	vld.idx.msk [tilespmem:v5+s11+$0xC0 ss:$0x1], $0xffff  }
0x395: {  	v4 =	vadd.f32 v45, v4;
	v58 =	vld.idx.msk [tilespmem:v5+s11+$0x1C0 ss:$0x1], $0xffff;
	v2 =	vadd.f32 v3, v2  }
0x396: {  	v59 =	vld.idx.msk [tilespmem:v5+s11+$0x2C0 ss:$0x1], $0xffff  }
0x397: {  	v43 =	vadd.f32 v43, v46;
	v60 =	vld.idx.msk [tilespmem:v5+s11+$0x340 ss:$0x1], $0xffff;
	v2 =	vadd.f32 v2, v4  }
0x398: {  	v62 =	vld.idx.msk [tilespmem:v5+s11+$0x3C0 ss:$0x1], $0xffff  }
0x399: {  	v3 =	vld.idx.msk [tilespmem:v5+s11+$0x140 ss:$0x1], $0xffff;
	v2 =	vadd.f32 v2, v43  }
0x39a: {  	v4 =	vld.idx.msk [tilespmem:v5+s11+$0x240 ss:$0x1], $0xffff  }
0x39b: {  	v50 =	vld.idx.msk [tilespmem:v5+s8+$0xE0 ss:$0x1], $0xffff;
	v2 =	vmul.f32 v41, v2  }
0x39c: {  	v51 =	vld.idx.msk [tilespmem:v5+s8+$0x160 ss:$0x1], $0xffff;
	v47 =	vmul.f32 v56, v33;
	v44 =	vmul.f32 v57, v34  }
0x39d: {  	v52 =	vld.idx.msk [tilespmem:v5+s8+$0x1E0 ss:$0x1], $0xffff;
	v46 =	vmul.f32 v59, v38;
	v43 =	vmul.f32 v60, v39;
	[tilespmem:v6+s9+$0x40 ss:$0x1] =	vst.idx.msk $0xffff, v2  }
0x39e: {  	v48 =	vmul.f32 v62, v40;
	v63 =	vmul.f32 v3, v35;
	v57 =	vld.idx.msk [tilespmem:v5+s10+$0x50 ss:$0x1], $0xffff  }
0x39f: {  	v3 =	vmul.f32 v58, v36;
	v4 =	vmul.f32 v4, v37;
	v58 =	vld.idx.msk [tilespmem:v5+s10+$0xD0 ss:$0x1], $0xffff  }
0x3a0: {  	v44 =	vadd.f32 v44, v47;
	v43 =	vadd.f32 v48, v43;
	v59 =	vld.idx.msk [tilespmem:v5+s10+$0x150 ss:$0x1], $0xffff  }
0x3a1: {  	v2 =	vadd.f32 v3, v63;
	v3 =	vld.idx.msk [tilespmem:v5+s10+$0x1D0 ss:$0x1], $0xffff;
	v4 =	vadd.f32 v46, v4  }
0x3a2: {  	v46 =	vld.idx.msk [tilespmem:v5+s10+$0x250 ss:$0x1], $0xffff  }
0x3a3: {  	v47 =	vld.idx.msk [tilespmem:v5+s10+$0x2D0 ss:$0x1], $0xffff;
	v2 =	vadd.f32 v2, v44;
	v4 =	vadd.f32 v43, v4  }
0x3a4: {  	v60 =	vld.idx.msk [tilespmem:v5+s10+$0x350 ss:$0x1], $0xffff  }
0x3a5: {  	v62 =	vld.idx.msk [tilespmem:v5+s10+$0x3D0 ss:$0x1], $0xffff;
	v2 =	vadd.f32 v4, v2  }
0x3a6: {  	v56 =	vld.idx.msk [tilespmem:v5+s8+$0x3E0 ss:$0x1], $0xffff;
	v45 =	vmul.f32 v57, v25  }
0x3a7: {  	v48 =	vld.idx.msk [tilespmem:v5+s8+$0x2E0 ss:$0x1], $0xffff;
	v53 =	vmul.f32 v58, v30;
	v2 =	vmul.f32 v42, v2  }
0x3a8: {  	v63 =	vld.idx.msk [tilespmem:v5+s8+$0x360 ss:$0x1], $0xffff;
	v54 =	vmul.f32 v59, v31;
	v3 =	vmul.f32 v3, v32  }
0x3a9: {  	v4 =	vld.idx.msk [tilespmem:v5+s8+$0x260 ss:$0x1], $0xffff;
	v46 =	vmul.f32 v46, v28;
	v47 =	vmul.f32 v47, v29;
	[tilespmem:v6+s14+$0x40 ss:$0x1] =	vst.idx.msk $0xffff, v2  }
0x3aa: {  	v58 =	vmul.f32 v60, v26;
	v59 =	vmul.f32 v62, v27;
	v44 =	vld.idx.msk [tilespmem:v5+s11+$0x50 ss:$0x1], $0xffff  }
0x3ab: {  	v45 =	vadd.f32 v53, v45;
	v3 =	vadd.f32 v3, v54;
	v53 =	vld.idx.msk [tilespmem:v5+s11+$0xD0 ss:$0x1], $0xffff  }
0x3ac: {  	v46 =	vadd.f32 v47, v46;
	v2 =	vadd.f32 v59, v58;
	v43 =	vld.idx.msk [tilespmem:v5+s11+$0x150 ss:$0x1], $0xffff  }
0x3ad: {  	v52 =	vmul.f32 v52, v19;
	v47 =	vld.idx.msk [tilespmem:v5+s11+$0x1D0 ss:$0x1], $0xffff  }
0x3ae: {  	v56 =	vmul.f32 v56, v23;
	v3 =	vadd.f32 v3, v45;
	v45 =	vld.idx.msk [tilespmem:v5+s11+$0x250 ss:$0x1], $0xffff;
	v2 =	vadd.f32 v2, v46  }
0x3af: {  	v48 =	vmul.f32 v48, v21;
	v63 =	vmul.f32 v63, v22;
	v62 =	vld.idx.msk [tilespmem:v5+s11+$0x2D0 ss:$0x1], $0xffff  }
0x3b0: {  	v60 =	vmul.f32 v51, v17;
	v4 =	vmul.f32 v4, v20;
	v55 =	vld.idx.msk [tilespmem:v5+s11+$0x3D0 ss:$0x1], $0xffff;
	v2 =	vadd.f32 v2, v3  }
0x3b1: {  	v49 =	vmul.f32 v49, v16;
	v63 =	vadd.f32 v56, v63;
	v46 =	vmul.f32 v50, v18;
	v3 =	vld.idx.msk [tilespmem:v5+s11+$0x350 ss:$0x1], $0xffff  }
0x3b2: {  	v57 =	vld.idx.msk [tilespmem:v5+s19+$0x170 ss:$0x1], $0xffff;
	v50 =	vadd.f32 v52, v60;
	v4 =	vadd.f32 v48, v4;
	v2 =	vmul.f32 v41, v2  }
0x3b3: {  	v46 =	vadd.f32 v46, v49;
	v49 =	vld.idx.msk [tilespmem:v5+s19+$0x1F0 ss:$0x1], $0xffff;
	v44 =	vmul.f32 v44, v33;
	v52 =	vmul.f32 v53, v34  }
0x3b4: {  	v53 =	vld.idx.msk [tilespmem:v5+s19+$0x270 ss:$0x1], $0xffff;
	v60 =	vmul.f32 v47, v36;
	v45 =	vmul.f32 v45, v37;
	[tilespmem:v6+s9+$0x50 ss:$0x1] =	vst.idx.msk $0xffff, v2  }
0x3b5: {  	v4 =	vadd.f32 v63, v4;
	v62 =	vmul.f32 v62, v38;
	v55 =	vmul.f32 v55, v40;
	v47 =	vld.idx.msk [tilespmem:v5+s10+$0x60 ss:$0x1], $0xffff  }
0x3b6: {  	v46 =	vadd.f32 v50, v46;
	v2 =	vmul.f32 v43, v35;
	v54 =	vld.idx.msk [tilespmem:v5+s10+$0xE0 ss:$0x1], $0xffff;
	v3 =	vmul.f32 v3, v39  }
0x3b7: {  	v44 =	vadd.f32 v52, v44;
	v45 =	vadd.f32 v62, v45;
	v56 =	vld.idx.msk [tilespmem:v5+s10+$0x160 ss:$0x1], $0xffff  }
0x3b8: {  	v43 =	vld.idx.msk [tilespmem:v5+s10+$0x1E0 ss:$0x1], $0xffff;
	v2 =	vadd.f32 v60, v2;
	v3 =	vadd.f32 v55, v3  }
0x3b9: {  	v4 =	vadd.f32 v4, v46;
	v48 =	vld.idx.msk [tilespmem:v5+s10+$0x260 ss:$0x1], $0xffff  }
0x3ba: {  	v62 =	vld.idx.msk [tilespmem:v5+s10+$0x360 ss:$0x1], $0xffff;
	v2 =	vadd.f32 v2, v44;
	v3 =	vadd.f32 v3, v45  }
0x3bb: {  	v60 =	vld.idx.msk [tilespmem:v5+s10+$0x2E0 ss:$0x1], $0xffff;
	v4 =	vmul.f32 v24, v4  }
0x3bc: {  	v63 =	vld.idx.msk [tilespmem:v5+s10+$0x3E0 ss:$0x1], $0xffff;
	v2 =	vadd.f32 v3, v2  }
0x3bd: {  	v52 =	vld.idx.msk [tilespmem:v5+s19+$0x3F0 ss:$0x1], $0xffff;
	[tilespmem:v6+s7+$0x60 ss:$0x1] =	vst.idx.msk $0xffff, v4;
	v58 =	vmul.f32 v47, v25  }
0x3be: {  	v55 =	vld.idx.msk [tilespmem:v5+s8+$0xF0 ss:$0x1], $0xffff;
	v59 =	vmul.f32 v54, v30;
	v2 =	vmul.f32 v42, v2  }
0x3bf: {  	v47 =	vld.idx.msk [tilespmem:v5+s19+$0x370 ss:$0x1], $0xffff;
	v4 =	vmul.f32 v56, v31;
	v43 =	vmul.f32 v43, v32  }
0x3c0: {  	v54 =	vld.idx.msk [tilespmem:v5+s8+$0x70 ss:$0x1], $0xffff;
	v48 =	vmul.f32 v48, v28;
	v50 =	vmul.f32 v60, v29;
	[tilespmem:v6+s14+$0x50 ss:$0x1] =	vst.idx.msk $0xffff, v2  }
0x3c1: {  	v60 =	vmul.f32 v62, v26;
	v62 =	vmul.f32 v63, v27;
	v45 =	vld.idx.msk [tilespmem:v5+s11+$0x60 ss:$0x1], $0xffff  }
0x3c2: {  	v46 =	vadd.f32 v59, v58;
	v4 =	vadd.f32 v43, v4;
	v43 =	vld.idx.msk [tilespmem:v5+s11+$0xE0 ss:$0x1], $0xffff  }
0x3c3: {  	v48 =	vadd.f32 v50, v48;
	v2 =	vadd.f32 v62, v60;
	v44 =	vld.idx.msk [tilespmem:v5+s11+$0x160 ss:$0x1], $0xffff  }
0x3c4: {  	v63 =	vld.idx.msk [tilespmem:v5+s11+$0x1E0 ss:$0x1], $0xffff  }
0x3c5: {  	v4 =	vadd.f32 v4, v46;
	v60 =	vld.idx.msk [tilespmem:v5+s11+$0x260 ss:$0x1], $0xffff;
	v2 =	vadd.f32 v2, v48  }
0x3c6: {  	v62 =	vld.idx.msk [tilespmem:v5+s11+$0x2E0 ss:$0x1], $0xffff  }
0x3c7: {  	v51 =	vld.idx.msk [tilespmem:v5+s11+$0x3E0 ss:$0x1], $0xffff;
	v2 =	vadd.f32 v2, v4  }
0x3c8: {  	v4 =	vld.idx.msk [tilespmem:v5+s11+$0x360 ss:$0x1], $0xffff  }
0x3c9: {  	v56 =	vld.idx.msk [tilespmem:v5+s8+$0x170 ss:$0x1], $0xffff;
	v2 =	vmul.f32 v41, v2  }
0x3ca: {  	v3 =	vld.idx.msk [tilespmem:v5+s19+$0x2F0 ss:$0x1], $0xffff;
	v45 =	vmul.f32 v45, v33;
	v43 =	vmul.f32 v43, v34  }
0x3cb: {  	v58 =	vld.idx.msk [tilespmem:v5+s8+$0x1F0 ss:$0x1], $0xffff;
	v44 =	vmul.f32 v44, v35;
	v50 =	vmul.f32 v63, v36  }
0x3cc: {  	v59 =	vld.idx.msk [tilespmem:v5+s8+$0x270 ss:$0x1], $0xffff;
	v46 =	vmul.f32 v60, v37;
	v48 =	vmul.f32 v62, v38  }
0x3cd: {  	v60 =	vld.idx.msk [tilespmem:v5+s8+$0x2F0 ss:$0x1], $0xffff;
	v51 =	vmul.f32 v51, v40;
	v4 =	vmul.f32 v4, v39  }
0x3ce: {  	v43 =	vadd.f32 v43, v45;
	v45 =	vld.idx.msk [tilespmem:v5+s8+$0x370 ss:$0x1], $0xffff;
	v44 =	vadd.f32 v50, v44  }
0x3cf: {  	v50 =	vld.idx.msk [tilespmem:v5+s8+$0x3F0 ss:$0x1], $0xffff;
	[tilespmem:v6+s9+$0x60 ss:$0x1] =	vst.idx.msk $0xffff, v2;
	v63 =	vadd.f32 v48, v46;
	v4 =	vadd.f32 v51, v4  }
0x3d0: {  	v0 =	vmul.f32 v0, v10;
	v46 =	vld.idx.msk [tilespmem:v5+s10+$0x70 ss:$0x1], $0xffff  }
0x3d1: {  	v1 =	vmul.f32 v1, v13;
	v10 =	vld.idx.msk [tilespmem:v5+s10+$0x170 ss:$0x1], $0xffff;
	v43 =	vadd.f32 v44, v43;
	v2 =	vadd.f32 v4, v63  }
0x3d2: {  	v11 =	vmul.f32 v53, v11;
	v3 =	vmul.f32 v3, v12;
	v12 =	vld.idx.msk [tilespmem:v5+s10+$0x270 ss:$0x1], $0xffff  }
0x3d3: {  	v0 =	vadd.f32 v1, v0;
	v1 =	vld.idx.msk [tilespmem:v5+s10+$0x2F0 ss:$0x1], $0xffff;
	v2 =	vadd.f32 v2, v43  }
0x3d4: {  	v8 =	vmul.f32 v52, v8;
	v9 =	vmul.f32 v47, v9;
	v3 =	vadd.f32 v3, v11;
	v11 =	vld.idx.msk [tilespmem:v5+s10+$0x370 ss:$0x1], $0xffff  }
0x3d5: {  	v49 =	vmul.f32 v49, v15;
	v53 =	vld.idx.msk [tilespmem:v5+s10+$0x3F0 ss:$0x1], $0xffff;
	v2 =	vmul.f32 v42, v2  }
0x3d6: {  	v18 =	vmul.f32 v55, v18;
	v16 =	vmul.f32 v54, v16;
	v55 =	vadd.f32 v8, v9;
	v51 =	vld.idx.msk [tilespmem:v5+s10+$0x1F0 ss:$0x1], $0xffff  }
0x3d7: {  	v8 =	vmul.f32 v56, v17;
	v48 =	vmul.f32 v57, v14;
	v4 =	vld.idx.msk [tilespmem:v5+s10+$0xF0 ss:$0x1], $0xffff;
	[tilespmem:v6+s14+$0x60 ss:$0x1] =	vst.idx.msk $0xffff, v2  }
0x3d8: {  	v59 =	vmul.f32 v59, v20;
	v57 =	vmul.f32 v58, v19;
	v58 =	vld.idx.msk [tilespmem:v5+s11+$0x70 ss:$0x1], $0xffff  }
0x3d9: {  	v16 =	vadd.f32 v18, v16;
	v13 =	vadd.f32 v49, v48;
	v60 =	vmul.f32 v60, v21;
	v62 =	vld.idx.msk [tilespmem:v5+s11+$0xF0 ss:$0x1], $0xffff  }
0x3da: {  	v63 =	vmul.f32 v50, v23;
	v2 =	vadd.f32 v55, v3;
	v3 =	vmul.f32 v45, v22;
	v43 =	vld.idx.msk [tilespmem:v5+s11+$0x170 ss:$0x1], $0xffff  }
0x3db: {  	v8 =	vadd.f32 v57, v8;
	v0 =	vadd.f32 v13, v0;
	v44 =	vld.idx.msk [tilespmem:v5+s11+$0x1F0 ss:$0x1], $0xffff  }
0x3dc: {  	v13 =	vadd.f32 v60, v59;
	v45 =	vld.idx.msk [tilespmem:v5+s11+$0x270 ss:$0x1], $0xffff;
	v3 =	vadd.f32 v63, v3  }
0x3dd: {  	v8 =	vadd.f32 v8, v16;
	v52 =	vmul.f32 v12, v28;
	v1 =	vmul.f32 v1, v29;
	v48 =	vld.idx.msk [tilespmem:v5+s11+$0x2F0 ss:$0x1], $0xffff  }
0x3de: {  	v47 =	vmul.f32 v46, v25;
	v10 =	vmul.f32 v10, v31;
	v50 =	vld.idx.msk [tilespmem:v5+s11+$0x370 ss:$0x1], $0xffff;
	v3 =	vadd.f32 v3, v13  }
0x3df: {  	v53 =	vmul.f32 v53, v27;
	v49 =	vmul.f32 v51, v32;
	v1 =	vadd.f32 v1, v52;
	v51 =	vld.idx.msk [tilespmem:v5+s11+$0x3F0 ss:$0x1], $0xffff  }
0x3e0: {  	v4 =	vmul.f32 v4, v30;
	v3 =	vadd.f32 v3, v8;
	v8 =	vmul.f32 v11, v26  }
0x3e1: {  	v10 =	vadd.f32 v49, v10;
	v54 =	vmul.f32 v58, v33;
	v55 =	vmul.f32 v62, v34  }
0x3e2: {  	v4 =	vadd.f32 v4, v47;
	v56 =	vmul.f32 v43, v35;
	v9 =	vmul.f32 v44, v36  }
0x3e3: {  	v0 =	vadd.f32 v2, v0;
	v57 =	vmul.f32 v45, v37;
	v58 =	vmul.f32 v48, v38  }
0x3e4: {  	v59 =	vmul.f32 v50, v39;
	v60 =	vmul.f32 v51, v40;
	v8 =	vadd.f32 v53, v8  }
0x3e5: {  	v12 =	vadd.f32 v55, v54;
	v9 =	vadd.f32 v9, v56  }
0x3e6: {  	v2 =	vadd.f32 v58, v57;
	v11 =	vadd.f32 v60, v59  }
0x3e7: {  	v4 =	vadd.f32 v10, v4;
	v1 =	vadd.f32 v8, v1  }
0x3e8: {  	v8 =	vadd.f32 v9, v12;
	v2 =	vadd.f32 v11, v2  }
0x3e9: {  	p0 =	slt.u32 s23, $0xC;
	v0 =	vmul.f32 v7, v0;
	v1 =	vadd.f32 v1, v4  }
.Ltmp2:
0x3ea: {  	v3 =	vmul.f32 v24, v3;
	v2 =	vadd.f32 v2, v8;
	(pc) =	sbr.rel @p0 .LBB2_7-.Ltmp2, $4  }
0x3eb: {  	[tilespmem:v6+s17+$0x70 ss:$0x1] =	vst.idx.msk $0xffff, v0;
	v62 =	vmul.f32 v41, v1  }
0x3ec: {  	[tilespmem:v6+s7+$0x70 ss:$0x1] =	vst.idx.msk $0xffff, v3;
	v63 =	vmul.f32 v42, v2  }
0x3ed: {  	s19 =	sadd.s32 $0x4, s23;
	[tilespmem:v6+s9+$0x70 ss:$0x1] =	vst.idx.msk $0xffff, v62  }
0x3ee: {  	s23 =	smov.u32 s19;
	[tilespmem:v6+s14+$0x70 ss:$0x1] =	vst.idx.msk $0xffff, v63  }
0x3ef: {  	p0 =	sne.s32 s0, $0x28  }
.Ltmp3:
0x3f0: {  	s4 =	sshll.u32 s21, $0x5;
	(pc) =	sbr.rel @p0 .LBB2_4-.Ltmp3, $4  }
0x3f1: {  	s3 =	sadd.s32 $0x3, s3;
	s7 =	sadd.s32 s2, s4  }
0x3f2: {  	[hbm4b:s7+s25] =	stream.strided.scatter [tilespmem:s20], [sflag:s3], $0x800, s26, s25, $0x38;
	[tilespmem:$0x18380] =	vst v63  }
0x3f3: {  	s4 =	sadd.s32 s4, s13  }
0x3f4: {  	[hbm4b:s4+s25] =	stream.strided.scatter [tilespmem:s22], [sflag:s3], $0x800, s26, s25, $0x38;
	[tilespmem:$0x18380] =	vst v63  }
0x3f5: {  	_ =	swait.ge [sflag:s28], $0x800  }
0x3f6: {  	[sflag:s28] =	ssyncset.done $0x0  }
0x3f7: {  	[sflag:s28] =	ssyncadd.s32 $0xFFFFF800  }
0x3f8: {  	_ =	swait.ge [sflag:s28], $0x800  }
0x3f9: {  	[sflag:s28] =	ssyncset.done $0x0  }
0x3fa: {  	[sflag:s28] =	ssyncadd.s32 $0xFFFFF800  }
0x3fb: {  	_ =	swait.ge [sflag:s29], $0x800  }
0x3fc: {  	[sflag:s29] =	ssyncset.done $0x0  }
0x3fd: {  	[sflag:s29] =	ssyncadd.s32 $0xFFFFF800  }
0x3fe: {  	_ =	swait.ge [sflag:s29], $0x800  }
0x3ff: {  	[sflag:s29] =	ssyncset.done $0x0  }
0x400: {  	[sflag:s29] =	ssyncadd.s32 $0xFFFFF800  }
0x401: {  	_ =	swait.ge [sflag:s30], $0x800  }
0x402: {  	[sflag:s30] =	ssyncset.done $0x0  }
0x403: {  	[sflag:s30] =	ssyncadd.s32 $0xFFFFF800  }
0x404: {  	_ =	swait.ge [sflag:s30], $0x800  }
0x405: {  	s31 =	sadd.s32 $0x1, s31;
	s0 =	rddreg [dreg:$0x9]  }
0x406: {  	p0 =	sne.s32 s31, s0  }
.Ltmp4:
0x407: {  	_ = 	snop;
	(pc) =	sbr.rel @p0 .LBB2_1-.Ltmp4, $3  }
0x408: {  	_ =	sdelay $0x1  }
0x409: {  	[sflag:s30] =	ssyncset.done $0x0  }
0x40a: {  	s8 =	simm.s32 $0x3C00;
	[sflag:s30] =	ssyncadd.s32 $0xFFFFF800  }
0x40b: {  	_ =	sfence.sel $0x180000  }
0x40c: {  	[bflag:$0x0] =	sbarrier.arrive $0xFFFF  }
0x40d: {  	_ =	strace $0x90000047  }
0x40e: {  	s0 =	stileid.u32;
	[bflag:$0x2] =	sbarrier.arrive $0xFFFF  }
0x40f: {  	p0 =	sne.s32 s0, $0x0;
	s0 =	rddreg [dreg:$0x3]  }
0x410: {  	s0 =	sadd.s32 @!p0 $0x100000, s0  }
0x411: {  	[sflag:s0] =	ssyncadd.tile.s32 @!p0 $0x1;
	_ =	shalt  }
.Lfunc_end2:
_tile_overlayer_lowered:
.L_overlay_start_2:
0x412: {  	(tag) =	ssettag $0x2  }
0x413: {  	s0 =	rddreg [dreg:$0x0];
	s2 =	stileid.u32  }
0x414: {  	s1 =	rddreg [dreg:$0x1];
	p0 =	sne.s32 s2, $0x0  }
0x415: {  	s3 =	rddreg [dreg:$0x2];
	[bflag:$0x3] =	sbarrier.arrive $0xFFFF;
	s2 =	simm.s32 @!p0 $0x1C06  }
0x416: {  	[timem:s3], [sflag:s2] =	dma.local @!p0 [hbm:s0], s1  }
0x417: {  	s0 =	simm.s32 @!p0 $0x6  }
0x418: {  	_ =	swait.ge @!p0 [sflag:s0], s1  }
0x419: {  	s1 =	ssub.s32 @!p0 $0x0, s1;
	[sflag:s0] =	ssyncset.done @!p0 $0x0  }
0x41a: {  	[sflag:s0] =	ssyncadd.s32 @!p0 s1  }
0x41b: {  	[bflag:$0x3] =	sbarrier.arrive $0xFFFF  }
0x41c: {  	_ =	shalt  }

</sc_bundles>
